<compile_context>
chip_gen: v7x
topology: tpu7x:2x2x1
jax: 0.10.2.dev20260603
libtpu: 0.0.44.dev20260713+nightly
codegen_flags: <defaults>
</compile_context>

<pallas_src>
import functools

import jax
import jax.numpy as jnp
from jax import lax
from jax.experimental import pallas as pl
from jax.experimental.pallas import tpu as pltpu
from jax.experimental.pallas import tpu_sc as plsc

_VOCAB = 1000000
_MAXLEN = 200
_EMBED = 32
_BATCH = 4096

_NC = 2
_NS = 16
_NW = _NC * _NS

_N = _BATCH * _MAXLEN
_PER_W = _N // _NW
_SEQS_PER_CHUNK = 4
_CHUNK = _SEQS_PER_CHUNK * _MAXLEN
_NCHUNK = _PER_W // _CHUNK
_NBUF = 4
_NGRP = _NCHUNK // _NBUF


def _tpe(xf, token_table, pos_table):
    mesh = plsc.VectorSubcoreMesh(core_axis_name="c", subcore_axis_name="s")

    scratch = (
        [pltpu.VMEM((_CHUNK,), jnp.int32) for _ in range(_NBUF)]
        + [pltpu.VMEM((_CHUNK, _EMBED), jnp.float32) for _ in range(_NBUF)]
        + [pltpu.VMEM((_MAXLEN, _EMBED), jnp.float32)]
        + [pltpu.SemaphoreType.DMA for _ in range(3 * _NBUF)]
    )

    @functools.partial(
        pl.kernel,
        out_type=jax.ShapeDtypeStruct((_N, _EMBED), jnp.float32),
        mesh=mesh,
        compiler_params=pltpu.CompilerParams(use_tc_tiling_on_sc=False),
        scratch_types=scratch,
    )
    def k(x_hbm, tok_hbm, pos_hbm, out_hbm, *sc):
        ibuf = sc[0:_NBUF]
        gbuf = sc[_NBUF:2 * _NBUF]
        pos_v = sc[2 * _NBUF]
        isem = sc[2 * _NBUF + 1:3 * _NBUF + 1]
        gsem = sc[3 * _NBUF + 1:4 * _NBUF + 1]
        osem = sc[4 * _NBUF + 1:5 * _NBUF + 1]

        wid = lax.axis_index("s") * _NC + lax.axis_index("c")
        base0 = wid * _PER_W
        pltpu.sync_copy(pos_hbm, pos_v)

        def fire_idx(c, b):
            pltpu.async_copy(
                x_hbm.at[pl.ds(base0 + c * _CHUNK, _CHUNK)], ibuf[b], isem[b]
            )

        def wait_idx(b):
            pltpu.make_async_copy(
                x_hbm.at[pl.ds(0, _CHUNK)], ibuf[b], isem[b]
            ).wait()

        def fire_gather(c, b):
            pltpu.async_copy(tok_hbm.at[ibuf[b]], gbuf[b], gsem[b])

        def wait_gather(b):
            pltpu.make_async_copy(
                out_hbm.at[pl.ds(0, _CHUNK)], gbuf[b], gsem[b]
            ).wait()

        def add_pos(b):
            def m_body(m, carry):
                p0 = pos_v[m, 0:16]
                p1 = pos_v[m, 16:32]
                for s in range(_SEQS_PER_CHUNK):
                    r = s * _MAXLEN + m
                    plsc.addupdate(gbuf[b].at[r, pl.ds(0, 16)], p0)
                    plsc.addupdate(gbuf[b].at[r, pl.ds(16, 16)], p1)
                return carry

            lax.fori_loop(0, _MAXLEN, m_body, 0, unroll=4)

        def fire_out(c, b):
            pltpu.async_copy(
                gbuf[b], out_hbm.at[pl.ds(base0 + c * _CHUNK, _CHUNK)], osem[b]
            )

        def wait_out(b):
            pltpu.make_async_copy(
                gbuf[b], out_hbm.at[pl.ds(0, _CHUNK)], osem[b]
            ).wait()

        def step(c, b, first, last):
            b1 = (b + 1) % _NBUF
            wait_gather(b)
            if not last:
                wait_idx(b1)
                if not (first and b < _NBUF - 1):
                    wait_out(b1)
                fire_gather(c + 1, b1)
            add_pos(b)
            fire_out(c, b)
            if not last:
                fire_idx(c + _NBUF, b)

        for b in range(_NBUF):
            fire_idx(b, b)
        wait_idx(0)
        fire_gather(0, 0)

        for b in range(_NBUF):
            step(b, b, first=True, last=False)

        def group(cc, carry):
            c0 = cc * _NBUF
            for b in range(_NBUF):
                step(c0 + b, b, first=False, last=False)
            return carry

        lax.fori_loop(1, _NGRP - 1, group, 0)

        c0 = (_NGRP - 1) * _NBUF
        for b in range(_NBUF):
            b1 = (b + 1) % _NBUF
            wait_gather(b)
            if b < _NBUF - 1:
                wait_idx(b1)
                wait_out(b1)
                fire_gather(c0 + b + 1, b1)
            add_pos(b)
            fire_out(c0 + b, b)
        for b in range(_NBUF):
            wait_out(b)

    return k(xf, token_table, pos_table)


def kernel(x, token_table, pos_table):
    xf = x.reshape(-1).astype(jnp.int32)
    out = _tpe(xf, token_table, pos_table)
    return out.reshape(x.shape[0], x.shape[1], _EMBED)

# --- scband reference (transcript-rebuilt; emitter-appended) ---
"""Pipeline reference for scband-token-and-position-embedding-85968065396967 (READ-ONLY COPY).

The authoritative reference and input builder live on the scoring server;
editing this copy changes nothing except your own understanding.
"""

import jax, jax.numpy as jnp
import numpy as np

VOCAB = 1000000
MAXLEN = 200
EMBED = 32
BATCH = 4096

def setup_inputs(seed: int = 0) -> dict:
    key = jax.random.key(seed)
    k1, k2, k3 = jax.random.split(key, 3)
    x = jax.random.randint(k1, (BATCH, MAXLEN), 0, VOCAB, dtype=jnp.int64 if jax.config.jax_enable_x64 else jnp.int32)
    token_table = jax.random.normal(k2, (VOCAB, EMBED), dtype=jnp.float32) * 0.02
    pos_table = jax.random.normal(k3, (MAXLEN, EMBED), dtype=jnp.float32) * 0.02
    return {"x": x, "token_table": token_table, "pos_table": pos_table}

def reference(x, token_table, pos_table):
    # positions = pos_emb(range(maxlen)); tok = token_emb(x); out = tok + positions
    maxlen = x.shape[-1]
    positions = jnp.arange(0, maxlen)
    pos_embedded = jnp.take(pos_table, positions, axis=0)  # [maxlen, embed]
    tok_embedded = jnp.take(token_table, x, axis=0)        # [batch, maxlen, embed]
    return tok_embedded + pos_embedded[None, :, :]

if __name__ == "__main__":
    import jax
    _d = setup_inputs()
    print(jax.jit(kernel)(*tuple(_d.values())))

</pallas_src>

<mosaic_0001>
#map = affine_map<(d0, d1) -> (0)>
#map1 = affine_map<(d0, d1) -> (0, 0)>
module attributes {stable_mosaic.version = 14 : i64} {
  func.func @k(%arg0: i32, %arg1: i32, %arg2: memref<819200xi32, #tpu.memory_space<hbm>>, %arg3: memref<1000000x32xf32, #tpu.memory_space<hbm>>, %arg4: memref<200x32xf32, #tpu.memory_space<hbm>>, %arg5: memref<819200x32xf32, #tpu.memory_space<hbm>>, %arg6: memref<800xi32, #tpu.memory_space<vmem>>, %arg7: memref<800xi32, #tpu.memory_space<vmem>>, %arg8: memref<800xi32, #tpu.memory_space<vmem>>, %arg9: memref<800xi32, #tpu.memory_space<vmem>>, %arg10: memref<800x32xf32, #tpu.memory_space<vmem>>, %arg11: memref<800x32xf32, #tpu.memory_space<vmem>>, %arg12: memref<800x32xf32, #tpu.memory_space<vmem>>, %arg13: memref<800x32xf32, #tpu.memory_space<vmem>>, %arg14: memref<200x32xf32, #tpu.memory_space<vmem>>, %arg15: memref<!tpu.dma_semaphore, #tpu.memory_space<semaphore_mem>>, %arg16: memref<!tpu.dma_semaphore, #tpu.memory_space<semaphore_mem>>, %arg17: memref<!tpu.dma_semaphore, #tpu.memory_space<semaphore_mem>>, %arg18: memref<!tpu.dma_semaphore, #tpu.memory_space<semaphore_mem>>, %arg19: memref<!tpu.dma_semaphore, #tpu.memory_space<semaphore_mem>>, %arg20: memref<!tpu.dma_semaphore, #tpu.memory_space<semaphore_mem>>, %arg21: memref<!tpu.dma_semaphore, #tpu.memory_space<semaphore_mem>>, %arg22: memref<!tpu.dma_semaphore, #tpu.memory_space<semaphore_mem>>, %arg23: memref<!tpu.dma_semaphore, #tpu.memory_space<semaphore_mem>>, %arg24: memref<!tpu.dma_semaphore, #tpu.memory_space<semaphore_mem>>, %arg25: memref<!tpu.dma_semaphore, #tpu.memory_space<semaphore_mem>>, %arg26: memref<!tpu.dma_semaphore, #tpu.memory_space<semaphore_mem>>) attributes {dimension_semantics = [#tpu.dimension_semantics<core_parallel>, #tpu.dimension_semantics<subcore_parallel>], iteration_bounds = array<i64: 2, 16>, scalar_prefetch = 0 : i64, scratch_operands = 21 : i64, tpu.core_type = #tpu.core_type<sc_vector_subcore>, window_params = [{transform_indices = #map}, {transform_indices = #map1}, {transform_indices = #map1}, {transform_indices = #map1}]} {
    %mul3A = arith.constant 2 : i32
    %mul3A_0 = arith.muli %arg1, %mul3A : i32
    %add3A = arith.addi %mul3A_0, %arg0 : i32
    %mul3A_1 = arith.constant 25600 : i32
    %mul3A_2 = arith.muli %add3A, %mul3A_1 : i32
    "tpu.region"() ({
      %run_scoped3A = tpu.sem_alloc : memref<!tpu.dma_semaphore, #tpu.memory_space<semaphore_mem>>
      tpu.enqueue_dma source(%arg4 : memref<200x32xf32, #tpu.memory_space<hbm>>) target(%arg14 : memref<200x32xf32, #tpu.memory_space<vmem>>) target_semaphore(%run_scoped3A : memref<!tpu.dma_semaphore, #tpu.memory_space<semaphore_mem>>)
      tpu.wait_dma2 semaphore(%run_scoped3A : memref<!tpu.dma_semaphore, #tpu.memory_space<semaphore_mem>>) src(%arg4 : memref<200x32xf32, #tpu.memory_space<hbm>>) dst(%arg14 : memref<200x32xf32, #tpu.memory_space<vmem>>)
      tpu.yield
    }) : () -> ()
    %add3A_3 = arith.constant 0 : i32
    %add3A_4 = arith.addi %mul3A_2, %add3A_3 : i32
    %dma_start3A = tpu.memref_slice %arg2[%add3A_4] : memref<819200xi32, #tpu.memory_space<hbm>> -> memref<800xi32, #tpu.memory_space<hbm>>
    %dma_start3A_5 = tpu.memref_slice %arg2[%add3A_4] : memref<819200xi32, #tpu.memory_space<hbm>> -> memref<800xi32, #tpu.memory_space<hbm>>
    tpu.enqueue_dma source(%dma_start3A_5 : memref<800xi32, #tpu.memory_space<hbm>>) target(%arg6 : memref<800xi32, #tpu.memory_space<vmem>>) target_semaphore(%arg15 : memref<!tpu.dma_semaphore, #tpu.memory_space<semaphore_mem>>)
    %add3A_6 = arith.constant 800 : i32
    %add3A_7 = arith.addi %mul3A_2, %add3A_6 : i32
    %dma_start3A_8 = tpu.memref_slice %arg2[%add3A_7] : memref<819200xi32, #tpu.memory_space<hbm>> -> memref<800xi32, #tpu.memory_space<hbm>>
    %dma_start3A_9 = tpu.memref_slice %arg2[%add3A_7] : memref<819200xi32, #tpu.memory_space<hbm>> -> memref<800xi32, #tpu.memory_space<hbm>>
    tpu.enqueue_dma source(%dma_start3A_9 : memref<800xi32, #tpu.memory_space<hbm>>) target(%arg7 : memref<800xi32, #tpu.memory_space<vmem>>) target_semaphore(%arg16 : memref<!tpu.dma_semaphore, #tpu.memory_space<semaphore_mem>>)
    %add3A_10 = arith.constant 1600 : i32
    %add3A_11 = arith.addi %mul3A_2, %add3A_10 : i32
    %dma_start3A_12 = tpu.memref_slice %arg2[%add3A_11] : memref<819200xi32, #tpu.memory_space<hbm>> -> memref<800xi32, #tpu.memory_space<hbm>>
    %dma_start3A_13 = tpu.memref_slice %arg2[%add3A_11] : memref<819200xi32, #tpu.memory_space<hbm>> -> memref<800xi32, #tpu.memory_space<hbm>>
    tpu.enqueue_dma source(%dma_start3A_13 : memref<800xi32, #tpu.memory_space<hbm>>) target(%arg8 : memref<800xi32, #tpu.memory_space<vmem>>) target_semaphore(%arg17 : memref<!tpu.dma_semaphore, #tpu.memory_space<semaphore_mem>>)
    %add3A_14 = arith.constant 2400 : i32
    %add3A_15 = arith.addi %mul3A_2, %add3A_14 : i32
    %dma_start3A_16 = tpu.memref_slice %arg2[%add3A_15] : memref<819200xi32, #tpu.memory_space<hbm>> -> memref<800xi32, #tpu.memory_space<hbm>>
    %dma_start3A_17 = tpu.memref_slice %arg2[%add3A_15] : memref<819200xi32, #tpu.memory_space<hbm>> -> memref<800xi32, #tpu.memory_space<hbm>>
    tpu.enqueue_dma source(%dma_start3A_17 : memref<800xi32, #tpu.memory_space<hbm>>) target(%arg9 : memref<800xi32, #tpu.memory_space<vmem>>) target_semaphore(%arg18 : memref<!tpu.dma_semaphore, #tpu.memory_space<semaphore_mem>>)
    %dma_wait3A = arith.constant 0 : i32
    %dma_wait3A_18 = tpu.memref_slice %arg2[%dma_wait3A] : memref<819200xi32, #tpu.memory_space<hbm>> -> memref<800xi32, #tpu.memory_space<hbm>>
    %dma_wait3A_19 = arith.constant 0 : i32
    %dma_wait3A_20 = tpu.memref_slice %arg2[%dma_wait3A_19] : memref<819200xi32, #tpu.memory_space<hbm>> -> memref<800xi32, #tpu.memory_space<hbm>>
    tpu.wait_dma2 semaphore(%arg15 : memref<!tpu.dma_semaphore, #tpu.memory_space<semaphore_mem>>) src(%dma_wait3A_20 : memref<800xi32, #tpu.memory_space<hbm>>) dst(%arg6 : memref<800xi32, #tpu.memory_space<vmem>>)
    %dma_start3A_21 = arith.constant 0 : i32
    %dma_start3A_22 = arith.constant 0 : i32
    %dma_start3A_23 = tpu.memref_slice %arg3[%dma_start3A_21, %dma_start3A_22] : memref<1000000x32xf32, #tpu.memory_space<hbm>> -> memref<1000000x32xf32, #tpu.memory_space<hbm>>
    tpu.enqueue_indirect_dma source(%dma_start3A_23 : memref<1000000x32xf32, #tpu.memory_space<hbm>>) target(%arg10 : memref<800x32xf32, #tpu.memory_space<vmem>>) offsets(%arg6 : memref<800xi32, #tpu.memory_space<vmem>>) semaphore(%arg19 : memref<!tpu.dma_semaphore, #tpu.memory_space<semaphore_mem>>)
    %dma_wait3A_24 = arith.constant 0 : i32
    %dma_wait3A_25 = arith.constant 0 : i32
    %dma_wait3A_26 = tpu.memref_slice %arg5[%dma_wait3A_24, %dma_wait3A_25] : memref<819200x32xf32, #tpu.memory_space<hbm>> -> memref<800x32xf32, #tpu.memory_space<hbm>>
    %dma_wait3A_27 = arith.constant 0 : i32
    %dma_wait3A_28 = arith.constant 0 : i32
    %dma_wait3A_29 = tpu.memref_slice %arg5[%dma_wait3A_27, %dma_wait3A_28] : memref<819200x32xf32, #tpu.memory_space<hbm>> -> memref<800x32xf32, #tpu.memory_space<hbm>>
    tpu.wait_dma2 semaphore(%arg19 : memref<!tpu.dma_semaphore, #tpu.memory_space<semaphore_mem>>) src(%dma_wait3A_29 : memref<800x32xf32, #tpu.memory_space<hbm>>) dst(%arg10 : memref<800x32xf32, #tpu.memory_space<vmem>>)
    %dma_wait3A_30 = arith.constant 0 : i32
    %dma_wait3A_31 = tpu.memref_slice %arg2[%dma_wait3A_30] : memref<819200xi32, #tpu.memory_space<hbm>> -> memref<800xi32, #tpu.memory_space<hbm>>
    %dma_wait3A_32 = arith.constant 0 : i32
    %dma_wait3A_33 = tpu.memref_slice %arg2[%dma_wait3A_32] : memref<819200xi32, #tpu.memory_space<hbm>> -> memref<800xi32, #tpu.memory_space<hbm>>
    tpu.wait_dma2 semaphore(%arg16 : memref<!tpu.dma_semaphore, #tpu.memory_space<semaphore_mem>>) src(%dma_wait3A_33 : memref<800xi32, #tpu.memory_space<hbm>>) dst(%arg7 : memref<800xi32, #tpu.memory_space<vmem>>)
    %dma_start3A_34 = arith.constant 0 : i32
    %dma_start3A_35 = arith.constant 0 : i32
    %dma_start3A_36 = tpu.memref_slice %arg3[%dma_start3A_34, %dma_start3A_35] : memref<1000000x32xf32, #tpu.memory_space<hbm>> -> memref<1000000x32xf32, #tpu.memory_space<hbm>>
    tpu.enqueue_indirect_dma source(%dma_start3A_36 : memref<1000000x32xf32, #tpu.memory_space<hbm>>) target(%arg11 : memref<800x32xf32, #tpu.memory_space<vmem>>) offsets(%arg7 : memref<800xi32, #tpu.memory_space<vmem>>) semaphore(%arg20 : memref<!tpu.dma_semaphore, #tpu.memory_space<semaphore_mem>>)
    %scan3A = arith.constant 0 : i32
    %scan3A_37 = arith.constant 0 : i32
    %scan3A_38 = arith.constant 200 : i32
    %scan3A_39 = arith.addi %scan3A_37, %scan3A_38 : i32
    %scan3A_40 = arith.constant 4 : i32
    scf.for %scan3A_286 = %scan3A_37 to %scan3A_39 step %scan3A_40  : i32 {
      %get3A = arith.index_cast %scan3A_286 : i32 to index
      %get3A_287 = arith.constant 0 : index
      %get3A_288 = tpu.vector_load %arg14[%get3A, %get3A_287] {strides = array<i32>} : memref<200x32xf32, #tpu.memory_space<vmem>>, vector<1x16xf32>,
      %get3A_289 = vector.shape_cast %get3A_288 : vector<1x16xf32> to vector<16xf32>
      %get3A_290 = arith.index_cast %scan3A_286 : i32 to index
      %get3A_291 = arith.constant 16 : index
      %get3A_292 = tpu.vector_load %arg14[%get3A_290, %get3A_291] {strides = array<i32>} : memref<200x32xf32, #tpu.memory_space<vmem>>, vector<1x16xf32>,
      %get3A_293 = vector.shape_cast %get3A_292 : vector<1x16xf32> to vector<16xf32>
      %add3A_294 = arith.constant 0 : i32
      %add3A_295 = arith.addi %add3A_294, %scan3A_286 : i32
      %swap3A = arith.index_cast %add3A_295 : i32 to index
      %swap3A_296 = arith.constant 0 : index
      %swap3A_297 = tpu.vector_load %arg10[%swap3A, %swap3A_296] {strides = array<i32>} : memref<800x32xf32, #tpu.memory_space<vmem>>, vector<1x16xf32>,
      %swap3A_298 = vector.shape_cast %swap3A_297 : vector<1x16xf32> to vector<16xf32>
      %swap3A_299 = vector.shape_cast %get3A_289 : vector<16xf32> to vector<1x16xf32>
      tpu.vector_store %arg10[%swap3A, %swap3A_296], %swap3A_299 {add = true, strides = array<i32>} : memref<800x32xf32, #tpu.memory_space<vmem>>, vector<1x16xf32>,
      %swap3A_300 = arith.index_cast %add3A_295 : i32 to index
      %swap3A_301 = arith.constant 16 : index
      %swap3A_302 = tpu.vector_load %arg10[%swap3A_300, %swap3A_301] {strides = array<i32>} : memref<800x32xf32, #tpu.memory_space<vmem>>, vector<1x16xf32>,
      %swap3A_303 = vector.shape_cast %swap3A_302 : vector<1x16xf32> to vector<16xf32>
      %swap3A_304 = vector.shape_cast %get3A_293 : vector<16xf32> to vector<1x16xf32>
      tpu.vector_store %arg10[%swap3A_300, %swap3A_301], %swap3A_304 {add = true, strides = array<i32>} : memref<800x32xf32, #tpu.memory_space<vmem>>, vector<1x16xf32>,
      %add3A_305 = arith.constant 200 : i32
      %add3A_306 = arith.addi %add3A_305, %scan3A_286 : i32
      %swap3A_307 = arith.index_cast %add3A_306 : i32 to index
      %swap3A_308 = arith.constant 0 : index
      %swap3A_309 = tpu.vector_load %arg10[%swap3A_307, %swap3A_308] {strides = array<i32>} : memref<800x32xf32, #tpu.memory_space<vmem>>, vector<1x16xf32>,
      %swap3A_310 = vector.shape_cast %swap3A_309 : vector<1x16xf32> to vector<16xf32>
      %swap3A_311 = vector.shape_cast %get3A_289 : vector<16xf32> to vector<1x16xf32>
      tpu.vector_store %arg10[%swap3A_307, %swap3A_308], %swap3A_311 {add = true, strides = array<i32>} : memref<800x32xf32, #tpu.memory_space<vmem>>, vector<1x16xf32>,
      %swap3A_312 = arith.index_cast %add3A_306 : i32 to index
      %swap3A_313 = arith.constant 16 : index
      %swap3A_314 = tpu.vector_load %arg10[%swap3A_312, %swap3A_313] {strides = array<i32>} : memref<800x32xf32, #tpu.memory_space<vmem>>, vector<1x16xf32>,
      %swap3A_315 = vector.shape_cast %swap3A_314 : vector<1x16xf32> to vector<16xf32>
      %swap3A_316 = vector.shape_cast %get3A_293 : vector<16xf32> to vector<1x16xf32>
      tpu.vector_store %arg10[%swap3A_312, %swap3A_313], %swap3A_316 {add = true, strides = array<i32>} : memref<800x32xf32, #tpu.memory_space<vmem>>, vector<1x16xf32>,
      %add3A_317 = arith.constant 400 : i32
      %add3A_318 = arith.addi %add3A_317, %scan3A_286 : i32
      %swap3A_319 = arith.index_cast %add3A_318 : i32 to index
      %swap3A_320 = arith.constant 0 : index
      %swap3A_321 = tpu.vector_load %arg10[%swap3A_319, %swap3A_320] {strides = array<i32>} : memref<800x32xf32, #tpu.memory_space<vmem>>, vector<1x16xf32>,
      %swap3A_322 = vector.shape_cast %swap3A_321 : vector<1x16xf32> to vector<16xf32>
      %swap3A_323 = vector.shape_cast %get3A_289 : vector<16xf32> to vector<1x16xf32>
      tpu.vector_store %arg10[%swap3A_319, %swap3A_320], %swap3A_323 {add = true, strides = array<i32>} : memref<800x32xf32, #tpu.memory_space<vmem>>, vector<1x16xf32>,
      %swap3A_324 = arith.index_cast %add3A_318 : i32 to index
      %swap3A_325 = arith.constant 16 : index
      %swap3A_326 = tpu.vector_load %arg10[%swap3A_324, %swap3A_325] {strides = array<i32>} : memref<800x32xf32, #tpu.memory_space<vmem>>, vector<1x16xf32>,
      %swap3A_327 = vector.shape_cast %swap3A_326 : vector<1x16xf32> to vector<16xf32>
      %swap3A_328 = vector.shape_cast %get3A_293 : vector<16xf32> to vector<1x16xf32>
      tpu.vector_store %arg10[%swap3A_324, %swap3A_325], %swap3A_328 {add = true, strides = array<i32>} : memref<800x32xf32, #tpu.memory_space<vmem>>, vector<1x16xf32>,
      %add3A_329 = arith.constant 600 : i32
      %add3A_330 = arith.addi %add3A_329, %scan3A_286 : i32
      %swap3A_331 = arith.index_cast %add3A_330 : i32 to index
      %swap3A_332 = arith.constant 0 : index
      %swap3A_333 = tpu.vector_load %arg10[%swap3A_331, %swap3A_332] {strides = array<i32>} : memref<800x32xf32, #tpu.memory_space<vmem>>, vector<1x16xf32>,
      %swap3A_334 = vector.shape_cast %swap3A_333 : vector<1x16xf32> to vector<16xf32>
      %swap3A_335 = vector.shape_cast %get3A_289 : vector<16xf32> to vector<1x16xf32>
      tpu.vector_store %arg10[%swap3A_331, %swap3A_332], %swap3A_335 {add = true, strides = array<i32>} : memref<800x32xf32, #tpu.memory_space<vmem>>, vector<1x16xf32>,
      %swap3A_336 = arith.index_cast %add3A_330 : i32 to index
      %swap3A_337 = arith.constant 16 : index
      %swap3A_338 = tpu.vector_load %arg10[%swap3A_336, %swap3A_337] {strides = array<i32>} : memref<800x32xf32, #tpu.memory_space<vmem>>, vector<1x16xf32>,
      %swap3A_339 = vector.shape_cast %swap3A_338 : vector<1x16xf32> to vector<16xf32>
      %swap3A_340 = vector.shape_cast %get3A_293 : vector<16xf32> to vector<1x16xf32>
      tpu.vector_store %arg10[%swap3A_336, %swap3A_337], %swap3A_340 {add = true, strides = array<i32>} : memref<800x32xf32, #tpu.memory_space<vmem>>, vector<1x16xf32>,
      %scan3A_341 = arith.constant 1 : i32
      %scan3A_342 = arith.addi %scan3A_286, %scan3A_341 : i32
      %get3A_343 = arith.index_cast %scan3A_342 : i32 to index
      %get3A_344 = arith.constant 0 : index
      %get3A_345 = tpu.vector_load %arg14[%get3A_343, %get3A_344] {strides = array<i32>} : memref<200x32xf32, #tpu.memory_space<vmem>>, vector<1x16xf32>,
      %get3A_346 = vector.shape_cast %get3A_345 : vector<1x16xf32> to vector<16xf32>
      %get3A_347 = arith.index_cast %scan3A_342 : i32 to index
      %get3A_348 = arith.constant 16 : index
      %get3A_349 = tpu.vector_load %arg14[%get3A_347, %get3A_348] {strides = array<i32>} : memref<200x32xf32, #tpu.memory_space<vmem>>, vector<1x16xf32>,
      %get3A_350 = vector.shape_cast %get3A_349 : vector<1x16xf32> to vector<16xf32>
      %add3A_351 = arith.constant 0 : i32
      %add3A_352 = arith.addi %add3A_351, %scan3A_342 : i32
      %swap3A_353 = arith.index_cast %add3A_352 : i32 to index
      %swap3A_354 = arith.constant 0 : index
      %swap3A_355 = tpu.vector_load %arg10[%swap3A_353, %swap3A_354] {strides = array<i32>} : memref<800x32xf32, #tpu.memory_space<vmem>>, vector<1x16xf32>,
      %swap3A_356 = vector.shape_cast %swap3A_355 : vector<1x16xf32> to vector<16xf32>
      %swap3A_357 = vector.shape_cast %get3A_346 : vector<16xf32> to vector<1x16xf32>
      tpu.vector_store %arg10[%swap3A_353, %swap3A_354], %swap3A_357 {add = true, strides = array<i32>} : memref<800x32xf32, #tpu.memory_space<vmem>>, vector<1x16xf32>,
      %swap3A_358 = arith.index_cast %add3A_352 : i32 to index
      %swap3A_359 = arith.constant 16 : index
      %swap3A_360 = tpu.vector_load %arg10[%swap3A_358, %swap3A_359] {strides = array<i32>} : memref<800x32xf32, #tpu.memory_space<vmem>>, vector<1x16xf32>,
      %swap3A_361 = vector.shape_cast %swap3A_360 : vector<1x16xf32> to vector<16xf32>
      %swap3A_362 = vector.shape_cast %get3A_350 : vector<16xf32> to vector<1x16xf32>
      tpu.vector_store %arg10[%swap3A_358, %swap3A_359], %swap3A_362 {add = true, strides = array<i32>} : memref<800x32xf32, #tpu.memory_space<vmem>>, vector<1x16xf32>,
      %add3A_363 = arith.constant 200 : i32
      %add3A_364 = arith.addi %add3A_363, %scan3A_342 : i32
      %swap3A_365 = arith.index_cast %add3A_364 : i32 to index
      %swap3A_366 = arith.constant 0 : index
      %swap3A_367 = tpu.vector_load %arg10[%swap3A_365, %swap3A_366] {strides = array<i32>} : memref<800x32xf32, #tpu.memory_space<vmem>>, vector<1x16xf32>,
      %swap3A_368 = vector.shape_cast %swap3A_367 : vector<1x16xf32> to vector<16xf32>
      %swap3A_369 = vector.shape_cast %get3A_346 : vector<16xf32> to vector<1x16xf32>
      tpu.vector_store %arg10[%swap3A_365, %swap3A_366], %swap3A_369 {add = true, strides = array<i32>} : memref<800x32xf32, #tpu.memory_space<vmem>>, vector<1x16xf32>,
      %swap3A_370 = arith.index_cast %add3A_364 : i32 to index
      %swap3A_371 = arith.constant 16 : index
      %swap3A_372 = tpu.vector_load %arg10[%swap3A_370, %swap3A_371] {strides = array<i32>} : memref<800x32xf32, #tpu.memory_space<vmem>>, vector<1x16xf32>,
      %swap3A_373 = vector.shape_cast %swap3A_372 : vector<1x16xf32> to vector<16xf32>
      %swap3A_374 = vector.shape_cast %get3A_350 : vector<16xf32> to vector<1x16xf32>
      tpu.vector_store %arg10[%swap3A_370, %swap3A_371], %swap3A_374 {add = true, strides = array<i32>} : memref<800x32xf32, #tpu.memory_space<vmem>>, vector<1x16xf32>,
      %add3A_375 = arith.constant 400 : i32
      %add3A_376 = arith.addi %add3A_375, %scan3A_342 : i32
      %swap3A_377 = arith.index_cast %add3A_376 : i32 to index
      %swap3A_378 = arith.constant 0 : index
      %swap3A_379 = tpu.vector_load %arg10[%swap3A_377, %swap3A_378] {strides = array<i32>} : memref<800x32xf32, #tpu.memory_space<vmem>>, vector<1x16xf32>,
      %swap3A_380 = vector.shape_cast %swap3A_379 : vector<1x16xf32> to vector<16xf32>
      %swap3A_381 = vector.shape_cast %get3A_346 : vector<16xf32> to vector<1x16xf32>
      tpu.vector_store %arg10[%swap3A_377, %swap3A_378], %swap3A_381 {add = true, strides = array<i32>} : memref<800x32xf32, #tpu.memory_space<vmem>>, vector<1x16xf32>,
      %swap3A_382 = arith.index_cast %add3A_376 : i32 to index
      %swap3A_383 = arith.constant 16 : index
      %swap3A_384 = tpu.vector_load %arg10[%swap3A_382, %swap3A_383] {strides = array<i32>} : memref<800x32xf32, #tpu.memory_space<vmem>>, vector<1x16xf32>,
      %swap3A_385 = vector.shape_cast %swap3A_384 : vector<1x16xf32> to vector<16xf32>
      %swap3A_386 = vector.shape_cast %get3A_350 : vector<16xf32> to vector<1x16xf32>
      tpu.vector_store %arg10[%swap3A_382, %swap3A_383], %swap3A_386 {add = true, strides = array<i32>} : memref<800x32xf32, #tpu.memory_space<vmem>>, vector<1x16xf32>,
      %add3A_387 = arith.constant 600 : i32
      %add3A_388 = arith.addi %add3A_387, %scan3A_342 : i32
      %swap3A_389 = arith.index_cast %add3A_388 : i32 to index
      %swap3A_390 = arith.constant 0 : index
      %swap3A_391 = tpu.vector_load %arg10[%swap3A_389, %swap3A_390] {strides = array<i32>} : memref<800x32xf32, #tpu.memory_space<vmem>>, vector<1x16xf32>,
      %swap3A_392 = vector.shape_cast %swap3A_391 : vector<1x16xf32> to vector<16xf32>
      %swap3A_393 = vector.shape_cast %get3A_346 : vector<16xf32> to vector<1x16xf32>
      tpu.vector_store %arg10[%swap3A_389, %swap3A_390], %swap3A_393 {add = true, strides = array<i32>} : memref<800x32xf32, #tpu.memory_space<vmem>>, vector<1x16xf32>,
      %swap3A_394 = arith.index_cast %add3A_388 : i32 to index
      %swap3A_395 = arith.constant 16 : index
      %swap3A_396 = tpu.vector_load %arg10[%swap3A_394, %swap3A_395] {strides = array<i32>} : memref<800x32xf32, #tpu.memory_space<vmem>>, vector<1x16xf32>,
      %swap3A_397 = vector.shape_cast %swap3A_396 : vector<1x16xf32> to vector<16xf32>
      %swap3A_398 = vector.shape_cast %get3A_350 : vector<16xf32> to vector<1x16xf32>
      tpu.vector_store %arg10[%swap3A_394, %swap3A_395], %swap3A_398 {add = true, strides = array<i32>} : memref<800x32xf32, #tpu.memory_space<vmem>>, vector<1x16xf32>,
      %scan3A_399 = arith.constant 2 : i32
      %scan3A_400 = arith.addi %scan3A_286, %scan3A_399 : i32
      %get3A_401 = arith.index_cast %scan3A_400 : i32 to index
      %get3A_402 = arith.constant 0 : index
      %get3A_403 = tpu.vector_load %arg14[%get3A_401, %get3A_402] {strides = array<i32>} : memref<200x32xf32, #tpu.memory_space<vmem>>, vector<1x16xf32>,
      %get3A_404 = vector.shape_cast %get3A_403 : vector<1x16xf32> to vector<16xf32>
      %get3A_405 = arith.index_cast %scan3A_400 : i32 to index
      %get3A_406 = arith.constant 16 : index
      %get3A_407 = tpu.vector_load %arg14[%get3A_405, %get3A_406] {strides = array<i32>} : memref<200x32xf32, #tpu.memory_space<vmem>>, vector<1x16xf32>,
      %get3A_408 = vector.shape_cast %get3A_407 : vector<1x16xf32> to vector<16xf32>
      %add3A_409 = arith.constant 0 : i32
      %add3A_410 = arith.addi %add3A_409, %scan3A_400 : i32
      %swap3A_411 = arith.index_cast %add3A_410 : i32 to index
      %swap3A_412 = arith.constant 0 : index
      %swap3A_413 = tpu.vector_load %arg10[%swap3A_411, %swap3A_412] {strides = array<i32>} : memref<800x32xf32, #tpu.memory_space<vmem>>, vector<1x16xf32>,
      %swap3A_414 = vector.shape_cast %swap3A_413 : vector<1x16xf32> to vector<16xf32>
      %swap3A_415 = vector.shape_cast %get3A_404 : vector<16xf32> to vector<1x16xf32>
      tpu.vector_store %arg10[%swap3A_411, %swap3A_412], %swap3A_415 {add = true, strides = array<i32>} : memref<800x32xf32, #tpu.memory_space<vmem>>, vector<1x16xf32>,
      %swap3A_416 = arith.index_cast %add3A_410 : i32 to index
      %swap3A_417 = arith.constant 16 : index
      %swap3A_418 = tpu.vector_load %arg10[%swap3A_416, %swap3A_417] {strides = array<i32>} : memref<800x32xf32, #tpu.memory_space<vmem>>, vector<1x16xf32>,
      %swap3A_419 = vector.shape_cast %swap3A_418 : vector<1x16xf32> to vector<16xf32>
      %swap3A_420 = vector.shape_cast %get3A_408 : vector<16xf32> to vector<1x16xf32>
      tpu.vector_store %arg10[%swap3A_416, %swap3A_417], %swap3A_420 {add = true, strides = array<i32>} : memref<800x32xf32, #tpu.memory_space<vmem>>, vector<1x16xf32>,
      %add3A_421 = arith.constant 200 : i32
      %add3A_422 = arith.addi %add3A_421, %scan3A_400 : i32
      %swap3A_423 = arith.index_cast %add3A_422 : i32 to index
      %swap3A_424 = arith.constant 0 : index
      %swap3A_425 = tpu.vector_load %arg10[%swap3A_423, %swap3A_424] {strides = array<i32>} : memref<800x32xf32, #tpu.memory_space<vmem>>, vector<1x16xf32>,
      %swap3A_426 = vector.shape_cast %swap3A_425 : vector<1x16xf32> to vector<16xf32>
      %swap3A_427 = vector.shape_cast %get3A_404 : vector<16xf32> to vector<1x16xf32>
      tpu.vector_store %arg10[%swap3A_423, %swap3A_424], %swap3A_427 {add = true, strides = array<i32>} : memref<800x32xf32, #tpu.memory_space<vmem>>, vector<1x16xf32>,
      %swap3A_428 = arith.index_cast %add3A_422 : i32 to index
      %swap3A_429 = arith.constant 16 : index
      %swap3A_430 = tpu.vector_load %arg10[%swap3A_428, %swap3A_429] {strides = array<i32>} : memref<800x32xf32, #tpu.memory_space<vmem>>, vector<1x16xf32>,
      %swap3A_431 = vector.shape_cast %swap3A_430 : vector<1x16xf32> to vector<16xf32>
      %swap3A_432 = vector.shape_cast %get3A_408 : vector<16xf32> to vector<1x16xf32>
      tpu.vector_store %arg10[%swap3A_428, %swap3A_429], %swap3A_432 {add = true, strides = array<i32>} : memref<800x32xf32, #tpu.memory_space<vmem>>, vector<1x16xf32>,
      %add3A_433 = arith.constant 400 : i32
      %add3A_434 = arith.addi %add3A_433, %scan3A_400 : i32
      %swap3A_435 = arith.index_cast %add3A_434 : i32 to index
      %swap3A_436 = arith.constant 0 : index
      %swap3A_437 = tpu.vector_load %arg10[%swap3A_435, %swap3A_436] {strides = array<i32>} : memref<800x32xf32, #tpu.memory_space<vmem>>, vector<1x16xf32>,
      %swap3A_438 = vector.shape_cast %swap3A_437 : vector<1x16xf32> to vector<16xf32>
      %swap3A_439 = vector.shape_cast %get3A_404 : vector<16xf32> to vector<1x16xf32>
      tpu.vector_store %arg10[%swap3A_435, %swap3A_436], %swap3A_439 {add = true, strides = array<i32>} : memref<800x32xf32, #tpu.memory_space<vmem>>, vector<1x16xf32>,
      %swap3A_440 = arith.index_cast %add3A_434 : i32 to index
      %swap3A_441 = arith.constant 16 : index
      %swap3A_442 = tpu.vector_load %arg10[%swap3A_440, %swap3A_441] {strides = array<i32>} : memref<800x32xf32, #tpu.memory_space<vmem>>, vector<1x16xf32>,
      %swap3A_443 = vector.shape_cast %swap3A_442 : vector<1x16xf32> to vector<16xf32>
      %swap3A_444 = vector.shape_cast %get3A_408 : vector<16xf32> to vector<1x16xf32>
      tpu.vector_store %arg10[%swap3A_440, %swap3A_441], %swap3A_444 {add = true, strides = array<i32>} : memref<800x32xf32, #tpu.memory_space<vmem>>, vector<1x16xf32>,
      %add3A_445 = arith.constant 600 : i32
      %add3A_446 = arith.addi %add3A_445, %scan3A_400 : i32
      %swap3A_447 = arith.index_cast %add3A_446 : i32 to index
      %swap3A_448 = arith.constant 0 : index
      %swap3A_449 = tpu.vector_load %arg10[%swap3A_447, %swap3A_448] {strides = array<i32>} : memref<800x32xf32, #tpu.memory_space<vmem>>, vector<1x16xf32>,
      %swap3A_450 = vector.shape_cast %swap3A_449 : vector<1x16xf32> to vector<16xf32>
      %swap3A_451 = vector.shape_cast %get3A_404 : vector<16xf32> to vector<1x16xf32>
      tpu.vector_store %arg10[%swap3A_447, %swap3A_448], %swap3A_451 {add = true, strides = array<i32>} : memref<800x32xf32, #tpu.memory_space<vmem>>, vector<1x16xf32>,
      %swap3A_452 = arith.index_cast %add3A_446 : i32 to index
      %swap3A_453 = arith.constant 16 : index
      %swap3A_454 = tpu.vector_load %arg10[%swap3A_452, %swap3A_453] {strides = array<i32>} : memref<800x32xf32, #tpu.memory_space<vmem>>, vector<1x16xf32>,
      %swap3A_455 = vector.shape_cast %swap3A_454 : vector<1x16xf32> to vector<16xf32>
      %swap3A_456 = vector.shape_cast %get3A_408 : vector<16xf32> to vector<1x16xf32>
      tpu.vector_store %arg10[%swap3A_452, %swap3A_453], %swap3A_456 {add = true, strides = array<i32>} : memref<800x32xf32, #tpu.memory_space<vmem>>, vector<1x16xf32>,
      %scan3A_457 = arith.constant 3 : i32
      %scan3A_458 = arith.addi %scan3A_286, %scan3A_457 : i32
      %get3A_459 = arith.index_cast %scan3A_458 : i32 to index
      %get3A_460 = arith.constant 0 : index
      %get3A_461 = tpu.vector_load %arg14[%get3A_459, %get3A_460] {strides = array<i32>} : memref<200x32xf32, #tpu.memory_space<vmem>>, vector<1x16xf32>,
      %get3A_462 = vector.shape_cast %get3A_461 : vector<1x16xf32> to vector<16xf32>
      %get3A_463 = arith.index_cast %scan3A_458 : i32 to index
      %get3A_464 = arith.constant 16 : index
      %get3A_465 = tpu.vector_load %arg14[%get3A_463, %get3A_464] {strides = array<i32>} : memref<200x32xf32, #tpu.memory_space<vmem>>, vector<1x16xf32>,
      %get3A_466 = vector.shape_cast %get3A_465 : vector<1x16xf32> to vector<16xf32>
      %add3A_467 = arith.constant 0 : i32
      %add3A_468 = arith.addi %add3A_467, %scan3A_458 : i32
      %swap3A_469 = arith.index_cast %add3A_468 : i32 to index
      %swap3A_470 = arith.constant 0 : index
      %swap3A_471 = tpu.vector_load %arg10[%swap3A_469, %swap3A_470] {strides = array<i32>} : memref<800x32xf32, #tpu.memory_space<vmem>>, vector<1x16xf32>,
      %swap3A_472 = vector.shape_cast %swap3A_471 : vector<1x16xf32> to vector<16xf32>
      %swap3A_473 = vector.shape_cast %get3A_462 : vector<16xf32> to vector<1x16xf32>
      tpu.vector_store %arg10[%swap3A_469, %swap3A_470], %swap3A_473 {add = true, strides = array<i32>} : memref<800x32xf32, #tpu.memory_space<vmem>>, vector<1x16xf32>,
      %swap3A_474 = arith.index_cast %add3A_468 : i32 to index
      %swap3A_475 = arith.constant 16 : index
      %swap3A_476 = tpu.vector_load %arg10[%swap3A_474, %swap3A_475] {strides = array<i32>} : memref<800x32xf32, #tpu.memory_space<vmem>>, vector<1x16xf32>,
      %swap3A_477 = vector.shape_cast %swap3A_476 : vector<1x16xf32> to vector<16xf32>
      %swap3A_478 = vector.shape_cast %get3A_466 : vector<16xf32> to vector<1x16xf32>
      tpu.vector_store %arg10[%swap3A_474, %swap3A_475], %swap3A_478 {add = true, strides = array<i32>} : memref<800x32xf32, #tpu.memory_space<vmem>>, vector<1x16xf32>,
      %add3A_479 = arith.constant 200 : i32
      %add3A_480 = arith.addi %add3A_479, %scan3A_458 : i32
      %swap3A_481 = arith.index_cast %add3A_480 : i32 to index
      %swap3A_482 = arith.constant 0 : index
      %swap3A_483 = tpu.vector_load %arg10[%swap3A_481, %swap3A_482] {strides = array<i32>} : memref<800x32xf32, #tpu.memory_space<vmem>>, vector<1x16xf32>,
      %swap3A_484 = vector.shape_cast %swap3A_483 : vector<1x16xf32> to vector<16xf32>
      %swap3A_485 = vector.shape_cast %get3A_462 : vector<16xf32> to vector<1x16xf32>
      tpu.vector_store %arg10[%swap3A_481, %swap3A_482], %swap3A_485 {add = true, strides = array<i32>} : memref<800x32xf32, #tpu.memory_space<vmem>>, vector<1x16xf32>,
      %swap3A_486 = arith.index_cast %add3A_480 : i32 to index
      %swap3A_487 = arith.constant 16 : index
      %swap3A_488 = tpu.vector_load %arg10[%swap3A_486, %swap3A_487] {strides = array<i32>} : memref<800x32xf32, #tpu.memory_space<vmem>>, vector<1x16xf32>,
      %swap3A_489 = vector.shape_cast %swap3A_488 : vector<1x16xf32> to vector<16xf32>
      %swap3A_490 = vector.shape_cast %get3A_466 : vector<16xf32> to vector<1x16xf32>
      tpu.vector_store %arg10[%swap3A_486, %swap3A_487], %swap3A_490 {add = true, strides = array<i32>} : memref<800x32xf32, #tpu.memory_space<vmem>>, vector<1x16xf32>,
      %add3A_491 = arith.constant 400 : i32
      %add3A_492 = arith.addi %add3A_491, %scan3A_458 : i32
      %swap3A_493 = arith.index_cast %add3A_492 : i32 to index
      %swap3A_494 = arith.constant 0 : index
      %swap3A_495 = tpu.vector_load %arg10[%swap3A_493, %swap3A_494] {strides = array<i32>} : memref<800x32xf32, #tpu.memory_space<vmem>>, vector<1x16xf32>,
      %swap3A_496 = vector.shape_cast %swap3A_495 : vector<1x16xf32> to vector<16xf32>
      %swap3A_497 = vector.shape_cast %get3A_462 : vector<16xf32> to vector<1x16xf32>
      tpu.vector_store %arg10[%swap3A_493, %swap3A_494], %swap3A_497 {add = true, strides = array<i32>} : memref<800x32xf32, #tpu.memory_space<vmem>>, vector<1x16xf32>,
      %swap3A_498 = arith.index_cast %add3A_492 : i32 to index
      %swap3A_499 = arith.constant 16 : index
      %swap3A_500 = tpu.vector_load %arg10[%swap3A_498, %swap3A_499] {strides = array<i32>} : memref<800x32xf32, #tpu.memory_space<vmem>>, vector<1x16xf32>,
      %swap3A_501 = vector.shape_cast %swap3A_500 : vector<1x16xf32> to vector<16xf32>
      %swap3A_502 = vector.shape_cast %get3A_466 : vector<16xf32> to vector<1x16xf32>
      tpu.vector_store %arg10[%swap3A_498, %swap3A_499], %swap3A_502 {add = true, strides = array<i32>} : memref<800x32xf32, #tpu.memory_space<vmem>>, vector<1x16xf32>,
      %add3A_503 = arith.constant 600 : i32
      %add3A_504 = arith.addi %add3A_503, %scan3A_458 : i32
      %swap3A_505 = arith.index_cast %add3A_504 : i32 to index
      %swap3A_506 = arith.constant 0 : index
      %swap3A_507 = tpu.vector_load %arg10[%swap3A_505, %swap3A_506] {strides = array<i32>} : memref<800x32xf32, #tpu.memory_space<vmem>>, vector<1x16xf32>,
      %swap3A_508 = vector.shape_cast %swap3A_507 : vector<1x16xf32> to vector<16xf32>
      %swap3A_509 = vector.shape_cast %get3A_462 : vector<16xf32> to vector<1x16xf32>
      tpu.vector_store %arg10[%swap3A_505, %swap3A_506], %swap3A_509 {add = true, strides = array<i32>} : memref<800x32xf32, #tpu.memory_space<vmem>>, vector<1x16xf32>,
      %swap3A_510 = arith.index_cast %add3A_504 : i32 to index
      %swap3A_511 = arith.constant 16 : index
      %swap3A_512 = tpu.vector_load %arg10[%swap3A_510, %swap3A_511] {strides = array<i32>} : memref<800x32xf32, #tpu.memory_space<vmem>>, vector<1x16xf32>,
      %swap3A_513 = vector.shape_cast %swap3A_512 : vector<1x16xf32> to vector<16xf32>
      %swap3A_514 = vector.shape_cast %get3A_466 : vector<16xf32> to vector<1x16xf32>
      tpu.vector_store %arg10[%swap3A_510, %swap3A_511], %swap3A_514 {add = true, strides = array<i32>} : memref<800x32xf32, #tpu.memory_space<vmem>>, vector<1x16xf32>,
    }
    %scan3A_41 = arith.constant 200 : i32
    %add3A_42 = arith.constant 0 : i32
    %add3A_43 = arith.addi %mul3A_2, %add3A_42 : i32
    %dma_start3A_44 = arith.constant 0 : i32
    %dma_start3A_45 = tpu.memref_slice %arg5[%add3A_43, %dma_start3A_44] : memref<819200x32xf32, #tpu.memory_space<hbm>> -> memref<800x32xf32, #tpu.memory_space<hbm>>
    %dma_start3A_46 = arith.constant 0 : i32
    %dma_start3A_47 = tpu.memref_slice %arg5[%add3A_43, %dma_start3A_46] : memref<819200x32xf32, #tpu.memory_space<hbm>> -> memref<800x32xf32, #tpu.memory_space<hbm>>
    tpu.enqueue_dma source(%arg10 : memref<800x32xf32, #tpu.memory_space<vmem>>) target(%dma_start3A_47 : memref<800x32xf32, #tpu.memory_space<hbm>>) target_semaphore(%arg23 : memref<!tpu.dma_semaphore, #tpu.memory_space<semaphore_mem>>)
    %add3A_48 = arith.constant 3200 : i32
    %add3A_49 = arith.addi %mul3A_2, %add3A_48 : i32
    %dma_start3A_50 = tpu.memref_slice %arg2[%add3A_49] : memref<819200xi32, #tpu.memory_space<hbm>> -> memref<800xi32, #tpu.memory_space<hbm>>
    %dma_start3A_51 = tpu.memref_slice %arg2[%add3A_49] : memref<819200xi32, #tpu.memory_space<hbm>> -> memref<800xi32, #tpu.memory_space<hbm>>
    tpu.enqueue_dma source(%dma_start3A_51 : memref<800xi32, #tpu.memory_space<hbm>>) target(%arg6 : memref<800xi32, #tpu.memory_space<vmem>>) target_semaphore(%arg15 : memref<!tpu.dma_semaphore, #tpu.memory_space<semaphore_mem>>)
    %dma_wait3A_52 = arith.constant 0 : i32
    %dma_wait3A_53 = arith.constant 0 : i32
    %dma_wait3A_54 = tpu.memref_slice %arg5[%dma_wait3A_52, %dma_wait3A_53] : memref<819200x32xf32, #tpu.memory_space<hbm>> -> memref<800x32xf32, #tpu.memory_space<hbm>>
    %dma_wait3A_55 = arith.constant 0 : i32
    %dma_wait3A_56 = arith.constant 0 : i32
    %dma_wait3A_57 = tpu.memref_slice %arg5[%dma_wait3A_55, %dma_wait3A_56] : memref<819200x32xf32, #tpu.memory_space<hbm>> -> memref<800x32xf32, #tpu.memory_space<hbm>>
    tpu.wait_dma2 semaphore(%arg20 : memref<!tpu.dma_semaphore, #tpu.memory_space<semaphore_mem>>) src(%dma_wait3A_57 : memref<800x32xf32, #tpu.memory_space<hbm>>) dst(%arg11 : memref<800x32xf32, #tpu.memory_space<vmem>>)
    %dma_wait3A_58 = arith.constant 0 : i32
    %dma_wait3A_59 = tpu.memref_slice %arg2[%dma_wait3A_58] : memref<819200xi32, #tpu.memory_space<hbm>> -> memref<800xi32, #tpu.memory_space<hbm>>
    %dma_wait3A_60 = arith.constant 0 : i32
    %dma_wait3A_61 = tpu.memref_slice %arg2[%dma_wait3A_60] : memref<819200xi32, #tpu.memory_space<hbm>> -> memref<800xi32, #tpu.memory_space<hbm>>
    tpu.wait_dma2 semaphore(%arg17 : memref<!tpu.dma_semaphore, #tpu.memory_space<semaphore_mem>>) src(%dma_wait3A_61 : memref<800xi32, #tpu.memory_space<hbm>>) dst(%arg8 : memref<800xi32, #tpu.memory_space<vmem>>)
    %dma_start3A_62 = arith.constant 0 : i32
    %dma_start3A_63 = arith.constant 0 : i32
    %dma_start3A_64 = tpu.memref_slice %arg3[%dma_start3A_62, %dma_start3A_63] : memref<1000000x32xf32, #tpu.memory_space<hbm>> -> memref<1000000x32xf32, #tpu.memory_space<hbm>>
    tpu.enqueue_indirect_dma source(%dma_start3A_64 : memref<1000000x32xf32, #tpu.memory_space<hbm>>) target(%arg12 : memref<800x32xf32, #tpu.memory_space<vmem>>) offsets(%arg8 : memref<800xi32, #tpu.memory_space<vmem>>) semaphore(%arg21 : memref<!tpu.dma_semaphore, #tpu.memory_space<semaphore_mem>>)
    %scan3A_65 = arith.constant 0 : i32
    %scan3A_66 = arith.constant 0 : i32
    %scan3A_67 = arith.constant 200 : i32
    %scan3A_68 = arith.addi %scan3A_66, %scan3A_67 : i32
    %scan3A_69 = arith.constant 4 : i32
    scf.for %scan3A_286 = %scan3A_66 to %scan3A_68 step %scan3A_69  : i32 {
      %get3A = arith.index_cast %scan3A_286 : i32 to index
      %get3A_287 = arith.constant 0 : index
      %get3A_288 = tpu.vector_load %arg14[%get3A, %get3A_287] {strides = array<i32>} : memref<200x32xf32, #tpu.memory_space<vmem>>, vector<1x16xf32>,
      %get3A_289 = vector.shape_cast %get3A_288 : vector<1x16xf32> to vector<16xf32>
      %get3A_290 = arith.index_cast %scan3A_286 : i32 to index
      %get3A_291 = arith.constant 16 : index
      %get3A_292 = tpu.vector_load %arg14[%get3A_290, %get3A_291] {strides = array<i32>} : memref<200x32xf32, #tpu.memory_space<vmem>>, vector<1x16xf32>,
      %get3A_293 = vector.shape_cast %get3A_292 : vector<1x16xf32> to vector<16xf32>
      %add3A_294 = arith.constant 0 : i32
      %add3A_295 = arith.addi %add3A_294, %scan3A_286 : i32
      %swap3A = arith.index_cast %add3A_295 : i32 to index
      %swap3A_296 = arith.constant 0 : index
      %swap3A_297 = tpu.vector_load %arg11[%swap3A, %swap3A_296] {strides = array<i32>} : memref<800x32xf32, #tpu.memory_space<vmem>>, vector<1x16xf32>,
      %swap3A_298 = vector.shape_cast %swap3A_297 : vector<1x16xf32> to vector<16xf32>
      %swap3A_299 = vector.shape_cast %get3A_289 : vector<16xf32> to vector<1x16xf32>
      tpu.vector_store %arg11[%swap3A, %swap3A_296], %swap3A_299 {add = true, strides = array<i32>} : memref<800x32xf32, #tpu.memory_space<vmem>>, vector<1x16xf32>,
      %swap3A_300 = arith.index_cast %add3A_295 : i32 to index
      %swap3A_301 = arith.constant 16 : index
      %swap3A_302 = tpu.vector_load %arg11[%swap3A_300, %swap3A_301] {strides = array<i32>} : memref<800x32xf32, #tpu.memory_space<vmem>>, vector<1x16xf32>,
      %swap3A_303 = vector.shape_cast %swap3A_302 : vector<1x16xf32> to vector<16xf32>
      %swap3A_304 = vector.shape_cast %get3A_293 : vector<16xf32> to vector<1x16xf32>
      tpu.vector_store %arg11[%swap3A_300, %swap3A_301], %swap3A_304 {add = true, strides = array<i32>} : memref<800x32xf32, #tpu.memory_space<vmem>>, vector<1x16xf32>,
      %add3A_305 = arith.constant 200 : i32
      %add3A_306 = arith.addi %add3A_305, %scan3A_286 : i32
      %swap3A_307 = arith.index_cast %add3A_306 : i32 to index
      %swap3A_308 = arith.constant 0 : index
      %swap3A_309 = tpu.vector_load %arg11[%swap3A_307, %swap3A_308] {strides = array<i32>} : memref<800x32xf32, #tpu.memory_space<vmem>>, vector<1x16xf32>,
      %swap3A_310 = vector.shape_cast %swap3A_309 : vector<1x16xf32> to vector<16xf32>
      %swap3A_311 = vector.shape_cast %get3A_289 : vector<16xf32> to vector<1x16xf32>
      tpu.vector_store %arg11[%swap3A_307, %swap3A_308], %swap3A_311 {add = true, strides = array<i32>} : memref<800x32xf32, #tpu.memory_space<vmem>>, vector<1x16xf32>,
      %swap3A_312 = arith.index_cast %add3A_306 : i32 to index
      %swap3A_313 = arith.constant 16 : index
      %swap3A_314 = tpu.vector_load %arg11[%swap3A_312, %swap3A_313] {strides = array<i32>} : memref<800x32xf32, #tpu.memory_space<vmem>>, vector<1x16xf32>,
      %swap3A_315 = vector.shape_cast %swap3A_314 : vector<1x16xf32> to vector<16xf32>
      %swap3A_316 = vector.shape_cast %get3A_293 : vector<16xf32> to vector<1x16xf32>
      tpu.vector_store %arg11[%swap3A_312, %swap3A_313], %swap3A_316 {add = true, strides = array<i32>} : memref<800x32xf32, #tpu.memory_space<vmem>>, vector<1x16xf32>,
      %add3A_317 = arith.constant 400 : i32
      %add3A_318 = arith.addi %add3A_317, %scan3A_286 : i32
      %swap3A_319 = arith.index_cast %add3A_318 : i32 to index
      %swap3A_320 = arith.constant 0 : index
      %swap3A_321 = tpu.vector_load %arg11[%swap3A_319, %swap3A_320] {strides = array<i32>} : memref<800x32xf32, #tpu.memory_space<vmem>>, vector<1x16xf32>,
      %swap3A_322 = vector.shape_cast %swap3A_321 : vector<1x16xf32> to vector<16xf32>
      %swap3A_323 = vector.shape_cast %get3A_289 : vector<16xf32> to vector<1x16xf32>
      tpu.vector_store %arg11[%swap3A_319, %swap3A_320], %swap3A_323 {add = true, strides = array<i32>} : memref<800x32xf32, #tpu.memory_space<vmem>>, vector<1x16xf32>,
      %swap3A_324 = arith.index_cast %add3A_318 : i32 to index
      %swap3A_325 = arith.constant 16 : index
      %swap3A_326 = tpu.vector_load %arg11[%swap3A_324, %swap3A_325] {strides = array<i32>} : memref<800x32xf32, #tpu.memory_space<vmem>>, vector<1x16xf32>,
      %swap3A_327 = vector.shape_cast %swap3A_326 : vector<1x16xf32> to vector<16xf32>
      %swap3A_328 = vector.shape_cast %get3A_293 : vector<16xf32> to vector<1x16xf32>
      tpu.vector_store %arg11[%swap3A_324, %swap3A_325], %swap3A_328 {add = true, strides = array<i32>} : memref<800x32xf32, #tpu.memory_space<vmem>>, vector<1x16xf32>,
      %add3A_329 = arith.constant 600 : i32
      %add3A_330 = arith.addi %add3A_329, %scan3A_286 : i32
      %swap3A_331 = arith.index_cast %add3A_330 : i32 to index
      %swap3A_332 = arith.constant 0 : index
      %swap3A_333 = tpu.vector_load %arg11[%swap3A_331, %swap3A_332] {strides = array<i32>} : memref<800x32xf32, #tpu.memory_space<vmem>>, vector<1x16xf32>,
      %swap3A_334 = vector.shape_cast %swap3A_333 : vector<1x16xf32> to vector<16xf32>
      %swap3A_335 = vector.shape_cast %get3A_289 : vector<16xf32> to vector<1x16xf32>
      tpu.vector_store %arg11[%swap3A_331, %swap3A_332], %swap3A_335 {add = true, strides = array<i32>} : memref<800x32xf32, #tpu.memory_space<vmem>>, vector<1x16xf32>,
      %swap3A_336 = arith.index_cast %add3A_330 : i32 to index
      %swap3A_337 = arith.constant 16 : index
      %swap3A_338 = tpu.vector_load %arg11[%swap3A_336, %swap3A_337] {strides = array<i32>} : memref<800x32xf32, #tpu.memory_space<vmem>>, vector<1x16xf32>,
      %swap3A_339 = vector.shape_cast %swap3A_338 : vector<1x16xf32> to vector<16xf32>
      %swap3A_340 = vector.shape_cast %get3A_293 : vector<16xf32> to vector<1x16xf32>
      tpu.vector_store %arg11[%swap3A_336, %swap3A_337], %swap3A_340 {add = true, strides = array<i32>} : memref<800x32xf32, #tpu.memory_space<vmem>>, vector<1x16xf32>,
      %scan3A_341 = arith.constant 1 : i32
      %scan3A_342 = arith.addi %scan3A_286, %scan3A_341 : i32
      %get3A_343 = arith.index_cast %scan3A_342 : i32 to index
      %get3A_344 = arith.constant 0 : index
      %get3A_345 = tpu.vector_load %arg14[%get3A_343, %get3A_344] {strides = array<i32>} : memref<200x32xf32, #tpu.memory_space<vmem>>, vector<1x16xf32>,
      %get3A_346 = vector.shape_cast %get3A_345 : vector<1x16xf32> to vector<16xf32>
      %get3A_347 = arith.index_cast %scan3A_342 : i32 to index
      %get3A_348 = arith.constant 16 : index
      %get3A_349 = tpu.vector_load %arg14[%get3A_347, %get3A_348] {strides = array<i32>} : memref<200x32xf32, #tpu.memory_space<vmem>>, vector<1x16xf32>,
      %get3A_350 = vector.shape_cast %get3A_349 : vector<1x16xf32> to vector<16xf32>
      %add3A_351 = arith.constant 0 : i32
      %add3A_352 = arith.addi %add3A_351, %scan3A_342 : i32
      %swap3A_353 = arith.index_cast %add3A_352 : i32 to index
      %swap3A_354 = arith.constant 0 : index
      %swap3A_355 = tpu.vector_load %arg11[%swap3A_353, %swap3A_354] {strides = array<i32>} : memref<800x32xf32, #tpu.memory_space<vmem>>, vector<1x16xf32>,
      %swap3A_356 = vector.shape_cast %swap3A_355 : vector<1x16xf32> to vector<16xf32>
      %swap3A_357 = vector.shape_cast %get3A_346 : vector<16xf32> to vector<1x16xf32>
      tpu.vector_store %arg11[%swap3A_353, %swap3A_354], %swap3A_357 {add = true, strides = array<i32>} : memref<800x32xf32, #tpu.memory_space<vmem>>, vector<1x16xf32>,
      %swap3A_358 = arith.index_cast %add3A_352 : i32 to index
      %swap3A_359 = arith.constant 16 : index
      %swap3A_360 = tpu.vector_load %arg11[%swap3A_358, %swap3A_359] {strides = array<i32>} : memref<800x32xf32, #tpu.memory_space<vmem>>, vector<1x16xf32>,
      %swap3A_361 = vector.shape_cast %swap3A_360 : vector<1x16xf32> to vector<16xf32>
      %swap3A_362 = vector.shape_cast %get3A_350 : vector<16xf32> to vector<1x16xf32>
      tpu.vector_store %arg11[%swap3A_358, %swap3A_359], %swap3A_362 {add = true, strides = array<i32>} : memref<800x32xf32, #tpu.memory_space<vmem>>, vector<1x16xf32>,
      %add3A_363 = arith.constant 200 : i32
      %add3A_364 = arith.addi %add3A_363, %scan3A_342 : i32
      %swap3A_365 = arith.index_cast %add3A_364 : i32 to index
      %swap3A_366 = arith.constant 0 : index
      %swap3A_367 = tpu.vector_load %arg11[%swap3A_365, %swap3A_366] {strides = array<i32>} : memref<800x32xf32, #tpu.memory_space<vmem>>, vector<1x16xf32>,
      %swap3A_368 = vector.shape_cast %swap3A_367 : vector<1x16xf32> to vector<16xf32>
      %swap3A_369 = vector.shape_cast %get3A_346 : vector<16xf32> to vector<1x16xf32>
      tpu.vector_store %arg11[%swap3A_365, %swap3A_366], %swap3A_369 {add = true, strides = array<i32>} : memref<800x32xf32, #tpu.memory_space<vmem>>, vector<1x16xf32>,
      %swap3A_370 = arith.index_cast %add3A_364 : i32 to index
      %swap3A_371 = arith.constant 16 : index
      %swap3A_372 = tpu.vector_load %arg11[%swap3A_370, %swap3A_371] {strides = array<i32>} : memref<800x32xf32, #tpu.memory_space<vmem>>, vector<1x16xf32>,
      %swap3A_373 = vector.shape_cast %swap3A_372 : vector<1x16xf32> to vector<16xf32>
      %swap3A_374 = vector.shape_cast %get3A_350 : vector<16xf32> to vector<1x16xf32>
      tpu.vector_store %arg11[%swap3A_370, %swap3A_371], %swap3A_374 {add = true, strides = array<i32>} : memref<800x32xf32, #tpu.memory_space<vmem>>, vector<1x16xf32>,
      %add3A_375 = arith.constant 400 : i32
      %add3A_376 = arith.addi %add3A_375, %scan3A_342 : i32
      %swap3A_377 = arith.index_cast %add3A_376 : i32 to index
      %swap3A_378 = arith.constant 0 : index
      %swap3A_379 = tpu.vector_load %arg11[%swap3A_377, %swap3A_378] {strides = array<i32>} : memref<800x32xf32, #tpu.memory_space<vmem>>, vector<1x16xf32>,
      %swap3A_380 = vector.shape_cast %swap3A_379 : vector<1x16xf32> to vector<16xf32>
      %swap3A_381 = vector.shape_cast %get3A_346 : vector<16xf32> to vector<1x16xf32>
      tpu.vector_store %arg11[%swap3A_377, %swap3A_378], %swap3A_381 {add = true, strides = array<i32>} : memref<800x32xf32, #tpu.memory_space<vmem>>, vector<1x16xf32>,
      %swap3A_382 = arith.index_cast %add3A_376 : i32 to index
      %swap3A_383 = arith.constant 16 : index
      %swap3A_384 = tpu.vector_load %arg11[%swap3A_382, %swap3A_383] {strides = array<i32>} : memref<800x32xf32, #tpu.memory_space<vmem>>, vector<1x16xf32>,
      %swap3A_385 = vector.shape_cast %swap3A_384 : vector<1x16xf32> to vector<16xf32>
      %swap3A_386 = vector.shape_cast %get3A_350 : vector<16xf32> to vector<1x16xf32>
      tpu.vector_store %arg11[%swap3A_382, %swap3A_383], %swap3A_386 {add = true, strides = array<i32>} : memref<800x32xf32, #tpu.memory_space<vmem>>, vector<1x16xf32>,
      %add3A_387 = arith.constant 600 : i32
      %add3A_388 = arith.addi %add3A_387, %scan3A_342 : i32
      %swap3A_389 = arith.index_cast %add3A_388 : i32 to index
      %swap3A_390 = arith.constant 0 : index
      %swap3A_391 = tpu.vector_load %arg11[%swap3A_389, %swap3A_390] {strides = array<i32>} : memref<800x32xf32, #tpu.memory_space<vmem>>, vector<1x16xf32>,
      %swap3A_392 = vector.shape_cast %swap3A_391 : vector<1x16xf32> to vector<16xf32>
      %swap3A_393 = vector.shape_cast %get3A_346 : vector<16xf32> to vector<1x16xf32>
      tpu.vector_store %arg11[%swap3A_389, %swap3A_390], %swap3A_393 {add = true, strides = array<i32>} : memref<800x32xf32, #tpu.memory_space<vmem>>, vector<1x16xf32>,
      %swap3A_394 = arith.index_cast %add3A_388 : i32 to index
      %swap3A_395 = arith.constant 16 : index
      %swap3A_396 = tpu.vector_load %arg11[%swap3A_394, %swap3A_395] {strides = array<i32>} : memref<800x32xf32, #tpu.memory_space<vmem>>, vector<1x16xf32>,
      %swap3A_397 = vector.shape_cast %swap3A_396 : vector<1x16xf32> to vector<16xf32>
      %swap3A_398 = vector.shape_cast %get3A_350 : vector<16xf32> to vector<1x16xf32>
      tpu.vector_store %arg11[%swap3A_394, %swap3A_395], %swap3A_398 {add = true, strides = array<i32>} : memref<800x32xf32, #tpu.memory_space<vmem>>, vector<1x16xf32>,
      %scan3A_399 = arith.constant 2 : i32
      %scan3A_400 = arith.addi %scan3A_286, %scan3A_399 : i32
      %get3A_401 = arith.index_cast %scan3A_400 : i32 to index
      %get3A_402 = arith.constant 0 : index
      %get3A_403 = tpu.vector_load %arg14[%get3A_401, %get3A_402] {strides = array<i32>} : memref<200x32xf32, #tpu.memory_space<vmem>>, vector<1x16xf32>,
      %get3A_404 = vector.shape_cast %get3A_403 : vector<1x16xf32> to vector<16xf32>
      %get3A_405 = arith.index_cast %scan3A_400 : i32 to index
      %get3A_406 = arith.constant 16 : index
      %get3A_407 = tpu.vector_load %arg14[%get3A_405, %get3A_406] {strides = array<i32>} : memref<200x32xf32, #tpu.memory_space<vmem>>, vector<1x16xf32>,
      %get3A_408 = vector.shape_cast %get3A_407 : vector<1x16xf32> to vector<16xf32>
      %add3A_409 = arith.constant 0 : i32
      %add3A_410 = arith.addi %add3A_409, %scan3A_400 : i32
      %swap3A_411 = arith.index_cast %add3A_410 : i32 to index
      %swap3A_412 = arith.constant 0 : index
      %swap3A_413 = tpu.vector_load %arg11[%swap3A_411, %swap3A_412] {strides = array<i32>} : memref<800x32xf32, #tpu.memory_space<vmem>>, vector<1x16xf32>,
      %swap3A_414 = vector.shape_cast %swap3A_413 : vector<1x16xf32> to vector<16xf32>
      %swap3A_415 = vector.shape_cast %get3A_404 : vector<16xf32> to vector<1x16xf32>
      tpu.vector_store %arg11[%swap3A_411, %swap3A_412], %swap3A_415 {add = true, strides = array<i32>} : memref<800x32xf32, #tpu.memory_space<vmem>>, vector<1x16xf32>,
      %swap3A_416 = arith.index_cast %add3A_410 : i32 to index
      %swap3A_417 = arith.constant 16 : index
      %swap3A_418 = tpu.vector_load %arg11[%swap3A_416, %swap3A_417] {strides = array<i32>} : memref<800x32xf32, #tpu.memory_space<vmem>>, vector<1x16xf32>,
      %swap3A_419 = vector.shape_cast %swap3A_418 : vector<1x16xf32> to vector<16xf32>
      %swap3A_420 = vector.shape_cast %get3A_408 : vector<16xf32> to vector<1x16xf32>
      tpu.vector_store %arg11[%swap3A_416, %swap3A_417], %swap3A_420 {add = true, strides = array<i32>} : memref<800x32xf32, #tpu.memory_space<vmem>>, vector<1x16xf32>,
      %add3A_421 = arith.constant 200 : i32
      %add3A_422 = arith.addi %add3A_421, %scan3A_400 : i32
      %swap3A_423 = arith.index_cast %add3A_422 : i32 to index
      %swap3A_424 = arith.constant 0 : index
      %swap3A_425 = tpu.vector_load %arg11[%swap3A_423, %swap3A_424] {strides = array<i32>} : memref<800x32xf32, #tpu.memory_space<vmem>>, vector<1x16xf32>,
      %swap3A_426 = vector.shape_cast %swap3A_425 : vector<1x16xf32> to vector<16xf32>
      %swap3A_427 = vector.shape_cast %get3A_404 : vector<16xf32> to vector<1x16xf32>
      tpu.vector_store %arg11[%swap3A_423, %swap3A_424], %swap3A_427 {add = true, strides = array<i32>} : memref<800x32xf32, #tpu.memory_space<vmem>>, vector<1x16xf32>,
      %swap3A_428 = arith.index_cast %add3A_422 : i32 to index
      %swap3A_429 = arith.constant 16 : index
      %swap3A_430 = tpu.vector_load %arg11[%swap3A_428, %swap3A_429] {strides = array<i32>} : memref<800x32xf32, #tpu.memory_space<vmem>>, vector<1x16xf32>,
      %swap3A_431 = vector.shape_cast %swap3A_430 : vector<1x16xf32> to vector<16xf32>
      %swap3A_432 = vector.shape_cast %get3A_408 : vector<16xf32> to vector<1x16xf32>
      tpu.vector_store %arg11[%swap3A_428, %swap3A_429], %swap3A_432 {add = true, strides = array<i32>} : memref<800x32xf32, #tpu.memory_space<vmem>>, vector<1x16xf32>,
      %add3A_433 = arith.constant 400 : i32
      %add3A_434 = arith.addi %add3A_433, %scan3A_400 : i32
      %swap3A_435 = arith.index_cast %add3A_434 : i32 to index
      %swap3A_436 = arith.constant 0 : index
      %swap3A_437 = tpu.vector_load %arg11[%swap3A_435, %swap3A_436] {strides = array<i32>} : memref<800x32xf32, #tpu.memory_space<vmem>>, vector<1x16xf32>,
      %swap3A_438 = vector.shape_cast %swap3A_437 : vector<1x16xf32> to vector<16xf32>
      %swap3A_439 = vector.shape_cast %get3A_404 : vector<16xf32> to vector<1x16xf32>
      tpu.vector_store %arg11[%swap3A_435, %swap3A_436], %swap3A_439 {add = true, strides = array<i32>} : memref<800x32xf32, #tpu.memory_space<vmem>>, vector<1x16xf32>,
      %swap3A_440 = arith.index_cast %add3A_434 : i32 to index
      %swap3A_441 = arith.constant 16 : index
      %swap3A_442 = tpu.vector_load %arg11[%swap3A_440, %swap3A_441] {strides = array<i32>} : memref<800x32xf32, #tpu.memory_space<vmem>>, vector<1x16xf32>,
      %swap3A_443 = vector.shape_cast %swap3A_442 : vector<1x16xf32> to vector<16xf32>
      %swap3A_444 = vector.shape_cast %get3A_408 : vector<16xf32> to vector<1x16xf32>
      tpu.vector_store %arg11[%swap3A_440, %swap3A_441], %swap3A_444 {add = true, strides = array<i32>} : memref<800x32xf32, #tpu.memory_space<vmem>>, vector<1x16xf32>,
      %add3A_445 = arith.constant 600 : i32
      %add3A_446 = arith.addi %add3A_445, %scan3A_400 : i32
      %swap3A_447 = arith.index_cast %add3A_446 : i32 to index
      %swap3A_448 = arith.constant 0 : index
      %swap3A_449 = tpu.vector_load %arg11[%swap3A_447, %swap3A_448] {strides = array<i32>} : memref<800x32xf32, #tpu.memory_space<vmem>>, vector<1x16xf32>,
      %swap3A_450 = vector.shape_cast %swap3A_449 : vector<1x16xf32> to vector<16xf32>
      %swap3A_451 = vector.shape_cast %get3A_404 : vector<16xf32> to vector<1x16xf32>
      tpu.vector_store %arg11[%swap3A_447, %swap3A_448], %swap3A_451 {add = true, strides = array<i32>} : memref<800x32xf32, #tpu.memory_space<vmem>>, vector<1x16xf32>,
      %swap3A_452 = arith.index_cast %add3A_446 : i32 to index
      %swap3A_453 = arith.constant 16 : index
      %swap3A_454 = tpu.vector_load %arg11[%swap3A_452, %swap3A_453] {strides = array<i32>} : memref<800x32xf32, #tpu.memory_space<vmem>>, vector<1x16xf32>,
      %swap3A_455 = vector.shape_cast %swap3A_454 : vector<1x16xf32> to vector<16xf32>
      %swap3A_456 = vector.shape_cast %get3A_408 : vector<16xf32> to vector<1x16xf32>
      tpu.vector_store %arg11[%swap3A_452, %swap3A_453], %swap3A_456 {add = true, strides = array<i32>} : memref<800x32xf32, #tpu.memory_space<vmem>>, vector<1x16xf32>,
      %scan3A_457 = arith.constant 3 : i32
      %scan3A_458 = arith.addi %scan3A_286, %scan3A_457 : i32
      %get3A_459 = arith.index_cast %scan3A_458 : i32 to index
      %get3A_460 = arith.constant 0 : index
      %get3A_461 = tpu.vector_load %arg14[%get3A_459, %get3A_460] {strides = array<i32>} : memref<200x32xf32, #tpu.memory_space<vmem>>, vector<1x16xf32>,
      %get3A_462 = vector.shape_cast %get3A_461 : vector<1x16xf32> to vector<16xf32>
      %get3A_463 = arith.index_cast %scan3A_458 : i32 to index
      %get3A_464 = arith.constant 16 : index
      %get3A_465 = tpu.vector_load %arg14[%get3A_463, %get3A_464] {strides = array<i32>} : memref<200x32xf32, #tpu.memory_space<vmem>>, vector<1x16xf32>,
      %get3A_466 = vector.shape_cast %get3A_465 : vector<1x16xf32> to vector<16xf32>
      %add3A_467 = arith.constant 0 : i32
      %add3A_468 = arith.addi %add3A_467, %scan3A_458 : i32
      %swap3A_469 = arith.index_cast %add3A_468 : i32 to index
      %swap3A_470 = arith.constant 0 : index
      %swap3A_471 = tpu.vector_load %arg11[%swap3A_469, %swap3A_470] {strides = array<i32>} : memref<800x32xf32, #tpu.memory_space<vmem>>, vector<1x16xf32>,
      %swap3A_472 = vector.shape_cast %swap3A_471 : vector<1x16xf32> to vector<16xf32>
      %swap3A_473 = vector.shape_cast %get3A_462 : vector<16xf32> to vector<1x16xf32>
      tpu.vector_store %arg11[%swap3A_469, %swap3A_470], %swap3A_473 {add = true, strides = array<i32>} : memref<800x32xf32, #tpu.memory_space<vmem>>, vector<1x16xf32>,
      %swap3A_474 = arith.index_cast %add3A_468 : i32 to index
      %swap3A_475 = arith.constant 16 : index
      %swap3A_476 = tpu.vector_load %arg11[%swap3A_474, %swap3A_475] {strides = array<i32>} : memref<800x32xf32, #tpu.memory_space<vmem>>, vector<1x16xf32>,
      %swap3A_477 = vector.shape_cast %swap3A_476 : vector<1x16xf32> to vector<16xf32>
      %swap3A_478 = vector.shape_cast %get3A_466 : vector<16xf32> to vector<1x16xf32>
      tpu.vector_store %arg11[%swap3A_474, %swap3A_475], %swap3A_478 {add = true, strides = array<i32>} : memref<800x32xf32, #tpu.memory_space<vmem>>, vector<1x16xf32>,
      %add3A_479 = arith.constant 200 : i32
      %add3A_480 = arith.addi %add3A_479, %scan3A_458 : i32
      %swap3A_481 = arith.index_cast %add3A_480 : i32 to index
      %swap3A_482 = arith.constant 0 : index
      %swap3A_483 = tpu.vector_load %arg11[%swap3A_481, %swap3A_482] {strides = array<i32>} : memref<800x32xf32, #tpu.memory_space<vmem>>, vector<1x16xf32>,
      %swap3A_484 = vector.shape_cast %swap3A_483 : vector<1x16xf32> to vector<16xf32>
      %swap3A_485 = vector.shape_cast %get3A_462 : vector<16xf32> to vector<1x16xf32>
      tpu.vector_store %arg11[%swap3A_481, %swap3A_482], %swap3A_485 {add = true, strides = array<i32>} : memref<800x32xf32, #tpu.memory_space<vmem>>, vector<1x16xf32>,
      %swap3A_486 = arith.index_cast %add3A_480 : i32 to index
      %swap3A_487 = arith.constant 16 : index
      %swap3A_488 = tpu.vector_load %arg11[%swap3A_486, %swap3A_487] {strides = array<i32>} : memref<800x32xf32, #tpu.memory_space<vmem>>, vector<1x16xf32>,
      %swap3A_489 = vector.shape_cast %swap3A_488 : vector<1x16xf32> to vector<16xf32>
      %swap3A_490 = vector.shape_cast %get3A_466 : vector<16xf32> to vector<1x16xf32>
      tpu.vector_store %arg11[%swap3A_486, %swap3A_487], %swap3A_490 {add = true, strides = array<i32>} : memref<800x32xf32, #tpu.memory_space<vmem>>, vector<1x16xf32>,
      %add3A_491 = arith.constant 400 : i32
      %add3A_492 = arith.addi %add3A_491, %scan3A_458 : i32
      %swap3A_493 = arith.index_cast %add3A_492 : i32 to index
      %swap3A_494 = arith.constant 0 : index
      %swap3A_495 = tpu.vector_load %arg11[%swap3A_493, %swap3A_494] {strides = array<i32>} : memref<800x32xf32, #tpu.memory_space<vmem>>, vector<1x16xf32>,
      %swap3A_496 = vector.shape_cast %swap3A_495 : vector<1x16xf32> to vector<16xf32>
      %swap3A_497 = vector.shape_cast %get3A_462 : vector<16xf32> to vector<1x16xf32>
      tpu.vector_store %arg11[%swap3A_493, %swap3A_494], %swap3A_497 {add = true, strides = array<i32>} : memref<800x32xf32, #tpu.memory_space<vmem>>, vector<1x16xf32>,
      %swap3A_498 = arith.index_cast %add3A_492 : i32 to index
      %swap3A_499 = arith.constant 16 : index
      %swap3A_500 = tpu.vector_load %arg11[%swap3A_498, %swap3A_499] {strides = array<i32>} : memref<800x32xf32, #tpu.memory_space<vmem>>, vector<1x16xf32>,
      %swap3A_501 = vector.shape_cast %swap3A_500 : vector<1x16xf32> to vector<16xf32>
      %swap3A_502 = vector.shape_cast %get3A_466 : vector<16xf32> to vector<1x16xf32>
      tpu.vector_store %arg11[%swap3A_498, %swap3A_499], %swap3A_502 {add = true, strides = array<i32>} : memref<800x32xf32, #tpu.memory_space<vmem>>, vector<1x16xf32>,
      %add3A_503 = arith.constant 600 : i32
      %add3A_504 = arith.addi %add3A_503, %scan3A_458 : i32
      %swap3A_505 = arith.index_cast %add3A_504 : i32 to index
      %swap3A_506 = arith.constant 0 : index
      %swap3A_507 = tpu.vector_load %arg11[%swap3A_505, %swap3A_506] {strides = array<i32>} : memref<800x32xf32, #tpu.memory_space<vmem>>, vector<1x16xf32>,
      %swap3A_508 = vector.shape_cast %swap3A_507 : vector<1x16xf32> to vector<16xf32>
      %swap3A_509 = vector.shape_cast %get3A_462 : vector<16xf32> to vector<1x16xf32>
      tpu.vector_store %arg11[%swap3A_505, %swap3A_506], %swap3A_509 {add = true, strides = array<i32>} : memref<800x32xf32, #tpu.memory_space<vmem>>, vector<1x16xf32>,
      %swap3A_510 = arith.index_cast %add3A_504 : i32 to index
      %swap3A_511 = arith.constant 16 : index
      %swap3A_512 = tpu.vector_load %arg11[%swap3A_510, %swap3A_511] {strides = array<i32>} : memref<800x32xf32, #tpu.memory_space<vmem>>, vector<1x16xf32>,
      %swap3A_513 = vector.shape_cast %swap3A_512 : vector<1x16xf32> to vector<16xf32>
      %swap3A_514 = vector.shape_cast %get3A_466 : vector<16xf32> to vector<1x16xf32>
      tpu.vector_store %arg11[%swap3A_510, %swap3A_511], %swap3A_514 {add = true, strides = array<i32>} : memref<800x32xf32, #tpu.memory_space<vmem>>, vector<1x16xf32>,
    }
    %scan3A_70 = arith.constant 200 : i32
    %add3A_71 = arith.constant 800 : i32
    %add3A_72 = arith.addi %mul3A_2, %add3A_71 : i32
    %dma_start3A_73 = arith.constant 0 : i32
    %dma_start3A_74 = tpu.memref_slice %arg5[%add3A_72, %dma_start3A_73] : memref<819200x32xf32, #tpu.memory_space<hbm>> -> memref<800x32xf32, #tpu.memory_space<hbm>>
    %dma_start3A_75 = arith.constant 0 : i32
    %dma_start3A_76 = tpu.memref_slice %arg5[%add3A_72, %dma_start3A_75] : memref<819200x32xf32, #tpu.memory_space<hbm>> -> memref<800x32xf32, #tpu.memory_space<hbm>>
    tpu.enqueue_dma source(%arg11 : memref<800x32xf32, #tpu.memory_space<vmem>>) target(%dma_start3A_76 : memref<800x32xf32, #tpu.memory_space<hbm>>) target_semaphore(%arg24 : memref<!tpu.dma_semaphore, #tpu.memory_space<semaphore_mem>>)
    %add3A_77 = arith.constant 4000 : i32
    %add3A_78 = arith.addi %mul3A_2, %add3A_77 : i32
    %dma_start3A_79 = tpu.memref_slice %arg2[%add3A_78] : memref<819200xi32, #tpu.memory_space<hbm>> -> memref<800xi32, #tpu.memory_space<hbm>>
    %dma_start3A_80 = tpu.memref_slice %arg2[%add3A_78] : memref<819200xi32, #tpu.memory_space<hbm>> -> memref<800xi32, #tpu.memory_space<hbm>>
    tpu.enqueue_dma source(%dma_start3A_80 : memref<800xi32, #tpu.memory_space<hbm>>) target(%arg7 : memref<800xi32, #tpu.memory_space<vmem>>) target_semaphore(%arg16 : memref<!tpu.dma_semaphore, #tpu.memory_space<semaphore_mem>>)
    %dma_wait3A_81 = arith.constant 0 : i32
    %dma_wait3A_82 = arith.constant 0 : i32
    %dma_wait3A_83 = tpu.memref_slice %arg5[%dma_wait3A_81, %dma_wait3A_82] : memref<819200x32xf32, #tpu.memory_space<hbm>> -> memref<800x32xf32, #tpu.memory_space<hbm>>
    %dma_wait3A_84 = arith.constant 0 : i32
    %dma_wait3A_85 = arith.constant 0 : i32
    %dma_wait3A_86 = tpu.memref_slice %arg5[%dma_wait3A_84, %dma_wait3A_85] : memref<819200x32xf32, #tpu.memory_space<hbm>> -> memref<800x32xf32, #tpu.memory_space<hbm>>
    tpu.wait_dma2 semaphore(%arg21 : memref<!tpu.dma_semaphore, #tpu.memory_space<semaphore_mem>>) src(%dma_wait3A_86 : memref<800x32xf32, #tpu.memory_space<hbm>>) dst(%arg12 : memref<800x32xf32, #tpu.memory_space<vmem>>)
    %dma_wait3A_87 = arith.constant 0 : i32
    %dma_wait3A_88 = tpu.memref_slice %arg2[%dma_wait3A_87] : memref<819200xi32, #tpu.memory_space<hbm>> -> memref<800xi32, #tpu.memory_space<hbm>>
    %dma_wait3A_89 = arith.constant 0 : i32
    %dma_wait3A_90 = tpu.memref_slice %arg2[%dma_wait3A_89] : memref<819200xi32, #tpu.memory_space<hbm>> -> memref<800xi32, #tpu.memory_space<hbm>>
    tpu.wait_dma2 semaphore(%arg18 : memref<!tpu.dma_semaphore, #tpu.memory_space<semaphore_mem>>) src(%dma_wait3A_90 : memref<800xi32, #tpu.memory_space<hbm>>) dst(%arg9 : memref<800xi32, #tpu.memory_space<vmem>>)
    %dma_start3A_91 = arith.constant 0 : i32
    %dma_start3A_92 = arith.constant 0 : i32
    %dma_start3A_93 = tpu.memref_slice %arg3[%dma_start3A_91, %dma_start3A_92] : memref<1000000x32xf32, #tpu.memory_space<hbm>> -> memref<1000000x32xf32, #tpu.memory_space<hbm>>
    tpu.enqueue_indirect_dma source(%dma_start3A_93 : memref<1000000x32xf32, #tpu.memory_space<hbm>>) target(%arg13 : memref<800x32xf32, #tpu.memory_space<vmem>>) offsets(%arg9 : memref<800xi32, #tpu.memory_space<vmem>>) semaphore(%arg22 : memref<!tpu.dma_semaphore, #tpu.memory_space<semaphore_mem>>)
    %scan3A_94 = arith.constant 0 : i32
    %scan3A_95 = arith.constant 0 : i32
    %scan3A_96 = arith.constant 200 : i32
    %scan3A_97 = arith.addi %scan3A_95, %scan3A_96 : i32
    %scan3A_98 = arith.constant 4 : i32
    scf.for %scan3A_286 = %scan3A_95 to %scan3A_97 step %scan3A_98  : i32 {
      %get3A = arith.index_cast %scan3A_286 : i32 to index
      %get3A_287 = arith.constant 0 : index
      %get3A_288 = tpu.vector_load %arg14[%get3A, %get3A_287] {strides = array<i32>} : memref<200x32xf32, #tpu.memory_space<vmem>>, vector<1x16xf32>,
      %get3A_289 = vector.shape_cast %get3A_288 : vector<1x16xf32> to vector<16xf32>
      %get3A_290 = arith.index_cast %scan3A_286 : i32 to index
      %get3A_291 = arith.constant 16 : index
      %get3A_292 = tpu.vector_load %arg14[%get3A_290, %get3A_291] {strides = array<i32>} : memref<200x32xf32, #tpu.memory_space<vmem>>, vector<1x16xf32>,
      %get3A_293 = vector.shape_cast %get3A_292 : vector<1x16xf32> to vector<16xf32>
      %add3A_294 = arith.constant 0 : i32
      %add3A_295 = arith.addi %add3A_294, %scan3A_286 : i32
      %swap3A = arith.index_cast %add3A_295 : i32 to index
      %swap3A_296 = arith.constant 0 : index
      %swap3A_297 = tpu.vector_load %arg12[%swap3A, %swap3A_296] {strides = array<i32>} : memref<800x32xf32, #tpu.memory_space<vmem>>, vector<1x16xf32>,
      %swap3A_298 = vector.shape_cast %swap3A_297 : vector<1x16xf32> to vector<16xf32>
      %swap3A_299 = vector.shape_cast %get3A_289 : vector<16xf32> to vector<1x16xf32>
      tpu.vector_store %arg12[%swap3A, %swap3A_296], %swap3A_299 {add = true, strides = array<i32>} : memref<800x32xf32, #tpu.memory_space<vmem>>, vector<1x16xf32>,
      %swap3A_300 = arith.index_cast %add3A_295 : i32 to index
      %swap3A_301 = arith.constant 16 : index
      %swap3A_302 = tpu.vector_load %arg12[%swap3A_300, %swap3A_301] {strides = array<i32>} : memref<800x32xf32, #tpu.memory_space<vmem>>, vector<1x16xf32>,
      %swap3A_303 = vector.shape_cast %swap3A_302 : vector<1x16xf32> to vector<16xf32>
      %swap3A_304 = vector.shape_cast %get3A_293 : vector<16xf32> to vector<1x16xf32>
      tpu.vector_store %arg12[%swap3A_300, %swap3A_301], %swap3A_304 {add = true, strides = array<i32>} : memref<800x32xf32, #tpu.memory_space<vmem>>, vector<1x16xf32>,
      %add3A_305 = arith.constant 200 : i32
      %add3A_306 = arith.addi %add3A_305, %scan3A_286 : i32
      %swap3A_307 = arith.index_cast %add3A_306 : i32 to index
      %swap3A_308 = arith.constant 0 : index
      %swap3A_309 = tpu.vector_load %arg12[%swap3A_307, %swap3A_308] {strides = array<i32>} : memref<800x32xf32, #tpu.memory_space<vmem>>, vector<1x16xf32>,
      %swap3A_310 = vector.shape_cast %swap3A_309 : vector<1x16xf32> to vector<16xf32>
      %swap3A_311 = vector.shape_cast %get3A_289 : vector<16xf32> to vector<1x16xf32>
      tpu.vector_store %arg12[%swap3A_307, %swap3A_308], %swap3A_311 {add = true, strides = array<i32>} : memref<800x32xf32, #tpu.memory_space<vmem>>, vector<1x16xf32>,
      %swap3A_312 = arith.index_cast %add3A_306 : i32 to index
      %swap3A_313 = arith.constant 16 : index
      %swap3A_314 = tpu.vector_load %arg12[%swap3A_312, %swap3A_313] {strides = array<i32>} : memref<800x32xf32, #tpu.memory_space<vmem>>, vector<1x16xf32>,
      %swap3A_315 = vector.shape_cast %swap3A_314 : vector<1x16xf32> to vector<16xf32>
      %swap3A_316 = vector.shape_cast %get3A_293 : vector<16xf32> to vector<1x16xf32>
      tpu.vector_store %arg12[%swap3A_312, %swap3A_313], %swap3A_316 {add = true, strides = array<i32>} : memref<800x32xf32, #tpu.memory_space<vmem>>, vector<1x16xf32>,
      %add3A_317 = arith.constant 400 : i32
      %add3A_318 = arith.addi %add3A_317, %scan3A_286 : i32
      %swap3A_319 = arith.index_cast %add3A_318 : i32 to index
      %swap3A_320 = arith.constant 0 : index
      %swap3A_321 = tpu.vector_load %arg12[%swap3A_319, %swap3A_320] {strides = array<i32>} : memref<800x32xf32, #tpu.memory_space<vmem>>, vector<1x16xf32>,
      %swap3A_322 = vector.shape_cast %swap3A_321 : vector<1x16xf32> to vector<16xf32>
      %swap3A_323 = vector.shape_cast %get3A_289 : vector<16xf32> to vector<1x16xf32>
      tpu.vector_store %arg12[%swap3A_319, %swap3A_320], %swap3A_323 {add = true, strides = array<i32>} : memref<800x32xf32, #tpu.memory_space<vmem>>, vector<1x16xf32>,
      %swap3A_324 = arith.index_cast %add3A_318 : i32 to index
      %swap3A_325 = arith.constant 16 : index
      %swap3A_326 = tpu.vector_load %arg12[%swap3A_324, %swap3A_325] {strides = array<i32>} : memref<800x32xf32, #tpu.memory_space<vmem>>, vector<1x16xf32>,
      %swap3A_327 = vector.shape_cast %swap3A_326 : vector<1x16xf32> to vector<16xf32>
      %swap3A_328 = vector.shape_cast %get3A_293 : vector<16xf32> to vector<1x16xf32>
      tpu.vector_store %arg12[%swap3A_324, %swap3A_325], %swap3A_328 {add = true, strides = array<i32>} : memref<800x32xf32, #tpu.memory_space<vmem>>, vector<1x16xf32>,
      %add3A_329 = arith.constant 600 : i32
      %add3A_330 = arith.addi %add3A_329, %scan3A_286 : i32
      %swap3A_331 = arith.index_cast %add3A_330 : i32 to index
      %swap3A_332 = arith.constant 0 : index
      %swap3A_333 = tpu.vector_load %arg12[%swap3A_331, %swap3A_332] {strides = array<i32>} : memref<800x32xf32, #tpu.memory_space<vmem>>, vector<1x16xf32>,
      %swap3A_334 = vector.shape_cast %swap3A_333 : vector<1x16xf32> to vector<16xf32>
      %swap3A_335 = vector.shape_cast %get3A_289 : vector<16xf32> to vector<1x16xf32>
      tpu.vector_store %arg12[%swap3A_331, %swap3A_332], %swap3A_335 {add = true, strides = array<i32>} : memref<800x32xf32, #tpu.memory_space<vmem>>, vector<1x16xf32>,
      %swap3A_336 = arith.index_cast %add3A_330 : i32 to index
      %swap3A_337 = arith.constant 16 : index
      %swap3A_338 = tpu.vector_load %arg12[%swap3A_336, %swap3A_337] {strides = array<i32>} : memref<800x32xf32, #tpu.memory_space<vmem>>, vector<1x16xf32>,
      %swap3A_339 = vector.shape_cast %swap3A_338 : vector<1x16xf32> to vector<16xf32>
      %swap3A_340 = vector.shape_cast %get3A_293 : vector<16xf32> to vector<1x16xf32>
      tpu.vector_store %arg12[%swap3A_336, %swap3A_337], %swap3A_340 {add = true, strides = array<i32>} : memref<800x32xf32, #tpu.memory_space<vmem>>, vector<1x16xf32>,
      %scan3A_341 = arith.constant 1 : i32
      %scan3A_342 = arith.addi %scan3A_286, %scan3A_341 : i32
      %get3A_343 = arith.index_cast %scan3A_342 : i32 to index
      %get3A_344 = arith.constant 0 : index
      %get3A_345 = tpu.vector_load %arg14[%get3A_343, %get3A_344] {strides = array<i32>} : memref<200x32xf32, #tpu.memory_space<vmem>>, vector<1x16xf32>,
      %get3A_346 = vector.shape_cast %get3A_345 : vector<1x16xf32> to vector<16xf32>
      %get3A_347 = arith.index_cast %scan3A_342 : i32 to index
      %get3A_348 = arith.constant 16 : index
      %get3A_349 = tpu.vector_load %arg14[%get3A_347, %get3A_348] {strides = array<i32>} : memref<200x32xf32, #tpu.memory_space<vmem>>, vector<1x16xf32>,
      %get3A_350 = vector.shape_cast %get3A_349 : vector<1x16xf32> to vector<16xf32>
      %add3A_351 = arith.constant 0 : i32
      %add3A_352 = arith.addi %add3A_351, %scan3A_342 : i32
      %swap3A_353 = arith.index_cast %add3A_352 : i32 to index
      %swap3A_354 = arith.constant 0 : index
      %swap3A_355 = tpu.vector_load %arg12[%swap3A_353, %swap3A_354] {strides = array<i32>} : memref<800x32xf32, #tpu.memory_space<vmem>>, vector<1x16xf32>,
      %swap3A_356 = vector.shape_cast %swap3A_355 : vector<1x16xf32> to vector<16xf32>
      %swap3A_357 = vector.shape_cast %get3A_346 : vector<16xf32> to vector<1x16xf32>
      tpu.vector_store %arg12[%swap3A_353, %swap3A_354], %swap3A_357 {add = true, strides = array<i32>} : memref<800x32xf32, #tpu.memory_space<vmem>>, vector<1x16xf32>,
      %swap3A_358 = arith.index_cast %add3A_352 : i32 to index
      %swap3A_359 = arith.constant 16 : index
      %swap3A_360 = tpu.vector_load %arg12[%swap3A_358, %swap3A_359] {strides = array<i32>} : memref<800x32xf32, #tpu.memory_space<vmem>>, vector<1x16xf32>,
      %swap3A_361 = vector.shape_cast %swap3A_360 : vector<1x16xf32> to vector<16xf32>
      %swap3A_362 = vector.shape_cast %get3A_350 : vector<16xf32> to vector<1x16xf32>
      tpu.vector_store %arg12[%swap3A_358, %swap3A_359], %swap3A_362 {add = true, strides = array<i32>} : memref<800x32xf32, #tpu.memory_space<vmem>>, vector<1x16xf32>,
      %add3A_363 = arith.constant 200 : i32
      %add3A_364 = arith.addi %add3A_363, %scan3A_342 : i32
      %swap3A_365 = arith.index_cast %add3A_364 : i32 to index
      %swap3A_366 = arith.constant 0 : index
      %swap3A_367 = tpu.vector_load %arg12[%swap3A_365, %swap3A_366] {strides = array<i32>} : memref<800x32xf32, #tpu.memory_space<vmem>>, vector<1x16xf32>,
      %swap3A_368 = vector.shape_cast %swap3A_367 : vector<1x16xf32> to vector<16xf32>
      %swap3A_369 = vector.shape_cast %get3A_346 : vector<16xf32> to vector<1x16xf32>
      tpu.vector_store %arg12[%swap3A_365, %swap3A_366], %swap3A_369 {add = true, strides = array<i32>} : memref<800x32xf32, #tpu.memory_space<vmem>>, vector<1x16xf32>,
      %swap3A_370 = arith.index_cast %add3A_364 : i32 to index
      %swap3A_371 = arith.constant 16 : index
      %swap3A_372 = tpu.vector_load %arg12[%swap3A_370, %swap3A_371] {strides = array<i32>} : memref<800x32xf32, #tpu.memory_space<vmem>>, vector<1x16xf32>,
      %swap3A_373 = vector.shape_cast %swap3A_372 : vector<1x16xf32> to vector<16xf32>
      %swap3A_374 = vector.shape_cast %get3A_350 : vector<16xf32> to vector<1x16xf32>
      tpu.vector_store %arg12[%swap3A_370, %swap3A_371], %swap3A_374 {add = true, strides = array<i32>} : memref<800x32xf32, #tpu.memory_space<vmem>>, vector<1x16xf32>,
      %add3A_375 = arith.constant 400 : i32
      %add3A_376 = arith.addi %add3A_375, %scan3A_342 : i32
      %swap3A_377 = arith.index_cast %add3A_376 : i32 to index
      %swap3A_378 = arith.constant 0 : index
      %swap3A_379 = tpu.vector_load %arg12[%swap3A_377, %swap3A_378] {strides = array<i32>} : memref<800x32xf32, #tpu.memory_space<vmem>>, vector<1x16xf32>,
      %swap3A_380 = vector.shape_cast %swap3A_379 : vector<1x16xf32> to vector<16xf32>
      %swap3A_381 = vector.shape_cast %get3A_346 : vector<16xf32> to vector<1x16xf32>
      tpu.vector_store %arg12[%swap3A_377, %swap3A_378], %swap3A_381 {add = true, strides = array<i32>} : memref<800x32xf32, #tpu.memory_space<vmem>>, vector<1x16xf32>,
      %swap3A_382 = arith.index_cast %add3A_376 : i32 to index
      %swap3A_383 = arith.constant 16 : index
      %swap3A_384 = tpu.vector_load %arg12[%swap3A_382, %swap3A_383] {strides = array<i32>} : memref<800x32xf32, #tpu.memory_space<vmem>>, vector<1x16xf32>,
      %swap3A_385 = vector.shape_cast %swap3A_384 : vector<1x16xf32> to vector<16xf32>
      %swap3A_386 = vector.shape_cast %get3A_350 : vector<16xf32> to vector<1x16xf32>
      tpu.vector_store %arg12[%swap3A_382, %swap3A_383], %swap3A_386 {add = true, strides = array<i32>} : memref<800x32xf32, #tpu.memory_space<vmem>>, vector<1x16xf32>,
      %add3A_387 = arith.constant 600 : i32
      %add3A_388 = arith.addi %add3A_387, %scan3A_342 : i32
      %swap3A_389 = arith.index_cast %add3A_388 : i32 to index
      %swap3A_390 = arith.constant 0 : index
      %swap3A_391 = tpu.vector_load %arg12[%swap3A_389, %swap3A_390] {strides = array<i32>} : memref<800x32xf32, #tpu.memory_space<vmem>>, vector<1x16xf32>,
      %swap3A_392 = vector.shape_cast %swap3A_391 : vector<1x16xf32> to vector<16xf32>
      %swap3A_393 = vector.shape_cast %get3A_346 : vector<16xf32> to vector<1x16xf32>
      tpu.vector_store %arg12[%swap3A_389, %swap3A_390], %swap3A_393 {add = true, strides = array<i32>} : memref<800x32xf32, #tpu.memory_space<vmem>>, vector<1x16xf32>,
      %swap3A_394 = arith.index_cast %add3A_388 : i32 to index
      %swap3A_395 = arith.constant 16 : index
      %swap3A_396 = tpu.vector_load %arg12[%swap3A_394, %swap3A_395] {strides = array<i32>} : memref<800x32xf32, #tpu.memory_space<vmem>>, vector<1x16xf32>,
      %swap3A_397 = vector.shape_cast %swap3A_396 : vector<1x16xf32> to vector<16xf32>
      %swap3A_398 = vector.shape_cast %get3A_350 : vector<16xf32> to vector<1x16xf32>
      tpu.vector_store %arg12[%swap3A_394, %swap3A_395], %swap3A_398 {add = true, strides = array<i32>} : memref<800x32xf32, #tpu.memory_space<vmem>>, vector<1x16xf32>,
      %scan3A_399 = arith.constant 2 : i32
      %scan3A_400 = arith.addi %scan3A_286, %scan3A_399 : i32
      %get3A_401 = arith.index_cast %scan3A_400 : i32 to index
      %get3A_402 = arith.constant 0 : index
      %get3A_403 = tpu.vector_load %arg14[%get3A_401, %get3A_402] {strides = array<i32>} : memref<200x32xf32, #tpu.memory_space<vmem>>, vector<1x16xf32>,
      %get3A_404 = vector.shape_cast %get3A_403 : vector<1x16xf32> to vector<16xf32>
      %get3A_405 = arith.index_cast %scan3A_400 : i32 to index
      %get3A_406 = arith.constant 16 : index
      %get3A_407 = tpu.vector_load %arg14[%get3A_405, %get3A_406] {strides = array<i32>} : memref<200x32xf32, #tpu.memory_space<vmem>>, vector<1x16xf32>,
      %get3A_408 = vector.shape_cast %get3A_407 : vector<1x16xf32> to vector<16xf32>
      %add3A_409 = arith.constant 0 : i32
      %add3A_410 = arith.addi %add3A_409, %scan3A_400 : i32
      %swap3A_411 = arith.index_cast %add3A_410 : i32 to index
      %swap3A_412 = arith.constant 0 : index
      %swap3A_413 = tpu.vector_load %arg12[%swap3A_411, %swap3A_412] {strides = array<i32>} : memref<800x32xf32, #tpu.memory_space<vmem>>, vector<1x16xf32>,
      %swap3A_414 = vector.shape_cast %swap3A_413 : vector<1x16xf32> to vector<16xf32>
      %swap3A_415 = vector.shape_cast %get3A_404 : vector<16xf32> to vector<1x16xf32>
      tpu.vector_store %arg12[%swap3A_411, %swap3A_412], %swap3A_415 {add = true, strides = array<i32>} : memref<800x32xf32, #tpu.memory_space<vmem>>, vector<1x16xf32>,
      %swap3A_416 = arith.index_cast %add3A_410 : i32 to index
      %swap3A_417 = arith.constant 16 : index
      %swap3A_418 = tpu.vector_load %arg12[%swap3A_416, %swap3A_417] {strides = array<i32>} : memref<800x32xf32, #tpu.memory_space<vmem>>, vector<1x16xf32>,
      %swap3A_419 = vector.shape_cast %swap3A_418 : vector<1x16xf32> to vector<16xf32>
      %swap3A_420 = vector.shape_cast %get3A_408 : vector<16xf32> to vector<1x16xf32>
      tpu.vector_store %arg12[%swap3A_416, %swap3A_417], %swap3A_420 {add = true, strides = array<i32>} : memref<800x32xf32, #tpu.memory_space<vmem>>, vector<1x16xf32>,
      %add3A_421 = arith.constant 200 : i32
      %add3A_422 = arith.addi %add3A_421, %scan3A_400 : i32
      %swap3A_423 = arith.index_cast %add3A_422 : i32 to index
      %swap3A_424 = arith.constant 0 : index
      %swap3A_425 = tpu.vector_load %arg12[%swap3A_423, %swap3A_424] {strides = array<i32>} : memref<800x32xf32, #tpu.memory_space<vmem>>, vector<1x16xf32>,
      %swap3A_426 = vector.shape_cast %swap3A_425 : vector<1x16xf32> to vector<16xf32>
      %swap3A_427 = vector.shape_cast %get3A_404 : vector<16xf32> to vector<1x16xf32>
      tpu.vector_store %arg12[%swap3A_423, %swap3A_424], %swap3A_427 {add = true, strides = array<i32>} : memref<800x32xf32, #tpu.memory_space<vmem>>, vector<1x16xf32>,
      %swap3A_428 = arith.index_cast %add3A_422 : i32 to index
      %swap3A_429 = arith.constant 16 : index
      %swap3A_430 = tpu.vector_load %arg12[%swap3A_428, %swap3A_429] {strides = array<i32>} : memref<800x32xf32, #tpu.memory_space<vmem>>, vector<1x16xf32>,
      %swap3A_431 = vector.shape_cast %swap3A_430 : vector<1x16xf32> to vector<16xf32>
      %swap3A_432 = vector.shape_cast %get3A_408 : vector<16xf32> to vector<1x16xf32>
      tpu.vector_store %arg12[%swap3A_428, %swap3A_429], %swap3A_432 {add = true, strides = array<i32>} : memref<800x32xf32, #tpu.memory_space<vmem>>, vector<1x16xf32>,
      %add3A_433 = arith.constant 400 : i32
      %add3A_434 = arith.addi %add3A_433, %scan3A_400 : i32
      %swap3A_435 = arith.index_cast %add3A_434 : i32 to index
      %swap3A_436 = arith.constant 0 : index
      %swap3A_437 = tpu.vector_load %arg12[%swap3A_435, %swap3A_436] {strides = array<i32>} : memref<800x32xf32, #tpu.memory_space<vmem>>, vector<1x16xf32>,
      %swap3A_438 = vector.shape_cast %swap3A_437 : vector<1x16xf32> to vector<16xf32>
      %swap3A_439 = vector.shape_cast %get3A_404 : vector<16xf32> to vector<1x16xf32>
      tpu.vector_store %arg12[%swap3A_435, %swap3A_436], %swap3A_439 {add = true, strides = array<i32>} : memref<800x32xf32, #tpu.memory_space<vmem>>, vector<1x16xf32>,
      %swap3A_440 = arith.index_cast %add3A_434 : i32 to index
      %swap3A_441 = arith.constant 16 : index
      %swap3A_442 = tpu.vector_load %arg12[%swap3A_440, %swap3A_441] {strides = array<i32>} : memref<800x32xf32, #tpu.memory_space<vmem>>, vector<1x16xf32>,
      %swap3A_443 = vector.shape_cast %swap3A_442 : vector<1x16xf32> to vector<16xf32>
      %swap3A_444 = vector.shape_cast %get3A_408 : vector<16xf32> to vector<1x16xf32>
      tpu.vector_store %arg12[%swap3A_440, %swap3A_441], %swap3A_444 {add = true, strides = array<i32>} : memref<800x32xf32, #tpu.memory_space<vmem>>, vector<1x16xf32>,
      %add3A_445 = arith.constant 600 : i32
      %add3A_446 = arith.addi %add3A_445, %scan3A_400 : i32
      %swap3A_447 = arith.index_cast %add3A_446 : i32 to index
      %swap3A_448 = arith.constant 0 : index
      %swap3A_449 = tpu.vector_load %arg12[%swap3A_447, %swap3A_448] {strides = array<i32>} : memref<800x32xf32, #tpu.memory_space<vmem>>, vector<1x16xf32>,
      %swap3A_450 = vector.shape_cast %swap3A_449 : vector<1x16xf32> to vector<16xf32>
      %swap3A_451 = vector.shape_cast %get3A_404 : vector<16xf32> to vector<1x16xf32>
      tpu.vector_store %arg12[%swap3A_447, %swap3A_448], %swap3A_451 {add = true, strides = array<i32>} : memref<800x32xf32, #tpu.memory_space<vmem>>, vector<1x16xf32>,
      %swap3A_452 = arith.index_cast %add3A_446 : i32 to index
      %swap3A_453 = arith.constant 16 : index
      %swap3A_454 = tpu.vector_load %arg12[%swap3A_452, %swap3A_453] {strides = array<i32>} : memref<800x32xf32, #tpu.memory_space<vmem>>, vector<1x16xf32>,
      %swap3A_455 = vector.shape_cast %swap3A_454 : vector<1x16xf32> to vector<16xf32>
      %swap3A_456 = vector.shape_cast %get3A_408 : vector<16xf32> to vector<1x16xf32>
      tpu.vector_store %arg12[%swap3A_452, %swap3A_453], %swap3A_456 {add = true, strides = array<i32>} : memref<800x32xf32, #tpu.memory_space<vmem>>, vector<1x16xf32>,
      %scan3A_457 = arith.constant 3 : i32
      %scan3A_458 = arith.addi %scan3A_286, %scan3A_457 : i32
      %get3A_459 = arith.index_cast %scan3A_458 : i32 to index
      %get3A_460 = arith.constant 0 : index
      %get3A_461 = tpu.vector_load %arg14[%get3A_459, %get3A_460] {strides = array<i32>} : memref<200x32xf32, #tpu.memory_space<vmem>>, vector<1x16xf32>,
      %get3A_462 = vector.shape_cast %get3A_461 : vector<1x16xf32> to vector<16xf32>
      %get3A_463 = arith.index_cast %scan3A_458 : i32 to index
      %get3A_464 = arith.constant 16 : index
      %get3A_465 = tpu.vector_load %arg14[%get3A_463, %get3A_464] {strides = array<i32>} : memref<200x32xf32, #tpu.memory_space<vmem>>, vector<1x16xf32>,
      %get3A_466 = vector.shape_cast %get3A_465 : vector<1x16xf32> to vector<16xf32>
      %add3A_467 = arith.constant 0 : i32
      %add3A_468 = arith.addi %add3A_467, %scan3A_458 : i32
      %swap3A_469 = arith.index_cast %add3A_468 : i32 to index
      %swap3A_470 = arith.constant 0 : index
      %swap3A_471 = tpu.vector_load %arg12[%swap3A_469, %swap3A_470] {strides = array<i32>} : memref<800x32xf32, #tpu.memory_space<vmem>>, vector<1x16xf32>,
      %swap3A_472 = vector.shape_cast %swap3A_471 : vector<1x16xf32> to vector<16xf32>
      %swap3A_473 = vector.shape_cast %get3A_462 : vector<16xf32> to vector<1x16xf32>
      tpu.vector_store %arg12[%swap3A_469, %swap3A_470], %swap3A_473 {add = true, strides = array<i32>} : memref<800x32xf32, #tpu.memory_space<vmem>>, vector<1x16xf32>,
      %swap3A_474 = arith.index_cast %add3A_468 : i32 to index
      %swap3A_475 = arith.constant 16 : index
      %swap3A_476 = tpu.vector_load %arg12[%swap3A_474, %swap3A_475] {strides = array<i32>} : memref<800x32xf32, #tpu.memory_space<vmem>>, vector<1x16xf32>,
      %swap3A_477 = vector.shape_cast %swap3A_476 : vector<1x16xf32> to vector<16xf32>
      %swap3A_478 = vector.shape_cast %get3A_466 : vector<16xf32> to vector<1x16xf32>
      tpu.vector_store %arg12[%swap3A_474, %swap3A_475], %swap3A_478 {add = true, strides = array<i32>} : memref<800x32xf32, #tpu.memory_space<vmem>>, vector<1x16xf32>,
      %add3A_479 = arith.constant 200 : i32
      %add3A_480 = arith.addi %add3A_479, %scan3A_458 : i32
      %swap3A_481 = arith.index_cast %add3A_480 : i32 to index
      %swap3A_482 = arith.constant 0 : index
      %swap3A_483 = tpu.vector_load %arg12[%swap3A_481, %swap3A_482] {strides = array<i32>} : memref<800x32xf32, #tpu.memory_space<vmem>>, vector<1x16xf32>,
      %swap3A_484 = vector.shape_cast %swap3A_483 : vector<1x16xf32> to vector<16xf32>
      %swap3A_485 = vector.shape_cast %get3A_462 : vector<16xf32> to vector<1x16xf32>
      tpu.vector_store %arg12[%swap3A_481, %swap3A_482], %swap3A_485 {add = true, strides = array<i32>} : memref<800x32xf32, #tpu.memory_space<vmem>>, vector<1x16xf32>,
      %swap3A_486 = arith.index_cast %add3A_480 : i32 to index
      %swap3A_487 = arith.constant 16 : index
      %swap3A_488 = tpu.vector_load %arg12[%swap3A_486, %swap3A_487] {strides = array<i32>} : memref<800x32xf32, #tpu.memory_space<vmem>>, vector<1x16xf32>,
      %swap3A_489 = vector.shape_cast %swap3A_488 : vector<1x16xf32> to vector<16xf32>
      %swap3A_490 = vector.shape_cast %get3A_466 : vector<16xf32> to vector<1x16xf32>
      tpu.vector_store %arg12[%swap3A_486, %swap3A_487], %swap3A_490 {add = true, strides = array<i32>} : memref<800x32xf32, #tpu.memory_space<vmem>>, vector<1x16xf32>,
      %add3A_491 = arith.constant 400 : i32
      %add3A_492 = arith.addi %add3A_491, %scan3A_458 : i32
      %swap3A_493 = arith.index_cast %add3A_492 : i32 to index
      %swap3A_494 = arith.constant 0 : index
      %swap3A_495 = tpu.vector_load %arg12[%swap3A_493, %swap3A_494] {strides = array<i32>} : memref<800x32xf32, #tpu.memory_space<vmem>>, vector<1x16xf32>,
      %swap3A_496 = vector.shape_cast %swap3A_495 : vector<1x16xf32> to vector<16xf32>
      %swap3A_497 = vector.shape_cast %get3A_462 : vector<16xf32> to vector<1x16xf32>
      tpu.vector_store %arg12[%swap3A_493, %swap3A_494], %swap3A_497 {add = true, strides = array<i32>} : memref<800x32xf32, #tpu.memory_space<vmem>>, vector<1x16xf32>,
      %swap3A_498 = arith.index_cast %add3A_492 : i32 to index
      %swap3A_499 = arith.constant 16 : index
      %swap3A_500 = tpu.vector_load %arg12[%swap3A_498, %swap3A_499] {strides = array<i32>} : memref<800x32xf32, #tpu.memory_space<vmem>>, vector<1x16xf32>,
      %swap3A_501 = vector.shape_cast %swap3A_500 : vector<1x16xf32> to vector<16xf32>
      %swap3A_502 = vector.shape_cast %get3A_466 : vector<16xf32> to vector<1x16xf32>
      tpu.vector_store %arg12[%swap3A_498, %swap3A_499], %swap3A_502 {add = true, strides = array<i32>} : memref<800x32xf32, #tpu.memory_space<vmem>>, vector<1x16xf32>,
      %add3A_503 = arith.constant 600 : i32
      %add3A_504 = arith.addi %add3A_503, %scan3A_458 : i32
      %swap3A_505 = arith.index_cast %add3A_504 : i32 to index
      %swap3A_506 = arith.constant 0 : index
      %swap3A_507 = tpu.vector_load %arg12[%swap3A_505, %swap3A_506] {strides = array<i32>} : memref<800x32xf32, #tpu.memory_space<vmem>>, vector<1x16xf32>,
      %swap3A_508 = vector.shape_cast %swap3A_507 : vector<1x16xf32> to vector<16xf32>
      %swap3A_509 = vector.shape_cast %get3A_462 : vector<16xf32> to vector<1x16xf32>
      tpu.vector_store %arg12[%swap3A_505, %swap3A_506], %swap3A_509 {add = true, strides = array<i32>} : memref<800x32xf32, #tpu.memory_space<vmem>>, vector<1x16xf32>,
      %swap3A_510 = arith.index_cast %add3A_504 : i32 to index
      %swap3A_511 = arith.constant 16 : index
      %swap3A_512 = tpu.vector_load %arg12[%swap3A_510, %swap3A_511] {strides = array<i32>} : memref<800x32xf32, #tpu.memory_space<vmem>>, vector<1x16xf32>,
      %swap3A_513 = vector.shape_cast %swap3A_512 : vector<1x16xf32> to vector<16xf32>
      %swap3A_514 = vector.shape_cast %get3A_466 : vector<16xf32> to vector<1x16xf32>
      tpu.vector_store %arg12[%swap3A_510, %swap3A_511], %swap3A_514 {add = true, strides = array<i32>} : memref<800x32xf32, #tpu.memory_space<vmem>>, vector<1x16xf32>,
    }
    %scan3A_99 = arith.constant 200 : i32
    %add3A_100 = arith.constant 1600 : i32
    %add3A_101 = arith.addi %mul3A_2, %add3A_100 : i32
    %dma_start3A_102 = arith.constant 0 : i32
    %dma_start3A_103 = tpu.memref_slice %arg5[%add3A_101, %dma_start3A_102] : memref<819200x32xf32, #tpu.memory_space<hbm>> -> memref<800x32xf32, #tpu.memory_space<hbm>>
    %dma_start3A_104 = arith.constant 0 : i32
    %dma_start3A_105 = tpu.memref_slice %arg5[%add3A_101, %dma_start3A_104] : memref<819200x32xf32, #tpu.memory_space<hbm>> -> memref<800x32xf32, #tpu.memory_space<hbm>>
    tpu.enqueue_dma source(%arg12 : memref<800x32xf32, #tpu.memory_space<vmem>>) target(%dma_start3A_105 : memref<800x32xf32, #tpu.memory_space<hbm>>) target_semaphore(%arg25 : memref<!tpu.dma_semaphore, #tpu.memory_space<semaphore_mem>>)
    %add3A_106 = arith.constant 4800 : i32
    %add3A_107 = arith.addi %mul3A_2, %add3A_106 : i32
    %dma_start3A_108 = tpu.memref_slice %arg2[%add3A_107] : memref<819200xi32, #tpu.memory_space<hbm>> -> memref<800xi32, #tpu.memory_space<hbm>>
    %dma_start3A_109 = tpu.memref_slice %arg2[%add3A_107] : memref<819200xi32, #tpu.memory_space<hbm>> -> memref<800xi32, #tpu.memory_space<hbm>>
    tpu.enqueue_dma source(%dma_start3A_109 : memref<800xi32, #tpu.memory_space<hbm>>) target(%arg8 : memref<800xi32, #tpu.memory_space<vmem>>) target_semaphore(%arg17 : memref<!tpu.dma_semaphore, #tpu.memory_space<semaphore_mem>>)
    %dma_wait3A_110 = arith.constant 0 : i32
    %dma_wait3A_111 = arith.constant 0 : i32
    %dma_wait3A_112 = tpu.memref_slice %arg5[%dma_wait3A_110, %dma_wait3A_111] : memref<819200x32xf32, #tpu.memory_space<hbm>> -> memref<800x32xf32, #tpu.memory_space<hbm>>
    %dma_wait3A_113 = arith.constant 0 : i32
    %dma_wait3A_114 = arith.constant 0 : i32
    %dma_wait3A_115 = tpu.memref_slice %arg5[%dma_wait3A_113, %dma_wait3A_114] : memref<819200x32xf32, #tpu.memory_space<hbm>> -> memref<800x32xf32, #tpu.memory_space<hbm>>
    tpu.wait_dma2 semaphore(%arg22 : memref<!tpu.dma_semaphore, #tpu.memory_space<semaphore_mem>>) src(%dma_wait3A_115 : memref<800x32xf32, #tpu.memory_space<hbm>>) dst(%arg13 : memref<800x32xf32, #tpu.memory_space<vmem>>)
    %dma_wait3A_116 = arith.constant 0 : i32
    %dma_wait3A_117 = tpu.memref_slice %arg2[%dma_wait3A_116] : memref<819200xi32, #tpu.memory_space<hbm>> -> memref<800xi32, #tpu.memory_space<hbm>>
    %dma_wait3A_118 = arith.constant 0 : i32
    %dma_wait3A_119 = tpu.memref_slice %arg2[%dma_wait3A_118] : memref<819200xi32, #tpu.memory_space<hbm>> -> memref<800xi32, #tpu.memory_space<hbm>>
    tpu.wait_dma2 semaphore(%arg15 : memref<!tpu.dma_semaphore, #tpu.memory_space<semaphore_mem>>) src(%dma_wait3A_119 : memref<800xi32, #tpu.memory_space<hbm>>) dst(%arg6 : memref<800xi32, #tpu.memory_space<vmem>>)
    %dma_wait3A_120 = arith.constant 0 : i32
    %dma_wait3A_121 = arith.constant 0 : i32
    %dma_wait3A_122 = tpu.memref_slice %arg5[%dma_wait3A_120, %dma_wait3A_121] : memref<819200x32xf32, #tpu.memory_space<hbm>> -> memref<800x32xf32, #tpu.memory_space<hbm>>
    %dma_wait3A_123 = arith.constant 0 : i32
    %dma_wait3A_124 = arith.constant 0 : i32
    %dma_wait3A_125 = tpu.memref_slice %arg5[%dma_wait3A_123, %dma_wait3A_124] : memref<819200x32xf32, #tpu.memory_space<hbm>> -> memref<800x32xf32, #tpu.memory_space<hbm>>
    tpu.wait_dma2 semaphore(%arg23 : memref<!tpu.dma_semaphore, #tpu.memory_space<semaphore_mem>>) src(%arg10 : memref<800x32xf32, #tpu.memory_space<vmem>>) dst(%dma_wait3A_125 : memref<800x32xf32, #tpu.memory_space<hbm>>)
    %dma_start3A_126 = arith.constant 0 : i32
    %dma_start3A_127 = arith.constant 0 : i32
    %dma_start3A_128 = tpu.memref_slice %arg3[%dma_start3A_126, %dma_start3A_127] : memref<1000000x32xf32, #tpu.memory_space<hbm>> -> memref<1000000x32xf32, #tpu.memory_space<hbm>>
    tpu.enqueue_indirect_dma source(%dma_start3A_128 : memref<1000000x32xf32, #tpu.memory_space<hbm>>) target(%arg10 : memref<800x32xf32, #tpu.memory_space<vmem>>) offsets(%arg6 : memref<800xi32, #tpu.memory_space<vmem>>) semaphore(%arg19 : memref<!tpu.dma_semaphore, #tpu.memory_space<semaphore_mem>>)
    %scan3A_129 = arith.constant 0 : i32
    %scan3A_130 = arith.constant 0 : i32
    %scan3A_131 = arith.constant 200 : i32
    %scan3A_132 = arith.addi %scan3A_130, %scan3A_131 : i32
    %scan3A_133 = arith.constant 4 : i32
    scf.for %scan3A_286 = %scan3A_130 to %scan3A_132 step %scan3A_133  : i32 {
      %get3A = arith.index_cast %scan3A_286 : i32 to index
      %get3A_287 = arith.constant 0 : index
      %get3A_288 = tpu.vector_load %arg14[%get3A, %get3A_287] {strides = array<i32>} : memref<200x32xf32, #tpu.memory_space<vmem>>, vector<1x16xf32>,
      %get3A_289 = vector.shape_cast %get3A_288 : vector<1x16xf32> to vector<16xf32>
      %get3A_290 = arith.index_cast %scan3A_286 : i32 to index
      %get3A_291 = arith.constant 16 : index
      %get3A_292 = tpu.vector_load %arg14[%get3A_290, %get3A_291] {strides = array<i32>} : memref<200x32xf32, #tpu.memory_space<vmem>>, vector<1x16xf32>,
      %get3A_293 = vector.shape_cast %get3A_292 : vector<1x16xf32> to vector<16xf32>
      %add3A_294 = arith.constant 0 : i32
      %add3A_295 = arith.addi %add3A_294, %scan3A_286 : i32
      %swap3A = arith.index_cast %add3A_295 : i32 to index
      %swap3A_296 = arith.constant 0 : index
      %swap3A_297 = tpu.vector_load %arg13[%swap3A, %swap3A_296] {strides = array<i32>} : memref<800x32xf32, #tpu.memory_space<vmem>>, vector<1x16xf32>,
      %swap3A_298 = vector.shape_cast %swap3A_297 : vector<1x16xf32> to vector<16xf32>
      %swap3A_299 = vector.shape_cast %get3A_289 : vector<16xf32> to vector<1x16xf32>
      tpu.vector_store %arg13[%swap3A, %swap3A_296], %swap3A_299 {add = true, strides = array<i32>} : memref<800x32xf32, #tpu.memory_space<vmem>>, vector<1x16xf32>,
      %swap3A_300 = arith.index_cast %add3A_295 : i32 to index
      %swap3A_301 = arith.constant 16 : index
      %swap3A_302 = tpu.vector_load %arg13[%swap3A_300, %swap3A_301] {strides = array<i32>} : memref<800x32xf32, #tpu.memory_space<vmem>>, vector<1x16xf32>,
      %swap3A_303 = vector.shape_cast %swap3A_302 : vector<1x16xf32> to vector<16xf32>
      %swap3A_304 = vector.shape_cast %get3A_293 : vector<16xf32> to vector<1x16xf32>
      tpu.vector_store %arg13[%swap3A_300, %swap3A_301], %swap3A_304 {add = true, strides = array<i32>} : memref<800x32xf32, #tpu.memory_space<vmem>>, vector<1x16xf32>,
      %add3A_305 = arith.constant 200 : i32
      %add3A_306 = arith.addi %add3A_305, %scan3A_286 : i32
      %swap3A_307 = arith.index_cast %add3A_306 : i32 to index
      %swap3A_308 = arith.constant 0 : index
      %swap3A_309 = tpu.vector_load %arg13[%swap3A_307, %swap3A_308] {strides = array<i32>} : memref<800x32xf32, #tpu.memory_space<vmem>>, vector<1x16xf32>,
      %swap3A_310 = vector.shape_cast %swap3A_309 : vector<1x16xf32> to vector<16xf32>
      %swap3A_311 = vector.shape_cast %get3A_289 : vector<16xf32> to vector<1x16xf32>
      tpu.vector_store %arg13[%swap3A_307, %swap3A_308], %swap3A_311 {add = true, strides = array<i32>} : memref<800x32xf32, #tpu.memory_space<vmem>>, vector<1x16xf32>,
      %swap3A_312 = arith.index_cast %add3A_306 : i32 to index
      %swap3A_313 = arith.constant 16 : index
      %swap3A_314 = tpu.vector_load %arg13[%swap3A_312, %swap3A_313] {strides = array<i32>} : memref<800x32xf32, #tpu.memory_space<vmem>>, vector<1x16xf32>,
      %swap3A_315 = vector.shape_cast %swap3A_314 : vector<1x16xf32> to vector<16xf32>
      %swap3A_316 = vector.shape_cast %get3A_293 : vector<16xf32> to vector<1x16xf32>
      tpu.vector_store %arg13[%swap3A_312, %swap3A_313], %swap3A_316 {add = true, strides = array<i32>} : memref<800x32xf32, #tpu.memory_space<vmem>>, vector<1x16xf32>,
      %add3A_317 = arith.constant 400 : i32
      %add3A_318 = arith.addi %add3A_317, %scan3A_286 : i32
      %swap3A_319 = arith.index_cast %add3A_318 : i32 to index
      %swap3A_320 = arith.constant 0 : index
      %swap3A_321 = tpu.vector_load %arg13[%swap3A_319, %swap3A_320] {strides = array<i32>} : memref<800x32xf32, #tpu.memory_space<vmem>>, vector<1x16xf32>,
      %swap3A_322 = vector.shape_cast %swap3A_321 : vector<1x16xf32> to vector<16xf32>
      %swap3A_323 = vector.shape_cast %get3A_289 : vector<16xf32> to vector<1x16xf32>
      tpu.vector_store %arg13[%swap3A_319, %swap3A_320], %swap3A_323 {add = true, strides = array<i32>} : memref<800x32xf32, #tpu.memory_space<vmem>>, vector<1x16xf32>,
      %swap3A_324 = arith.index_cast %add3A_318 : i32 to index
      %swap3A_325 = arith.constant 16 : index
      %swap3A_326 = tpu.vector_load %arg13[%swap3A_324, %swap3A_325] {strides = array<i32>} : memref<800x32xf32, #tpu.memory_space<vmem>>, vector<1x16xf32>,
      %swap3A_327 = vector.shape_cast %swap3A_326 : vector<1x16xf32> to vector<16xf32>
      %swap3A_328 = vector.shape_cast %get3A_293 : vector<16xf32> to vector<1x16xf32>
      tpu.vector_store %arg13[%swap3A_324, %swap3A_325], %swap3A_328 {add = true, strides = array<i32>} : memref<800x32xf32, #tpu.memory_space<vmem>>, vector<1x16xf32>,
      %add3A_329 = arith.constant 600 : i32
      %add3A_330 = arith.addi %add3A_329, %scan3A_286 : i32
      %swap3A_331 = arith.index_cast %add3A_330 : i32 to index
      %swap3A_332 = arith.constant 0 : index
      %swap3A_333 = tpu.vector_load %arg13[%swap3A_331, %swap3A_332] {strides = array<i32>} : memref<800x32xf32, #tpu.memory_space<vmem>>, vector<1x16xf32>,
      %swap3A_334 = vector.shape_cast %swap3A_333 : vector<1x16xf32> to vector<16xf32>
      %swap3A_335 = vector.shape_cast %get3A_289 : vector<16xf32> to vector<1x16xf32>
      tpu.vector_store %arg13[%swap3A_331, %swap3A_332], %swap3A_335 {add = true, strides = array<i32>} : memref<800x32xf32, #tpu.memory_space<vmem>>, vector<1x16xf32>,
      %swap3A_336 = arith.index_cast %add3A_330 : i32 to index
      %swap3A_337 = arith.constant 16 : index
      %swap3A_338 = tpu.vector_load %arg13[%swap3A_336, %swap3A_337] {strides = array<i32>} : memref<800x32xf32, #tpu.memory_space<vmem>>, vector<1x16xf32>,
      %swap3A_339 = vector.shape_cast %swap3A_338 : vector<1x16xf32> to vector<16xf32>
      %swap3A_340 = vector.shape_cast %get3A_293 : vector<16xf32> to vector<1x16xf32>
      tpu.vector_store %arg13[%swap3A_336, %swap3A_337], %swap3A_340 {add = true, strides = array<i32>} : memref<800x32xf32, #tpu.memory_space<vmem>>, vector<1x16xf32>,
      %scan3A_341 = arith.constant 1 : i32
      %scan3A_342 = arith.addi %scan3A_286, %scan3A_341 : i32
      %get3A_343 = arith.index_cast %scan3A_342 : i32 to index
      %get3A_344 = arith.constant 0 : index
      %get3A_345 = tpu.vector_load %arg14[%get3A_343, %get3A_344] {strides = array<i32>} : memref<200x32xf32, #tpu.memory_space<vmem>>, vector<1x16xf32>,
      %get3A_346 = vector.shape_cast %get3A_345 : vector<1x16xf32> to vector<16xf32>
      %get3A_347 = arith.index_cast %scan3A_342 : i32 to index
      %get3A_348 = arith.constant 16 : index
      %get3A_349 = tpu.vector_load %arg14[%get3A_347, %get3A_348] {strides = array<i32>} : memref<200x32xf32, #tpu.memory_space<vmem>>, vector<1x16xf32>,
      %get3A_350 = vector.shape_cast %get3A_349 : vector<1x16xf32> to vector<16xf32>
      %add3A_351 = arith.constant 0 : i32
      %add3A_352 = arith.addi %add3A_351, %scan3A_342 : i32
      %swap3A_353 = arith.index_cast %add3A_352 : i32 to index
      %swap3A_354 = arith.constant 0 : index
      %swap3A_355 = tpu.vector_load %arg13[%swap3A_353, %swap3A_354] {strides = array<i32>} : memref<800x32xf32, #tpu.memory_space<vmem>>, vector<1x16xf32>,
      %swap3A_356 = vector.shape_cast %swap3A_355 : vector<1x16xf32> to vector<16xf32>
      %swap3A_357 = vector.shape_cast %get3A_346 : vector<16xf32> to vector<1x16xf32>
      tpu.vector_store %arg13[%swap3A_353, %swap3A_354], %swap3A_357 {add = true, strides = array<i32>} : memref<800x32xf32, #tpu.memory_space<vmem>>, vector<1x16xf32>,
      %swap3A_358 = arith.index_cast %add3A_352 : i32 to index
      %swap3A_359 = arith.constant 16 : index
      %swap3A_360 = tpu.vector_load %arg13[%swap3A_358, %swap3A_359] {strides = array<i32>} : memref<800x32xf32, #tpu.memory_space<vmem>>, vector<1x16xf32>,
      %swap3A_361 = vector.shape_cast %swap3A_360 : vector<1x16xf32> to vector<16xf32>
      %swap3A_362 = vector.shape_cast %get3A_350 : vector<16xf32> to vector<1x16xf32>
      tpu.vector_store %arg13[%swap3A_358, %swap3A_359], %swap3A_362 {add = true, strides = array<i32>} : memref<800x32xf32, #tpu.memory_space<vmem>>, vector<1x16xf32>,
      %add3A_363 = arith.constant 200 : i32
      %add3A_364 = arith.addi %add3A_363, %scan3A_342 : i32
      %swap3A_365 = arith.index_cast %add3A_364 : i32 to index
      %swap3A_366 = arith.constant 0 : index
      %swap3A_367 = tpu.vector_load %arg13[%swap3A_365, %swap3A_366] {strides = array<i32>} : memref<800x32xf32, #tpu.memory_space<vmem>>, vector<1x16xf32>,
      %swap3A_368 = vector.shape_cast %swap3A_367 : vector<1x16xf32> to vector<16xf32>
      %swap3A_369 = vector.shape_cast %get3A_346 : vector<16xf32> to vector<1x16xf32>
      tpu.vector_store %arg13[%swap3A_365, %swap3A_366], %swap3A_369 {add = true, strides = array<i32>} : memref<800x32xf32, #tpu.memory_space<vmem>>, vector<1x16xf32>,
      %swap3A_370 = arith.index_cast %add3A_364 : i32 to index
      %swap3A_371 = arith.constant 16 : index
      %swap3A_372 = tpu.vector_load %arg13[%swap3A_370, %swap3A_371] {strides = array<i32>} : memref<800x32xf32, #tpu.memory_space<vmem>>, vector<1x16xf32>,
      %swap3A_373 = vector.shape_cast %swap3A_372 : vector<1x16xf32> to vector<16xf32>
      %swap3A_374 = vector.shape_cast %get3A_350 : vector<16xf32> to vector<1x16xf32>
      tpu.vector_store %arg13[%swap3A_370, %swap3A_371], %swap3A_374 {add = true, strides = array<i32>} : memref<800x32xf32, #tpu.memory_space<vmem>>, vector<1x16xf32>,
      %add3A_375 = arith.constant 400 : i32
      %add3A_376 = arith.addi %add3A_375, %scan3A_342 : i32
      %swap3A_377 = arith.index_cast %add3A_376 : i32 to index
      %swap3A_378 = arith.constant 0 : index
      %swap3A_379 = tpu.vector_load %arg13[%swap3A_377, %swap3A_378] {strides = array<i32>} : memref<800x32xf32, #tpu.memory_space<vmem>>, vector<1x16xf32>,
      %swap3A_380 = vector.shape_cast %swap3A_379 : vector<1x16xf32> to vector<16xf32>
      %swap3A_381 = vector.shape_cast %get3A_346 : vector<16xf32> to vector<1x16xf32>
      tpu.vector_store %arg13[%swap3A_377, %swap3A_378], %swap3A_381 {add = true, strides = array<i32>} : memref<800x32xf32, #tpu.memory_space<vmem>>, vector<1x16xf32>,
      %swap3A_382 = arith.index_cast %add3A_376 : i32 to index
      %swap3A_383 = arith.constant 16 : index
      %swap3A_384 = tpu.vector_load %arg13[%swap3A_382, %swap3A_383] {strides = array<i32>} : memref<800x32xf32, #tpu.memory_space<vmem>>, vector<1x16xf32>,
      %swap3A_385 = vector.shape_cast %swap3A_384 : vector<1x16xf32> to vector<16xf32>
      %swap3A_386 = vector.shape_cast %get3A_350 : vector<16xf32> to vector<1x16xf32>
      tpu.vector_store %arg13[%swap3A_382, %swap3A_383], %swap3A_386 {add = true, strides = array<i32>} : memref<800x32xf32, #tpu.memory_space<vmem>>, vector<1x16xf32>,
      %add3A_387 = arith.constant 600 : i32
      %add3A_388 = arith.addi %add3A_387, %scan3A_342 : i32
      %swap3A_389 = arith.index_cast %add3A_388 : i32 to index
      %swap3A_390 = arith.constant 0 : index
      %swap3A_391 = tpu.vector_load %arg13[%swap3A_389, %swap3A_390] {strides = array<i32>} : memref<800x32xf32, #tpu.memory_space<vmem>>, vector<1x16xf32>,
      %swap3A_392 = vector.shape_cast %swap3A_391 : vector<1x16xf32> to vector<16xf32>
      %swap3A_393 = vector.shape_cast %get3A_346 : vector<16xf32> to vector<1x16xf32>
      tpu.vector_store %arg13[%swap3A_389, %swap3A_390], %swap3A_393 {add = true, strides = array<i32>} : memref<800x32xf32, #tpu.memory_space<vmem>>, vector<1x16xf32>,
      %swap3A_394 = arith.index_cast %add3A_388 : i32 to index
      %swap3A_395 = arith.constant 16 : index
      %swap3A_396 = tpu.vector_load %arg13[%swap3A_394, %swap3A_395] {strides = array<i32>} : memref<800x32xf32, #tpu.memory_space<vmem>>, vector<1x16xf32>,
      %swap3A_397 = vector.shape_cast %swap3A_396 : vector<1x16xf32> to vector<16xf32>
      %swap3A_398 = vector.shape_cast %get3A_350 : vector<16xf32> to vector<1x16xf32>
      tpu.vector_store %arg13[%swap3A_394, %swap3A_395], %swap3A_398 {add = true, strides = array<i32>} : memref<800x32xf32, #tpu.memory_space<vmem>>, vector<1x16xf32>,
      %scan3A_399 = arith.constant 2 : i32
      %scan3A_400 = arith.addi %scan3A_286, %scan3A_399 : i32
      %get3A_401 = arith.index_cast %scan3A_400 : i32 to index
      %get3A_402 = arith.constant 0 : index
      %get3A_403 = tpu.vector_load %arg14[%get3A_401, %get3A_402] {strides = array<i32>} : memref<200x32xf32, #tpu.memory_space<vmem>>, vector<1x16xf32>,
      %get3A_404 = vector.shape_cast %get3A_403 : vector<1x16xf32> to vector<16xf32>
      %get3A_405 = arith.index_cast %scan3A_400 : i32 to index
      %get3A_406 = arith.constant 16 : index
      %get3A_407 = tpu.vector_load %arg14[%get3A_405, %get3A_406] {strides = array<i32>} : memref<200x32xf32, #tpu.memory_space<vmem>>, vector<1x16xf32>,
      %get3A_408 = vector.shape_cast %get3A_407 : vector<1x16xf32> to vector<16xf32>
      %add3A_409 = arith.constant 0 : i32
      %add3A_410 = arith.addi %add3A_409, %scan3A_400 : i32
      %swap3A_411 = arith.index_cast %add3A_410 : i32 to index
      %swap3A_412 = arith.constant 0 : index
      %swap3A_413 = tpu.vector_load %arg13[%swap3A_411, %swap3A_412] {strides = array<i32>} : memref<800x32xf32, #tpu.memory_space<vmem>>, vector<1x16xf32>,
      %swap3A_414 = vector.shape_cast %swap3A_413 : vector<1x16xf32> to vector<16xf32>
      %swap3A_415 = vector.shape_cast %get3A_404 : vector<16xf32> to vector<1x16xf32>
      tpu.vector_store %arg13[%swap3A_411, %swap3A_412], %swap3A_415 {add = true, strides = array<i32>} : memref<800x32xf32, #tpu.memory_space<vmem>>, vector<1x16xf32>,
      %swap3A_416 = arith.index_cast %add3A_410 : i32 to index
      %swap3A_417 = arith.constant 16 : index
      %swap3A_418 = tpu.vector_load %arg13[%swap3A_416, %swap3A_417] {strides = array<i32>} : memref<800x32xf32, #tpu.memory_space<vmem>>, vector<1x16xf32>,
      %swap3A_419 = vector.shape_cast %swap3A_418 : vector<1x16xf32> to vector<16xf32>
      %swap3A_420 = vector.shape_cast %get3A_408 : vector<16xf32> to vector<1x16xf32>
      tpu.vector_store %arg13[%swap3A_416, %swap3A_417], %swap3A_420 {add = true, strides = array<i32>} : memref<800x32xf32, #tpu.memory_space<vmem>>, vector<1x16xf32>,
      %add3A_421 = arith.constant 200 : i32
      %add3A_422 = arith.addi %add3A_421, %scan3A_400 : i32
      %swap3A_423 = arith.index_cast %add3A_422 : i32 to index
      %swap3A_424 = arith.constant 0 : index
      %swap3A_425 = tpu.vector_load %arg13[%swap3A_423, %swap3A_424] {strides = array<i32>} : memref<800x32xf32, #tpu.memory_space<vmem>>, vector<1x16xf32>,
      %swap3A_426 = vector.shape_cast %swap3A_425 : vector<1x16xf32> to vector<16xf32>
      %swap3A_427 = vector.shape_cast %get3A_404 : vector<16xf32> to vector<1x16xf32>
      tpu.vector_store %arg13[%swap3A_423, %swap3A_424], %swap3A_427 {add = true, strides = array<i32>} : memref<800x32xf32, #tpu.memory_space<vmem>>, vector<1x16xf32>,
      %swap3A_428 = arith.index_cast %add3A_422 : i32 to index
      %swap3A_429 = arith.constant 16 : index
      %swap3A_430 = tpu.vector_load %arg13[%swap3A_428, %swap3A_429] {strides = array<i32>} : memref<800x32xf32, #tpu.memory_space<vmem>>, vector<1x16xf32>,
      %swap3A_431 = vector.shape_cast %swap3A_430 : vector<1x16xf32> to vector<16xf32>
      %swap3A_432 = vector.shape_cast %get3A_408 : vector<16xf32> to vector<1x16xf32>
      tpu.vector_store %arg13[%swap3A_428, %swap3A_429], %swap3A_432 {add = true, strides = array<i32>} : memref<800x32xf32, #tpu.memory_space<vmem>>, vector<1x16xf32>,
      %add3A_433 = arith.constant 400 : i32
      %add3A_434 = arith.addi %add3A_433, %scan3A_400 : i32
      %swap3A_435 = arith.index_cast %add3A_434 : i32 to index
      %swap3A_436 = arith.constant 0 : index
      %swap3A_437 = tpu.vector_load %arg13[%swap3A_435, %swap3A_436] {strides = array<i32>} : memref<800x32xf32, #tpu.memory_space<vmem>>, vector<1x16xf32>,
      %swap3A_438 = vector.shape_cast %swap3A_437 : vector<1x16xf32> to vector<16xf32>
      %swap3A_439 = vector.shape_cast %get3A_404 : vector<16xf32> to vector<1x16xf32>
      tpu.vector_store %arg13[%swap3A_435, %swap3A_436], %swap3A_439 {add = true, strides = array<i32>} : memref<800x32xf32, #tpu.memory_space<vmem>>, vector<1x16xf32>,
      %swap3A_440 = arith.index_cast %add3A_434 : i32 to index
      %swap3A_441 = arith.constant 16 : index
      %swap3A_442 = tpu.vector_load %arg13[%swap3A_440, %swap3A_441] {strides = array<i32>} : memref<800x32xf32, #tpu.memory_space<vmem>>, vector<1x16xf32>,
      %swap3A_443 = vector.shape_cast %swap3A_442 : vector<1x16xf32> to vector<16xf32>
      %swap3A_444 = vector.shape_cast %get3A_408 : vector<16xf32> to vector<1x16xf32>
      tpu.vector_store %arg13[%swap3A_440, %swap3A_441], %swap3A_444 {add = true, strides = array<i32>} : memref<800x32xf32, #tpu.memory_space<vmem>>, vector<1x16xf32>,
      %add3A_445 = arith.constant 600 : i32
      %add3A_446 = arith.addi %add3A_445, %scan3A_400 : i32
      %swap3A_447 = arith.index_cast %add3A_446 : i32 to index
      %swap3A_448 = arith.constant 0 : index
      %swap3A_449 = tpu.vector_load %arg13[%swap3A_447, %swap3A_448] {strides = array<i32>} : memref<800x32xf32, #tpu.memory_space<vmem>>, vector<1x16xf32>,
      %swap3A_450 = vector.shape_cast %swap3A_449 : vector<1x16xf32> to vector<16xf32>
      %swap3A_451 = vector.shape_cast %get3A_404 : vector<16xf32> to vector<1x16xf32>
      tpu.vector_store %arg13[%swap3A_447, %swap3A_448], %swap3A_451 {add = true, strides = array<i32>} : memref<800x32xf32, #tpu.memory_space<vmem>>, vector<1x16xf32>,
      %swap3A_452 = arith.index_cast %add3A_446 : i32 to index
      %swap3A_453 = arith.constant 16 : index
      %swap3A_454 = tpu.vector_load %arg13[%swap3A_452, %swap3A_453] {strides = array<i32>} : memref<800x32xf32, #tpu.memory_space<vmem>>, vector<1x16xf32>,
      %swap3A_455 = vector.shape_cast %swap3A_454 : vector<1x16xf32> to vector<16xf32>
      %swap3A_456 = vector.shape_cast %get3A_408 : vector<16xf32> to vector<1x16xf32>
      tpu.vector_store %arg13[%swap3A_452, %swap3A_453], %swap3A_456 {add = true, strides = array<i32>} : memref<800x32xf32, #tpu.memory_space<vmem>>, vector<1x16xf32>,
      %scan3A_457 = arith.constant 3 : i32
      %scan3A_458 = arith.addi %scan3A_286, %scan3A_457 : i32
      %get3A_459 = arith.index_cast %scan3A_458 : i32 to index
      %get3A_460 = arith.constant 0 : index
      %get3A_461 = tpu.vector_load %arg14[%get3A_459, %get3A_460] {strides = array<i32>} : memref<200x32xf32, #tpu.memory_space<vmem>>, vector<1x16xf32>,
      %get3A_462 = vector.shape_cast %get3A_461 : vector<1x16xf32> to vector<16xf32>
      %get3A_463 = arith.index_cast %scan3A_458 : i32 to index
      %get3A_464 = arith.constant 16 : index
      %get3A_465 = tpu.vector_load %arg14[%get3A_463, %get3A_464] {strides = array<i32>} : memref<200x32xf32, #tpu.memory_space<vmem>>, vector<1x16xf32>,
      %get3A_466 = vector.shape_cast %get3A_465 : vector<1x16xf32> to vector<16xf32>
      %add3A_467 = arith.constant 0 : i32
      %add3A_468 = arith.addi %add3A_467, %scan3A_458 : i32
      %swap3A_469 = arith.index_cast %add3A_468 : i32 to index
      %swap3A_470 = arith.constant 0 : index
      %swap3A_471 = tpu.vector_load %arg13[%swap3A_469, %swap3A_470] {strides = array<i32>} : memref<800x32xf32, #tpu.memory_space<vmem>>, vector<1x16xf32>,
      %swap3A_472 = vector.shape_cast %swap3A_471 : vector<1x16xf32> to vector<16xf32>
      %swap3A_473 = vector.shape_cast %get3A_462 : vector<16xf32> to vector<1x16xf32>
      tpu.vector_store %arg13[%swap3A_469, %swap3A_470], %swap3A_473 {add = true, strides = array<i32>} : memref<800x32xf32, #tpu.memory_space<vmem>>, vector<1x16xf32>,
      %swap3A_474 = arith.index_cast %add3A_468 : i32 to index
      %swap3A_475 = arith.constant 16 : index
      %swap3A_476 = tpu.vector_load %arg13[%swap3A_474, %swap3A_475] {strides = array<i32>} : memref<800x32xf32, #tpu.memory_space<vmem>>, vector<1x16xf32>,
      %swap3A_477 = vector.shape_cast %swap3A_476 : vector<1x16xf32> to vector<16xf32>
      %swap3A_478 = vector.shape_cast %get3A_466 : vector<16xf32> to vector<1x16xf32>
      tpu.vector_store %arg13[%swap3A_474, %swap3A_475], %swap3A_478 {add = true, strides = array<i32>} : memref<800x32xf32, #tpu.memory_space<vmem>>, vector<1x16xf32>,
      %add3A_479 = arith.constant 200 : i32
      %add3A_480 = arith.addi %add3A_479, %scan3A_458 : i32
      %swap3A_481 = arith.index_cast %add3A_480 : i32 to index
      %swap3A_482 = arith.constant 0 : index
      %swap3A_483 = tpu.vector_load %arg13[%swap3A_481, %swap3A_482] {strides = array<i32>} : memref<800x32xf32, #tpu.memory_space<vmem>>, vector<1x16xf32>,
      %swap3A_484 = vector.shape_cast %swap3A_483 : vector<1x16xf32> to vector<16xf32>
      %swap3A_485 = vector.shape_cast %get3A_462 : vector<16xf32> to vector<1x16xf32>
      tpu.vector_store %arg13[%swap3A_481, %swap3A_482], %swap3A_485 {add = true, strides = array<i32>} : memref<800x32xf32, #tpu.memory_space<vmem>>, vector<1x16xf32>,
      %swap3A_486 = arith.index_cast %add3A_480 : i32 to index
      %swap3A_487 = arith.constant 16 : index
      %swap3A_488 = tpu.vector_load %arg13[%swap3A_486, %swap3A_487] {strides = array<i32>} : memref<800x32xf32, #tpu.memory_space<vmem>>, vector<1x16xf32>,
      %swap3A_489 = vector.shape_cast %swap3A_488 : vector<1x16xf32> to vector<16xf32>
      %swap3A_490 = vector.shape_cast %get3A_466 : vector<16xf32> to vector<1x16xf32>
      tpu.vector_store %arg13[%swap3A_486, %swap3A_487], %swap3A_490 {add = true, strides = array<i32>} : memref<800x32xf32, #tpu.memory_space<vmem>>, vector<1x16xf32>,
      %add3A_491 = arith.constant 400 : i32
      %add3A_492 = arith.addi %add3A_491, %scan3A_458 : i32
      %swap3A_493 = arith.index_cast %add3A_492 : i32 to index
      %swap3A_494 = arith.constant 0 : index
      %swap3A_495 = tpu.vector_load %arg13[%swap3A_493, %swap3A_494] {strides = array<i32>} : memref<800x32xf32, #tpu.memory_space<vmem>>, vector<1x16xf32>,
      %swap3A_496 = vector.shape_cast %swap3A_495 : vector<1x16xf32> to vector<16xf32>
      %swap3A_497 = vector.shape_cast %get3A_462 : vector<16xf32> to vector<1x16xf32>
      tpu.vector_store %arg13[%swap3A_493, %swap3A_494], %swap3A_497 {add = true, strides = array<i32>} : memref<800x32xf32, #tpu.memory_space<vmem>>, vector<1x16xf32>,
      %swap3A_498 = arith.index_cast %add3A_492 : i32 to index
      %swap3A_499 = arith.constant 16 : index
      %swap3A_500 = tpu.vector_load %arg13[%swap3A_498, %swap3A_499] {strides = array<i32>} : memref<800x32xf32, #tpu.memory_space<vmem>>, vector<1x16xf32>,
      %swap3A_501 = vector.shape_cast %swap3A_500 : vector<1x16xf32> to vector<16xf32>
      %swap3A_502 = vector.shape_cast %get3A_466 : vector<16xf32> to vector<1x16xf32>
      tpu.vector_store %arg13[%swap3A_498, %swap3A_499], %swap3A_502 {add = true, strides = array<i32>} : memref<800x32xf32, #tpu.memory_space<vmem>>, vector<1x16xf32>,
      %add3A_503 = arith.constant 600 : i32
      %add3A_504 = arith.addi %add3A_503, %scan3A_458 : i32
      %swap3A_505 = arith.index_cast %add3A_504 : i32 to index
      %swap3A_506 = arith.constant 0 : index
      %swap3A_507 = tpu.vector_load %arg13[%swap3A_505, %swap3A_506] {strides = array<i32>} : memref<800x32xf32, #tpu.memory_space<vmem>>, vector<1x16xf32>,
      %swap3A_508 = vector.shape_cast %swap3A_507 : vector<1x16xf32> to vector<16xf32>
      %swap3A_509 = vector.shape_cast %get3A_462 : vector<16xf32> to vector<1x16xf32>
      tpu.vector_store %arg13[%swap3A_505, %swap3A_506], %swap3A_509 {add = true, strides = array<i32>} : memref<800x32xf32, #tpu.memory_space<vmem>>, vector<1x16xf32>,
      %swap3A_510 = arith.index_cast %add3A_504 : i32 to index
      %swap3A_511 = arith.constant 16 : index
      %swap3A_512 = tpu.vector_load %arg13[%swap3A_510, %swap3A_511] {strides = array<i32>} : memref<800x32xf32, #tpu.memory_space<vmem>>, vector<1x16xf32>,
      %swap3A_513 = vector.shape_cast %swap3A_512 : vector<1x16xf32> to vector<16xf32>
      %swap3A_514 = vector.shape_cast %get3A_466 : vector<16xf32> to vector<1x16xf32>
      tpu.vector_store %arg13[%swap3A_510, %swap3A_511], %swap3A_514 {add = true, strides = array<i32>} : memref<800x32xf32, #tpu.memory_space<vmem>>, vector<1x16xf32>,
    }
    %scan3A_134 = arith.constant 200 : i32
    %add3A_135 = arith.constant 2400 : i32
    %add3A_136 = arith.addi %mul3A_2, %add3A_135 : i32
    %dma_start3A_137 = arith.constant 0 : i32
    %dma_start3A_138 = tpu.memref_slice %arg5[%add3A_136, %dma_start3A_137] : memref<819200x32xf32, #tpu.memory_space<hbm>> -> memref<800x32xf32, #tpu.memory_space<hbm>>
    %dma_start3A_139 = arith.constant 0 : i32
    %dma_start3A_140 = tpu.memref_slice %arg5[%add3A_136, %dma_start3A_139] : memref<819200x32xf32, #tpu.memory_space<hbm>> -> memref<800x32xf32, #tpu.memory_space<hbm>>
    tpu.enqueue_dma source(%arg13 : memref<800x32xf32, #tpu.memory_space<vmem>>) target(%dma_start3A_140 : memref<800x32xf32, #tpu.memory_space<hbm>>) target_semaphore(%arg26 : memref<!tpu.dma_semaphore, #tpu.memory_space<semaphore_mem>>)
    %add3A_141 = arith.constant 5600 : i32
    %add3A_142 = arith.addi %mul3A_2, %add3A_141 : i32
    %dma_start3A_143 = tpu.memref_slice %arg2[%add3A_142] : memref<819200xi32, #tpu.memory_space<hbm>> -> memref<800xi32, #tpu.memory_space<hbm>>
    %dma_start3A_144 = tpu.memref_slice %arg2[%add3A_142] : memref<819200xi32, #tpu.memory_space<hbm>> -> memref<800xi32, #tpu.memory_space<hbm>>
    tpu.enqueue_dma source(%dma_start3A_144 : memref<800xi32, #tpu.memory_space<hbm>>) target(%arg9 : memref<800xi32, #tpu.memory_space<vmem>>) target_semaphore(%arg18 : memref<!tpu.dma_semaphore, #tpu.memory_space<semaphore_mem>>)
    %scan3A_145 = arith.constant 0 : i32
    %scan3A_146 = arith.constant 1 : i32
    %scan3A_147 = arith.constant 6 : i32
    %scan3A_148 = arith.addi %scan3A_146, %scan3A_147 : i32
    %scan3A_149 = arith.constant 1 : i32
    scf.for %scan3A_286 = %scan3A_146 to %scan3A_148 step %scan3A_149  : i32 {
      %mul3A_287 = arith.constant 4 : i32
      %mul3A_288 = arith.muli %scan3A_286, %mul3A_287 : i32
      %add3A_289 = arith.constant 0 : i32
      %add3A_290 = arith.addi %mul3A_288, %add3A_289 : i32
      %dma_wait3A_291 = arith.constant 0 : i32
      %dma_wait3A_292 = arith.constant 0 : i32
      %dma_wait3A_293 = tpu.memref_slice %arg5[%dma_wait3A_291, %dma_wait3A_292] : memref<819200x32xf32, #tpu.memory_space<hbm>> -> memref<800x32xf32, #tpu.memory_space<hbm>>
      %dma_wait3A_294 = arith.constant 0 : i32
      %dma_wait3A_295 = arith.constant 0 : i32
      %dma_wait3A_296 = tpu.memref_slice %arg5[%dma_wait3A_294, %dma_wait3A_295] : memref<819200x32xf32, #tpu.memory_space<hbm>> -> memref<800x32xf32, #tpu.memory_space<hbm>>
      tpu.wait_dma2 semaphore(%arg19 : memref<!tpu.dma_semaphore, #tpu.memory_space<semaphore_mem>>) src(%dma_wait3A_296 : memref<800x32xf32, #tpu.memory_space<hbm>>) dst(%arg10 : memref<800x32xf32, #tpu.memory_space<vmem>>)
      %dma_wait3A_297 = arith.constant 0 : i32
      %dma_wait3A_298 = tpu.memref_slice %arg2[%dma_wait3A_297] : memref<819200xi32, #tpu.memory_space<hbm>> -> memref<800xi32, #tpu.memory_space<hbm>>
      %dma_wait3A_299 = arith.constant 0 : i32
      %dma_wait3A_300 = tpu.memref_slice %arg2[%dma_wait3A_299] : memref<819200xi32, #tpu.memory_space<hbm>> -> memref<800xi32, #tpu.memory_space<hbm>>
      tpu.wait_dma2 semaphore(%arg16 : memref<!tpu.dma_semaphore, #tpu.memory_space<semaphore_mem>>) src(%dma_wait3A_300 : memref<800xi32, #tpu.memory_space<hbm>>) dst(%arg7 : memref<800xi32, #tpu.memory_space<vmem>>)
      %dma_wait3A_301 = arith.constant 0 : i32
      %dma_wait3A_302 = arith.constant 0 : i32
      %dma_wait3A_303 = tpu.memref_slice %arg5[%dma_wait3A_301, %dma_wait3A_302] : memref<819200x32xf32, #tpu.memory_space<hbm>> -> memref<800x32xf32, #tpu.memory_space<hbm>>
      %dma_wait3A_304 = arith.constant 0 : i32
      %dma_wait3A_305 = arith.constant 0 : i32
      %dma_wait3A_306 = tpu.memref_slice %arg5[%dma_wait3A_304, %dma_wait3A_305] : memref<819200x32xf32, #tpu.memory_space<hbm>> -> memref<800x32xf32, #tpu.memory_space<hbm>>
      tpu.wait_dma2 semaphore(%arg24 : memref<!tpu.dma_semaphore, #tpu.memory_space<semaphore_mem>>) src(%arg11 : memref<800x32xf32, #tpu.memory_space<vmem>>) dst(%dma_wait3A_306 : memref<800x32xf32, #tpu.memory_space<hbm>>)
      %add3A_307 = arith.constant 1 : i32
      %add3A_308 = arith.addi %add3A_290, %add3A_307 : i32
      %dma_start3A_309 = arith.constant 0 : i32
      %dma_start3A_310 = arith.constant 0 : i32
      %dma_start3A_311 = tpu.memref_slice %arg3[%dma_start3A_309, %dma_start3A_310] : memref<1000000x32xf32, #tpu.memory_space<hbm>> -> memref<1000000x32xf32, #tpu.memory_space<hbm>>
      tpu.enqueue_indirect_dma source(%dma_start3A_311 : memref<1000000x32xf32, #tpu.memory_space<hbm>>) target(%arg11 : memref<800x32xf32, #tpu.memory_space<vmem>>) offsets(%arg7 : memref<800xi32, #tpu.memory_space<vmem>>) semaphore(%arg20 : memref<!tpu.dma_semaphore, #tpu.memory_space<semaphore_mem>>)
      %scan3A_312 = arith.constant 0 : i32
      %scan3A_313 = arith.constant 0 : i32
      %scan3A_314 = arith.constant 200 : i32
      %scan3A_315 = arith.addi %scan3A_313, %scan3A_314 : i32
      %scan3A_316 = arith.constant 4 : i32
      scf.for %scan3A_461 = %scan3A_313 to %scan3A_315 step %scan3A_316  : i32 {
        %get3A = arith.index_cast %scan3A_461 : i32 to index
        %get3A_462 = arith.constant 0 : index
        %get3A_463 = tpu.vector_load %arg14[%get3A, %get3A_462] {strides = array<i32>} : memref<200x32xf32, #tpu.memory_space<vmem>>, vector<1x16xf32>,
        %get3A_464 = vector.shape_cast %get3A_463 : vector<1x16xf32> to vector<16xf32>
        %get3A_465 = arith.index_cast %scan3A_461 : i32 to index
        %get3A_466 = arith.constant 16 : index
        %get3A_467 = tpu.vector_load %arg14[%get3A_465, %get3A_466] {strides = array<i32>} : memref<200x32xf32, #tpu.memory_space<vmem>>, vector<1x16xf32>,
        %get3A_468 = vector.shape_cast %get3A_467 : vector<1x16xf32> to vector<16xf32>
        %add3A_469 = arith.constant 0 : i32
        %add3A_470 = arith.addi %add3A_469, %scan3A_461 : i32
        %swap3A = arith.index_cast %add3A_470 : i32 to index
        %swap3A_471 = arith.constant 0 : index
        %swap3A_472 = tpu.vector_load %arg10[%swap3A, %swap3A_471] {strides = array<i32>} : memref<800x32xf32, #tpu.memory_space<vmem>>, vector<1x16xf32>,
        %swap3A_473 = vector.shape_cast %swap3A_472 : vector<1x16xf32> to vector<16xf32>
        %swap3A_474 = vector.shape_cast %get3A_464 : vector<16xf32> to vector<1x16xf32>
        tpu.vector_store %arg10[%swap3A, %swap3A_471], %swap3A_474 {add = true, strides = array<i32>} : memref<800x32xf32, #tpu.memory_space<vmem>>, vector<1x16xf32>,
        %swap3A_475 = arith.index_cast %add3A_470 : i32 to index
        %swap3A_476 = arith.constant 16 : index
        %swap3A_477 = tpu.vector_load %arg10[%swap3A_475, %swap3A_476] {strides = array<i32>} : memref<800x32xf32, #tpu.memory_space<vmem>>, vector<1x16xf32>,
        %swap3A_478 = vector.shape_cast %swap3A_477 : vector<1x16xf32> to vector<16xf32>
        %swap3A_479 = vector.shape_cast %get3A_468 : vector<16xf32> to vector<1x16xf32>
        tpu.vector_store %arg10[%swap3A_475, %swap3A_476], %swap3A_479 {add = true, strides = array<i32>} : memref<800x32xf32, #tpu.memory_space<vmem>>, vector<1x16xf32>,
        %add3A_480 = arith.constant 200 : i32
        %add3A_481 = arith.addi %add3A_480, %scan3A_461 : i32
        %swap3A_482 = arith.index_cast %add3A_481 : i32 to index
        %swap3A_483 = arith.constant 0 : index
        %swap3A_484 = tpu.vector_load %arg10[%swap3A_482, %swap3A_483] {strides = array<i32>} : memref<800x32xf32, #tpu.memory_space<vmem>>, vector<1x16xf32>,
        %swap3A_485 = vector.shape_cast %swap3A_484 : vector<1x16xf32> to vector<16xf32>
        %swap3A_486 = vector.shape_cast %get3A_464 : vector<16xf32> to vector<1x16xf32>
        tpu.vector_store %arg10[%swap3A_482, %swap3A_483], %swap3A_486 {add = true, strides = array<i32>} : memref<800x32xf32, #tpu.memory_space<vmem>>, vector<1x16xf32>,
        %swap3A_487 = arith.index_cast %add3A_481 : i32 to index
        %swap3A_488 = arith.constant 16 : index
        %swap3A_489 = tpu.vector_load %arg10[%swap3A_487, %swap3A_488] {strides = array<i32>} : memref<800x32xf32, #tpu.memory_space<vmem>>, vector<1x16xf32>,
        %swap3A_490 = vector.shape_cast %swap3A_489 : vector<1x16xf32> to vector<16xf32>
        %swap3A_491 = vector.shape_cast %get3A_468 : vector<16xf32> to vector<1x16xf32>
        tpu.vector_store %arg10[%swap3A_487, %swap3A_488], %swap3A_491 {add = true, strides = array<i32>} : memref<800x32xf32, #tpu.memory_space<vmem>>, vector<1x16xf32>,
        %add3A_492 = arith.constant 400 : i32
        %add3A_493 = arith.addi %add3A_492, %scan3A_461 : i32
        %swap3A_494 = arith.index_cast %add3A_493 : i32 to index
        %swap3A_495 = arith.constant 0 : index
        %swap3A_496 = tpu.vector_load %arg10[%swap3A_494, %swap3A_495] {strides = array<i32>} : memref<800x32xf32, #tpu.memory_space<vmem>>, vector<1x16xf32>,
        %swap3A_497 = vector.shape_cast %swap3A_496 : vector<1x16xf32> to vector<16xf32>
        %swap3A_498 = vector.shape_cast %get3A_464 : vector<16xf32> to vector<1x16xf32>
        tpu.vector_store %arg10[%swap3A_494, %swap3A_495], %swap3A_498 {add = true, strides = array<i32>} : memref<800x32xf32, #tpu.memory_space<vmem>>, vector<1x16xf32>,
        %swap3A_499 = arith.index_cast %add3A_493 : i32 to index
        %swap3A_500 = arith.constant 16 : index
        %swap3A_501 = tpu.vector_load %arg10[%swap3A_499, %swap3A_500] {strides = array<i32>} : memref<800x32xf32, #tpu.memory_space<vmem>>, vector<1x16xf32>,
        %swap3A_502 = vector.shape_cast %swap3A_501 : vector<1x16xf32> to vector<16xf32>
        %swap3A_503 = vector.shape_cast %get3A_468 : vector<16xf32> to vector<1x16xf32>
        tpu.vector_store %arg10[%swap3A_499, %swap3A_500], %swap3A_503 {add = true, strides = array<i32>} : memref<800x32xf32, #tpu.memory_space<vmem>>, vector<1x16xf32>,
        %add3A_504 = arith.constant 600 : i32
        %add3A_505 = arith.addi %add3A_504, %scan3A_461 : i32
        %swap3A_506 = arith.index_cast %add3A_505 : i32 to index
        %swap3A_507 = arith.constant 0 : index
        %swap3A_508 = tpu.vector_load %arg10[%swap3A_506, %swap3A_507] {strides = array<i32>} : memref<800x32xf32, #tpu.memory_space<vmem>>, vector<1x16xf32>,
        %swap3A_509 = vector.shape_cast %swap3A_508 : vector<1x16xf32> to vector<16xf32>
        %swap3A_510 = vector.shape_cast %get3A_464 : vector<16xf32> to vector<1x16xf32>
        tpu.vector_store %arg10[%swap3A_506, %swap3A_507], %swap3A_510 {add = true, strides = array<i32>} : memref<800x32xf32, #tpu.memory_space<vmem>>, vector<1x16xf32>,
        %swap3A_511 = arith.index_cast %add3A_505 : i32 to index
        %swap3A_512 = arith.constant 16 : index
        %swap3A_513 = tpu.vector_load %arg10[%swap3A_511, %swap3A_512] {strides = array<i32>} : memref<800x32xf32, #tpu.memory_space<vmem>>, vector<1x16xf32>,
        %swap3A_514 = vector.shape_cast %swap3A_513 : vector<1x16xf32> to vector<16xf32>
        %swap3A_515 = vector.shape_cast %get3A_468 : vector<16xf32> to vector<1x16xf32>
        tpu.vector_store %arg10[%swap3A_511, %swap3A_512], %swap3A_515 {add = true, strides = array<i32>} : memref<800x32xf32, #tpu.memory_space<vmem>>, vector<1x16xf32>,
        %scan3A_516 = arith.constant 1 : i32
        %scan3A_517 = arith.addi %scan3A_461, %scan3A_516 : i32
        %get3A_518 = arith.index_cast %scan3A_517 : i32 to index
        %get3A_519 = arith.constant 0 : index
        %get3A_520 = tpu.vector_load %arg14[%get3A_518, %get3A_519] {strides = array<i32>} : memref<200x32xf32, #tpu.memory_space<vmem>>, vector<1x16xf32>,
        %get3A_521 = vector.shape_cast %get3A_520 : vector<1x16xf32> to vector<16xf32>
        %get3A_522 = arith.index_cast %scan3A_517 : i32 to index
        %get3A_523 = arith.constant 16 : index
        %get3A_524 = tpu.vector_load %arg14[%get3A_522, %get3A_523] {strides = array<i32>} : memref<200x32xf32, #tpu.memory_space<vmem>>, vector<1x16xf32>,
        %get3A_525 = vector.shape_cast %get3A_524 : vector<1x16xf32> to vector<16xf32>
        %add3A_526 = arith.constant 0 : i32
        %add3A_527 = arith.addi %add3A_526, %scan3A_517 : i32
        %swap3A_528 = arith.index_cast %add3A_527 : i32 to index
        %swap3A_529 = arith.constant 0 : index
        %swap3A_530 = tpu.vector_load %arg10[%swap3A_528, %swap3A_529] {strides = array<i32>} : memref<800x32xf32, #tpu.memory_space<vmem>>, vector<1x16xf32>,
        %swap3A_531 = vector.shape_cast %swap3A_530 : vector<1x16xf32> to vector<16xf32>
        %swap3A_532 = vector.shape_cast %get3A_521 : vector<16xf32> to vector<1x16xf32>
        tpu.vector_store %arg10[%swap3A_528, %swap3A_529], %swap3A_532 {add = true, strides = array<i32>} : memref<800x32xf32, #tpu.memory_space<vmem>>, vector<1x16xf32>,
        %swap3A_533 = arith.index_cast %add3A_527 : i32 to index
        %swap3A_534 = arith.constant 16 : index
        %swap3A_535 = tpu.vector_load %arg10[%swap3A_533, %swap3A_534] {strides = array<i32>} : memref<800x32xf32, #tpu.memory_space<vmem>>, vector<1x16xf32>,
        %swap3A_536 = vector.shape_cast %swap3A_535 : vector<1x16xf32> to vector<16xf32>
        %swap3A_537 = vector.shape_cast %get3A_525 : vector<16xf32> to vector<1x16xf32>
        tpu.vector_store %arg10[%swap3A_533, %swap3A_534], %swap3A_537 {add = true, strides = array<i32>} : memref<800x32xf32, #tpu.memory_space<vmem>>, vector<1x16xf32>,
        %add3A_538 = arith.constant 200 : i32
        %add3A_539 = arith.addi %add3A_538, %scan3A_517 : i32
        %swap3A_540 = arith.index_cast %add3A_539 : i32 to index
        %swap3A_541 = arith.constant 0 : index
        %swap3A_542 = tpu.vector_load %arg10[%swap3A_540, %swap3A_541] {strides = array<i32>} : memref<800x32xf32, #tpu.memory_space<vmem>>, vector<1x16xf32>,
        %swap3A_543 = vector.shape_cast %swap3A_542 : vector<1x16xf32> to vector<16xf32>
        %swap3A_544 = vector.shape_cast %get3A_521 : vector<16xf32> to vector<1x16xf32>
        tpu.vector_store %arg10[%swap3A_540, %swap3A_541], %swap3A_544 {add = true, strides = array<i32>} : memref<800x32xf32, #tpu.memory_space<vmem>>, vector<1x16xf32>,
        %swap3A_545 = arith.index_cast %add3A_539 : i32 to index
        %swap3A_546 = arith.constant 16 : index
        %swap3A_547 = tpu.vector_load %arg10[%swap3A_545, %swap3A_546] {strides = array<i32>} : memref<800x32xf32, #tpu.memory_space<vmem>>, vector<1x16xf32>,
        %swap3A_548 = vector.shape_cast %swap3A_547 : vector<1x16xf32> to vector<16xf32>
        %swap3A_549 = vector.shape_cast %get3A_525 : vector<16xf32> to vector<1x16xf32>
        tpu.vector_store %arg10[%swap3A_545, %swap3A_546], %swap3A_549 {add = true, strides = array<i32>} : memref<800x32xf32, #tpu.memory_space<vmem>>, vector<1x16xf32>,
        %add3A_550 = arith.constant 400 : i32
        %add3A_551 = arith.addi %add3A_550, %scan3A_517 : i32
        %swap3A_552 = arith.index_cast %add3A_551 : i32 to index
        %swap3A_553 = arith.constant 0 : index
        %swap3A_554 = tpu.vector_load %arg10[%swap3A_552, %swap3A_553] {strides = array<i32>} : memref<800x32xf32, #tpu.memory_space<vmem>>, vector<1x16xf32>,
        %swap3A_555 = vector.shape_cast %swap3A_554 : vector<1x16xf32> to vector<16xf32>
        %swap3A_556 = vector.shape_cast %get3A_521 : vector<16xf32> to vector<1x16xf32>
        tpu.vector_store %arg10[%swap3A_552, %swap3A_553], %swap3A_556 {add = true, strides = array<i32>} : memref<800x32xf32, #tpu.memory_space<vmem>>, vector<1x16xf32>,
        %swap3A_557 = arith.index_cast %add3A_551 : i32 to index
        %swap3A_558 = arith.constant 16 : index
        %swap3A_559 = tpu.vector_load %arg10[%swap3A_557, %swap3A_558] {strides = array<i32>} : memref<800x32xf32, #tpu.memory_space<vmem>>, vector<1x16xf32>,
        %swap3A_560 = vector.shape_cast %swap3A_559 : vector<1x16xf32> to vector<16xf32>
        %swap3A_561 = vector.shape_cast %get3A_525 : vector<16xf32> to vector<1x16xf32>
        tpu.vector_store %arg10[%swap3A_557, %swap3A_558], %swap3A_561 {add = true, strides = array<i32>} : memref<800x32xf32, #tpu.memory_space<vmem>>, vector<1x16xf32>,
        %add3A_562 = arith.constant 600 : i32
        %add3A_563 = arith.addi %add3A_562, %scan3A_517 : i32
        %swap3A_564 = arith.index_cast %add3A_563 : i32 to index
        %swap3A_565 = arith.constant 0 : index
        %swap3A_566 = tpu.vector_load %arg10[%swap3A_564, %swap3A_565] {strides = array<i32>} : memref<800x32xf32, #tpu.memory_space<vmem>>, vector<1x16xf32>,
        %swap3A_567 = vector.shape_cast %swap3A_566 : vector<1x16xf32> to vector<16xf32>
        %swap3A_568 = vector.shape_cast %get3A_521 : vector<16xf32> to vector<1x16xf32>
        tpu.vector_store %arg10[%swap3A_564, %swap3A_565], %swap3A_568 {add = true, strides = array<i32>} : memref<800x32xf32, #tpu.memory_space<vmem>>, vector<1x16xf32>,
        %swap3A_569 = arith.index_cast %add3A_563 : i32 to index
        %swap3A_570 = arith.constant 16 : index
        %swap3A_571 = tpu.vector_load %arg10[%swap3A_569, %swap3A_570] {strides = array<i32>} : memref<800x32xf32, #tpu.memory_space<vmem>>, vector<1x16xf32>,
        %swap3A_572 = vector.shape_cast %swap3A_571 : vector<1x16xf32> to vector<16xf32>
        %swap3A_573 = vector.shape_cast %get3A_525 : vector<16xf32> to vector<1x16xf32>
        tpu.vector_store %arg10[%swap3A_569, %swap3A_570], %swap3A_573 {add = true, strides = array<i32>} : memref<800x32xf32, #tpu.memory_space<vmem>>, vector<1x16xf32>,
        %scan3A_574 = arith.constant 2 : i32
        %scan3A_575 = arith.addi %scan3A_461, %scan3A_574 : i32
        %get3A_576 = arith.index_cast %scan3A_575 : i32 to index
        %get3A_577 = arith.constant 0 : index
        %get3A_578 = tpu.vector_load %arg14[%get3A_576, %get3A_577] {strides = array<i32>} : memref<200x32xf32, #tpu.memory_space<vmem>>, vector<1x16xf32>,
        %get3A_579 = vector.shape_cast %get3A_578 : vector<1x16xf32> to vector<16xf32>
        %get3A_580 = arith.index_cast %scan3A_575 : i32 to index
        %get3A_581 = arith.constant 16 : index
        %get3A_582 = tpu.vector_load %arg14[%get3A_580, %get3A_581] {strides = array<i32>} : memref<200x32xf32, #tpu.memory_space<vmem>>, vector<1x16xf32>,
        %get3A_583 = vector.shape_cast %get3A_582 : vector<1x16xf32> to vector<16xf32>
        %add3A_584 = arith.constant 0 : i32
        %add3A_585 = arith.addi %add3A_584, %scan3A_575 : i32
        %swap3A_586 = arith.index_cast %add3A_585 : i32 to index
        %swap3A_587 = arith.constant 0 : index
        %swap3A_588 = tpu.vector_load %arg10[%swap3A_586, %swap3A_587] {strides = array<i32>} : memref<800x32xf32, #tpu.memory_space<vmem>>, vector<1x16xf32>,
        %swap3A_589 = vector.shape_cast %swap3A_588 : vector<1x16xf32> to vector<16xf32>
        %swap3A_590 = vector.shape_cast %get3A_579 : vector<16xf32> to vector<1x16xf32>
        tpu.vector_store %arg10[%swap3A_586, %swap3A_587], %swap3A_590 {add = true, strides = array<i32>} : memref<800x32xf32, #tpu.memory_space<vmem>>, vector<1x16xf32>,
        %swap3A_591 = arith.index_cast %add3A_585 : i32 to index
        %swap3A_592 = arith.constant 16 : index
        %swap3A_593 = tpu.vector_load %arg10[%swap3A_591, %swap3A_592] {strides = array<i32>} : memref<800x32xf32, #tpu.memory_space<vmem>>, vector<1x16xf32>,
        %swap3A_594 = vector.shape_cast %swap3A_593 : vector<1x16xf32> to vector<16xf32>
        %swap3A_595 = vector.shape_cast %get3A_583 : vector<16xf32> to vector<1x16xf32>
        tpu.vector_store %arg10[%swap3A_591, %swap3A_592], %swap3A_595 {add = true, strides = array<i32>} : memref<800x32xf32, #tpu.memory_space<vmem>>, vector<1x16xf32>,
        %add3A_596 = arith.constant 200 : i32
        %add3A_597 = arith.addi %add3A_596, %scan3A_575 : i32
        %swap3A_598 = arith.index_cast %add3A_597 : i32 to index
        %swap3A_599 = arith.constant 0 : index
        %swap3A_600 = tpu.vector_load %arg10[%swap3A_598, %swap3A_599] {strides = array<i32>} : memref<800x32xf32, #tpu.memory_space<vmem>>, vector<1x16xf32>,
        %swap3A_601 = vector.shape_cast %swap3A_600 : vector<1x16xf32> to vector<16xf32>
        %swap3A_602 = vector.shape_cast %get3A_579 : vector<16xf32> to vector<1x16xf32>
        tpu.vector_store %arg10[%swap3A_598, %swap3A_599], %swap3A_602 {add = true, strides = array<i32>} : memref<800x32xf32, #tpu.memory_space<vmem>>, vector<1x16xf32>,
        %swap3A_603 = arith.index_cast %add3A_597 : i32 to index
        %swap3A_604 = arith.constant 16 : index
        %swap3A_605 = tpu.vector_load %arg10[%swap3A_603, %swap3A_604] {strides = array<i32>} : memref<800x32xf32, #tpu.memory_space<vmem>>, vector<1x16xf32>,
        %swap3A_606 = vector.shape_cast %swap3A_605 : vector<1x16xf32> to vector<16xf32>
        %swap3A_607 = vector.shape_cast %get3A_583 : vector<16xf32> to vector<1x16xf32>
        tpu.vector_store %arg10[%swap3A_603, %swap3A_604], %swap3A_607 {add = true, strides = array<i32>} : memref<800x32xf32, #tpu.memory_space<vmem>>, vector<1x16xf32>,
        %add3A_608 = arith.constant 400 : i32
        %add3A_609 = arith.addi %add3A_608, %scan3A_575 : i32
        %swap3A_610 = arith.index_cast %add3A_609 : i32 to index
        %swap3A_611 = arith.constant 0 : index
        %swap3A_612 = tpu.vector_load %arg10[%swap3A_610, %swap3A_611] {strides = array<i32>} : memref<800x32xf32, #tpu.memory_space<vmem>>, vector<1x16xf32>,
        %swap3A_613 = vector.shape_cast %swap3A_612 : vector<1x16xf32> to vector<16xf32>
        %swap3A_614 = vector.shape_cast %get3A_579 : vector<16xf32> to vector<1x16xf32>
        tpu.vector_store %arg10[%swap3A_610, %swap3A_611], %swap3A_614 {add = true, strides = array<i32>} : memref<800x32xf32, #tpu.memory_space<vmem>>, vector<1x16xf32>,
        %swap3A_615 = arith.index_cast %add3A_609 : i32 to index
        %swap3A_616 = arith.constant 16 : index
        %swap3A_617 = tpu.vector_load %arg10[%swap3A_615, %swap3A_616] {strides = array<i32>} : memref<800x32xf32, #tpu.memory_space<vmem>>, vector<1x16xf32>,
        %swap3A_618 = vector.shape_cast %swap3A_617 : vector<1x16xf32> to vector<16xf32>
        %swap3A_619 = vector.shape_cast %get3A_583 : vector<16xf32> to vector<1x16xf32>
        tpu.vector_store %arg10[%swap3A_615, %swap3A_616], %swap3A_619 {add = true, strides = array<i32>} : memref<800x32xf32, #tpu.memory_space<vmem>>, vector<1x16xf32>,
        %add3A_620 = arith.constant 600 : i32
        %add3A_621 = arith.addi %add3A_620, %scan3A_575 : i32
        %swap3A_622 = arith.index_cast %add3A_621 : i32 to index
        %swap3A_623 = arith.constant 0 : index
        %swap3A_624 = tpu.vector_load %arg10[%swap3A_622, %swap3A_623] {strides = array<i32>} : memref<800x32xf32, #tpu.memory_space<vmem>>, vector<1x16xf32>,
        %swap3A_625 = vector.shape_cast %swap3A_624 : vector<1x16xf32> to vector<16xf32>
        %swap3A_626 = vector.shape_cast %get3A_579 : vector<16xf32> to vector<1x16xf32>
        tpu.vector_store %arg10[%swap3A_622, %swap3A_623], %swap3A_626 {add = true, strides = array<i32>} : memref<800x32xf32, #tpu.memory_space<vmem>>, vector<1x16xf32>,
        %swap3A_627 = arith.index_cast %add3A_621 : i32 to index
        %swap3A_628 = arith.constant 16 : index
        %swap3A_629 = tpu.vector_load %arg10[%swap3A_627, %swap3A_628] {strides = array<i32>} : memref<800x32xf32, #tpu.memory_space<vmem>>, vector<1x16xf32>,
        %swap3A_630 = vector.shape_cast %swap3A_629 : vector<1x16xf32> to vector<16xf32>
        %swap3A_631 = vector.shape_cast %get3A_583 : vector<16xf32> to vector<1x16xf32>
        tpu.vector_store %arg10[%swap3A_627, %swap3A_628], %swap3A_631 {add = true, strides = array<i32>} : memref<800x32xf32, #tpu.memory_space<vmem>>, vector<1x16xf32>,
        %scan3A_632 = arith.constant 3 : i32
        %scan3A_633 = arith.addi %scan3A_461, %scan3A_632 : i32
        %get3A_634 = arith.index_cast %scan3A_633 : i32 to index
        %get3A_635 = arith.constant 0 : index
        %get3A_636 = tpu.vector_load %arg14[%get3A_634, %get3A_635] {strides = array<i32>} : memref<200x32xf32, #tpu.memory_space<vmem>>, vector<1x16xf32>,
        %get3A_637 = vector.shape_cast %get3A_636 : vector<1x16xf32> to vector<16xf32>
        %get3A_638 = arith.index_cast %scan3A_633 : i32 to index
        %get3A_639 = arith.constant 16 : index
        %get3A_640 = tpu.vector_load %arg14[%get3A_638, %get3A_639] {strides = array<i32>} : memref<200x32xf32, #tpu.memory_space<vmem>>, vector<1x16xf32>,
        %get3A_641 = vector.shape_cast %get3A_640 : vector<1x16xf32> to vector<16xf32>
        %add3A_642 = arith.constant 0 : i32
        %add3A_643 = arith.addi %add3A_642, %scan3A_633 : i32
        %swap3A_644 = arith.index_cast %add3A_643 : i32 to index
        %swap3A_645 = arith.constant 0 : index
        %swap3A_646 = tpu.vector_load %arg10[%swap3A_644, %swap3A_645] {strides = array<i32>} : memref<800x32xf32, #tpu.memory_space<vmem>>, vector<1x16xf32>,
        %swap3A_647 = vector.shape_cast %swap3A_646 : vector<1x16xf32> to vector<16xf32>
        %swap3A_648 = vector.shape_cast %get3A_637 : vector<16xf32> to vector<1x16xf32>
        tpu.vector_store %arg10[%swap3A_644, %swap3A_645], %swap3A_648 {add = true, strides = array<i32>} : memref<800x32xf32, #tpu.memory_space<vmem>>, vector<1x16xf32>,
        %swap3A_649 = arith.index_cast %add3A_643 : i32 to index
        %swap3A_650 = arith.constant 16 : index
        %swap3A_651 = tpu.vector_load %arg10[%swap3A_649, %swap3A_650] {strides = array<i32>} : memref<800x32xf32, #tpu.memory_space<vmem>>, vector<1x16xf32>,
        %swap3A_652 = vector.shape_cast %swap3A_651 : vector<1x16xf32> to vector<16xf32>
        %swap3A_653 = vector.shape_cast %get3A_641 : vector<16xf32> to vector<1x16xf32>
        tpu.vector_store %arg10[%swap3A_649, %swap3A_650], %swap3A_653 {add = true, strides = array<i32>} : memref<800x32xf32, #tpu.memory_space<vmem>>, vector<1x16xf32>,
        %add3A_654 = arith.constant 200 : i32
        %add3A_655 = arith.addi %add3A_654, %scan3A_633 : i32
        %swap3A_656 = arith.index_cast %add3A_655 : i32 to index
        %swap3A_657 = arith.constant 0 : index
        %swap3A_658 = tpu.vector_load %arg10[%swap3A_656, %swap3A_657] {strides = array<i32>} : memref<800x32xf32, #tpu.memory_space<vmem>>, vector<1x16xf32>,
        %swap3A_659 = vector.shape_cast %swap3A_658 : vector<1x16xf32> to vector<16xf32>
        %swap3A_660 = vector.shape_cast %get3A_637 : vector<16xf32> to vector<1x16xf32>
        tpu.vector_store %arg10[%swap3A_656, %swap3A_657], %swap3A_660 {add = true, strides = array<i32>} : memref<800x32xf32, #tpu.memory_space<vmem>>, vector<1x16xf32>,
        %swap3A_661 = arith.index_cast %add3A_655 : i32 to index
        %swap3A_662 = arith.constant 16 : index
        %swap3A_663 = tpu.vector_load %arg10[%swap3A_661, %swap3A_662] {strides = array<i32>} : memref<800x32xf32, #tpu.memory_space<vmem>>, vector<1x16xf32>,
        %swap3A_664 = vector.shape_cast %swap3A_663 : vector<1x16xf32> to vector<16xf32>
        %swap3A_665 = vector.shape_cast %get3A_641 : vector<16xf32> to vector<1x16xf32>
        tpu.vector_store %arg10[%swap3A_661, %swap3A_662], %swap3A_665 {add = true, strides = array<i32>} : memref<800x32xf32, #tpu.memory_space<vmem>>, vector<1x16xf32>,
        %add3A_666 = arith.constant 400 : i32
        %add3A_667 = arith.addi %add3A_666, %scan3A_633 : i32
        %swap3A_668 = arith.index_cast %add3A_667 : i32 to index
        %swap3A_669 = arith.constant 0 : index
        %swap3A_670 = tpu.vector_load %arg10[%swap3A_668, %swap3A_669] {strides = array<i32>} : memref<800x32xf32, #tpu.memory_space<vmem>>, vector<1x16xf32>,
        %swap3A_671 = vector.shape_cast %swap3A_670 : vector<1x16xf32> to vector<16xf32>
        %swap3A_672 = vector.shape_cast %get3A_637 : vector<16xf32> to vector<1x16xf32>
        tpu.vector_store %arg10[%swap3A_668, %swap3A_669], %swap3A_672 {add = true, strides = array<i32>} : memref<800x32xf32, #tpu.memory_space<vmem>>, vector<1x16xf32>,
        %swap3A_673 = arith.index_cast %add3A_667 : i32 to index
        %swap3A_674 = arith.constant 16 : index
        %swap3A_675 = tpu.vector_load %arg10[%swap3A_673, %swap3A_674] {strides = array<i32>} : memref<800x32xf32, #tpu.memory_space<vmem>>, vector<1x16xf32>,
        %swap3A_676 = vector.shape_cast %swap3A_675 : vector<1x16xf32> to vector<16xf32>
        %swap3A_677 = vector.shape_cast %get3A_641 : vector<16xf32> to vector<1x16xf32>
        tpu.vector_store %arg10[%swap3A_673, %swap3A_674], %swap3A_677 {add = true, strides = array<i32>} : memref<800x32xf32, #tpu.memory_space<vmem>>, vector<1x16xf32>,
        %add3A_678 = arith.constant 600 : i32
        %add3A_679 = arith.addi %add3A_678, %scan3A_633 : i32
        %swap3A_680 = arith.index_cast %add3A_679 : i32 to index
        %swap3A_681 = arith.constant 0 : index
        %swap3A_682 = tpu.vector_load %arg10[%swap3A_680, %swap3A_681] {strides = array<i32>} : memref<800x32xf32, #tpu.memory_space<vmem>>, vector<1x16xf32>,
        %swap3A_683 = vector.shape_cast %swap3A_682 : vector<1x16xf32> to vector<16xf32>
        %swap3A_684 = vector.shape_cast %get3A_637 : vector<16xf32> to vector<1x16xf32>
        tpu.vector_store %arg10[%swap3A_680, %swap3A_681], %swap3A_684 {add = true, strides = array<i32>} : memref<800x32xf32, #tpu.memory_space<vmem>>, vector<1x16xf32>,
        %swap3A_685 = arith.index_cast %add3A_679 : i32 to index
        %swap3A_686 = arith.constant 16 : index
        %swap3A_687 = tpu.vector_load %arg10[%swap3A_685, %swap3A_686] {strides = array<i32>} : memref<800x32xf32, #tpu.memory_space<vmem>>, vector<1x16xf32>,
        %swap3A_688 = vector.shape_cast %swap3A_687 : vector<1x16xf32> to vector<16xf32>
        %swap3A_689 = vector.shape_cast %get3A_641 : vector<16xf32> to vector<1x16xf32>
        tpu.vector_store %arg10[%swap3A_685, %swap3A_686], %swap3A_689 {add = true, strides = array<i32>} : memref<800x32xf32, #tpu.memory_space<vmem>>, vector<1x16xf32>,
      }
      %scan3A_317 = arith.constant 200 : i32
      %mul3A_318 = arith.constant 800 : i32
      %mul3A_319 = arith.muli %add3A_290, %mul3A_318 : i32
      %add3A_320 = arith.addi %mul3A_2, %mul3A_319 : i32
      %dma_start3A_321 = arith.constant 0 : i32
      %dma_start3A_322 = tpu.memref_slice %arg5[%add3A_320, %dma_start3A_321] : memref<819200x32xf32, #tpu.memory_space<hbm>> -> memref<800x32xf32, #tpu.memory_space<hbm>>
      %dma_start3A_323 = arith.constant 0 : i32
      %dma_start3A_324 = tpu.memref_slice %arg5[%add3A_320, %dma_start3A_323] : memref<819200x32xf32, #tpu.memory_space<hbm>> -> memref<800x32xf32, #tpu.memory_space<hbm>>
      tpu.enqueue_dma source(%arg10 : memref<800x32xf32, #tpu.memory_space<vmem>>) target(%dma_start3A_324 : memref<800x32xf32, #tpu.memory_space<hbm>>) target_semaphore(%arg23 : memref<!tpu.dma_semaphore, #tpu.memory_space<semaphore_mem>>)
      %add3A_325 = arith.constant 4 : i32
      %add3A_326 = arith.addi %add3A_290, %add3A_325 : i32
      %mul3A_327 = arith.constant 800 : i32
      %mul3A_328 = arith.muli %add3A_326, %mul3A_327 : i32
      %add3A_329 = arith.addi %mul3A_2, %mul3A_328 : i32
      %dma_start3A_330 = tpu.memref_slice %arg2[%add3A_329] : memref<819200xi32, #tpu.memory_space<hbm>> -> memref<800xi32, #tpu.memory_space<hbm>>
      %dma_start3A_331 = tpu.memref_slice %arg2[%add3A_329] : memref<819200xi32, #tpu.memory_space<hbm>> -> memref<800xi32, #tpu.memory_space<hbm>>
      tpu.enqueue_dma source(%dma_start3A_331 : memref<800xi32, #tpu.memory_space<hbm>>) target(%arg6 : memref<800xi32, #tpu.memory_space<vmem>>) target_semaphore(%arg15 : memref<!tpu.dma_semaphore, #tpu.memory_space<semaphore_mem>>)
      %add3A_332 = arith.constant 1 : i32
      %add3A_333 = arith.addi %mul3A_288, %add3A_332 : i32
      %dma_wait3A_334 = arith.constant 0 : i32
      %dma_wait3A_335 = arith.constant 0 : i32
      %dma_wait3A_336 = tpu.memref_slice %arg5[%dma_wait3A_334, %dma_wait3A_335] : memref<819200x32xf32, #tpu.memory_space<hbm>> -> memref<800x32xf32, #tpu.memory_space<hbm>>
      %dma_wait3A_337 = arith.constant 0 : i32
      %dma_wait3A_338 = arith.constant 0 : i32
      %dma_wait3A_339 = tpu.memref_slice %arg5[%dma_wait3A_337, %dma_wait3A_338] : memref<819200x32xf32, #tpu.memory_space<hbm>> -> memref<800x32xf32, #tpu.memory_space<hbm>>
      tpu.wait_dma2 semaphore(%arg20 : memref<!tpu.dma_semaphore, #tpu.memory_space<semaphore_mem>>) src(%dma_wait3A_339 : memref<800x32xf32, #tpu.memory_space<hbm>>) dst(%arg11 : memref<800x32xf32, #tpu.memory_space<vmem>>)
      %dma_wait3A_340 = arith.constant 0 : i32
      %dma_wait3A_341 = tpu.memref_slice %arg2[%dma_wait3A_340] : memref<819200xi32, #tpu.memory_space<hbm>> -> memref<800xi32, #tpu.memory_space<hbm>>
      %dma_wait3A_342 = arith.constant 0 : i32
      %dma_wait3A_343 = tpu.memref_slice %arg2[%dma_wait3A_342] : memref<819200xi32, #tpu.memory_space<hbm>> -> memref<800xi32, #tpu.memory_space<hbm>>
      tpu.wait_dma2 semaphore(%arg17 : memref<!tpu.dma_semaphore, #tpu.memory_space<semaphore_mem>>) src(%dma_wait3A_343 : memref<800xi32, #tpu.memory_space<hbm>>) dst(%arg8 : memref<800xi32, #tpu.memory_space<vmem>>)
      %dma_wait3A_344 = arith.constant 0 : i32
      %dma_wait3A_345 = arith.constant 0 : i32
      %dma_wait3A_346 = tpu.memref_slice %arg5[%dma_wait3A_344, %dma_wait3A_345] : memref<819200x32xf32, #tpu.memory_space<hbm>> -> memref<800x32xf32, #tpu.memory_space<hbm>>
      %dma_wait3A_347 = arith.constant 0 : i32
      %dma_wait3A_348 = arith.constant 0 : i32
      %dma_wait3A_349 = tpu.memref_slice %arg5[%dma_wait3A_347, %dma_wait3A_348] : memref<819200x32xf32, #tpu.memory_space<hbm>> -> memref<800x32xf32, #tpu.memory_space<hbm>>
      tpu.wait_dma2 semaphore(%arg25 : memref<!tpu.dma_semaphore, #tpu.memory_space<semaphore_mem>>) src(%arg12 : memref<800x32xf32, #tpu.memory_space<vmem>>) dst(%dma_wait3A_349 : memref<800x32xf32, #tpu.memory_space<hbm>>)
      %add3A_350 = arith.constant 1 : i32
      %add3A_351 = arith.addi %add3A_333, %add3A_350 : i32
      %dma_start3A_352 = arith.constant 0 : i32
      %dma_start3A_353 = arith.constant 0 : i32
      %dma_start3A_354 = tpu.memref_slice %arg3[%dma_start3A_352, %dma_start3A_353] : memref<1000000x32xf32, #tpu.memory_space<hbm>> -> memref<1000000x32xf32, #tpu.memory_space<hbm>>
      tpu.enqueue_indirect_dma source(%dma_start3A_354 : memref<1000000x32xf32, #tpu.memory_space<hbm>>) target(%arg12 : memref<800x32xf32, #tpu.memory_space<vmem>>) offsets(%arg8 : memref<800xi32, #tpu.memory_space<vmem>>) semaphore(%arg21 : memref<!tpu.dma_semaphore, #tpu.memory_space<semaphore_mem>>)
      %scan3A_355 = arith.constant 0 : i32
      %scan3A_356 = arith.constant 0 : i32
      %scan3A_357 = arith.constant 200 : i32
      %scan3A_358 = arith.addi %scan3A_356, %scan3A_357 : i32
      %scan3A_359 = arith.constant 4 : i32
      scf.for %scan3A_461 = %scan3A_356 to %scan3A_358 step %scan3A_359  : i32 {
        %get3A = arith.index_cast %scan3A_461 : i32 to index
        %get3A_462 = arith.constant 0 : index
        %get3A_463 = tpu.vector_load %arg14[%get3A, %get3A_462] {strides = array<i32>} : memref<200x32xf32, #tpu.memory_space<vmem>>, vector<1x16xf32>,
        %get3A_464 = vector.shape_cast %get3A_463 : vector<1x16xf32> to vector<16xf32>
        %get3A_465 = arith.index_cast %scan3A_461 : i32 to index
        %get3A_466 = arith.constant 16 : index
        %get3A_467 = tpu.vector_load %arg14[%get3A_465, %get3A_466] {strides = array<i32>} : memref<200x32xf32, #tpu.memory_space<vmem>>, vector<1x16xf32>,
        %get3A_468 = vector.shape_cast %get3A_467 : vector<1x16xf32> to vector<16xf32>
        %add3A_469 = arith.constant 0 : i32
        %add3A_470 = arith.addi %add3A_469, %scan3A_461 : i32
        %swap3A = arith.index_cast %add3A_470 : i32 to index
        %swap3A_471 = arith.constant 0 : index
        %swap3A_472 = tpu.vector_load %arg11[%swap3A, %swap3A_471] {strides = array<i32>} : memref<800x32xf32, #tpu.memory_space<vmem>>, vector<1x16xf32>,
        %swap3A_473 = vector.shape_cast %swap3A_472 : vector<1x16xf32> to vector<16xf32>
        %swap3A_474 = vector.shape_cast %get3A_464 : vector<16xf32> to vector<1x16xf32>
        tpu.vector_store %arg11[%swap3A, %swap3A_471], %swap3A_474 {add = true, strides = array<i32>} : memref<800x32xf32, #tpu.memory_space<vmem>>, vector<1x16xf32>,
        %swap3A_475 = arith.index_cast %add3A_470 : i32 to index
        %swap3A_476 = arith.constant 16 : index
        %swap3A_477 = tpu.vector_load %arg11[%swap3A_475, %swap3A_476] {strides = array<i32>} : memref<800x32xf32, #tpu.memory_space<vmem>>, vector<1x16xf32>,
        %swap3A_478 = vector.shape_cast %swap3A_477 : vector<1x16xf32> to vector<16xf32>
        %swap3A_479 = vector.shape_cast %get3A_468 : vector<16xf32> to vector<1x16xf32>
        tpu.vector_store %arg11[%swap3A_475, %swap3A_476], %swap3A_479 {add = true, strides = array<i32>} : memref<800x32xf32, #tpu.memory_space<vmem>>, vector<1x16xf32>,
        %add3A_480 = arith.constant 200 : i32
        %add3A_481 = arith.addi %add3A_480, %scan3A_461 : i32
        %swap3A_482 = arith.index_cast %add3A_481 : i32 to index
        %swap3A_483 = arith.constant 0 : index
        %swap3A_484 = tpu.vector_load %arg11[%swap3A_482, %swap3A_483] {strides = array<i32>} : memref<800x32xf32, #tpu.memory_space<vmem>>, vector<1x16xf32>,
        %swap3A_485 = vector.shape_cast %swap3A_484 : vector<1x16xf32> to vector<16xf32>
        %swap3A_486 = vector.shape_cast %get3A_464 : vector<16xf32> to vector<1x16xf32>
        tpu.vector_store %arg11[%swap3A_482, %swap3A_483], %swap3A_486 {add = true, strides = array<i32>} : memref<800x32xf32, #tpu.memory_space<vmem>>, vector<1x16xf32>,
        %swap3A_487 = arith.index_cast %add3A_481 : i32 to index
        %swap3A_488 = arith.constant 16 : index
        %swap3A_489 = tpu.vector_load %arg11[%swap3A_487, %swap3A_488] {strides = array<i32>} : memref<800x32xf32, #tpu.memory_space<vmem>>, vector<1x16xf32>,
        %swap3A_490 = vector.shape_cast %swap3A_489 : vector<1x16xf32> to vector<16xf32>
        %swap3A_491 = vector.shape_cast %get3A_468 : vector<16xf32> to vector<1x16xf32>
        tpu.vector_store %arg11[%swap3A_487, %swap3A_488], %swap3A_491 {add = true, strides = array<i32>} : memref<800x32xf32, #tpu.memory_space<vmem>>, vector<1x16xf32>,
        %add3A_492 = arith.constant 400 : i32
        %add3A_493 = arith.addi %add3A_492, %scan3A_461 : i32
        %swap3A_494 = arith.index_cast %add3A_493 : i32 to index
        %swap3A_495 = arith.constant 0 : index
        %swap3A_496 = tpu.vector_load %arg11[%swap3A_494, %swap3A_495] {strides = array<i32>} : memref<800x32xf32, #tpu.memory_space<vmem>>, vector<1x16xf32>,
        %swap3A_497 = vector.shape_cast %swap3A_496 : vector<1x16xf32> to vector<16xf32>
        %swap3A_498 = vector.shape_cast %get3A_464 : vector<16xf32> to vector<1x16xf32>
        tpu.vector_store %arg11[%swap3A_494, %swap3A_495], %swap3A_498 {add = true, strides = array<i32>} : memref<800x32xf32, #tpu.memory_space<vmem>>, vector<1x16xf32>,
        %swap3A_499 = arith.index_cast %add3A_493 : i32 to index
        %swap3A_500 = arith.constant 16 : index
        %swap3A_501 = tpu.vector_load %arg11[%swap3A_499, %swap3A_500] {strides = array<i32>} : memref<800x32xf32, #tpu.memory_space<vmem>>, vector<1x16xf32>,
        %swap3A_502 = vector.shape_cast %swap3A_501 : vector<1x16xf32> to vector<16xf32>
        %swap3A_503 = vector.shape_cast %get3A_468 : vector<16xf32> to vector<1x16xf32>
        tpu.vector_store %arg11[%swap3A_499, %swap3A_500], %swap3A_503 {add = true, strides = array<i32>} : memref<800x32xf32, #tpu.memory_space<vmem>>, vector<1x16xf32>,
        %add3A_504 = arith.constant 600 : i32
        %add3A_505 = arith.addi %add3A_504, %scan3A_461 : i32
        %swap3A_506 = arith.index_cast %add3A_505 : i32 to index
        %swap3A_507 = arith.constant 0 : index
        %swap3A_508 = tpu.vector_load %arg11[%swap3A_506, %swap3A_507] {strides = array<i32>} : memref<800x32xf32, #tpu.memory_space<vmem>>, vector<1x16xf32>,
        %swap3A_509 = vector.shape_cast %swap3A_508 : vector<1x16xf32> to vector<16xf32>
        %swap3A_510 = vector.shape_cast %get3A_464 : vector<16xf32> to vector<1x16xf32>
        tpu.vector_store %arg11[%swap3A_506, %swap3A_507], %swap3A_510 {add = true, strides = array<i32>} : memref<800x32xf32, #tpu.memory_space<vmem>>, vector<1x16xf32>,
        %swap3A_511 = arith.index_cast %add3A_505 : i32 to index
        %swap3A_512 = arith.constant 16 : index
        %swap3A_513 = tpu.vector_load %arg11[%swap3A_511, %swap3A_512] {strides = array<i32>} : memref<800x32xf32, #tpu.memory_space<vmem>>, vector<1x16xf32>,
        %swap3A_514 = vector.shape_cast %swap3A_513 : vector<1x16xf32> to vector<16xf32>
        %swap3A_515 = vector.shape_cast %get3A_468 : vector<16xf32> to vector<1x16xf32>
        tpu.vector_store %arg11[%swap3A_511, %swap3A_512], %swap3A_515 {add = true, strides = array<i32>} : memref<800x32xf32, #tpu.memory_space<vmem>>, vector<1x16xf32>,
        %scan3A_516 = arith.constant 1 : i32
        %scan3A_517 = arith.addi %scan3A_461, %scan3A_516 : i32
        %get3A_518 = arith.index_cast %scan3A_517 : i32 to index
        %get3A_519 = arith.constant 0 : index
        %get3A_520 = tpu.vector_load %arg14[%get3A_518, %get3A_519] {strides = array<i32>} : memref<200x32xf32, #tpu.memory_space<vmem>>, vector<1x16xf32>,
        %get3A_521 = vector.shape_cast %get3A_520 : vector<1x16xf32> to vector<16xf32>
        %get3A_522 = arith.index_cast %scan3A_517 : i32 to index
        %get3A_523 = arith.constant 16 : index
        %get3A_524 = tpu.vector_load %arg14[%get3A_522, %get3A_523] {strides = array<i32>} : memref<200x32xf32, #tpu.memory_space<vmem>>, vector<1x16xf32>,
        %get3A_525 = vector.shape_cast %get3A_524 : vector<1x16xf32> to vector<16xf32>
        %add3A_526 = arith.constant 0 : i32
        %add3A_527 = arith.addi %add3A_526, %scan3A_517 : i32
        %swap3A_528 = arith.index_cast %add3A_527 : i32 to index
        %swap3A_529 = arith.constant 0 : index
        %swap3A_530 = tpu.vector_load %arg11[%swap3A_528, %swap3A_529] {strides = array<i32>} : memref<800x32xf32, #tpu.memory_space<vmem>>, vector<1x16xf32>,
        %swap3A_531 = vector.shape_cast %swap3A_530 : vector<1x16xf32> to vector<16xf32>
        %swap3A_532 = vector.shape_cast %get3A_521 : vector<16xf32> to vector<1x16xf32>
        tpu.vector_store %arg11[%swap3A_528, %swap3A_529], %swap3A_532 {add = true, strides = array<i32>} : memref<800x32xf32, #tpu.memory_space<vmem>>, vector<1x16xf32>,
        %swap3A_533 = arith.index_cast %add3A_527 : i32 to index
        %swap3A_534 = arith.constant 16 : index
        %swap3A_535 = tpu.vector_load %arg11[%swap3A_533, %swap3A_534] {strides = array<i32>} : memref<800x32xf32, #tpu.memory_space<vmem>>, vector<1x16xf32>,
        %swap3A_536 = vector.shape_cast %swap3A_535 : vector<1x16xf32> to vector<16xf32>
        %swap3A_537 = vector.shape_cast %get3A_525 : vector<16xf32> to vector<1x16xf32>
        tpu.vector_store %arg11[%swap3A_533, %swap3A_534], %swap3A_537 {add = true, strides = array<i32>} : memref<800x32xf32, #tpu.memory_space<vmem>>, vector<1x16xf32>,
        %add3A_538 = arith.constant 200 : i32
        %add3A_539 = arith.addi %add3A_538, %scan3A_517 : i32
        %swap3A_540 = arith.index_cast %add3A_539 : i32 to index
        %swap3A_541 = arith.constant 0 : index
        %swap3A_542 = tpu.vector_load %arg11[%swap3A_540, %swap3A_541] {strides = array<i32>} : memref<800x32xf32, #tpu.memory_space<vmem>>, vector<1x16xf32>,
        %swap3A_543 = vector.shape_cast %swap3A_542 : vector<1x16xf32> to vector<16xf32>
        %swap3A_544 = vector.shape_cast %get3A_521 : vector<16xf32> to vector<1x16xf32>
        tpu.vector_store %arg11[%swap3A_540, %swap3A_541], %swap3A_544 {add = true, strides = array<i32>} : memref<800x32xf32, #tpu.memory_space<vmem>>, vector<1x16xf32>,
        %swap3A_545 = arith.index_cast %add3A_539 : i32 to index
        %swap3A_546 = arith.constant 16 : index
        %swap3A_547 = tpu.vector_load %arg11[%swap3A_545, %swap3A_546] {strides = array<i32>} : memref<800x32xf32, #tpu.memory_space<vmem>>, vector<1x16xf32>,
        %swap3A_548 = vector.shape_cast %swap3A_547 : vector<1x16xf32> to vector<16xf32>
        %swap3A_549 = vector.shape_cast %get3A_525 : vector<16xf32> to vector<1x16xf32>
        tpu.vector_store %arg11[%swap3A_545, %swap3A_546], %swap3A_549 {add = true, strides = array<i32>} : memref<800x32xf32, #tpu.memory_space<vmem>>, vector<1x16xf32>,
        %add3A_550 = arith.constant 400 : i32
        %add3A_551 = arith.addi %add3A_550, %scan3A_517 : i32
        %swap3A_552 = arith.index_cast %add3A_551 : i32 to index
        %swap3A_553 = arith.constant 0 : index
        %swap3A_554 = tpu.vector_load %arg11[%swap3A_552, %swap3A_553] {strides = array<i32>} : memref<800x32xf32, #tpu.memory_space<vmem>>, vector<1x16xf32>,
        %swap3A_555 = vector.shape_cast %swap3A_554 : vector<1x16xf32> to vector<16xf32>
        %swap3A_556 = vector.shape_cast %get3A_521 : vector<16xf32> to vector<1x16xf32>
        tpu.vector_store %arg11[%swap3A_552, %swap3A_553], %swap3A_556 {add = true, strides = array<i32>} : memref<800x32xf32, #tpu.memory_space<vmem>>, vector<1x16xf32>,
        %swap3A_557 = arith.index_cast %add3A_551 : i32 to index
        %swap3A_558 = arith.constant 16 : index
        %swap3A_559 = tpu.vector_load %arg11[%swap3A_557, %swap3A_558] {strides = array<i32>} : memref<800x32xf32, #tpu.memory_space<vmem>>, vector<1x16xf32>,
        %swap3A_560 = vector.shape_cast %swap3A_559 : vector<1x16xf32> to vector<16xf32>
        %swap3A_561 = vector.shape_cast %get3A_525 : vector<16xf32> to vector<1x16xf32>
        tpu.vector_store %arg11[%swap3A_557, %swap3A_558], %swap3A_561 {add = true, strides = array<i32>} : memref<800x32xf32, #tpu.memory_space<vmem>>, vector<1x16xf32>,
        %add3A_562 = arith.constant 600 : i32
        %add3A_563 = arith.addi %add3A_562, %scan3A_517 : i32
        %swap3A_564 = arith.index_cast %add3A_563 : i32 to index
        %swap3A_565 = arith.constant 0 : index
        %swap3A_566 = tpu.vector_load %arg11[%swap3A_564, %swap3A_565] {strides = array<i32>} : memref<800x32xf32, #tpu.memory_space<vmem>>, vector<1x16xf32>,
        %swap3A_567 = vector.shape_cast %swap3A_566 : vector<1x16xf32> to vector<16xf32>
        %swap3A_568 = vector.shape_cast %get3A_521 : vector<16xf32> to vector<1x16xf32>
        tpu.vector_store %arg11[%swap3A_564, %swap3A_565], %swap3A_568 {add = true, strides = array<i32>} : memref<800x32xf32, #tpu.memory_space<vmem>>, vector<1x16xf32>,
        %swap3A_569 = arith.index_cast %add3A_563 : i32 to index
        %swap3A_570 = arith.constant 16 : index
        %swap3A_571 = tpu.vector_load %arg11[%swap3A_569, %swap3A_570] {strides = array<i32>} : memref<800x32xf32, #tpu.memory_space<vmem>>, vector<1x16xf32>,
        %swap3A_572 = vector.shape_cast %swap3A_571 : vector<1x16xf32> to vector<16xf32>
        %swap3A_573 = vector.shape_cast %get3A_525 : vector<16xf32> to vector<1x16xf32>
        tpu.vector_store %arg11[%swap3A_569, %swap3A_570], %swap3A_573 {add = true, strides = array<i32>} : memref<800x32xf32, #tpu.memory_space<vmem>>, vector<1x16xf32>,
        %scan3A_574 = arith.constant 2 : i32
        %scan3A_575 = arith.addi %scan3A_461, %scan3A_574 : i32
        %get3A_576 = arith.index_cast %scan3A_575 : i32 to index
        %get3A_577 = arith.constant 0 : index
        %get3A_578 = tpu.vector_load %arg14[%get3A_576, %get3A_577] {strides = array<i32>} : memref<200x32xf32, #tpu.memory_space<vmem>>, vector<1x16xf32>,
        %get3A_579 = vector.shape_cast %get3A_578 : vector<1x16xf32> to vector<16xf32>
        %get3A_580 = arith.index_cast %scan3A_575 : i32 to index
        %get3A_581 = arith.constant 16 : index
        %get3A_582 = tpu.vector_load %arg14[%get3A_580, %get3A_581] {strides = array<i32>} : memref<200x32xf32, #tpu.memory_space<vmem>>, vector<1x16xf32>,
        %get3A_583 = vector.shape_cast %get3A_582 : vector<1x16xf32> to vector<16xf32>
        %add3A_584 = arith.constant 0 : i32
        %add3A_585 = arith.addi %add3A_584, %scan3A_575 : i32
        %swap3A_586 = arith.index_cast %add3A_585 : i32 to index
        %swap3A_587 = arith.constant 0 : index
        %swap3A_588 = tpu.vector_load %arg11[%swap3A_586, %swap3A_587] {strides = array<i32>} : memref<800x32xf32, #tpu.memory_space<vmem>>, vector<1x16xf32>,
        %swap3A_589 = vector.shape_cast %swap3A_588 : vector<1x16xf32> to vector<16xf32>
        %swap3A_590 = vector.shape_cast %get3A_579 : vector<16xf32> to vector<1x16xf32>
        tpu.vector_store %arg11[%swap3A_586, %swap3A_587], %swap3A_590 {add = true, strides = array<i32>} : memref<800x32xf32, #tpu.memory_space<vmem>>, vector<1x16xf32>,
        %swap3A_591 = arith.index_cast %add3A_585 : i32 to index
        %swap3A_592 = arith.constant 16 : index
        %swap3A_593 = tpu.vector_load %arg11[%swap3A_591, %swap3A_592] {strides = array<i32>} : memref<800x32xf32, #tpu.memory_space<vmem>>, vector<1x16xf32>,
        %swap3A_594 = vector.shape_cast %swap3A_593 : vector<1x16xf32> to vector<16xf32>
        %swap3A_595 = vector.shape_cast %get3A_583 : vector<16xf32> to vector<1x16xf32>
        tpu.vector_store %arg11[%swap3A_591, %swap3A_592], %swap3A_595 {add = true, strides = array<i32>} : memref<800x32xf32, #tpu.memory_space<vmem>>, vector<1x16xf32>,
        %add3A_596 = arith.constant 200 : i32
        %add3A_597 = arith.addi %add3A_596, %scan3A_575 : i32
        %swap3A_598 = arith.index_cast %add3A_597 : i32 to index
        %swap3A_599 = arith.constant 0 : index
        %swap3A_600 = tpu.vector_load %arg11[%swap3A_598, %swap3A_599] {strides = array<i32>} : memref<800x32xf32, #tpu.memory_space<vmem>>, vector<1x16xf32>,
        %swap3A_601 = vector.shape_cast %swap3A_600 : vector<1x16xf32> to vector<16xf32>
        %swap3A_602 = vector.shape_cast %get3A_579 : vector<16xf32> to vector<1x16xf32>
        tpu.vector_store %arg11[%swap3A_598, %swap3A_599], %swap3A_602 {add = true, strides = array<i32>} : memref<800x32xf32, #tpu.memory_space<vmem>>, vector<1x16xf32>,
        %swap3A_603 = arith.index_cast %add3A_597 : i32 to index
        %swap3A_604 = arith.constant 16 : index
        %swap3A_605 = tpu.vector_load %arg11[%swap3A_603, %swap3A_604] {strides = array<i32>} : memref<800x32xf32, #tpu.memory_space<vmem>>, vector<1x16xf32>,
        %swap3A_606 = vector.shape_cast %swap3A_605 : vector<1x16xf32> to vector<16xf32>
        %swap3A_607 = vector.shape_cast %get3A_583 : vector<16xf32> to vector<1x16xf32>
        tpu.vector_store %arg11[%swap3A_603, %swap3A_604], %swap3A_607 {add = true, strides = array<i32>} : memref<800x32xf32, #tpu.memory_space<vmem>>, vector<1x16xf32>,
        %add3A_608 = arith.constant 400 : i32
        %add3A_609 = arith.addi %add3A_608, %scan3A_575 : i32
        %swap3A_610 = arith.index_cast %add3A_609 : i32 to index
        %swap3A_611 = arith.constant 0 : index
        %swap3A_612 = tpu.vector_load %arg11[%swap3A_610, %swap3A_611] {strides = array<i32>} : memref<800x32xf32, #tpu.memory_space<vmem>>, vector<1x16xf32>,
        %swap3A_613 = vector.shape_cast %swap3A_612 : vector<1x16xf32> to vector<16xf32>
        %swap3A_614 = vector.shape_cast %get3A_579 : vector<16xf32> to vector<1x16xf32>
        tpu.vector_store %arg11[%swap3A_610, %swap3A_611], %swap3A_614 {add = true, strides = array<i32>} : memref<800x32xf32, #tpu.memory_space<vmem>>, vector<1x16xf32>,
        %swap3A_615 = arith.index_cast %add3A_609 : i32 to index
        %swap3A_616 = arith.constant 16 : index
        %swap3A_617 = tpu.vector_load %arg11[%swap3A_615, %swap3A_616] {strides = array<i32>} : memref<800x32xf32, #tpu.memory_space<vmem>>, vector<1x16xf32>,
        %swap3A_618 = vector.shape_cast %swap3A_617 : vector<1x16xf32> to vector<16xf32>
        %swap3A_619 = vector.shape_cast %get3A_583 : vector<16xf32> to vector<1x16xf32>
        tpu.vector_store %arg11[%swap3A_615, %swap3A_616], %swap3A_619 {add = true, strides = array<i32>} : memref<800x32xf32, #tpu.memory_space<vmem>>, vector<1x16xf32>,
        %add3A_620 = arith.constant 600 : i32
        %add3A_621 = arith.addi %add3A_620, %scan3A_575 : i32
        %swap3A_622 = arith.index_cast %add3A_621 : i32 to index
        %swap3A_623 = arith.constant 0 : index
        %swap3A_624 = tpu.vector_load %arg11[%swap3A_622, %swap3A_623] {strides = array<i32>} : memref<800x32xf32, #tpu.memory_space<vmem>>, vector<1x16xf32>,
        %swap3A_625 = vector.shape_cast %swap3A_624 : vector<1x16xf32> to vector<16xf32>
        %swap3A_626 = vector.shape_cast %get3A_579 : vector<16xf32> to vector<1x16xf32>
        tpu.vector_store %arg11[%swap3A_622, %swap3A_623], %swap3A_626 {add = true, strides = array<i32>} : memref<800x32xf32, #tpu.memory_space<vmem>>, vector<1x16xf32>,
        %swap3A_627 = arith.index_cast %add3A_621 : i32 to index
        %swap3A_628 = arith.constant 16 : index
        %swap3A_629 = tpu.vector_load %arg11[%swap3A_627, %swap3A_628] {strides = array<i32>} : memref<800x32xf32, #tpu.memory_space<vmem>>, vector<1x16xf32>,
        %swap3A_630 = vector.shape_cast %swap3A_629 : vector<1x16xf32> to vector<16xf32>
        %swap3A_631 = vector.shape_cast %get3A_583 : vector<16xf32> to vector<1x16xf32>
        tpu.vector_store %arg11[%swap3A_627, %swap3A_628], %swap3A_631 {add = true, strides = array<i32>} : memref<800x32xf32, #tpu.memory_space<vmem>>, vector<1x16xf32>,
        %scan3A_632 = arith.constant 3 : i32
        %scan3A_633 = arith.addi %scan3A_461, %scan3A_632 : i32
        %get3A_634 = arith.index_cast %scan3A_633 : i32 to index
        %get3A_635 = arith.constant 0 : index
        %get3A_636 = tpu.vector_load %arg14[%get3A_634, %get3A_635] {strides = array<i32>} : memref<200x32xf32, #tpu.memory_space<vmem>>, vector<1x16xf32>,
        %get3A_637 = vector.shape_cast %get3A_636 : vector<1x16xf32> to vector<16xf32>
        %get3A_638 = arith.index_cast %scan3A_633 : i32 to index
        %get3A_639 = arith.constant 16 : index
        %get3A_640 = tpu.vector_load %arg14[%get3A_638, %get3A_639] {strides = array<i32>} : memref<200x32xf32, #tpu.memory_space<vmem>>, vector<1x16xf32>,
        %get3A_641 = vector.shape_cast %get3A_640 : vector<1x16xf32> to vector<16xf32>
        %add3A_642 = arith.constant 0 : i32
        %add3A_643 = arith.addi %add3A_642, %scan3A_633 : i32
        %swap3A_644 = arith.index_cast %add3A_643 : i32 to index
        %swap3A_645 = arith.constant 0 : index
        %swap3A_646 = tpu.vector_load %arg11[%swap3A_644, %swap3A_645] {strides = array<i32>} : memref<800x32xf32, #tpu.memory_space<vmem>>, vector<1x16xf32>,
        %swap3A_647 = vector.shape_cast %swap3A_646 : vector<1x16xf32> to vector<16xf32>
        %swap3A_648 = vector.shape_cast %get3A_637 : vector<16xf32> to vector<1x16xf32>
        tpu.vector_store %arg11[%swap3A_644, %swap3A_645], %swap3A_648 {add = true, strides = array<i32>} : memref<800x32xf32, #tpu.memory_space<vmem>>, vector<1x16xf32>,
        %swap3A_649 = arith.index_cast %add3A_643 : i32 to index
        %swap3A_650 = arith.constant 16 : index
        %swap3A_651 = tpu.vector_load %arg11[%swap3A_649, %swap3A_650] {strides = array<i32>} : memref<800x32xf32, #tpu.memory_space<vmem>>, vector<1x16xf32>,
        %swap3A_652 = vector.shape_cast %swap3A_651 : vector<1x16xf32> to vector<16xf32>
        %swap3A_653 = vector.shape_cast %get3A_641 : vector<16xf32> to vector<1x16xf32>
        tpu.vector_store %arg11[%swap3A_649, %swap3A_650], %swap3A_653 {add = true, strides = array<i32>} : memref<800x32xf32, #tpu.memory_space<vmem>>, vector<1x16xf32>,
        %add3A_654 = arith.constant 200 : i32
        %add3A_655 = arith.addi %add3A_654, %scan3A_633 : i32
        %swap3A_656 = arith.index_cast %add3A_655 : i32 to index
        %swap3A_657 = arith.constant 0 : index
        %swap3A_658 = tpu.vector_load %arg11[%swap3A_656, %swap3A_657] {strides = array<i32>} : memref<800x32xf32, #tpu.memory_space<vmem>>, vector<1x16xf32>,
        %swap3A_659 = vector.shape_cast %swap3A_658 : vector<1x16xf32> to vector<16xf32>
        %swap3A_660 = vector.shape_cast %get3A_637 : vector<16xf32> to vector<1x16xf32>
        tpu.vector_store %arg11[%swap3A_656, %swap3A_657], %swap3A_660 {add = true, strides = array<i32>} : memref<800x32xf32, #tpu.memory_space<vmem>>, vector<1x16xf32>,
        %swap3A_661 = arith.index_cast %add3A_655 : i32 to index
        %swap3A_662 = arith.constant 16 : index
        %swap3A_663 = tpu.vector_load %arg11[%swap3A_661, %swap3A_662] {strides = array<i32>} : memref<800x32xf32, #tpu.memory_space<vmem>>, vector<1x16xf32>,
        %swap3A_664 = vector.shape_cast %swap3A_663 : vector<1x16xf32> to vector<16xf32>
        %swap3A_665 = vector.shape_cast %get3A_641 : vector<16xf32> to vector<1x16xf32>
        tpu.vector_store %arg11[%swap3A_661, %swap3A_662], %swap3A_665 {add = true, strides = array<i32>} : memref<800x32xf32, #tpu.memory_space<vmem>>, vector<1x16xf32>,
        %add3A_666 = arith.constant 400 : i32
        %add3A_667 = arith.addi %add3A_666, %scan3A_633 : i32
        %swap3A_668 = arith.index_cast %add3A_667 : i32 to index
        %swap3A_669 = arith.constant 0 : index
        %swap3A_670 = tpu.vector_load %arg11[%swap3A_668, %swap3A_669] {strides = array<i32>} : memref<800x32xf32, #tpu.memory_space<vmem>>, vector<1x16xf32>,
        %swap3A_671 = vector.shape_cast %swap3A_670 : vector<1x16xf32> to vector<16xf32>
        %swap3A_672 = vector.shape_cast %get3A_637 : vector<16xf32> to vector<1x16xf32>
        tpu.vector_store %arg11[%swap3A_668, %swap3A_669], %swap3A_672 {add = true, strides = array<i32>} : memref<800x32xf32, #tpu.memory_space<vmem>>, vector<1x16xf32>,
        %swap3A_673 = arith.index_cast %add3A_667 : i32 to index
        %swap3A_674 = arith.constant 16 : index
        %swap3A_675 = tpu.vector_load %arg11[%swap3A_673, %swap3A_674] {strides = array<i32>} : memref<800x32xf32, #tpu.memory_space<vmem>>, vector<1x16xf32>,
        %swap3A_676 = vector.shape_cast %swap3A_675 : vector<1x16xf32> to vector<16xf32>
        %swap3A_677 = vector.shape_cast %get3A_641 : vector<16xf32> to vector<1x16xf32>
        tpu.vector_store %arg11[%swap3A_673, %swap3A_674], %swap3A_677 {add = true, strides = array<i32>} : memref<800x32xf32, #tpu.memory_space<vmem>>, vector<1x16xf32>,
        %add3A_678 = arith.constant 600 : i32
        %add3A_679 = arith.addi %add3A_678, %scan3A_633 : i32
        %swap3A_680 = arith.index_cast %add3A_679 : i32 to index
        %swap3A_681 = arith.constant 0 : index
        %swap3A_682 = tpu.vector_load %arg11[%swap3A_680, %swap3A_681] {strides = array<i32>} : memref<800x32xf32, #tpu.memory_space<vmem>>, vector<1x16xf32>,
        %swap3A_683 = vector.shape_cast %swap3A_682 : vector<1x16xf32> to vector<16xf32>
        %swap3A_684 = vector.shape_cast %get3A_637 : vector<16xf32> to vector<1x16xf32>
        tpu.vector_store %arg11[%swap3A_680, %swap3A_681], %swap3A_684 {add = true, strides = array<i32>} : memref<800x32xf32, #tpu.memory_space<vmem>>, vector<1x16xf32>,
        %swap3A_685 = arith.index_cast %add3A_679 : i32 to index
        %swap3A_686 = arith.constant 16 : index
        %swap3A_687 = tpu.vector_load %arg11[%swap3A_685, %swap3A_686] {strides = array<i32>} : memref<800x32xf32, #tpu.memory_space<vmem>>, vector<1x16xf32>,
        %swap3A_688 = vector.shape_cast %swap3A_687 : vector<1x16xf32> to vector<16xf32>
        %swap3A_689 = vector.shape_cast %get3A_641 : vector<16xf32> to vector<1x16xf32>
        tpu.vector_store %arg11[%swap3A_685, %swap3A_686], %swap3A_689 {add = true, strides = array<i32>} : memref<800x32xf32, #tpu.memory_space<vmem>>, vector<1x16xf32>,
      }
      %scan3A_360 = arith.constant 200 : i32
      %mul3A_361 = arith.constant 800 : i32
      %mul3A_362 = arith.muli %add3A_333, %mul3A_361 : i32
      %add3A_363 = arith.addi %mul3A_2, %mul3A_362 : i32
      %dma_start3A_364 = arith.constant 0 : i32
      %dma_start3A_365 = tpu.memref_slice %arg5[%add3A_363, %dma_start3A_364] : memref<819200x32xf32, #tpu.memory_space<hbm>> -> memref<800x32xf32, #tpu.memory_space<hbm>>
      %dma_start3A_366 = arith.constant 0 : i32
      %dma_start3A_367 = tpu.memref_slice %arg5[%add3A_363, %dma_start3A_366] : memref<819200x32xf32, #tpu.memory_space<hbm>> -> memref<800x32xf32, #tpu.memory_space<hbm>>
      tpu.enqueue_dma source(%arg11 : memref<800x32xf32, #tpu.memory_space<vmem>>) target(%dma_start3A_367 : memref<800x32xf32, #tpu.memory_space<hbm>>) target_semaphore(%arg24 : memref<!tpu.dma_semaphore, #tpu.memory_space<semaphore_mem>>)
      %add3A_368 = arith.constant 4 : i32
      %add3A_369 = arith.addi %add3A_333, %add3A_368 : i32
      %mul3A_370 = arith.constant 800 : i32
      %mul3A_371 = arith.muli %add3A_369, %mul3A_370 : i32
      %add3A_372 = arith.addi %mul3A_2, %mul3A_371 : i32
      %dma_start3A_373 = tpu.memref_slice %arg2[%add3A_372] : memref<819200xi32, #tpu.memory_space<hbm>> -> memref<800xi32, #tpu.memory_space<hbm>>
      %dma_start3A_374 = tpu.memref_slice %arg2[%add3A_372] : memref<819200xi32, #tpu.memory_space<hbm>> -> memref<800xi32, #tpu.memory_space<hbm>>
      tpu.enqueue_dma source(%dma_start3A_374 : memref<800xi32, #tpu.memory_space<hbm>>) target(%arg7 : memref<800xi32, #tpu.memory_space<vmem>>) target_semaphore(%arg16 : memref<!tpu.dma_semaphore, #tpu.memory_space<semaphore_mem>>)
      %add3A_375 = arith.constant 2 : i32
      %add3A_376 = arith.addi %mul3A_288, %add3A_375 : i32
      %dma_wait3A_377 = arith.constant 0 : i32
      %dma_wait3A_378 = arith.constant 0 : i32
      %dma_wait3A_379 = tpu.memref_slice %arg5[%dma_wait3A_377, %dma_wait3A_378] : memref<819200x32xf32, #tpu.memory_space<hbm>> -> memref<800x32xf32, #tpu.memory_space<hbm>>
      %dma_wait3A_380 = arith.constant 0 : i32
      %dma_wait3A_381 = arith.constant 0 : i32
      %dma_wait3A_382 = tpu.memref_slice %arg5[%dma_wait3A_380, %dma_wait3A_381] : memref<819200x32xf32, #tpu.memory_space<hbm>> -> memref<800x32xf32, #tpu.memory_space<hbm>>
      tpu.wait_dma2 semaphore(%arg21 : memref<!tpu.dma_semaphore, #tpu.memory_space<semaphore_mem>>) src(%dma_wait3A_382 : memref<800x32xf32, #tpu.memory_space<hbm>>) dst(%arg12 : memref<800x32xf32, #tpu.memory_space<vmem>>)
      %dma_wait3A_383 = arith.constant 0 : i32
      %dma_wait3A_384 = tpu.memref_slice %arg2[%dma_wait3A_383] : memref<819200xi32, #tpu.memory_space<hbm>> -> memref<800xi32, #tpu.memory_space<hbm>>
      %dma_wait3A_385 = arith.constant 0 : i32
      %dma_wait3A_386 = tpu.memref_slice %arg2[%dma_wait3A_385] : memref<819200xi32, #tpu.memory_space<hbm>> -> memref<800xi32, #tpu.memory_space<hbm>>
      tpu.wait_dma2 semaphore(%arg18 : memref<!tpu.dma_semaphore, #tpu.memory_space<semaphore_mem>>) src(%dma_wait3A_386 : memref<800xi32, #tpu.memory_space<hbm>>) dst(%arg9 : memref<800xi32, #tpu.memory_space<vmem>>)
      %dma_wait3A_387 = arith.constant 0 : i32
      %dma_wait3A_388 = arith.constant 0 : i32
      %dma_wait3A_389 = tpu.memref_slice %arg5[%dma_wait3A_387, %dma_wait3A_388] : memref<819200x32xf32, #tpu.memory_space<hbm>> -> memref<800x32xf32, #tpu.memory_space<hbm>>
      %dma_wait3A_390 = arith.constant 0 : i32
      %dma_wait3A_391 = arith.constant 0 : i32
      %dma_wait3A_392 = tpu.memref_slice %arg5[%dma_wait3A_390, %dma_wait3A_391] : memref<819200x32xf32, #tpu.memory_space<hbm>> -> memref<800x32xf32, #tpu.memory_space<hbm>>
      tpu.wait_dma2 semaphore(%arg26 : memref<!tpu.dma_semaphore, #tpu.memory_space<semaphore_mem>>) src(%arg13 : memref<800x32xf32, #tpu.memory_space<vmem>>) dst(%dma_wait3A_392 : memref<800x32xf32, #tpu.memory_space<hbm>>)
      %add3A_393 = arith.constant 1 : i32
      %add3A_394 = arith.addi %add3A_376, %add3A_393 : i32
      %dma_start3A_395 = arith.constant 0 : i32
      %dma_start3A_396 = arith.constant 0 : i32
      %dma_start3A_397 = tpu.memref_slice %arg3[%dma_start3A_395, %dma_start3A_396] : memref<1000000x32xf32, #tpu.memory_space<hbm>> -> memref<1000000x32xf32, #tpu.memory_space<hbm>>
      tpu.enqueue_indirect_dma source(%dma_start3A_397 : memref<1000000x32xf32, #tpu.memory_space<hbm>>) target(%arg13 : memref<800x32xf32, #tpu.memory_space<vmem>>) offsets(%arg9 : memref<800xi32, #tpu.memory_space<vmem>>) semaphore(%arg22 : memref<!tpu.dma_semaphore, #tpu.memory_space<semaphore_mem>>)
      %scan3A_398 = arith.constant 0 : i32
      %scan3A_399 = arith.constant 0 : i32
      %scan3A_400 = arith.constant 200 : i32
      %scan3A_401 = arith.addi %scan3A_399, %scan3A_400 : i32
      %scan3A_402 = arith.constant 4 : i32
      scf.for %scan3A_461 = %scan3A_399 to %scan3A_401 step %scan3A_402  : i32 {
        %get3A = arith.index_cast %scan3A_461 : i32 to index
        %get3A_462 = arith.constant 0 : index
        %get3A_463 = tpu.vector_load %arg14[%get3A, %get3A_462] {strides = array<i32>} : memref<200x32xf32, #tpu.memory_space<vmem>>, vector<1x16xf32>,
        %get3A_464 = vector.shape_cast %get3A_463 : vector<1x16xf32> to vector<16xf32>
        %get3A_465 = arith.index_cast %scan3A_461 : i32 to index
        %get3A_466 = arith.constant 16 : index
        %get3A_467 = tpu.vector_load %arg14[%get3A_465, %get3A_466] {strides = array<i32>} : memref<200x32xf32, #tpu.memory_space<vmem>>, vector<1x16xf32>,
        %get3A_468 = vector.shape_cast %get3A_467 : vector<1x16xf32> to vector<16xf32>
        %add3A_469 = arith.constant 0 : i32
        %add3A_470 = arith.addi %add3A_469, %scan3A_461 : i32
        %swap3A = arith.index_cast %add3A_470 : i32 to index
        %swap3A_471 = arith.constant 0 : index
        %swap3A_472 = tpu.vector_load %arg12[%swap3A, %swap3A_471] {strides = array<i32>} : memref<800x32xf32, #tpu.memory_space<vmem>>, vector<1x16xf32>,
        %swap3A_473 = vector.shape_cast %swap3A_472 : vector<1x16xf32> to vector<16xf32>
        %swap3A_474 = vector.shape_cast %get3A_464 : vector<16xf32> to vector<1x16xf32>
        tpu.vector_store %arg12[%swap3A, %swap3A_471], %swap3A_474 {add = true, strides = array<i32>} : memref<800x32xf32, #tpu.memory_space<vmem>>, vector<1x16xf32>,
        %swap3A_475 = arith.index_cast %add3A_470 : i32 to index
        %swap3A_476 = arith.constant 16 : index
        %swap3A_477 = tpu.vector_load %arg12[%swap3A_475, %swap3A_476] {strides = array<i32>} : memref<800x32xf32, #tpu.memory_space<vmem>>, vector<1x16xf32>,
        %swap3A_478 = vector.shape_cast %swap3A_477 : vector<1x16xf32> to vector<16xf32>
        %swap3A_479 = vector.shape_cast %get3A_468 : vector<16xf32> to vector<1x16xf32>
        tpu.vector_store %arg12[%swap3A_475, %swap3A_476], %swap3A_479 {add = true, strides = array<i32>} : memref<800x32xf32, #tpu.memory_space<vmem>>, vector<1x16xf32>,
        %add3A_480 = arith.constant 200 : i32
        %add3A_481 = arith.addi %add3A_480, %scan3A_461 : i32
        %swap3A_482 = arith.index_cast %add3A_481 : i32 to index
        %swap3A_483 = arith.constant 0 : index
        %swap3A_484 = tpu.vector_load %arg12[%swap3A_482, %swap3A_483] {strides = array<i32>} : memref<800x32xf32, #tpu.memory_space<vmem>>, vector<1x16xf32>,
        %swap3A_485 = vector.shape_cast %swap3A_484 : vector<1x16xf32> to vector<16xf32>
        %swap3A_486 = vector.shape_cast %get3A_464 : vector<16xf32> to vector<1x16xf32>
        tpu.vector_store %arg12[%swap3A_482, %swap3A_483], %swap3A_486 {add = true, strides = array<i32>} : memref<800x32xf32, #tpu.memory_space<vmem>>, vector<1x16xf32>,
        %swap3A_487 = arith.index_cast %add3A_481 : i32 to index
        %swap3A_488 = arith.constant 16 : index
        %swap3A_489 = tpu.vector_load %arg12[%swap3A_487, %swap3A_488] {strides = array<i32>} : memref<800x32xf32, #tpu.memory_space<vmem>>, vector<1x16xf32>,
        %swap3A_490 = vector.shape_cast %swap3A_489 : vector<1x16xf32> to vector<16xf32>
        %swap3A_491 = vector.shape_cast %get3A_468 : vector<16xf32> to vector<1x16xf32>
        tpu.vector_store %arg12[%swap3A_487, %swap3A_488], %swap3A_491 {add = true, strides = array<i32>} : memref<800x32xf32, #tpu.memory_space<vmem>>, vector<1x16xf32>,
        %add3A_492 = arith.constant 400 : i32
        %add3A_493 = arith.addi %add3A_492, %scan3A_461 : i32
        %swap3A_494 = arith.index_cast %add3A_493 : i32 to index
        %swap3A_495 = arith.constant 0 : index
        %swap3A_496 = tpu.vector_load %arg12[%swap3A_494, %swap3A_495] {strides = array<i32>} : memref<800x32xf32, #tpu.memory_space<vmem>>, vector<1x16xf32>,
        %swap3A_497 = vector.shape_cast %swap3A_496 : vector<1x16xf32> to vector<16xf32>
        %swap3A_498 = vector.shape_cast %get3A_464 : vector<16xf32> to vector<1x16xf32>
        tpu.vector_store %arg12[%swap3A_494, %swap3A_495], %swap3A_498 {add = true, strides = array<i32>} : memref<800x32xf32, #tpu.memory_space<vmem>>, vector<1x16xf32>,
        %swap3A_499 = arith.index_cast %add3A_493 : i32 to index
        %swap3A_500 = arith.constant 16 : index
        %swap3A_501 = tpu.vector_load %arg12[%swap3A_499, %swap3A_500] {strides = array<i32>} : memref<800x32xf32, #tpu.memory_space<vmem>>, vector<1x16xf32>,
        %swap3A_502 = vector.shape_cast %swap3A_501 : vector<1x16xf32> to vector<16xf32>
        %swap3A_503 = vector.shape_cast %get3A_468 : vector<16xf32> to vector<1x16xf32>
        tpu.vector_store %arg12[%swap3A_499, %swap3A_500], %swap3A_503 {add = true, strides = array<i32>} : memref<800x32xf32, #tpu.memory_space<vmem>>, vector<1x16xf32>,
        %add3A_504 = arith.constant 600 : i32
        %add3A_505 = arith.addi %add3A_504, %scan3A_461 : i32
        %swap3A_506 = arith.index_cast %add3A_505 : i32 to index
        %swap3A_507 = arith.constant 0 : index
        %swap3A_508 = tpu.vector_load %arg12[%swap3A_506, %swap3A_507] {strides = array<i32>} : memref<800x32xf32, #tpu.memory_space<vmem>>, vector<1x16xf32>,
        %swap3A_509 = vector.shape_cast %swap3A_508 : vector<1x16xf32> to vector<16xf32>
        %swap3A_510 = vector.shape_cast %get3A_464 : vector<16xf32> to vector<1x16xf32>
        tpu.vector_store %arg12[%swap3A_506, %swap3A_507], %swap3A_510 {add = true, strides = array<i32>} : memref<800x32xf32, #tpu.memory_space<vmem>>, vector<1x16xf32>,
        %swap3A_511 = arith.index_cast %add3A_505 : i32 to index
        %swap3A_512 = arith.constant 16 : index
        %swap3A_513 = tpu.vector_load %arg12[%swap3A_511, %swap3A_512] {strides = array<i32>} : memref<800x32xf32, #tpu.memory_space<vmem>>, vector<1x16xf32>,
        %swap3A_514 = vector.shape_cast %swap3A_513 : vector<1x16xf32> to vector<16xf32>
        %swap3A_515 = vector.shape_cast %get3A_468 : vector<16xf32> to vector<1x16xf32>
        tpu.vector_store %arg12[%swap3A_511, %swap3A_512], %swap3A_515 {add = true, strides = array<i32>} : memref<800x32xf32, #tpu.memory_space<vmem>>, vector<1x16xf32>,
        %scan3A_516 = arith.constant 1 : i32
        %scan3A_517 = arith.addi %scan3A_461, %scan3A_516 : i32
        %get3A_518 = arith.index_cast %scan3A_517 : i32 to index
        %get3A_519 = arith.constant 0 : index
        %get3A_520 = tpu.vector_load %arg14[%get3A_518, %get3A_519] {strides = array<i32>} : memref<200x32xf32, #tpu.memory_space<vmem>>, vector<1x16xf32>,
        %get3A_521 = vector.shape_cast %get3A_520 : vector<1x16xf32> to vector<16xf32>
        %get3A_522 = arith.index_cast %scan3A_517 : i32 to index
        %get3A_523 = arith.constant 16 : index
        %get3A_524 = tpu.vector_load %arg14[%get3A_522, %get3A_523] {strides = array<i32>} : memref<200x32xf32, #tpu.memory_space<vmem>>, vector<1x16xf32>,
        %get3A_525 = vector.shape_cast %get3A_524 : vector<1x16xf32> to vector<16xf32>
        %add3A_526 = arith.constant 0 : i32
        %add3A_527 = arith.addi %add3A_526, %scan3A_517 : i32
        %swap3A_528 = arith.index_cast %add3A_527 : i32 to index
        %swap3A_529 = arith.constant 0 : index
        %swap3A_530 = tpu.vector_load %arg12[%swap3A_528, %swap3A_529] {strides = array<i32>} : memref<800x32xf32, #tpu.memory_space<vmem>>, vector<1x16xf32>,
        %swap3A_531 = vector.shape_cast %swap3A_530 : vector<1x16xf32> to vector<16xf32>
        %swap3A_532 = vector.shape_cast %get3A_521 : vector<16xf32> to vector<1x16xf32>
        tpu.vector_store %arg12[%swap3A_528, %swap3A_529], %swap3A_532 {add = true, strides = array<i32>} : memref<800x32xf32, #tpu.memory_space<vmem>>, vector<1x16xf32>,
        %swap3A_533 = arith.index_cast %add3A_527 : i32 to index
        %swap3A_534 = arith.constant 16 : index
        %swap3A_535 = tpu.vector_load %arg12[%swap3A_533, %swap3A_534] {strides = array<i32>} : memref<800x32xf32, #tpu.memory_space<vmem>>, vector<1x16xf32>,
        %swap3A_536 = vector.shape_cast %swap3A_535 : vector<1x16xf32> to vector<16xf32>
        %swap3A_537 = vector.shape_cast %get3A_525 : vector<16xf32> to vector<1x16xf32>
        tpu.vector_store %arg12[%swap3A_533, %swap3A_534], %swap3A_537 {add = true, strides = array<i32>} : memref<800x32xf32, #tpu.memory_space<vmem>>, vector<1x16xf32>,
        %add3A_538 = arith.constant 200 : i32
        %add3A_539 = arith.addi %add3A_538, %scan3A_517 : i32
        %swap3A_540 = arith.index_cast %add3A_539 : i32 to index
        %swap3A_541 = arith.constant 0 : index
        %swap3A_542 = tpu.vector_load %arg12[%swap3A_540, %swap3A_541] {strides = array<i32>} : memref<800x32xf32, #tpu.memory_space<vmem>>, vector<1x16xf32>,
        %swap3A_543 = vector.shape_cast %swap3A_542 : vector<1x16xf32> to vector<16xf32>
        %swap3A_544 = vector.shape_cast %get3A_521 : vector<16xf32> to vector<1x16xf32>
        tpu.vector_store %arg12[%swap3A_540, %swap3A_541], %swap3A_544 {add = true, strides = array<i32>} : memref<800x32xf32, #tpu.memory_space<vmem>>, vector<1x16xf32>,
        %swap3A_545 = arith.index_cast %add3A_539 : i32 to index
        %swap3A_546 = arith.constant 16 : index
        %swap3A_547 = tpu.vector_load %arg12[%swap3A_545, %swap3A_546] {strides = array<i32>} : memref<800x32xf32, #tpu.memory_space<vmem>>, vector<1x16xf32>,
        %swap3A_548 = vector.shape_cast %swap3A_547 : vector<1x16xf32> to vector<16xf32>
        %swap3A_549 = vector.shape_cast %get3A_525 : vector<16xf32> to vector<1x16xf32>
        tpu.vector_store %arg12[%swap3A_545, %swap3A_546], %swap3A_549 {add = true, strides = array<i32>} : memref<800x32xf32, #tpu.memory_space<vmem>>, vector<1x16xf32>,
        %add3A_550 = arith.constant 400 : i32
        %add3A_551 = arith.addi %add3A_550, %scan3A_517 : i32
        %swap3A_552 = arith.index_cast %add3A_551 : i32 to index
        %swap3A_553 = arith.constant 0 : index
        %swap3A_554 = tpu.vector_load %arg12[%swap3A_552, %swap3A_553] {strides = array<i32>} : memref<800x32xf32, #tpu.memory_space<vmem>>, vector<1x16xf32>,
        %swap3A_555 = vector.shape_cast %swap3A_554 : vector<1x16xf32> to vector<16xf32>
        %swap3A_556 = vector.shape_cast %get3A_521 : vector<16xf32> to vector<1x16xf32>
        tpu.vector_store %arg12[%swap3A_552, %swap3A_553], %swap3A_556 {add = true, strides = array<i32>} : memref<800x32xf32, #tpu.memory_space<vmem>>, vector<1x16xf32>,
        %swap3A_557 = arith.index_cast %add3A_551 : i32 to index
        %swap3A_558 = arith.constant 16 : index
        %swap3A_559 = tpu.vector_load %arg12[%swap3A_557, %swap3A_558] {strides = array<i32>} : memref<800x32xf32, #tpu.memory_space<vmem>>, vector<1x16xf32>,
        %swap3A_560 = vector.shape_cast %swap3A_559 : vector<1x16xf32> to vector<16xf32>
        %swap3A_561 = vector.shape_cast %get3A_525 : vector<16xf32> to vector<1x16xf32>
        tpu.vector_store %arg12[%swap3A_557, %swap3A_558], %swap3A_561 {add = true, strides = array<i32>} : memref<800x32xf32, #tpu.memory_space<vmem>>, vector<1x16xf32>,
        %add3A_562 = arith.constant 600 : i32
        %add3A_563 = arith.addi %add3A_562, %scan3A_517 : i32
        %swap3A_564 = arith.index_cast %add3A_563 : i32 to index
        %swap3A_565 = arith.constant 0 : index
        %swap3A_566 = tpu.vector_load %arg12[%swap3A_564, %swap3A_565] {strides = array<i32>} : memref<800x32xf32, #tpu.memory_space<vmem>>, vector<1x16xf32>,
        %swap3A_567 = vector.shape_cast %swap3A_566 : vector<1x16xf32> to vector<16xf32>
        %swap3A_568 = vector.shape_cast %get3A_521 : vector<16xf32> to vector<1x16xf32>
        tpu.vector_store %arg12[%swap3A_564, %swap3A_565], %swap3A_568 {add = true, strides = array<i32>} : memref<800x32xf32, #tpu.memory_space<vmem>>, vector<1x16xf32>,
        %swap3A_569 = arith.index_cast %add3A_563 : i32 to index
        %swap3A_570 = arith.constant 16 : index
        %swap3A_571 = tpu.vector_load %arg12[%swap3A_569, %swap3A_570] {strides = array<i32>} : memref<800x32xf32, #tpu.memory_space<vmem>>, vector<1x16xf32>,
        %swap3A_572 = vector.shape_cast %swap3A_571 : vector<1x16xf32> to vector<16xf32>
        %swap3A_573 = vector.shape_cast %get3A_525 : vector<16xf32> to vector<1x16xf32>
        tpu.vector_store %arg12[%swap3A_569, %swap3A_570], %swap3A_573 {add = true, strides = array<i32>} : memref<800x32xf32, #tpu.memory_space<vmem>>, vector<1x16xf32>,
        %scan3A_574 = arith.constant 2 : i32
        %scan3A_575 = arith.addi %scan3A_461, %scan3A_574 : i32
        %get3A_576 = arith.index_cast %scan3A_575 : i32 to index
        %get3A_577 = arith.constant 0 : index
        %get3A_578 = tpu.vector_load %arg14[%get3A_576, %get3A_577] {strides = array<i32>} : memref<200x32xf32, #tpu.memory_space<vmem>>, vector<1x16xf32>,
        %get3A_579 = vector.shape_cast %get3A_578 : vector<1x16xf32> to vector<16xf32>
        %get3A_580 = arith.index_cast %scan3A_575 : i32 to index
        %get3A_581 = arith.constant 16 : index
        %get3A_582 = tpu.vector_load %arg14[%get3A_580, %get3A_581] {strides = array<i32>} : memref<200x32xf32, #tpu.memory_space<vmem>>, vector<1x16xf32>,
        %get3A_583 = vector.shape_cast %get3A_582 : vector<1x16xf32> to vector<16xf32>
        %add3A_584 = arith.constant 0 : i32
        %add3A_585 = arith.addi %add3A_584, %scan3A_575 : i32
        %swap3A_586 = arith.index_cast %add3A_585 : i32 to index
        %swap3A_587 = arith.constant 0 : index
        %swap3A_588 = tpu.vector_load %arg12[%swap3A_586, %swap3A_587] {strides = array<i32>} : memref<800x32xf32, #tpu.memory_space<vmem>>, vector<1x16xf32>,
        %swap3A_589 = vector.shape_cast %swap3A_588 : vector<1x16xf32> to vector<16xf32>
        %swap3A_590 = vector.shape_cast %get3A_579 : vector<16xf32> to vector<1x16xf32>
        tpu.vector_store %arg12[%swap3A_586, %swap3A_587], %swap3A_590 {add = true, strides = array<i32>} : memref<800x32xf32, #tpu.memory_space<vmem>>, vector<1x16xf32>,
        %swap3A_591 = arith.index_cast %add3A_585 : i32 to index
        %swap3A_592 = arith.constant 16 : index
        %swap3A_593 = tpu.vector_load %arg12[%swap3A_591, %swap3A_592] {strides = array<i32>} : memref<800x32xf32, #tpu.memory_space<vmem>>, vector<1x16xf32>,
        %swap3A_594 = vector.shape_cast %swap3A_593 : vector<1x16xf32> to vector<16xf32>
        %swap3A_595 = vector.shape_cast %get3A_583 : vector<16xf32> to vector<1x16xf32>
        tpu.vector_store %arg12[%swap3A_591, %swap3A_592], %swap3A_595 {add = true, strides = array<i32>} : memref<800x32xf32, #tpu.memory_space<vmem>>, vector<1x16xf32>,
        %add3A_596 = arith.constant 200 : i32
        %add3A_597 = arith.addi %add3A_596, %scan3A_575 : i32
        %swap3A_598 = arith.index_cast %add3A_597 : i32 to index
        %swap3A_599 = arith.constant 0 : index
        %swap3A_600 = tpu.vector_load %arg12[%swap3A_598, %swap3A_599] {strides = array<i32>} : memref<800x32xf32, #tpu.memory_space<vmem>>, vector<1x16xf32>,
        %swap3A_601 = vector.shape_cast %swap3A_600 : vector<1x16xf32> to vector<16xf32>
        %swap3A_602 = vector.shape_cast %get3A_579 : vector<16xf32> to vector<1x16xf32>
        tpu.vector_store %arg12[%swap3A_598, %swap3A_599], %swap3A_602 {add = true, strides = array<i32>} : memref<800x32xf32, #tpu.memory_space<vmem>>, vector<1x16xf32>,
        %swap3A_603 = arith.index_cast %add3A_597 : i32 to index
        %swap3A_604 = arith.constant 16 : index
        %swap3A_605 = tpu.vector_load %arg12[%swap3A_603, %swap3A_604] {strides = array<i32>} : memref<800x32xf32, #tpu.memory_space<vmem>>, vector<1x16xf32>,
        %swap3A_606 = vector.shape_cast %swap3A_605 : vector<1x16xf32> to vector<16xf32>
        %swap3A_607 = vector.shape_cast %get3A_583 : vector<16xf32> to vector<1x16xf32>
        tpu.vector_store %arg12[%swap3A_603, %swap3A_604], %swap3A_607 {add = true, strides = array<i32>} : memref<800x32xf32, #tpu.memory_space<vmem>>, vector<1x16xf32>,
        %add3A_608 = arith.constant 400 : i32
        %add3A_609 = arith.addi %add3A_608, %scan3A_575 : i32
        %swap3A_610 = arith.index_cast %add3A_609 : i32 to index
        %swap3A_611 = arith.constant 0 : index
        %swap3A_612 = tpu.vector_load %arg12[%swap3A_610, %swap3A_611] {strides = array<i32>} : memref<800x32xf32, #tpu.memory_space<vmem>>, vector<1x16xf32>,
        %swap3A_613 = vector.shape_cast %swap3A_612 : vector<1x16xf32> to vector<16xf32>
        %swap3A_614 = vector.shape_cast %get3A_579 : vector<16xf32> to vector<1x16xf32>
        tpu.vector_store %arg12[%swap3A_610, %swap3A_611], %swap3A_614 {add = true, strides = array<i32>} : memref<800x32xf32, #tpu.memory_space<vmem>>, vector<1x16xf32>,
        %swap3A_615 = arith.index_cast %add3A_609 : i32 to index
        %swap3A_616 = arith.constant 16 : index
        %swap3A_617 = tpu.vector_load %arg12[%swap3A_615, %swap3A_616] {strides = array<i32>} : memref<800x32xf32, #tpu.memory_space<vmem>>, vector<1x16xf32>,
        %swap3A_618 = vector.shape_cast %swap3A_617 : vector<1x16xf32> to vector<16xf32>
        %swap3A_619 = vector.shape_cast %get3A_583 : vector<16xf32> to vector<1x16xf32>
        tpu.vector_store %arg12[%swap3A_615, %swap3A_616], %swap3A_619 {add = true, strides = array<i32>} : memref<800x32xf32, #tpu.memory_space<vmem>>, vector<1x16xf32>,
        %add3A_620 = arith.constant 600 : i32
        %add3A_621 = arith.addi %add3A_620, %scan3A_575 : i32
        %swap3A_622 = arith.index_cast %add3A_621 : i32 to index
        %swap3A_623 = arith.constant 0 : index
        %swap3A_624 = tpu.vector_load %arg12[%swap3A_622, %swap3A_623] {strides = array<i32>} : memref<800x32xf32, #tpu.memory_space<vmem>>, vector<1x16xf32>,
        %swap3A_625 = vector.shape_cast %swap3A_624 : vector<1x16xf32> to vector<16xf32>
        %swap3A_626 = vector.shape_cast %get3A_579 : vector<16xf32> to vector<1x16xf32>
        tpu.vector_store %arg12[%swap3A_622, %swap3A_623], %swap3A_626 {add = true, strides = array<i32>} : memref<800x32xf32, #tpu.memory_space<vmem>>, vector<1x16xf32>,
        %swap3A_627 = arith.index_cast %add3A_621 : i32 to index
        %swap3A_628 = arith.constant 16 : index
        %swap3A_629 = tpu.vector_load %arg12[%swap3A_627, %swap3A_628] {strides = array<i32>} : memref<800x32xf32, #tpu.memory_space<vmem>>, vector<1x16xf32>,
        %swap3A_630 = vector.shape_cast %swap3A_629 : vector<1x16xf32> to vector<16xf32>
        %swap3A_631 = vector.shape_cast %get3A_583 : vector<16xf32> to vector<1x16xf32>
        tpu.vector_store %arg12[%swap3A_627, %swap3A_628], %swap3A_631 {add = true, strides = array<i32>} : memref<800x32xf32, #tpu.memory_space<vmem>>, vector<1x16xf32>,
        %scan3A_632 = arith.constant 3 : i32
        %scan3A_633 = arith.addi %scan3A_461, %scan3A_632 : i32
        %get3A_634 = arith.index_cast %scan3A_633 : i32 to index
        %get3A_635 = arith.constant 0 : index
        %get3A_636 = tpu.vector_load %arg14[%get3A_634, %get3A_635] {strides = array<i32>} : memref<200x32xf32, #tpu.memory_space<vmem>>, vector<1x16xf32>,
        %get3A_637 = vector.shape_cast %get3A_636 : vector<1x16xf32> to vector<16xf32>
        %get3A_638 = arith.index_cast %scan3A_633 : i32 to index
        %get3A_639 = arith.constant 16 : index
        %get3A_640 = tpu.vector_load %arg14[%get3A_638, %get3A_639] {strides = array<i32>} : memref<200x32xf32, #tpu.memory_space<vmem>>, vector<1x16xf32>,
        %get3A_641 = vector.shape_cast %get3A_640 : vector<1x16xf32> to vector<16xf32>
        %add3A_642 = arith.constant 0 : i32
        %add3A_643 = arith.addi %add3A_642, %scan3A_633 : i32
        %swap3A_644 = arith.index_cast %add3A_643 : i32 to index
        %swap3A_645 = arith.constant 0 : index
        %swap3A_646 = tpu.vector_load %arg12[%swap3A_644, %swap3A_645] {strides = array<i32>} : memref<800x32xf32, #tpu.memory_space<vmem>>, vector<1x16xf32>,
        %swap3A_647 = vector.shape_cast %swap3A_646 : vector<1x16xf32> to vector<16xf32>
        %swap3A_648 = vector.shape_cast %get3A_637 : vector<16xf32> to vector<1x16xf32>
        tpu.vector_store %arg12[%swap3A_644, %swap3A_645], %swap3A_648 {add = true, strides = array<i32>} : memref<800x32xf32, #tpu.memory_space<vmem>>, vector<1x16xf32>,
        %swap3A_649 = arith.index_cast %add3A_643 : i32 to index
        %swap3A_650 = arith.constant 16 : index
        %swap3A_651 = tpu.vector_load %arg12[%swap3A_649, %swap3A_650] {strides = array<i32>} : memref<800x32xf32, #tpu.memory_space<vmem>>, vector<1x16xf32>,
        %swap3A_652 = vector.shape_cast %swap3A_651 : vector<1x16xf32> to vector<16xf32>
        %swap3A_653 = vector.shape_cast %get3A_641 : vector<16xf32> to vector<1x16xf32>
        tpu.vector_store %arg12[%swap3A_649, %swap3A_650], %swap3A_653 {add = true, strides = array<i32>} : memref<800x32xf32, #tpu.memory_space<vmem>>, vector<1x16xf32>,
        %add3A_654 = arith.constant 200 : i32
        %add3A_655 = arith.addi %add3A_654, %scan3A_633 : i32
        %swap3A_656 = arith.index_cast %add3A_655 : i32 to index
        %swap3A_657 = arith.constant 0 : index
        %swap3A_658 = tpu.vector_load %arg12[%swap3A_656, %swap3A_657] {strides = array<i32>} : memref<800x32xf32, #tpu.memory_space<vmem>>, vector<1x16xf32>,
        %swap3A_659 = vector.shape_cast %swap3A_658 : vector<1x16xf32> to vector<16xf32>
        %swap3A_660 = vector.shape_cast %get3A_637 : vector<16xf32> to vector<1x16xf32>
        tpu.vector_store %arg12[%swap3A_656, %swap3A_657], %swap3A_660 {add = true, strides = array<i32>} : memref<800x32xf32, #tpu.memory_space<vmem>>, vector<1x16xf32>,
        %swap3A_661 = arith.index_cast %add3A_655 : i32 to index
        %swap3A_662 = arith.constant 16 : index
        %swap3A_663 = tpu.vector_load %arg12[%swap3A_661, %swap3A_662] {strides = array<i32>} : memref<800x32xf32, #tpu.memory_space<vmem>>, vector<1x16xf32>,
        %swap3A_664 = vector.shape_cast %swap3A_663 : vector<1x16xf32> to vector<16xf32>
        %swap3A_665 = vector.shape_cast %get3A_641 : vector<16xf32> to vector<1x16xf32>
        tpu.vector_store %arg12[%swap3A_661, %swap3A_662], %swap3A_665 {add = true, strides = array<i32>} : memref<800x32xf32, #tpu.memory_space<vmem>>, vector<1x16xf32>,
        %add3A_666 = arith.constant 400 : i32
        %add3A_667 = arith.addi %add3A_666, %scan3A_633 : i32
        %swap3A_668 = arith.index_cast %add3A_667 : i32 to index
        %swap3A_669 = arith.constant 0 : index
        %swap3A_670 = tpu.vector_load %arg12[%swap3A_668, %swap3A_669] {strides = array<i32>} : memref<800x32xf32, #tpu.memory_space<vmem>>, vector<1x16xf32>,
        %swap3A_671 = vector.shape_cast %swap3A_670 : vector<1x16xf32> to vector<16xf32>
        %swap3A_672 = vector.shape_cast %get3A_637 : vector<16xf32> to vector<1x16xf32>
        tpu.vector_store %arg12[%swap3A_668, %swap3A_669], %swap3A_672 {add = true, strides = array<i32>} : memref<800x32xf32, #tpu.memory_space<vmem>>, vector<1x16xf32>,
        %swap3A_673 = arith.index_cast %add3A_667 : i32 to index
        %swap3A_674 = arith.constant 16 : index
        %swap3A_675 = tpu.vector_load %arg12[%swap3A_673, %swap3A_674] {strides = array<i32>} : memref<800x32xf32, #tpu.memory_space<vmem>>, vector<1x16xf32>,
        %swap3A_676 = vector.shape_cast %swap3A_675 : vector<1x16xf32> to vector<16xf32>
        %swap3A_677 = vector.shape_cast %get3A_641 : vector<16xf32> to vector<1x16xf32>
        tpu.vector_store %arg12[%swap3A_673, %swap3A_674], %swap3A_677 {add = true, strides = array<i32>} : memref<800x32xf32, #tpu.memory_space<vmem>>, vector<1x16xf32>,
        %add3A_678 = arith.constant 600 : i32
        %add3A_679 = arith.addi %add3A_678, %scan3A_633 : i32
        %swap3A_680 = arith.index_cast %add3A_679 : i32 to index
        %swap3A_681 = arith.constant 0 : index
        %swap3A_682 = tpu.vector_load %arg12[%swap3A_680, %swap3A_681] {strides = array<i32>} : memref<800x32xf32, #tpu.memory_space<vmem>>, vector<1x16xf32>,
        %swap3A_683 = vector.shape_cast %swap3A_682 : vector<1x16xf32> to vector<16xf32>
        %swap3A_684 = vector.shape_cast %get3A_637 : vector<16xf32> to vector<1x16xf32>
        tpu.vector_store %arg12[%swap3A_680, %swap3A_681], %swap3A_684 {add = true, strides = array<i32>} : memref<800x32xf32, #tpu.memory_space<vmem>>, vector<1x16xf32>,
        %swap3A_685 = arith.index_cast %add3A_679 : i32 to index
        %swap3A_686 = arith.constant 16 : index
        %swap3A_687 = tpu.vector_load %arg12[%swap3A_685, %swap3A_686] {strides = array<i32>} : memref<800x32xf32, #tpu.memory_space<vmem>>, vector<1x16xf32>,
        %swap3A_688 = vector.shape_cast %swap3A_687 : vector<1x16xf32> to vector<16xf32>
        %swap3A_689 = vector.shape_cast %get3A_641 : vector<16xf32> to vector<1x16xf32>
        tpu.vector_store %arg12[%swap3A_685, %swap3A_686], %swap3A_689 {add = true, strides = array<i32>} : memref<800x32xf32, #tpu.memory_space<vmem>>, vector<1x16xf32>,
      }
      %scan3A_403 = arith.constant 200 : i32
      %mul3A_404 = arith.constant 800 : i32
      %mul3A_405 = arith.muli %add3A_376, %mul3A_404 : i32
      %add3A_406 = arith.addi %mul3A_2, %mul3A_405 : i32
      %dma_start3A_407 = arith.constant 0 : i32
      %dma_start3A_408 = tpu.memref_slice %arg5[%add3A_406, %dma_start3A_407] : memref<819200x32xf32, #tpu.memory_space<hbm>> -> memref<800x32xf32, #tpu.memory_space<hbm>>
      %dma_start3A_409 = arith.constant 0 : i32
      %dma_start3A_410 = tpu.memref_slice %arg5[%add3A_406, %dma_start3A_409] : memref<819200x32xf32, #tpu.memory_space<hbm>> -> memref<800x32xf32, #tpu.memory_space<hbm>>
      tpu.enqueue_dma source(%arg12 : memref<800x32xf32, #tpu.memory_space<vmem>>) target(%dma_start3A_410 : memref<800x32xf32, #tpu.memory_space<hbm>>) target_semaphore(%arg25 : memref<!tpu.dma_semaphore, #tpu.memory_space<semaphore_mem>>)
      %add3A_411 = arith.constant 4 : i32
      %add3A_412 = arith.addi %add3A_376, %add3A_411 : i32
      %mul3A_413 = arith.constant 800 : i32
      %mul3A_414 = arith.muli %add3A_412, %mul3A_413 : i32
      %add3A_415 = arith.addi %mul3A_2, %mul3A_414 : i32
      %dma_start3A_416 = tpu.memref_slice %arg2[%add3A_415] : memref<819200xi32, #tpu.memory_space<hbm>> -> memref<800xi32, #tpu.memory_space<hbm>>
      %dma_start3A_417 = tpu.memref_slice %arg2[%add3A_415] : memref<819200xi32, #tpu.memory_space<hbm>> -> memref<800xi32, #tpu.memory_space<hbm>>
      tpu.enqueue_dma source(%dma_start3A_417 : memref<800xi32, #tpu.memory_space<hbm>>) target(%arg8 : memref<800xi32, #tpu.memory_space<vmem>>) target_semaphore(%arg17 : memref<!tpu.dma_semaphore, #tpu.memory_space<semaphore_mem>>)
      %add3A_418 = arith.constant 3 : i32
      %add3A_419 = arith.addi %mul3A_288, %add3A_418 : i32
      %dma_wait3A_420 = arith.constant 0 : i32
      %dma_wait3A_421 = arith.constant 0 : i32
      %dma_wait3A_422 = tpu.memref_slice %arg5[%dma_wait3A_420, %dma_wait3A_421] : memref<819200x32xf32, #tpu.memory_space<hbm>> -> memref<800x32xf32, #tpu.memory_space<hbm>>
      %dma_wait3A_423 = arith.constant 0 : i32
      %dma_wait3A_424 = arith.constant 0 : i32
      %dma_wait3A_425 = tpu.memref_slice %arg5[%dma_wait3A_423, %dma_wait3A_424] : memref<819200x32xf32, #tpu.memory_space<hbm>> -> memref<800x32xf32, #tpu.memory_space<hbm>>
      tpu.wait_dma2 semaphore(%arg22 : memref<!tpu.dma_semaphore, #tpu.memory_space<semaphore_mem>>) src(%dma_wait3A_425 : memref<800x32xf32, #tpu.memory_space<hbm>>) dst(%arg13 : memref<800x32xf32, #tpu.memory_space<vmem>>)
      %dma_wait3A_426 = arith.constant 0 : i32
      %dma_wait3A_427 = tpu.memref_slice %arg2[%dma_wait3A_426] : memref<819200xi32, #tpu.memory_space<hbm>> -> memref<800xi32, #tpu.memory_space<hbm>>
      %dma_wait3A_428 = arith.constant 0 : i32
      %dma_wait3A_429 = tpu.memref_slice %arg2[%dma_wait3A_428] : memref<819200xi32, #tpu.memory_space<hbm>> -> memref<800xi32, #tpu.memory_space<hbm>>
      tpu.wait_dma2 semaphore(%arg15 : memref<!tpu.dma_semaphore, #tpu.memory_space<semaphore_mem>>) src(%dma_wait3A_429 : memref<800xi32, #tpu.memory_space<hbm>>) dst(%arg6 : memref<800xi32, #tpu.memory_space<vmem>>)
      %dma_wait3A_430 = arith.constant 0 : i32
      %dma_wait3A_431 = arith.constant 0 : i32
      %dma_wait3A_432 = tpu.memref_slice %arg5[%dma_wait3A_430, %dma_wait3A_431] : memref<819200x32xf32, #tpu.memory_space<hbm>> -> memref<800x32xf32, #tpu.memory_space<hbm>>
      %dma_wait3A_433 = arith.constant 0 : i32
      %dma_wait3A_434 = arith.constant 0 : i32
      %dma_wait3A_435 = tpu.memref_slice %arg5[%dma_wait3A_433, %dma_wait3A_434] : memref<819200x32xf32, #tpu.memory_space<hbm>> -> memref<800x32xf32, #tpu.memory_space<hbm>>
      tpu.wait_dma2 semaphore(%arg23 : memref<!tpu.dma_semaphore, #tpu.memory_space<semaphore_mem>>) src(%arg10 : memref<800x32xf32, #tpu.memory_space<vmem>>) dst(%dma_wait3A_435 : memref<800x32xf32, #tpu.memory_space<hbm>>)
      %add3A_436 = arith.constant 1 : i32
      %add3A_437 = arith.addi %add3A_419, %add3A_436 : i32
      %dma_start3A_438 = arith.constant 0 : i32
      %dma_start3A_439 = arith.constant 0 : i32
      %dma_start3A_440 = tpu.memref_slice %arg3[%dma_start3A_438, %dma_start3A_439] : memref<1000000x32xf32, #tpu.memory_space<hbm>> -> memref<1000000x32xf32, #tpu.memory_space<hbm>>
      tpu.enqueue_indirect_dma source(%dma_start3A_440 : memref<1000000x32xf32, #tpu.memory_space<hbm>>) target(%arg10 : memref<800x32xf32, #tpu.memory_space<vmem>>) offsets(%arg6 : memref<800xi32, #tpu.memory_space<vmem>>) semaphore(%arg19 : memref<!tpu.dma_semaphore, #tpu.memory_space<semaphore_mem>>)
      %scan3A_441 = arith.constant 0 : i32
      %scan3A_442 = arith.constant 0 : i32
      %scan3A_443 = arith.constant 200 : i32
      %scan3A_444 = arith.addi %scan3A_442, %scan3A_443 : i32
      %scan3A_445 = arith.constant 4 : i32
      scf.for %scan3A_461 = %scan3A_442 to %scan3A_444 step %scan3A_445  : i32 {
        %get3A = arith.index_cast %scan3A_461 : i32 to index
        %get3A_462 = arith.constant 0 : index
        %get3A_463 = tpu.vector_load %arg14[%get3A, %get3A_462] {strides = array<i32>} : memref<200x32xf32, #tpu.memory_space<vmem>>, vector<1x16xf32>,
        %get3A_464 = vector.shape_cast %get3A_463 : vector<1x16xf32> to vector<16xf32>
        %get3A_465 = arith.index_cast %scan3A_461 : i32 to index
        %get3A_466 = arith.constant 16 : index
        %get3A_467 = tpu.vector_load %arg14[%get3A_465, %get3A_466] {strides = array<i32>} : memref<200x32xf32, #tpu.memory_space<vmem>>, vector<1x16xf32>,
        %get3A_468 = vector.shape_cast %get3A_467 : vector<1x16xf32> to vector<16xf32>
        %add3A_469 = arith.constant 0 : i32
        %add3A_470 = arith.addi %add3A_469, %scan3A_461 : i32
        %swap3A = arith.index_cast %add3A_470 : i32 to index
        %swap3A_471 = arith.constant 0 : index
        %swap3A_472 = tpu.vector_load %arg13[%swap3A, %swap3A_471] {strides = array<i32>} : memref<800x32xf32, #tpu.memory_space<vmem>>, vector<1x16xf32>,
        %swap3A_473 = vector.shape_cast %swap3A_472 : vector<1x16xf32> to vector<16xf32>
        %swap3A_474 = vector.shape_cast %get3A_464 : vector<16xf32> to vector<1x16xf32>
        tpu.vector_store %arg13[%swap3A, %swap3A_471], %swap3A_474 {add = true, strides = array<i32>} : memref<800x32xf32, #tpu.memory_space<vmem>>, vector<1x16xf32>,
        %swap3A_475 = arith.index_cast %add3A_470 : i32 to index
        %swap3A_476 = arith.constant 16 : index
        %swap3A_477 = tpu.vector_load %arg13[%swap3A_475, %swap3A_476] {strides = array<i32>} : memref<800x32xf32, #tpu.memory_space<vmem>>, vector<1x16xf32>,
        %swap3A_478 = vector.shape_cast %swap3A_477 : vector<1x16xf32> to vector<16xf32>
        %swap3A_479 = vector.shape_cast %get3A_468 : vector<16xf32> to vector<1x16xf32>
        tpu.vector_store %arg13[%swap3A_475, %swap3A_476], %swap3A_479 {add = true, strides = array<i32>} : memref<800x32xf32, #tpu.memory_space<vmem>>, vector<1x16xf32>,
        %add3A_480 = arith.constant 200 : i32
        %add3A_481 = arith.addi %add3A_480, %scan3A_461 : i32
        %swap3A_482 = arith.index_cast %add3A_481 : i32 to index
        %swap3A_483 = arith.constant 0 : index
        %swap3A_484 = tpu.vector_load %arg13[%swap3A_482, %swap3A_483] {strides = array<i32>} : memref<800x32xf32, #tpu.memory_space<vmem>>, vector<1x16xf32>,
        %swap3A_485 = vector.shape_cast %swap3A_484 : vector<1x16xf32> to vector<16xf32>
        %swap3A_486 = vector.shape_cast %get3A_464 : vector<16xf32> to vector<1x16xf32>
        tpu.vector_store %arg13[%swap3A_482, %swap3A_483], %swap3A_486 {add = true, strides = array<i32>} : memref<800x32xf32, #tpu.memory_space<vmem>>, vector<1x16xf32>,
        %swap3A_487 = arith.index_cast %add3A_481 : i32 to index
        %swap3A_488 = arith.constant 16 : index
        %swap3A_489 = tpu.vector_load %arg13[%swap3A_487, %swap3A_488] {strides = array<i32>} : memref<800x32xf32, #tpu.memory_space<vmem>>, vector<1x16xf32>,
        %swap3A_490 = vector.shape_cast %swap3A_489 : vector<1x16xf32> to vector<16xf32>
        %swap3A_491 = vector.shape_cast %get3A_468 : vector<16xf32> to vector<1x16xf32>
        tpu.vector_store %arg13[%swap3A_487, %swap3A_488], %swap3A_491 {add = true, strides = array<i32>} : memref<800x32xf32, #tpu.memory_space<vmem>>, vector<1x16xf32>,
        %add3A_492 = arith.constant 400 : i32
        %add3A_493 = arith.addi %add3A_492, %scan3A_461 : i32
        %swap3A_494 = arith.index_cast %add3A_493 : i32 to index
        %swap3A_495 = arith.constant 0 : index
        %swap3A_496 = tpu.vector_load %arg13[%swap3A_494, %swap3A_495] {strides = array<i32>} : memref<800x32xf32, #tpu.memory_space<vmem>>, vector<1x16xf32>,
        %swap3A_497 = vector.shape_cast %swap3A_496 : vector<1x16xf32> to vector<16xf32>
        %swap3A_498 = vector.shape_cast %get3A_464 : vector<16xf32> to vector<1x16xf32>
        tpu.vector_store %arg13[%swap3A_494, %swap3A_495], %swap3A_498 {add = true, strides = array<i32>} : memref<800x32xf32, #tpu.memory_space<vmem>>, vector<1x16xf32>,
        %swap3A_499 = arith.index_cast %add3A_493 : i32 to index
        %swap3A_500 = arith.constant 16 : index
        %swap3A_501 = tpu.vector_load %arg13[%swap3A_499, %swap3A_500] {strides = array<i32>} : memref<800x32xf32, #tpu.memory_space<vmem>>, vector<1x16xf32>,
        %swap3A_502 = vector.shape_cast %swap3A_501 : vector<1x16xf32> to vector<16xf32>
        %swap3A_503 = vector.shape_cast %get3A_468 : vector<16xf32> to vector<1x16xf32>
        tpu.vector_store %arg13[%swap3A_499, %swap3A_500], %swap3A_503 {add = true, strides = array<i32>} : memref<800x32xf32, #tpu.memory_space<vmem>>, vector<1x16xf32>,
        %add3A_504 = arith.constant 600 : i32
        %add3A_505 = arith.addi %add3A_504, %scan3A_461 : i32
        %swap3A_506 = arith.index_cast %add3A_505 : i32 to index
        %swap3A_507 = arith.constant 0 : index
        %swap3A_508 = tpu.vector_load %arg13[%swap3A_506, %swap3A_507] {strides = array<i32>} : memref<800x32xf32, #tpu.memory_space<vmem>>, vector<1x16xf32>,
        %swap3A_509 = vector.shape_cast %swap3A_508 : vector<1x16xf32> to vector<16xf32>
        %swap3A_510 = vector.shape_cast %get3A_464 : vector<16xf32> to vector<1x16xf32>
        tpu.vector_store %arg13[%swap3A_506, %swap3A_507], %swap3A_510 {add = true, strides = array<i32>} : memref<800x32xf32, #tpu.memory_space<vmem>>, vector<1x16xf32>,
        %swap3A_511 = arith.index_cast %add3A_505 : i32 to index
        %swap3A_512 = arith.constant 16 : index
        %swap3A_513 = tpu.vector_load %arg13[%swap3A_511, %swap3A_512] {strides = array<i32>} : memref<800x32xf32, #tpu.memory_space<vmem>>, vector<1x16xf32>,
        %swap3A_514 = vector.shape_cast %swap3A_513 : vector<1x16xf32> to vector<16xf32>
        %swap3A_515 = vector.shape_cast %get3A_468 : vector<16xf32> to vector<1x16xf32>
        tpu.vector_store %arg13[%swap3A_511, %swap3A_512], %swap3A_515 {add = true, strides = array<i32>} : memref<800x32xf32, #tpu.memory_space<vmem>>, vector<1x16xf32>,
        %scan3A_516 = arith.constant 1 : i32
        %scan3A_517 = arith.addi %scan3A_461, %scan3A_516 : i32
        %get3A_518 = arith.index_cast %scan3A_517 : i32 to index
        %get3A_519 = arith.constant 0 : index
        %get3A_520 = tpu.vector_load %arg14[%get3A_518, %get3A_519] {strides = array<i32>} : memref<200x32xf32, #tpu.memory_space<vmem>>, vector<1x16xf32>,
        %get3A_521 = vector.shape_cast %get3A_520 : vector<1x16xf32> to vector<16xf32>
        %get3A_522 = arith.index_cast %scan3A_517 : i32 to index
        %get3A_523 = arith.constant 16 : index
        %get3A_524 = tpu.vector_load %arg14[%get3A_522, %get3A_523] {strides = array<i32>} : memref<200x32xf32, #tpu.memory_space<vmem>>, vector<1x16xf32>,
        %get3A_525 = vector.shape_cast %get3A_524 : vector<1x16xf32> to vector<16xf32>
        %add3A_526 = arith.constant 0 : i32
        %add3A_527 = arith.addi %add3A_526, %scan3A_517 : i32
        %swap3A_528 = arith.index_cast %add3A_527 : i32 to index
        %swap3A_529 = arith.constant 0 : index
        %swap3A_530 = tpu.vector_load %arg13[%swap3A_528, %swap3A_529] {strides = array<i32>} : memref<800x32xf32, #tpu.memory_space<vmem>>, vector<1x16xf32>,
        %swap3A_531 = vector.shape_cast %swap3A_530 : vector<1x16xf32> to vector<16xf32>
        %swap3A_532 = vector.shape_cast %get3A_521 : vector<16xf32> to vector<1x16xf32>
        tpu.vector_store %arg13[%swap3A_528, %swap3A_529], %swap3A_532 {add = true, strides = array<i32>} : memref<800x32xf32, #tpu.memory_space<vmem>>, vector<1x16xf32>,
        %swap3A_533 = arith.index_cast %add3A_527 : i32 to index
        %swap3A_534 = arith.constant 16 : index
        %swap3A_535 = tpu.vector_load %arg13[%swap3A_533, %swap3A_534] {strides = array<i32>} : memref<800x32xf32, #tpu.memory_space<vmem>>, vector<1x16xf32>,
        %swap3A_536 = vector.shape_cast %swap3A_535 : vector<1x16xf32> to vector<16xf32>
        %swap3A_537 = vector.shape_cast %get3A_525 : vector<16xf32> to vector<1x16xf32>
        tpu.vector_store %arg13[%swap3A_533, %swap3A_534], %swap3A_537 {add = true, strides = array<i32>} : memref<800x32xf32, #tpu.memory_space<vmem>>, vector<1x16xf32>,
        %add3A_538 = arith.constant 200 : i32
        %add3A_539 = arith.addi %add3A_538, %scan3A_517 : i32
        %swap3A_540 = arith.index_cast %add3A_539 : i32 to index
        %swap3A_541 = arith.constant 0 : index
        %swap3A_542 = tpu.vector_load %arg13[%swap3A_540, %swap3A_541] {strides = array<i32>} : memref<800x32xf32, #tpu.memory_space<vmem>>, vector<1x16xf32>,
        %swap3A_543 = vector.shape_cast %swap3A_542 : vector<1x16xf32> to vector<16xf32>
        %swap3A_544 = vector.shape_cast %get3A_521 : vector<16xf32> to vector<1x16xf32>
        tpu.vector_store %arg13[%swap3A_540, %swap3A_541], %swap3A_544 {add = true, strides = array<i32>} : memref<800x32xf32, #tpu.memory_space<vmem>>, vector<1x16xf32>,
        %swap3A_545 = arith.index_cast %add3A_539 : i32 to index
        %swap3A_546 = arith.constant 16 : index
        %swap3A_547 = tpu.vector_load %arg13[%swap3A_545, %swap3A_546] {strides = array<i32>} : memref<800x32xf32, #tpu.memory_space<vmem>>, vector<1x16xf32>,
        %swap3A_548 = vector.shape_cast %swap3A_547 : vector<1x16xf32> to vector<16xf32>
        %swap3A_549 = vector.shape_cast %get3A_525 : vector<16xf32> to vector<1x16xf32>
        tpu.vector_store %arg13[%swap3A_545, %swap3A_546], %swap3A_549 {add = true, strides = array<i32>} : memref<800x32xf32, #tpu.memory_space<vmem>>, vector<1x16xf32>,
        %add3A_550 = arith.constant 400 : i32
        %add3A_551 = arith.addi %add3A_550, %scan3A_517 : i32
        %swap3A_552 = arith.index_cast %add3A_551 : i32 to index
        %swap3A_553 = arith.constant 0 : index
        %swap3A_554 = tpu.vector_load %arg13[%swap3A_552, %swap3A_553] {strides = array<i32>} : memref<800x32xf32, #tpu.memory_space<vmem>>, vector<1x16xf32>,
        %swap3A_555 = vector.shape_cast %swap3A_554 : vector<1x16xf32> to vector<16xf32>
        %swap3A_556 = vector.shape_cast %get3A_521 : vector<16xf32> to vector<1x16xf32>
        tpu.vector_store %arg13[%swap3A_552, %swap3A_553], %swap3A_556 {add = true, strides = array<i32>} : memref<800x32xf32, #tpu.memory_space<vmem>>, vector<1x16xf32>,
        %swap3A_557 = arith.index_cast %add3A_551 : i32 to index
        %swap3A_558 = arith.constant 16 : index
        %swap3A_559 = tpu.vector_load %arg13[%swap3A_557, %swap3A_558] {strides = array<i32>} : memref<800x32xf32, #tpu.memory_space<vmem>>, vector<1x16xf32>,
        %swap3A_560 = vector.shape_cast %swap3A_559 : vector<1x16xf32> to vector<16xf32>
        %swap3A_561 = vector.shape_cast %get3A_525 : vector<16xf32> to vector<1x16xf32>
        tpu.vector_store %arg13[%swap3A_557, %swap3A_558], %swap3A_561 {add = true, strides = array<i32>} : memref<800x32xf32, #tpu.memory_space<vmem>>, vector<1x16xf32>,
        %add3A_562 = arith.constant 600 : i32
        %add3A_563 = arith.addi %add3A_562, %scan3A_517 : i32
        %swap3A_564 = arith.index_cast %add3A_563 : i32 to index
        %swap3A_565 = arith.constant 0 : index
        %swap3A_566 = tpu.vector_load %arg13[%swap3A_564, %swap3A_565] {strides = array<i32>} : memref<800x32xf32, #tpu.memory_space<vmem>>, vector<1x16xf32>,
        %swap3A_567 = vector.shape_cast %swap3A_566 : vector<1x16xf32> to vector<16xf32>
        %swap3A_568 = vector.shape_cast %get3A_521 : vector<16xf32> to vector<1x16xf32>
        tpu.vector_store %arg13[%swap3A_564, %swap3A_565], %swap3A_568 {add = true, strides = array<i32>} : memref<800x32xf32, #tpu.memory_space<vmem>>, vector<1x16xf32>,
        %swap3A_569 = arith.index_cast %add3A_563 : i32 to index
        %swap3A_570 = arith.constant 16 : index
        %swap3A_571 = tpu.vector_load %arg13[%swap3A_569, %swap3A_570] {strides = array<i32>} : memref<800x32xf32, #tpu.memory_space<vmem>>, vector<1x16xf32>,
        %swap3A_572 = vector.shape_cast %swap3A_571 : vector<1x16xf32> to vector<16xf32>
        %swap3A_573 = vector.shape_cast %get3A_525 : vector<16xf32> to vector<1x16xf32>
        tpu.vector_store %arg13[%swap3A_569, %swap3A_570], %swap3A_573 {add = true, strides = array<i32>} : memref<800x32xf32, #tpu.memory_space<vmem>>, vector<1x16xf32>,
        %scan3A_574 = arith.constant 2 : i32
        %scan3A_575 = arith.addi %scan3A_461, %scan3A_574 : i32
        %get3A_576 = arith.index_cast %scan3A_575 : i32 to index
        %get3A_577 = arith.constant 0 : index
        %get3A_578 = tpu.vector_load %arg14[%get3A_576, %get3A_577] {strides = array<i32>} : memref<200x32xf32, #tpu.memory_space<vmem>>, vector<1x16xf32>,
        %get3A_579 = vector.shape_cast %get3A_578 : vector<1x16xf32> to vector<16xf32>
        %get3A_580 = arith.index_cast %scan3A_575 : i32 to index
        %get3A_581 = arith.constant 16 : index
        %get3A_582 = tpu.vector_load %arg14[%get3A_580, %get3A_581] {strides = array<i32>} : memref<200x32xf32, #tpu.memory_space<vmem>>, vector<1x16xf32>,
        %get3A_583 = vector.shape_cast %get3A_582 : vector<1x16xf32> to vector<16xf32>
        %add3A_584 = arith.constant 0 : i32
        %add3A_585 = arith.addi %add3A_584, %scan3A_575 : i32
        %swap3A_586 = arith.index_cast %add3A_585 : i32 to index
        %swap3A_587 = arith.constant 0 : index
        %swap3A_588 = tpu.vector_load %arg13[%swap3A_586, %swap3A_587] {strides = array<i32>} : memref<800x32xf32, #tpu.memory_space<vmem>>, vector<1x16xf32>,
        %swap3A_589 = vector.shape_cast %swap3A_588 : vector<1x16xf32> to vector<16xf32>
        %swap3A_590 = vector.shape_cast %get3A_579 : vector<16xf32> to vector<1x16xf32>
        tpu.vector_store %arg13[%swap3A_586, %swap3A_587], %swap3A_590 {add = true, strides = array<i32>} : memref<800x32xf32, #tpu.memory_space<vmem>>, vector<1x16xf32>,
        %swap3A_591 = arith.index_cast %add3A_585 : i32 to index
        %swap3A_592 = arith.constant 16 : index
        %swap3A_593 = tpu.vector_load %arg13[%swap3A_591, %swap3A_592] {strides = array<i32>} : memref<800x32xf32, #tpu.memory_space<vmem>>, vector<1x16xf32>,
        %swap3A_594 = vector.shape_cast %swap3A_593 : vector<1x16xf32> to vector<16xf32>
        %swap3A_595 = vector.shape_cast %get3A_583 : vector<16xf32> to vector<1x16xf32>
        tpu.vector_store %arg13[%swap3A_591, %swap3A_592], %swap3A_595 {add = true, strides = array<i32>} : memref<800x32xf32, #tpu.memory_space<vmem>>, vector<1x16xf32>,
        %add3A_596 = arith.constant 200 : i32
        %add3A_597 = arith.addi %add3A_596, %scan3A_575 : i32
        %swap3A_598 = arith.index_cast %add3A_597 : i32 to index
        %swap3A_599 = arith.constant 0 : index
        %swap3A_600 = tpu.vector_load %arg13[%swap3A_598, %swap3A_599] {strides = array<i32>} : memref<800x32xf32, #tpu.memory_space<vmem>>, vector<1x16xf32>,
        %swap3A_601 = vector.shape_cast %swap3A_600 : vector<1x16xf32> to vector<16xf32>
        %swap3A_602 = vector.shape_cast %get3A_579 : vector<16xf32> to vector<1x16xf32>
        tpu.vector_store %arg13[%swap3A_598, %swap3A_599], %swap3A_602 {add = true, strides = array<i32>} : memref<800x32xf32, #tpu.memory_space<vmem>>, vector<1x16xf32>,
        %swap3A_603 = arith.index_cast %add3A_597 : i32 to index
        %swap3A_604 = arith.constant 16 : index
        %swap3A_605 = tpu.vector_load %arg13[%swap3A_603, %swap3A_604] {strides = array<i32>} : memref<800x32xf32, #tpu.memory_space<vmem>>, vector<1x16xf32>,
        %swap3A_606 = vector.shape_cast %swap3A_605 : vector<1x16xf32> to vector<16xf32>
        %swap3A_607 = vector.shape_cast %get3A_583 : vector<16xf32> to vector<1x16xf32>
        tpu.vector_store %arg13[%swap3A_603, %swap3A_604], %swap3A_607 {add = true, strides = array<i32>} : memref<800x32xf32, #tpu.memory_space<vmem>>, vector<1x16xf32>,
        %add3A_608 = arith.constant 400 : i32
        %add3A_609 = arith.addi %add3A_608, %scan3A_575 : i32
        %swap3A_610 = arith.index_cast %add3A_609 : i32 to index
        %swap3A_611 = arith.constant 0 : index
        %swap3A_612 = tpu.vector_load %arg13[%swap3A_610, %swap3A_611] {strides = array<i32>} : memref<800x32xf32, #tpu.memory_space<vmem>>, vector<1x16xf32>,
        %swap3A_613 = vector.shape_cast %swap3A_612 : vector<1x16xf32> to vector<16xf32>
        %swap3A_614 = vector.shape_cast %get3A_579 : vector<16xf32> to vector<1x16xf32>
        tpu.vector_store %arg13[%swap3A_610, %swap3A_611], %swap3A_614 {add = true, strides = array<i32>} : memref<800x32xf32, #tpu.memory_space<vmem>>, vector<1x16xf32>,
        %swap3A_615 = arith.index_cast %add3A_609 : i32 to index
        %swap3A_616 = arith.constant 16 : index
        %swap3A_617 = tpu.vector_load %arg13[%swap3A_615, %swap3A_616] {strides = array<i32>} : memref<800x32xf32, #tpu.memory_space<vmem>>, vector<1x16xf32>,
        %swap3A_618 = vector.shape_cast %swap3A_617 : vector<1x16xf32> to vector<16xf32>
        %swap3A_619 = vector.shape_cast %get3A_583 : vector<16xf32> to vector<1x16xf32>
        tpu.vector_store %arg13[%swap3A_615, %swap3A_616], %swap3A_619 {add = true, strides = array<i32>} : memref<800x32xf32, #tpu.memory_space<vmem>>, vector<1x16xf32>,
        %add3A_620 = arith.constant 600 : i32
        %add3A_621 = arith.addi %add3A_620, %scan3A_575 : i32
        %swap3A_622 = arith.index_cast %add3A_621 : i32 to index
        %swap3A_623 = arith.constant 0 : index
        %swap3A_624 = tpu.vector_load %arg13[%swap3A_622, %swap3A_623] {strides = array<i32>} : memref<800x32xf32, #tpu.memory_space<vmem>>, vector<1x16xf32>,
        %swap3A_625 = vector.shape_cast %swap3A_624 : vector<1x16xf32> to vector<16xf32>
        %swap3A_626 = vector.shape_cast %get3A_579 : vector<16xf32> to vector<1x16xf32>
        tpu.vector_store %arg13[%swap3A_622, %swap3A_623], %swap3A_626 {add = true, strides = array<i32>} : memref<800x32xf32, #tpu.memory_space<vmem>>, vector<1x16xf32>,
        %swap3A_627 = arith.index_cast %add3A_621 : i32 to index
        %swap3A_628 = arith.constant 16 : index
        %swap3A_629 = tpu.vector_load %arg13[%swap3A_627, %swap3A_628] {strides = array<i32>} : memref<800x32xf32, #tpu.memory_space<vmem>>, vector<1x16xf32>,
        %swap3A_630 = vector.shape_cast %swap3A_629 : vector<1x16xf32> to vector<16xf32>
        %swap3A_631 = vector.shape_cast %get3A_583 : vector<16xf32> to vector<1x16xf32>
        tpu.vector_store %arg13[%swap3A_627, %swap3A_628], %swap3A_631 {add = true, strides = array<i32>} : memref<800x32xf32, #tpu.memory_space<vmem>>, vector<1x16xf32>,
        %scan3A_632 = arith.constant 3 : i32
        %scan3A_633 = arith.addi %scan3A_461, %scan3A_632 : i32
        %get3A_634 = arith.index_cast %scan3A_633 : i32 to index
        %get3A_635 = arith.constant 0 : index
        %get3A_636 = tpu.vector_load %arg14[%get3A_634, %get3A_635] {strides = array<i32>} : memref<200x32xf32, #tpu.memory_space<vmem>>, vector<1x16xf32>,
        %get3A_637 = vector.shape_cast %get3A_636 : vector<1x16xf32> to vector<16xf32>
        %get3A_638 = arith.index_cast %scan3A_633 : i32 to index
        %get3A_639 = arith.constant 16 : index
        %get3A_640 = tpu.vector_load %arg14[%get3A_638, %get3A_639] {strides = array<i32>} : memref<200x32xf32, #tpu.memory_space<vmem>>, vector<1x16xf32>,
        %get3A_641 = vector.shape_cast %get3A_640 : vector<1x16xf32> to vector<16xf32>
        %add3A_642 = arith.constant 0 : i32
        %add3A_643 = arith.addi %add3A_642, %scan3A_633 : i32
        %swap3A_644 = arith.index_cast %add3A_643 : i32 to index
        %swap3A_645 = arith.constant 0 : index
        %swap3A_646 = tpu.vector_load %arg13[%swap3A_644, %swap3A_645] {strides = array<i32>} : memref<800x32xf32, #tpu.memory_space<vmem>>, vector<1x16xf32>,
        %swap3A_647 = vector.shape_cast %swap3A_646 : vector<1x16xf32> to vector<16xf32>
        %swap3A_648 = vector.shape_cast %get3A_637 : vector<16xf32> to vector<1x16xf32>
        tpu.vector_store %arg13[%swap3A_644, %swap3A_645], %swap3A_648 {add = true, strides = array<i32>} : memref<800x32xf32, #tpu.memory_space<vmem>>, vector<1x16xf32>,
        %swap3A_649 = arith.index_cast %add3A_643 : i32 to index
        %swap3A_650 = arith.constant 16 : index
        %swap3A_651 = tpu.vector_load %arg13[%swap3A_649, %swap3A_650] {strides = array<i32>} : memref<800x32xf32, #tpu.memory_space<vmem>>, vector<1x16xf32>,
        %swap3A_652 = vector.shape_cast %swap3A_651 : vector<1x16xf32> to vector<16xf32>
        %swap3A_653 = vector.shape_cast %get3A_641 : vector<16xf32> to vector<1x16xf32>
        tpu.vector_store %arg13[%swap3A_649, %swap3A_650], %swap3A_653 {add = true, strides = array<i32>} : memref<800x32xf32, #tpu.memory_space<vmem>>, vector<1x16xf32>,
        %add3A_654 = arith.constant 200 : i32
        %add3A_655 = arith.addi %add3A_654, %scan3A_633 : i32
        %swap3A_656 = arith.index_cast %add3A_655 : i32 to index
        %swap3A_657 = arith.constant 0 : index
        %swap3A_658 = tpu.vector_load %arg13[%swap3A_656, %swap3A_657] {strides = array<i32>} : memref<800x32xf32, #tpu.memory_space<vmem>>, vector<1x16xf32>,
        %swap3A_659 = vector.shape_cast %swap3A_658 : vector<1x16xf32> to vector<16xf32>
        %swap3A_660 = vector.shape_cast %get3A_637 : vector<16xf32> to vector<1x16xf32>
        tpu.vector_store %arg13[%swap3A_656, %swap3A_657], %swap3A_660 {add = true, strides = array<i32>} : memref<800x32xf32, #tpu.memory_space<vmem>>, vector<1x16xf32>,
        %swap3A_661 = arith.index_cast %add3A_655 : i32 to index
        %swap3A_662 = arith.constant 16 : index
        %swap3A_663 = tpu.vector_load %arg13[%swap3A_661, %swap3A_662] {strides = array<i32>} : memref<800x32xf32, #tpu.memory_space<vmem>>, vector<1x16xf32>,
        %swap3A_664 = vector.shape_cast %swap3A_663 : vector<1x16xf32> to vector<16xf32>
        %swap3A_665 = vector.shape_cast %get3A_641 : vector<16xf32> to vector<1x16xf32>
        tpu.vector_store %arg13[%swap3A_661, %swap3A_662], %swap3A_665 {add = true, strides = array<i32>} : memref<800x32xf32, #tpu.memory_space<vmem>>, vector<1x16xf32>,
        %add3A_666 = arith.constant 400 : i32
        %add3A_667 = arith.addi %add3A_666, %scan3A_633 : i32
        %swap3A_668 = arith.index_cast %add3A_667 : i32 to index
        %swap3A_669 = arith.constant 0 : index
        %swap3A_670 = tpu.vector_load %arg13[%swap3A_668, %swap3A_669] {strides = array<i32>} : memref<800x32xf32, #tpu.memory_space<vmem>>, vector<1x16xf32>,
        %swap3A_671 = vector.shape_cast %swap3A_670 : vector<1x16xf32> to vector<16xf32>
        %swap3A_672 = vector.shape_cast %get3A_637 : vector<16xf32> to vector<1x16xf32>
        tpu.vector_store %arg13[%swap3A_668, %swap3A_669], %swap3A_672 {add = true, strides = array<i32>} : memref<800x32xf32, #tpu.memory_space<vmem>>, vector<1x16xf32>,
        %swap3A_673 = arith.index_cast %add3A_667 : i32 to index
        %swap3A_674 = arith.constant 16 : index
        %swap3A_675 = tpu.vector_load %arg13[%swap3A_673, %swap3A_674] {strides = array<i32>} : memref<800x32xf32, #tpu.memory_space<vmem>>, vector<1x16xf32>,
        %swap3A_676 = vector.shape_cast %swap3A_675 : vector<1x16xf32> to vector<16xf32>
        %swap3A_677 = vector.shape_cast %get3A_641 : vector<16xf32> to vector<1x16xf32>
        tpu.vector_store %arg13[%swap3A_673, %swap3A_674], %swap3A_677 {add = true, strides = array<i32>} : memref<800x32xf32, #tpu.memory_space<vmem>>, vector<1x16xf32>,
        %add3A_678 = arith.constant 600 : i32
        %add3A_679 = arith.addi %add3A_678, %scan3A_633 : i32
        %swap3A_680 = arith.index_cast %add3A_679 : i32 to index
        %swap3A_681 = arith.constant 0 : index
        %swap3A_682 = tpu.vector_load %arg13[%swap3A_680, %swap3A_681] {strides = array<i32>} : memref<800x32xf32, #tpu.memory_space<vmem>>, vector<1x16xf32>,
        %swap3A_683 = vector.shape_cast %swap3A_682 : vector<1x16xf32> to vector<16xf32>
        %swap3A_684 = vector.shape_cast %get3A_637 : vector<16xf32> to vector<1x16xf32>
        tpu.vector_store %arg13[%swap3A_680, %swap3A_681], %swap3A_684 {add = true, strides = array<i32>} : memref<800x32xf32, #tpu.memory_space<vmem>>, vector<1x16xf32>,
        %swap3A_685 = arith.index_cast %add3A_679 : i32 to index
        %swap3A_686 = arith.constant 16 : index
        %swap3A_687 = tpu.vector_load %arg13[%swap3A_685, %swap3A_686] {strides = array<i32>} : memref<800x32xf32, #tpu.memory_space<vmem>>, vector<1x16xf32>,
        %swap3A_688 = vector.shape_cast %swap3A_687 : vector<1x16xf32> to vector<16xf32>
        %swap3A_689 = vector.shape_cast %get3A_641 : vector<16xf32> to vector<1x16xf32>
        tpu.vector_store %arg13[%swap3A_685, %swap3A_686], %swap3A_689 {add = true, strides = array<i32>} : memref<800x32xf32, #tpu.memory_space<vmem>>, vector<1x16xf32>,
      }
      %scan3A_446 = arith.constant 200 : i32
      %mul3A_447 = arith.constant 800 : i32
      %mul3A_448 = arith.muli %add3A_419, %mul3A_447 : i32
      %add3A_449 = arith.addi %mul3A_2, %mul3A_448 : i32
      %dma_start3A_450 = arith.constant 0 : i32
      %dma_start3A_451 = tpu.memref_slice %arg5[%add3A_449, %dma_start3A_450] : memref<819200x32xf32, #tpu.memory_space<hbm>> -> memref<800x32xf32, #tpu.memory_space<hbm>>
      %dma_start3A_452 = arith.constant 0 : i32
      %dma_start3A_453 = tpu.memref_slice %arg5[%add3A_449, %dma_start3A_452] : memref<819200x32xf32, #tpu.memory_space<hbm>> -> memref<800x32xf32, #tpu.memory_space<hbm>>
      tpu.enqueue_dma source(%arg13 : memref<800x32xf32, #tpu.memory_space<vmem>>) target(%dma_start3A_453 : memref<800x32xf32, #tpu.memory_space<hbm>>) target_semaphore(%arg26 : memref<!tpu.dma_semaphore, #tpu.memory_space<semaphore_mem>>)
      %add3A_454 = arith.constant 4 : i32
      %add3A_455 = arith.addi %add3A_419, %add3A_454 : i32
      %mul3A_456 = arith.constant 800 : i32
      %mul3A_457 = arith.muli %add3A_455, %mul3A_456 : i32
      %add3A_458 = arith.addi %mul3A_2, %mul3A_457 : i32
      %dma_start3A_459 = tpu.memref_slice %arg2[%add3A_458] : memref<819200xi32, #tpu.memory_space<hbm>> -> memref<800xi32, #tpu.memory_space<hbm>>
      %dma_start3A_460 = tpu.memref_slice %arg2[%add3A_458] : memref<819200xi32, #tpu.memory_space<hbm>> -> memref<800xi32, #tpu.memory_space<hbm>>
      tpu.enqueue_dma source(%dma_start3A_460 : memref<800xi32, #tpu.memory_space<hbm>>) target(%arg9 : memref<800xi32, #tpu.memory_space<vmem>>) target_semaphore(%arg18 : memref<!tpu.dma_semaphore, #tpu.memory_space<semaphore_mem>>)
    }
    %scan3A_150 = arith.constant 6 : i32
    %dma_wait3A_151 = arith.constant 0 : i32
    %dma_wait3A_152 = arith.constant 0 : i32
    %dma_wait3A_153 = tpu.memref_slice %arg5[%dma_wait3A_151, %dma_wait3A_152] : memref<819200x32xf32, #tpu.memory_space<hbm>> -> memref<800x32xf32, #tpu.memory_space<hbm>>
    %dma_wait3A_154 = arith.constant 0 : i32
    %dma_wait3A_155 = arith.constant 0 : i32
    %dma_wait3A_156 = tpu.memref_slice %arg5[%dma_wait3A_154, %dma_wait3A_155] : memref<819200x32xf32, #tpu.memory_space<hbm>> -> memref<800x32xf32, #tpu.memory_space<hbm>>
    tpu.wait_dma2 semaphore(%arg19 : memref<!tpu.dma_semaphore, #tpu.memory_space<semaphore_mem>>) src(%dma_wait3A_156 : memref<800x32xf32, #tpu.memory_space<hbm>>) dst(%arg10 : memref<800x32xf32, #tpu.memory_space<vmem>>)
    %dma_wait3A_157 = arith.constant 0 : i32
    %dma_wait3A_158 = tpu.memref_slice %arg2[%dma_wait3A_157] : memref<819200xi32, #tpu.memory_space<hbm>> -> memref<800xi32, #tpu.memory_space<hbm>>
    %dma_wait3A_159 = arith.constant 0 : i32
    %dma_wait3A_160 = tpu.memref_slice %arg2[%dma_wait3A_159] : memref<819200xi32, #tpu.memory_space<hbm>> -> memref<800xi32, #tpu.memory_space<hbm>>
    tpu.wait_dma2 semaphore(%arg16 : memref<!tpu.dma_semaphore, #tpu.memory_space<semaphore_mem>>) src(%dma_wait3A_160 : memref<800xi32, #tpu.memory_space<hbm>>) dst(%arg7 : memref<800xi32, #tpu.memory_space<vmem>>)
    %dma_wait3A_161 = arith.constant 0 : i32
    %dma_wait3A_162 = arith.constant 0 : i32
    %dma_wait3A_163 = tpu.memref_slice %arg5[%dma_wait3A_161, %dma_wait3A_162] : memref<819200x32xf32, #tpu.memory_space<hbm>> -> memref<800x32xf32, #tpu.memory_space<hbm>>
    %dma_wait3A_164 = arith.constant 0 : i32
    %dma_wait3A_165 = arith.constant 0 : i32
    %dma_wait3A_166 = tpu.memref_slice %arg5[%dma_wait3A_164, %dma_wait3A_165] : memref<819200x32xf32, #tpu.memory_space<hbm>> -> memref<800x32xf32, #tpu.memory_space<hbm>>
    tpu.wait_dma2 semaphore(%arg24 : memref<!tpu.dma_semaphore, #tpu.memory_space<semaphore_mem>>) src(%arg11 : memref<800x32xf32, #tpu.memory_space<vmem>>) dst(%dma_wait3A_166 : memref<800x32xf32, #tpu.memory_space<hbm>>)
    %dma_start3A_167 = arith.constant 0 : i32
    %dma_start3A_168 = arith.constant 0 : i32
    %dma_start3A_169 = tpu.memref_slice %arg3[%dma_start3A_167, %dma_start3A_168] : memref<1000000x32xf32, #tpu.memory_space<hbm>> -> memref<1000000x32xf32, #tpu.memory_space<hbm>>
    tpu.enqueue_indirect_dma source(%dma_start3A_169 : memref<1000000x32xf32, #tpu.memory_space<hbm>>) target(%arg11 : memref<800x32xf32, #tpu.memory_space<vmem>>) offsets(%arg7 : memref<800xi32, #tpu.memory_space<vmem>>) semaphore(%arg20 : memref<!tpu.dma_semaphore, #tpu.memory_space<semaphore_mem>>)
    %scan3A_170 = arith.constant 0 : i32
    %scan3A_171 = arith.constant 0 : i32
    %scan3A_172 = arith.constant 200 : i32
    %scan3A_173 = arith.addi %scan3A_171, %scan3A_172 : i32
    %scan3A_174 = arith.constant 4 : i32
    scf.for %scan3A_286 = %scan3A_171 to %scan3A_173 step %scan3A_174  : i32 {
      %get3A = arith.index_cast %scan3A_286 : i32 to index
      %get3A_287 = arith.constant 0 : index
      %get3A_288 = tpu.vector_load %arg14[%get3A, %get3A_287] {strides = array<i32>} : memref<200x32xf32, #tpu.memory_space<vmem>>, vector<1x16xf32>,
      %get3A_289 = vector.shape_cast %get3A_288 : vector<1x16xf32> to vector<16xf32>
      %get3A_290 = arith.index_cast %scan3A_286 : i32 to index
      %get3A_291 = arith.constant 16 : index
      %get3A_292 = tpu.vector_load %arg14[%get3A_290, %get3A_291] {strides = array<i32>} : memref<200x32xf32, #tpu.memory_space<vmem>>, vector<1x16xf32>,
      %get3A_293 = vector.shape_cast %get3A_292 : vector<1x16xf32> to vector<16xf32>
      %add3A_294 = arith.constant 0 : i32
      %add3A_295 = arith.addi %add3A_294, %scan3A_286 : i32
      %swap3A = arith.index_cast %add3A_295 : i32 to index
      %swap3A_296 = arith.constant 0 : index
      %swap3A_297 = tpu.vector_load %arg10[%swap3A, %swap3A_296] {strides = array<i32>} : memref<800x32xf32, #tpu.memory_space<vmem>>, vector<1x16xf32>,
      %swap3A_298 = vector.shape_cast %swap3A_297 : vector<1x16xf32> to vector<16xf32>
      %swap3A_299 = vector.shape_cast %get3A_289 : vector<16xf32> to vector<1x16xf32>
      tpu.vector_store %arg10[%swap3A, %swap3A_296], %swap3A_299 {add = true, strides = array<i32>} : memref<800x32xf32, #tpu.memory_space<vmem>>, vector<1x16xf32>,
      %swap3A_300 = arith.index_cast %add3A_295 : i32 to index
      %swap3A_301 = arith.constant 16 : index
      %swap3A_302 = tpu.vector_load %arg10[%swap3A_300, %swap3A_301] {strides = array<i32>} : memref<800x32xf32, #tpu.memory_space<vmem>>, vector<1x16xf32>,
      %swap3A_303 = vector.shape_cast %swap3A_302 : vector<1x16xf32> to vector<16xf32>
      %swap3A_304 = vector.shape_cast %get3A_293 : vector<16xf32> to vector<1x16xf32>
      tpu.vector_store %arg10[%swap3A_300, %swap3A_301], %swap3A_304 {add = true, strides = array<i32>} : memref<800x32xf32, #tpu.memory_space<vmem>>, vector<1x16xf32>,
      %add3A_305 = arith.constant 200 : i32
      %add3A_306 = arith.addi %add3A_305, %scan3A_286 : i32
      %swap3A_307 = arith.index_cast %add3A_306 : i32 to index
      %swap3A_308 = arith.constant 0 : index
      %swap3A_309 = tpu.vector_load %arg10[%swap3A_307, %swap3A_308] {strides = array<i32>} : memref<800x32xf32, #tpu.memory_space<vmem>>, vector<1x16xf32>,
      %swap3A_310 = vector.shape_cast %swap3A_309 : vector<1x16xf32> to vector<16xf32>
      %swap3A_311 = vector.shape_cast %get3A_289 : vector<16xf32> to vector<1x16xf32>
      tpu.vector_store %arg10[%swap3A_307, %swap3A_308], %swap3A_311 {add = true, strides = array<i32>} : memref<800x32xf32, #tpu.memory_space<vmem>>, vector<1x16xf32>,
      %swap3A_312 = arith.index_cast %add3A_306 : i32 to index
      %swap3A_313 = arith.constant 16 : index
      %swap3A_314 = tpu.vector_load %arg10[%swap3A_312, %swap3A_313] {strides = array<i32>} : memref<800x32xf32, #tpu.memory_space<vmem>>, vector<1x16xf32>,
      %swap3A_315 = vector.shape_cast %swap3A_314 : vector<1x16xf32> to vector<16xf32>
      %swap3A_316 = vector.shape_cast %get3A_293 : vector<16xf32> to vector<1x16xf32>
      tpu.vector_store %arg10[%swap3A_312, %swap3A_313], %swap3A_316 {add = true, strides = array<i32>} : memref<800x32xf32, #tpu.memory_space<vmem>>, vector<1x16xf32>,
      %add3A_317 = arith.constant 400 : i32
      %add3A_318 = arith.addi %add3A_317, %scan3A_286 : i32
      %swap3A_319 = arith.index_cast %add3A_318 : i32 to index
      %swap3A_320 = arith.constant 0 : index
      %swap3A_321 = tpu.vector_load %arg10[%swap3A_319, %swap3A_320] {strides = array<i32>} : memref<800x32xf32, #tpu.memory_space<vmem>>, vector<1x16xf32>,
      %swap3A_322 = vector.shape_cast %swap3A_321 : vector<1x16xf32> to vector<16xf32>
      %swap3A_323 = vector.shape_cast %get3A_289 : vector<16xf32> to vector<1x16xf32>
      tpu.vector_store %arg10[%swap3A_319, %swap3A_320], %swap3A_323 {add = true, strides = array<i32>} : memref<800x32xf32, #tpu.memory_space<vmem>>, vector<1x16xf32>,
      %swap3A_324 = arith.index_cast %add3A_318 : i32 to index
      %swap3A_325 = arith.constant 16 : index
      %swap3A_326 = tpu.vector_load %arg10[%swap3A_324, %swap3A_325] {strides = array<i32>} : memref<800x32xf32, #tpu.memory_space<vmem>>, vector<1x16xf32>,
      %swap3A_327 = vector.shape_cast %swap3A_326 : vector<1x16xf32> to vector<16xf32>
      %swap3A_328 = vector.shape_cast %get3A_293 : vector<16xf32> to vector<1x16xf32>
      tpu.vector_store %arg10[%swap3A_324, %swap3A_325], %swap3A_328 {add = true, strides = array<i32>} : memref<800x32xf32, #tpu.memory_space<vmem>>, vector<1x16xf32>,
      %add3A_329 = arith.constant 600 : i32
      %add3A_330 = arith.addi %add3A_329, %scan3A_286 : i32
      %swap3A_331 = arith.index_cast %add3A_330 : i32 to index
      %swap3A_332 = arith.constant 0 : index
      %swap3A_333 = tpu.vector_load %arg10[%swap3A_331, %swap3A_332] {strides = array<i32>} : memref<800x32xf32, #tpu.memory_space<vmem>>, vector<1x16xf32>,
      %swap3A_334 = vector.shape_cast %swap3A_333 : vector<1x16xf32> to vector<16xf32>
      %swap3A_335 = vector.shape_cast %get3A_289 : vector<16xf32> to vector<1x16xf32>
      tpu.vector_store %arg10[%swap3A_331, %swap3A_332], %swap3A_335 {add = true, strides = array<i32>} : memref<800x32xf32, #tpu.memory_space<vmem>>, vector<1x16xf32>,
      %swap3A_336 = arith.index_cast %add3A_330 : i32 to index
      %swap3A_337 = arith.constant 16 : index
      %swap3A_338 = tpu.vector_load %arg10[%swap3A_336, %swap3A_337] {strides = array<i32>} : memref<800x32xf32, #tpu.memory_space<vmem>>, vector<1x16xf32>,
      %swap3A_339 = vector.shape_cast %swap3A_338 : vector<1x16xf32> to vector<16xf32>
      %swap3A_340 = vector.shape_cast %get3A_293 : vector<16xf32> to vector<1x16xf32>
      tpu.vector_store %arg10[%swap3A_336, %swap3A_337], %swap3A_340 {add = true, strides = array<i32>} : memref<800x32xf32, #tpu.memory_space<vmem>>, vector<1x16xf32>,
      %scan3A_341 = arith.constant 1 : i32
      %scan3A_342 = arith.addi %scan3A_286, %scan3A_341 : i32
      %get3A_343 = arith.index_cast %scan3A_342 : i32 to index
      %get3A_344 = arith.constant 0 : index
      %get3A_345 = tpu.vector_load %arg14[%get3A_343, %get3A_344] {strides = array<i32>} : memref<200x32xf32, #tpu.memory_space<vmem>>, vector<1x16xf32>,
      %get3A_346 = vector.shape_cast %get3A_345 : vector<1x16xf32> to vector<16xf32>
      %get3A_347 = arith.index_cast %scan3A_342 : i32 to index
      %get3A_348 = arith.constant 16 : index
      %get3A_349 = tpu.vector_load %arg14[%get3A_347, %get3A_348] {strides = array<i32>} : memref<200x32xf32, #tpu.memory_space<vmem>>, vector<1x16xf32>,
      %get3A_350 = vector.shape_cast %get3A_349 : vector<1x16xf32> to vector<16xf32>
      %add3A_351 = arith.constant 0 : i32
      %add3A_352 = arith.addi %add3A_351, %scan3A_342 : i32
      %swap3A_353 = arith.index_cast %add3A_352 : i32 to index
      %swap3A_354 = arith.constant 0 : index
      %swap3A_355 = tpu.vector_load %arg10[%swap3A_353, %swap3A_354] {strides = array<i32>} : memref<800x32xf32, #tpu.memory_space<vmem>>, vector<1x16xf32>,
      %swap3A_356 = vector.shape_cast %swap3A_355 : vector<1x16xf32> to vector<16xf32>
      %swap3A_357 = vector.shape_cast %get3A_346 : vector<16xf32> to vector<1x16xf32>
      tpu.vector_store %arg10[%swap3A_353, %swap3A_354], %swap3A_357 {add = true, strides = array<i32>} : memref<800x32xf32, #tpu.memory_space<vmem>>, vector<1x16xf32>,
      %swap3A_358 = arith.index_cast %add3A_352 : i32 to index
      %swap3A_359 = arith.constant 16 : index
      %swap3A_360 = tpu.vector_load %arg10[%swap3A_358, %swap3A_359] {strides = array<i32>} : memref<800x32xf32, #tpu.memory_space<vmem>>, vector<1x16xf32>,
      %swap3A_361 = vector.shape_cast %swap3A_360 : vector<1x16xf32> to vector<16xf32>
      %swap3A_362 = vector.shape_cast %get3A_350 : vector<16xf32> to vector<1x16xf32>
      tpu.vector_store %arg10[%swap3A_358, %swap3A_359], %swap3A_362 {add = true, strides = array<i32>} : memref<800x32xf32, #tpu.memory_space<vmem>>, vector<1x16xf32>,
      %add3A_363 = arith.constant 200 : i32
      %add3A_364 = arith.addi %add3A_363, %scan3A_342 : i32
      %swap3A_365 = arith.index_cast %add3A_364 : i32 to index
      %swap3A_366 = arith.constant 0 : index
      %swap3A_367 = tpu.vector_load %arg10[%swap3A_365, %swap3A_366] {strides = array<i32>} : memref<800x32xf32, #tpu.memory_space<vmem>>, vector<1x16xf32>,
      %swap3A_368 = vector.shape_cast %swap3A_367 : vector<1x16xf32> to vector<16xf32>
      %swap3A_369 = vector.shape_cast %get3A_346 : vector<16xf32> to vector<1x16xf32>
      tpu.vector_store %arg10[%swap3A_365, %swap3A_366], %swap3A_369 {add = true, strides = array<i32>} : memref<800x32xf32, #tpu.memory_space<vmem>>, vector<1x16xf32>,
      %swap3A_370 = arith.index_cast %add3A_364 : i32 to index
      %swap3A_371 = arith.constant 16 : index
      %swap3A_372 = tpu.vector_load %arg10[%swap3A_370, %swap3A_371] {strides = array<i32>} : memref<800x32xf32, #tpu.memory_space<vmem>>, vector<1x16xf32>,
      %swap3A_373 = vector.shape_cast %swap3A_372 : vector<1x16xf32> to vector<16xf32>
      %swap3A_374 = vector.shape_cast %get3A_350 : vector<16xf32> to vector<1x16xf32>
      tpu.vector_store %arg10[%swap3A_370, %swap3A_371], %swap3A_374 {add = true, strides = array<i32>} : memref<800x32xf32, #tpu.memory_space<vmem>>, vector<1x16xf32>,
      %add3A_375 = arith.constant 400 : i32
      %add3A_376 = arith.addi %add3A_375, %scan3A_342 : i32
      %swap3A_377 = arith.index_cast %add3A_376 : i32 to index
      %swap3A_378 = arith.constant 0 : index
      %swap3A_379 = tpu.vector_load %arg10[%swap3A_377, %swap3A_378] {strides = array<i32>} : memref<800x32xf32, #tpu.memory_space<vmem>>, vector<1x16xf32>,
      %swap3A_380 = vector.shape_cast %swap3A_379 : vector<1x16xf32> to vector<16xf32>
      %swap3A_381 = vector.shape_cast %get3A_346 : vector<16xf32> to vector<1x16xf32>
      tpu.vector_store %arg10[%swap3A_377, %swap3A_378], %swap3A_381 {add = true, strides = array<i32>} : memref<800x32xf32, #tpu.memory_space<vmem>>, vector<1x16xf32>,
      %swap3A_382 = arith.index_cast %add3A_376 : i32 to index
      %swap3A_383 = arith.constant 16 : index
      %swap3A_384 = tpu.vector_load %arg10[%swap3A_382, %swap3A_383] {strides = array<i32>} : memref<800x32xf32, #tpu.memory_space<vmem>>, vector<1x16xf32>,
      %swap3A_385 = vector.shape_cast %swap3A_384 : vector<1x16xf32> to vector<16xf32>
      %swap3A_386 = vector.shape_cast %get3A_350 : vector<16xf32> to vector<1x16xf32>
      tpu.vector_store %arg10[%swap3A_382, %swap3A_383], %swap3A_386 {add = true, strides = array<i32>} : memref<800x32xf32, #tpu.memory_space<vmem>>, vector<1x16xf32>,
      %add3A_387 = arith.constant 600 : i32
      %add3A_388 = arith.addi %add3A_387, %scan3A_342 : i32
      %swap3A_389 = arith.index_cast %add3A_388 : i32 to index
      %swap3A_390 = arith.constant 0 : index
      %swap3A_391 = tpu.vector_load %arg10[%swap3A_389, %swap3A_390] {strides = array<i32>} : memref<800x32xf32, #tpu.memory_space<vmem>>, vector<1x16xf32>,
      %swap3A_392 = vector.shape_cast %swap3A_391 : vector<1x16xf32> to vector<16xf32>
      %swap3A_393 = vector.shape_cast %get3A_346 : vector<16xf32> to vector<1x16xf32>
      tpu.vector_store %arg10[%swap3A_389, %swap3A_390], %swap3A_393 {add = true, strides = array<i32>} : memref<800x32xf32, #tpu.memory_space<vmem>>, vector<1x16xf32>,
      %swap3A_394 = arith.index_cast %add3A_388 : i32 to index
      %swap3A_395 = arith.constant 16 : index
      %swap3A_396 = tpu.vector_load %arg10[%swap3A_394, %swap3A_395] {strides = array<i32>} : memref<800x32xf32, #tpu.memory_space<vmem>>, vector<1x16xf32>,
      %swap3A_397 = vector.shape_cast %swap3A_396 : vector<1x16xf32> to vector<16xf32>
      %swap3A_398 = vector.shape_cast %get3A_350 : vector<16xf32> to vector<1x16xf32>
      tpu.vector_store %arg10[%swap3A_394, %swap3A_395], %swap3A_398 {add = true, strides = array<i32>} : memref<800x32xf32, #tpu.memory_space<vmem>>, vector<1x16xf32>,
      %scan3A_399 = arith.constant 2 : i32
      %scan3A_400 = arith.addi %scan3A_286, %scan3A_399 : i32
      %get3A_401 = arith.index_cast %scan3A_400 : i32 to index
      %get3A_402 = arith.constant 0 : index
      %get3A_403 = tpu.vector_load %arg14[%get3A_401, %get3A_402] {strides = array<i32>} : memref<200x32xf32, #tpu.memory_space<vmem>>, vector<1x16xf32>,
      %get3A_404 = vector.shape_cast %get3A_403 : vector<1x16xf32> to vector<16xf32>
      %get3A_405 = arith.index_cast %scan3A_400 : i32 to index
      %get3A_406 = arith.constant 16 : index
      %get3A_407 = tpu.vector_load %arg14[%get3A_405, %get3A_406] {strides = array<i32>} : memref<200x32xf32, #tpu.memory_space<vmem>>, vector<1x16xf32>,
      %get3A_408 = vector.shape_cast %get3A_407 : vector<1x16xf32> to vector<16xf32>
      %add3A_409 = arith.constant 0 : i32
      %add3A_410 = arith.addi %add3A_409, %scan3A_400 : i32
      %swap3A_411 = arith.index_cast %add3A_410 : i32 to index
      %swap3A_412 = arith.constant 0 : index
      %swap3A_413 = tpu.vector_load %arg10[%swap3A_411, %swap3A_412] {strides = array<i32>} : memref<800x32xf32, #tpu.memory_space<vmem>>, vector<1x16xf32>,
      %swap3A_414 = vector.shape_cast %swap3A_413 : vector<1x16xf32> to vector<16xf32>
      %swap3A_415 = vector.shape_cast %get3A_404 : vector<16xf32> to vector<1x16xf32>
      tpu.vector_store %arg10[%swap3A_411, %swap3A_412], %swap3A_415 {add = true, strides = array<i32>} : memref<800x32xf32, #tpu.memory_space<vmem>>, vector<1x16xf32>,
      %swap3A_416 = arith.index_cast %add3A_410 : i32 to index
      %swap3A_417 = arith.constant 16 : index
      %swap3A_418 = tpu.vector_load %arg10[%swap3A_416, %swap3A_417] {strides = array<i32>} : memref<800x32xf32, #tpu.memory_space<vmem>>, vector<1x16xf32>,
      %swap3A_419 = vector.shape_cast %swap3A_418 : vector<1x16xf32> to vector<16xf32>
      %swap3A_420 = vector.shape_cast %get3A_408 : vector<16xf32> to vector<1x16xf32>
      tpu.vector_store %arg10[%swap3A_416, %swap3A_417], %swap3A_420 {add = true, strides = array<i32>} : memref<800x32xf32, #tpu.memory_space<vmem>>, vector<1x16xf32>,
      %add3A_421 = arith.constant 200 : i32
      %add3A_422 = arith.addi %add3A_421, %scan3A_400 : i32
      %swap3A_423 = arith.index_cast %add3A_422 : i32 to index
      %swap3A_424 = arith.constant 0 : index
      %swap3A_425 = tpu.vector_load %arg10[%swap3A_423, %swap3A_424] {strides = array<i32>} : memref<800x32xf32, #tpu.memory_space<vmem>>, vector<1x16xf32>,
      %swap3A_426 = vector.shape_cast %swap3A_425 : vector<1x16xf32> to vector<16xf32>
      %swap3A_427 = vector.shape_cast %get3A_404 : vector<16xf32> to vector<1x16xf32>
      tpu.vector_store %arg10[%swap3A_423, %swap3A_424], %swap3A_427 {add = true, strides = array<i32>} : memref<800x32xf32, #tpu.memory_space<vmem>>, vector<1x16xf32>,
      %swap3A_428 = arith.index_cast %add3A_422 : i32 to index
      %swap3A_429 = arith.constant 16 : index
      %swap3A_430 = tpu.vector_load %arg10[%swap3A_428, %swap3A_429] {strides = array<i32>} : memref<800x32xf32, #tpu.memory_space<vmem>>, vector<1x16xf32>,
      %swap3A_431 = vector.shape_cast %swap3A_430 : vector<1x16xf32> to vector<16xf32>
      %swap3A_432 = vector.shape_cast %get3A_408 : vector<16xf32> to vector<1x16xf32>
      tpu.vector_store %arg10[%swap3A_428, %swap3A_429], %swap3A_432 {add = true, strides = array<i32>} : memref<800x32xf32, #tpu.memory_space<vmem>>, vector<1x16xf32>,
      %add3A_433 = arith.constant 400 : i32
      %add3A_434 = arith.addi %add3A_433, %scan3A_400 : i32
      %swap3A_435 = arith.index_cast %add3A_434 : i32 to index
      %swap3A_436 = arith.constant 0 : index
      %swap3A_437 = tpu.vector_load %arg10[%swap3A_435, %swap3A_436] {strides = array<i32>} : memref<800x32xf32, #tpu.memory_space<vmem>>, vector<1x16xf32>,
      %swap3A_438 = vector.shape_cast %swap3A_437 : vector<1x16xf32> to vector<16xf32>
      %swap3A_439 = vector.shape_cast %get3A_404 : vector<16xf32> to vector<1x16xf32>
      tpu.vector_store %arg10[%swap3A_435, %swap3A_436], %swap3A_439 {add = true, strides = array<i32>} : memref<800x32xf32, #tpu.memory_space<vmem>>, vector<1x16xf32>,
      %swap3A_440 = arith.index_cast %add3A_434 : i32 to index
      %swap3A_441 = arith.constant 16 : index
      %swap3A_442 = tpu.vector_load %arg10[%swap3A_440, %swap3A_441] {strides = array<i32>} : memref<800x32xf32, #tpu.memory_space<vmem>>, vector<1x16xf32>,
      %swap3A_443 = vector.shape_cast %swap3A_442 : vector<1x16xf32> to vector<16xf32>
      %swap3A_444 = vector.shape_cast %get3A_408 : vector<16xf32> to vector<1x16xf32>
      tpu.vector_store %arg10[%swap3A_440, %swap3A_441], %swap3A_444 {add = true, strides = array<i32>} : memref<800x32xf32, #tpu.memory_space<vmem>>, vector<1x16xf32>,
      %add3A_445 = arith.constant 600 : i32
      %add3A_446 = arith.addi %add3A_445, %scan3A_400 : i32
      %swap3A_447 = arith.index_cast %add3A_446 : i32 to index
      %swap3A_448 = arith.constant 0 : index
      %swap3A_449 = tpu.vector_load %arg10[%swap3A_447, %swap3A_448] {strides = array<i32>} : memref<800x32xf32, #tpu.memory_space<vmem>>, vector<1x16xf32>,
      %swap3A_450 = vector.shape_cast %swap3A_449 : vector<1x16xf32> to vector<16xf32>
      %swap3A_451 = vector.shape_cast %get3A_404 : vector<16xf32> to vector<1x16xf32>
      tpu.vector_store %arg10[%swap3A_447, %swap3A_448], %swap3A_451 {add = true, strides = array<i32>} : memref<800x32xf32, #tpu.memory_space<vmem>>, vector<1x16xf32>,
      %swap3A_452 = arith.index_cast %add3A_446 : i32 to index
      %swap3A_453 = arith.constant 16 : index
      %swap3A_454 = tpu.vector_load %arg10[%swap3A_452, %swap3A_453] {strides = array<i32>} : memref<800x32xf32, #tpu.memory_space<vmem>>, vector<1x16xf32>,
      %swap3A_455 = vector.shape_cast %swap3A_454 : vector<1x16xf32> to vector<16xf32>
      %swap3A_456 = vector.shape_cast %get3A_408 : vector<16xf32> to vector<1x16xf32>
      tpu.vector_store %arg10[%swap3A_452, %swap3A_453], %swap3A_456 {add = true, strides = array<i32>} : memref<800x32xf32, #tpu.memory_space<vmem>>, vector<1x16xf32>,
      %scan3A_457 = arith.constant 3 : i32
      %scan3A_458 = arith.addi %scan3A_286, %scan3A_457 : i32
      %get3A_459 = arith.index_cast %scan3A_458 : i32 to index
      %get3A_460 = arith.constant 0 : index
      %get3A_461 = tpu.vector_load %arg14[%get3A_459, %get3A_460] {strides = array<i32>} : memref<200x32xf32, #tpu.memory_space<vmem>>, vector<1x16xf32>,
      %get3A_462 = vector.shape_cast %get3A_461 : vector<1x16xf32> to vector<16xf32>
      %get3A_463 = arith.index_cast %scan3A_458 : i32 to index
      %get3A_464 = arith.constant 16 : index
      %get3A_465 = tpu.vector_load %arg14[%get3A_463, %get3A_464] {strides = array<i32>} : memref<200x32xf32, #tpu.memory_space<vmem>>, vector<1x16xf32>,
      %get3A_466 = vector.shape_cast %get3A_465 : vector<1x16xf32> to vector<16xf32>
      %add3A_467 = arith.constant 0 : i32
      %add3A_468 = arith.addi %add3A_467, %scan3A_458 : i32
      %swap3A_469 = arith.index_cast %add3A_468 : i32 to index
      %swap3A_470 = arith.constant 0 : index
      %swap3A_471 = tpu.vector_load %arg10[%swap3A_469, %swap3A_470] {strides = array<i32>} : memref<800x32xf32, #tpu.memory_space<vmem>>, vector<1x16xf32>,
      %swap3A_472 = vector.shape_cast %swap3A_471 : vector<1x16xf32> to vector<16xf32>
      %swap3A_473 = vector.shape_cast %get3A_462 : vector<16xf32> to vector<1x16xf32>
      tpu.vector_store %arg10[%swap3A_469, %swap3A_470], %swap3A_473 {add = true, strides = array<i32>} : memref<800x32xf32, #tpu.memory_space<vmem>>, vector<1x16xf32>,
      %swap3A_474 = arith.index_cast %add3A_468 : i32 to index
      %swap3A_475 = arith.constant 16 : index
      %swap3A_476 = tpu.vector_load %arg10[%swap3A_474, %swap3A_475] {strides = array<i32>} : memref<800x32xf32, #tpu.memory_space<vmem>>, vector<1x16xf32>,
      %swap3A_477 = vector.shape_cast %swap3A_476 : vector<1x16xf32> to vector<16xf32>
      %swap3A_478 = vector.shape_cast %get3A_466 : vector<16xf32> to vector<1x16xf32>
      tpu.vector_store %arg10[%swap3A_474, %swap3A_475], %swap3A_478 {add = true, strides = array<i32>} : memref<800x32xf32, #tpu.memory_space<vmem>>, vector<1x16xf32>,
      %add3A_479 = arith.constant 200 : i32
      %add3A_480 = arith.addi %add3A_479, %scan3A_458 : i32
      %swap3A_481 = arith.index_cast %add3A_480 : i32 to index
      %swap3A_482 = arith.constant 0 : index
      %swap3A_483 = tpu.vector_load %arg10[%swap3A_481, %swap3A_482] {strides = array<i32>} : memref<800x32xf32, #tpu.memory_space<vmem>>, vector<1x16xf32>,
      %swap3A_484 = vector.shape_cast %swap3A_483 : vector<1x16xf32> to vector<16xf32>
      %swap3A_485 = vector.shape_cast %get3A_462 : vector<16xf32> to vector<1x16xf32>
      tpu.vector_store %arg10[%swap3A_481, %swap3A_482], %swap3A_485 {add = true, strides = array<i32>} : memref<800x32xf32, #tpu.memory_space<vmem>>, vector<1x16xf32>,
      %swap3A_486 = arith.index_cast %add3A_480 : i32 to index
      %swap3A_487 = arith.constant 16 : index
      %swap3A_488 = tpu.vector_load %arg10[%swap3A_486, %swap3A_487] {strides = array<i32>} : memref<800x32xf32, #tpu.memory_space<vmem>>, vector<1x16xf32>,
      %swap3A_489 = vector.shape_cast %swap3A_488 : vector<1x16xf32> to vector<16xf32>
      %swap3A_490 = vector.shape_cast %get3A_466 : vector<16xf32> to vector<1x16xf32>
      tpu.vector_store %arg10[%swap3A_486, %swap3A_487], %swap3A_490 {add = true, strides = array<i32>} : memref<800x32xf32, #tpu.memory_space<vmem>>, vector<1x16xf32>,
      %add3A_491 = arith.constant 400 : i32
      %add3A_492 = arith.addi %add3A_491, %scan3A_458 : i32
      %swap3A_493 = arith.index_cast %add3A_492 : i32 to index
      %swap3A_494 = arith.constant 0 : index
      %swap3A_495 = tpu.vector_load %arg10[%swap3A_493, %swap3A_494] {strides = array<i32>} : memref<800x32xf32, #tpu.memory_space<vmem>>, vector<1x16xf32>,
      %swap3A_496 = vector.shape_cast %swap3A_495 : vector<1x16xf32> to vector<16xf32>
      %swap3A_497 = vector.shape_cast %get3A_462 : vector<16xf32> to vector<1x16xf32>
      tpu.vector_store %arg10[%swap3A_493, %swap3A_494], %swap3A_497 {add = true, strides = array<i32>} : memref<800x32xf32, #tpu.memory_space<vmem>>, vector<1x16xf32>,
      %swap3A_498 = arith.index_cast %add3A_492 : i32 to index
      %swap3A_499 = arith.constant 16 : index
      %swap3A_500 = tpu.vector_load %arg10[%swap3A_498, %swap3A_499] {strides = array<i32>} : memref<800x32xf32, #tpu.memory_space<vmem>>, vector<1x16xf32>,
      %swap3A_501 = vector.shape_cast %swap3A_500 : vector<1x16xf32> to vector<16xf32>
      %swap3A_502 = vector.shape_cast %get3A_466 : vector<16xf32> to vector<1x16xf32>
      tpu.vector_store %arg10[%swap3A_498, %swap3A_499], %swap3A_502 {add = true, strides = array<i32>} : memref<800x32xf32, #tpu.memory_space<vmem>>, vector<1x16xf32>,
      %add3A_503 = arith.constant 600 : i32
      %add3A_504 = arith.addi %add3A_503, %scan3A_458 : i32
      %swap3A_505 = arith.index_cast %add3A_504 : i32 to index
      %swap3A_506 = arith.constant 0 : index
      %swap3A_507 = tpu.vector_load %arg10[%swap3A_505, %swap3A_506] {strides = array<i32>} : memref<800x32xf32, #tpu.memory_space<vmem>>, vector<1x16xf32>,
      %swap3A_508 = vector.shape_cast %swap3A_507 : vector<1x16xf32> to vector<16xf32>
      %swap3A_509 = vector.shape_cast %get3A_462 : vector<16xf32> to vector<1x16xf32>
      tpu.vector_store %arg10[%swap3A_505, %swap3A_506], %swap3A_509 {add = true, strides = array<i32>} : memref<800x32xf32, #tpu.memory_space<vmem>>, vector<1x16xf32>,
      %swap3A_510 = arith.index_cast %add3A_504 : i32 to index
      %swap3A_511 = arith.constant 16 : index
      %swap3A_512 = tpu.vector_load %arg10[%swap3A_510, %swap3A_511] {strides = array<i32>} : memref<800x32xf32, #tpu.memory_space<vmem>>, vector<1x16xf32>,
      %swap3A_513 = vector.shape_cast %swap3A_512 : vector<1x16xf32> to vector<16xf32>
      %swap3A_514 = vector.shape_cast %get3A_466 : vector<16xf32> to vector<1x16xf32>
      tpu.vector_store %arg10[%swap3A_510, %swap3A_511], %swap3A_514 {add = true, strides = array<i32>} : memref<800x32xf32, #tpu.memory_space<vmem>>, vector<1x16xf32>,
    }
    %scan3A_175 = arith.constant 200 : i32
    %add3A_176 = arith.constant 22400 : i32
    %add3A_177 = arith.addi %mul3A_2, %add3A_176 : i32
    %dma_start3A_178 = arith.constant 0 : i32
    %dma_start3A_179 = tpu.memref_slice %arg5[%add3A_177, %dma_start3A_178] : memref<819200x32xf32, #tpu.memory_space<hbm>> -> memref<800x32xf32, #tpu.memory_space<hbm>>
    %dma_start3A_180 = arith.constant 0 : i32
    %dma_start3A_181 = tpu.memref_slice %arg5[%add3A_177, %dma_start3A_180] : memref<819200x32xf32, #tpu.memory_space<hbm>> -> memref<800x32xf32, #tpu.memory_space<hbm>>
    tpu.enqueue_dma source(%arg10 : memref<800x32xf32, #tpu.memory_space<vmem>>) target(%dma_start3A_181 : memref<800x32xf32, #tpu.memory_space<hbm>>) target_semaphore(%arg23 : memref<!tpu.dma_semaphore, #tpu.memory_space<semaphore_mem>>)
    %dma_wait3A_182 = arith.constant 0 : i32
    %dma_wait3A_183 = arith.constant 0 : i32
    %dma_wait3A_184 = tpu.memref_slice %arg5[%dma_wait3A_182, %dma_wait3A_183] : memref<819200x32xf32, #tpu.memory_space<hbm>> -> memref<800x32xf32, #tpu.memory_space<hbm>>
    %dma_wait3A_185 = arith.constant 0 : i32
    %dma_wait3A_186 = arith.constant 0 : i32
    %dma_wait3A_187 = tpu.memref_slice %arg5[%dma_wait3A_185, %dma_wait3A_186] : memref<819200x32xf32, #tpu.memory_space<hbm>> -> memref<800x32xf32, #tpu.memory_space<hbm>>
    tpu.wait_dma2 semaphore(%arg20 : memref<!tpu.dma_semaphore, #tpu.memory_space<semaphore_mem>>) src(%dma_wait3A_187 : memref<800x32xf32, #tpu.memory_space<hbm>>) dst(%arg11 : memref<800x32xf32, #tpu.memory_space<vmem>>)
    %dma_wait3A_188 = arith.constant 0 : i32
    %dma_wait3A_189 = tpu.memref_slice %arg2[%dma_wait3A_188] : memref<819200xi32, #tpu.memory_space<hbm>> -> memref<800xi32, #tpu.memory_space<hbm>>
    %dma_wait3A_190 = arith.constant 0 : i32
    %dma_wait3A_191 = tpu.memref_slice %arg2[%dma_wait3A_190] : memref<819200xi32, #tpu.memory_space<hbm>> -> memref<800xi32, #tpu.memory_space<hbm>>
    tpu.wait_dma2 semaphore(%arg17 : memref<!tpu.dma_semaphore, #tpu.memory_space<semaphore_mem>>) src(%dma_wait3A_191 : memref<800xi32, #tpu.memory_space<hbm>>) dst(%arg8 : memref<800xi32, #tpu.memory_space<vmem>>)
    %dma_wait3A_192 = arith.constant 0 : i32
    %dma_wait3A_193 = arith.constant 0 : i32
    %dma_wait3A_194 = tpu.memref_slice %arg5[%dma_wait3A_192, %dma_wait3A_193] : memref<819200x32xf32, #tpu.memory_space<hbm>> -> memref<800x32xf32, #tpu.memory_space<hbm>>
    %dma_wait3A_195 = arith.constant 0 : i32
    %dma_wait3A_196 = arith.constant 0 : i32
    %dma_wait3A_197 = tpu.memref_slice %arg5[%dma_wait3A_195, %dma_wait3A_196] : memref<819200x32xf32, #tpu.memory_space<hbm>> -> memref<800x32xf32, #tpu.memory_space<hbm>>
    tpu.wait_dma2 semaphore(%arg25 : memref<!tpu.dma_semaphore, #tpu.memory_space<semaphore_mem>>) src(%arg12 : memref<800x32xf32, #tpu.memory_space<vmem>>) dst(%dma_wait3A_197 : memref<800x32xf32, #tpu.memory_space<hbm>>)
    %dma_start3A_198 = arith.constant 0 : i32
    %dma_start3A_199 = arith.constant 0 : i32
    %dma_start3A_200 = tpu.memref_slice %arg3[%dma_start3A_198, %dma_start3A_199] : memref<1000000x32xf32, #tpu.memory_space<hbm>> -> memref<1000000x32xf32, #tpu.memory_space<hbm>>
    tpu.enqueue_indirect_dma source(%dma_start3A_200 : memref<1000000x32xf32, #tpu.memory_space<hbm>>) target(%arg12 : memref<800x32xf32, #tpu.memory_space<vmem>>) offsets(%arg8 : memref<800xi32, #tpu.memory_space<vmem>>) semaphore(%arg21 : memref<!tpu.dma_semaphore, #tpu.memory_space<semaphore_mem>>)
    %scan3A_201 = arith.constant 0 : i32
    %scan3A_202 = arith.constant 0 : i32
    %scan3A_203 = arith.constant 200 : i32
    %scan3A_204 = arith.addi %scan3A_202, %scan3A_203 : i32
    %scan3A_205 = arith.constant 4 : i32
    scf.for %scan3A_286 = %scan3A_202 to %scan3A_204 step %scan3A_205  : i32 {
      %get3A = arith.index_cast %scan3A_286 : i32 to index
      %get3A_287 = arith.constant 0 : index
      %get3A_288 = tpu.vector_load %arg14[%get3A, %get3A_287] {strides = array<i32>} : memref<200x32xf32, #tpu.memory_space<vmem>>, vector<1x16xf32>,
      %get3A_289 = vector.shape_cast %get3A_288 : vector<1x16xf32> to vector<16xf32>
      %get3A_290 = arith.index_cast %scan3A_286 : i32 to index
      %get3A_291 = arith.constant 16 : index
      %get3A_292 = tpu.vector_load %arg14[%get3A_290, %get3A_291] {strides = array<i32>} : memref<200x32xf32, #tpu.memory_space<vmem>>, vector<1x16xf32>,
      %get3A_293 = vector.shape_cast %get3A_292 : vector<1x16xf32> to vector<16xf32>
      %add3A_294 = arith.constant 0 : i32
      %add3A_295 = arith.addi %add3A_294, %scan3A_286 : i32
      %swap3A = arith.index_cast %add3A_295 : i32 to index
      %swap3A_296 = arith.constant 0 : index
      %swap3A_297 = tpu.vector_load %arg11[%swap3A, %swap3A_296] {strides = array<i32>} : memref<800x32xf32, #tpu.memory_space<vmem>>, vector<1x16xf32>,
      %swap3A_298 = vector.shape_cast %swap3A_297 : vector<1x16xf32> to vector<16xf32>
      %swap3A_299 = vector.shape_cast %get3A_289 : vector<16xf32> to vector<1x16xf32>
      tpu.vector_store %arg11[%swap3A, %swap3A_296], %swap3A_299 {add = true, strides = array<i32>} : memref<800x32xf32, #tpu.memory_space<vmem>>, vector<1x16xf32>,
      %swap3A_300 = arith.index_cast %add3A_295 : i32 to index
      %swap3A_301 = arith.constant 16 : index
      %swap3A_302 = tpu.vector_load %arg11[%swap3A_300, %swap3A_301] {strides = array<i32>} : memref<800x32xf32, #tpu.memory_space<vmem>>, vector<1x16xf32>,
      %swap3A_303 = vector.shape_cast %swap3A_302 : vector<1x16xf32> to vector<16xf32>
      %swap3A_304 = vector.shape_cast %get3A_293 : vector<16xf32> to vector<1x16xf32>
      tpu.vector_store %arg11[%swap3A_300, %swap3A_301], %swap3A_304 {add = true, strides = array<i32>} : memref<800x32xf32, #tpu.memory_space<vmem>>, vector<1x16xf32>,
      %add3A_305 = arith.constant 200 : i32
      %add3A_306 = arith.addi %add3A_305, %scan3A_286 : i32
      %swap3A_307 = arith.index_cast %add3A_306 : i32 to index
      %swap3A_308 = arith.constant 0 : index
      %swap3A_309 = tpu.vector_load %arg11[%swap3A_307, %swap3A_308] {strides = array<i32>} : memref<800x32xf32, #tpu.memory_space<vmem>>, vector<1x16xf32>,
      %swap3A_310 = vector.shape_cast %swap3A_309 : vector<1x16xf32> to vector<16xf32>
      %swap3A_311 = vector.shape_cast %get3A_289 : vector<16xf32> to vector<1x16xf32>
      tpu.vector_store %arg11[%swap3A_307, %swap3A_308], %swap3A_311 {add = true, strides = array<i32>} : memref<800x32xf32, #tpu.memory_space<vmem>>, vector<1x16xf32>,
      %swap3A_312 = arith.index_cast %add3A_306 : i32 to index
      %swap3A_313 = arith.constant 16 : index
      %swap3A_314 = tpu.vector_load %arg11[%swap3A_312, %swap3A_313] {strides = array<i32>} : memref<800x32xf32, #tpu.memory_space<vmem>>, vector<1x16xf32>,
      %swap3A_315 = vector.shape_cast %swap3A_314 : vector<1x16xf32> to vector<16xf32>
      %swap3A_316 = vector.shape_cast %get3A_293 : vector<16xf32> to vector<1x16xf32>
      tpu.vector_store %arg11[%swap3A_312, %swap3A_313], %swap3A_316 {add = true, strides = array<i32>} : memref<800x32xf32, #tpu.memory_space<vmem>>, vector<1x16xf32>,
      %add3A_317 = arith.constant 400 : i32
      %add3A_318 = arith.addi %add3A_317, %scan3A_286 : i32
      %swap3A_319 = arith.index_cast %add3A_318 : i32 to index
      %swap3A_320 = arith.constant 0 : index
      %swap3A_321 = tpu.vector_load %arg11[%swap3A_319, %swap3A_320] {strides = array<i32>} : memref<800x32xf32, #tpu.memory_space<vmem>>, vector<1x16xf32>,
      %swap3A_322 = vector.shape_cast %swap3A_321 : vector<1x16xf32> to vector<16xf32>
      %swap3A_323 = vector.shape_cast %get3A_289 : vector<16xf32> to vector<1x16xf32>
      tpu.vector_store %arg11[%swap3A_319, %swap3A_320], %swap3A_323 {add = true, strides = array<i32>} : memref<800x32xf32, #tpu.memory_space<vmem>>, vector<1x16xf32>,
      %swap3A_324 = arith.index_cast %add3A_318 : i32 to index
      %swap3A_325 = arith.constant 16 : index
      %swap3A_326 = tpu.vector_load %arg11[%swap3A_324, %swap3A_325] {strides = array<i32>} : memref<800x32xf32, #tpu.memory_space<vmem>>, vector<1x16xf32>,
      %swap3A_327 = vector.shape_cast %swap3A_326 : vector<1x16xf32> to vector<16xf32>
      %swap3A_328 = vector.shape_cast %get3A_293 : vector<16xf32> to vector<1x16xf32>
      tpu.vector_store %arg11[%swap3A_324, %swap3A_325], %swap3A_328 {add = true, strides = array<i32>} : memref<800x32xf32, #tpu.memory_space<vmem>>, vector<1x16xf32>,
      %add3A_329 = arith.constant 600 : i32
      %add3A_330 = arith.addi %add3A_329, %scan3A_286 : i32
      %swap3A_331 = arith.index_cast %add3A_330 : i32 to index
      %swap3A_332 = arith.constant 0 : index
      %swap3A_333 = tpu.vector_load %arg11[%swap3A_331, %swap3A_332] {strides = array<i32>} : memref<800x32xf32, #tpu.memory_space<vmem>>, vector<1x16xf32>,
      %swap3A_334 = vector.shape_cast %swap3A_333 : vector<1x16xf32> to vector<16xf32>
      %swap3A_335 = vector.shape_cast %get3A_289 : vector<16xf32> to vector<1x16xf32>
      tpu.vector_store %arg11[%swap3A_331, %swap3A_332], %swap3A_335 {add = true, strides = array<i32>} : memref<800x32xf32, #tpu.memory_space<vmem>>, vector<1x16xf32>,
      %swap3A_336 = arith.index_cast %add3A_330 : i32 to index
      %swap3A_337 = arith.constant 16 : index
      %swap3A_338 = tpu.vector_load %arg11[%swap3A_336, %swap3A_337] {strides = array<i32>} : memref<800x32xf32, #tpu.memory_space<vmem>>, vector<1x16xf32>,
      %swap3A_339 = vector.shape_cast %swap3A_338 : vector<1x16xf32> to vector<16xf32>
      %swap3A_340 = vector.shape_cast %get3A_293 : vector<16xf32> to vector<1x16xf32>
      tpu.vector_store %arg11[%swap3A_336, %swap3A_337], %swap3A_340 {add = true, strides = array<i32>} : memref<800x32xf32, #tpu.memory_space<vmem>>, vector<1x16xf32>,
      %scan3A_341 = arith.constant 1 : i32
      %scan3A_342 = arith.addi %scan3A_286, %scan3A_341 : i32
      %get3A_343 = arith.index_cast %scan3A_342 : i32 to index
      %get3A_344 = arith.constant 0 : index
      %get3A_345 = tpu.vector_load %arg14[%get3A_343, %get3A_344] {strides = array<i32>} : memref<200x32xf32, #tpu.memory_space<vmem>>, vector<1x16xf32>,
      %get3A_346 = vector.shape_cast %get3A_345 : vector<1x16xf32> to vector<16xf32>
      %get3A_347 = arith.index_cast %scan3A_342 : i32 to index
      %get3A_348 = arith.constant 16 : index
      %get3A_349 = tpu.vector_load %arg14[%get3A_347, %get3A_348] {strides = array<i32>} : memref<200x32xf32, #tpu.memory_space<vmem>>, vector<1x16xf32>,
      %get3A_350 = vector.shape_cast %get3A_349 : vector<1x16xf32> to vector<16xf32>
      %add3A_351 = arith.constant 0 : i32
      %add3A_352 = arith.addi %add3A_351, %scan3A_342 : i32
      %swap3A_353 = arith.index_cast %add3A_352 : i32 to index
      %swap3A_354 = arith.constant 0 : index
      %swap3A_355 = tpu.vector_load %arg11[%swap3A_353, %swap3A_354] {strides = array<i32>} : memref<800x32xf32, #tpu.memory_space<vmem>>, vector<1x16xf32>,
      %swap3A_356 = vector.shape_cast %swap3A_355 : vector<1x16xf32> to vector<16xf32>
      %swap3A_357 = vector.shape_cast %get3A_346 : vector<16xf32> to vector<1x16xf32>
      tpu.vector_store %arg11[%swap3A_353, %swap3A_354], %swap3A_357 {add = true, strides = array<i32>} : memref<800x32xf32, #tpu.memory_space<vmem>>, vector<1x16xf32>,
      %swap3A_358 = arith.index_cast %add3A_352 : i32 to index
      %swap3A_359 = arith.constant 16 : index
      %swap3A_360 = tpu.vector_load %arg11[%swap3A_358, %swap3A_359] {strides = array<i32>} : memref<800x32xf32, #tpu.memory_space<vmem>>, vector<1x16xf32>,
      %swap3A_361 = vector.shape_cast %swap3A_360 : vector<1x16xf32> to vector<16xf32>
      %swap3A_362 = vector.shape_cast %get3A_350 : vector<16xf32> to vector<1x16xf32>
      tpu.vector_store %arg11[%swap3A_358, %swap3A_359], %swap3A_362 {add = true, strides = array<i32>} : memref<800x32xf32, #tpu.memory_space<vmem>>, vector<1x16xf32>,
      %add3A_363 = arith.constant 200 : i32
      %add3A_364 = arith.addi %add3A_363, %scan3A_342 : i32
      %swap3A_365 = arith.index_cast %add3A_364 : i32 to index
      %swap3A_366 = arith.constant 0 : index
      %swap3A_367 = tpu.vector_load %arg11[%swap3A_365, %swap3A_366] {strides = array<i32>} : memref<800x32xf32, #tpu.memory_space<vmem>>, vector<1x16xf32>,
      %swap3A_368 = vector.shape_cast %swap3A_367 : vector<1x16xf32> to vector<16xf32>
      %swap3A_369 = vector.shape_cast %get3A_346 : vector<16xf32> to vector<1x16xf32>
      tpu.vector_store %arg11[%swap3A_365, %swap3A_366], %swap3A_369 {add = true, strides = array<i32>} : memref<800x32xf32, #tpu.memory_space<vmem>>, vector<1x16xf32>,
      %swap3A_370 = arith.index_cast %add3A_364 : i32 to index
      %swap3A_371 = arith.constant 16 : index
      %swap3A_372 = tpu.vector_load %arg11[%swap3A_370, %swap3A_371] {strides = array<i32>} : memref<800x32xf32, #tpu.memory_space<vmem>>, vector<1x16xf32>,
      %swap3A_373 = vector.shape_cast %swap3A_372 : vector<1x16xf32> to vector<16xf32>
      %swap3A_374 = vector.shape_cast %get3A_350 : vector<16xf32> to vector<1x16xf32>
      tpu.vector_store %arg11[%swap3A_370, %swap3A_371], %swap3A_374 {add = true, strides = array<i32>} : memref<800x32xf32, #tpu.memory_space<vmem>>, vector<1x16xf32>,
      %add3A_375 = arith.constant 400 : i32
      %add3A_376 = arith.addi %add3A_375, %scan3A_342 : i32
      %swap3A_377 = arith.index_cast %add3A_376 : i32 to index
      %swap3A_378 = arith.constant 0 : index
      %swap3A_379 = tpu.vector_load %arg11[%swap3A_377, %swap3A_378] {strides = array<i32>} : memref<800x32xf32, #tpu.memory_space<vmem>>, vector<1x16xf32>,
      %swap3A_380 = vector.shape_cast %swap3A_379 : vector<1x16xf32> to vector<16xf32>
      %swap3A_381 = vector.shape_cast %get3A_346 : vector<16xf32> to vector<1x16xf32>
      tpu.vector_store %arg11[%swap3A_377, %swap3A_378], %swap3A_381 {add = true, strides = array<i32>} : memref<800x32xf32, #tpu.memory_space<vmem>>, vector<1x16xf32>,
      %swap3A_382 = arith.index_cast %add3A_376 : i32 to index
      %swap3A_383 = arith.constant 16 : index
      %swap3A_384 = tpu.vector_load %arg11[%swap3A_382, %swap3A_383] {strides = array<i32>} : memref<800x32xf32, #tpu.memory_space<vmem>>, vector<1x16xf32>,
      %swap3A_385 = vector.shape_cast %swap3A_384 : vector<1x16xf32> to vector<16xf32>
      %swap3A_386 = vector.shape_cast %get3A_350 : vector<16xf32> to vector<1x16xf32>
      tpu.vector_store %arg11[%swap3A_382, %swap3A_383], %swap3A_386 {add = true, strides = array<i32>} : memref<800x32xf32, #tpu.memory_space<vmem>>, vector<1x16xf32>,
      %add3A_387 = arith.constant 600 : i32
      %add3A_388 = arith.addi %add3A_387, %scan3A_342 : i32
      %swap3A_389 = arith.index_cast %add3A_388 : i32 to index
      %swap3A_390 = arith.constant 0 : index
      %swap3A_391 = tpu.vector_load %arg11[%swap3A_389, %swap3A_390] {strides = array<i32>} : memref<800x32xf32, #tpu.memory_space<vmem>>, vector<1x16xf32>,
      %swap3A_392 = vector.shape_cast %swap3A_391 : vector<1x16xf32> to vector<16xf32>
      %swap3A_393 = vector.shape_cast %get3A_346 : vector<16xf32> to vector<1x16xf32>
      tpu.vector_store %arg11[%swap3A_389, %swap3A_390], %swap3A_393 {add = true, strides = array<i32>} : memref<800x32xf32, #tpu.memory_space<vmem>>, vector<1x16xf32>,
      %swap3A_394 = arith.index_cast %add3A_388 : i32 to index
      %swap3A_395 = arith.constant 16 : index
      %swap3A_396 = tpu.vector_load %arg11[%swap3A_394, %swap3A_395] {strides = array<i32>} : memref<800x32xf32, #tpu.memory_space<vmem>>, vector<1x16xf32>,
      %swap3A_397 = vector.shape_cast %swap3A_396 : vector<1x16xf32> to vector<16xf32>
      %swap3A_398 = vector.shape_cast %get3A_350 : vector<16xf32> to vector<1x16xf32>
      tpu.vector_store %arg11[%swap3A_394, %swap3A_395], %swap3A_398 {add = true, strides = array<i32>} : memref<800x32xf32, #tpu.memory_space<vmem>>, vector<1x16xf32>,
      %scan3A_399 = arith.constant 2 : i32
      %scan3A_400 = arith.addi %scan3A_286, %scan3A_399 : i32
      %get3A_401 = arith.index_cast %scan3A_400 : i32 to index
      %get3A_402 = arith.constant 0 : index
      %get3A_403 = tpu.vector_load %arg14[%get3A_401, %get3A_402] {strides = array<i32>} : memref<200x32xf32, #tpu.memory_space<vmem>>, vector<1x16xf32>,
      %get3A_404 = vector.shape_cast %get3A_403 : vector<1x16xf32> to vector<16xf32>
      %get3A_405 = arith.index_cast %scan3A_400 : i32 to index
      %get3A_406 = arith.constant 16 : index
      %get3A_407 = tpu.vector_load %arg14[%get3A_405, %get3A_406] {strides = array<i32>} : memref<200x32xf32, #tpu.memory_space<vmem>>, vector<1x16xf32>,
      %get3A_408 = vector.shape_cast %get3A_407 : vector<1x16xf32> to vector<16xf32>
      %add3A_409 = arith.constant 0 : i32
      %add3A_410 = arith.addi %add3A_409, %scan3A_400 : i32
      %swap3A_411 = arith.index_cast %add3A_410 : i32 to index
      %swap3A_412 = arith.constant 0 : index
      %swap3A_413 = tpu.vector_load %arg11[%swap3A_411, %swap3A_412] {strides = array<i32>} : memref<800x32xf32, #tpu.memory_space<vmem>>, vector<1x16xf32>,
      %swap3A_414 = vector.shape_cast %swap3A_413 : vector<1x16xf32> to vector<16xf32>
      %swap3A_415 = vector.shape_cast %get3A_404 : vector<16xf32> to vector<1x16xf32>
      tpu.vector_store %arg11[%swap3A_411, %swap3A_412], %swap3A_415 {add = true, strides = array<i32>} : memref<800x32xf32, #tpu.memory_space<vmem>>, vector<1x16xf32>,
      %swap3A_416 = arith.index_cast %add3A_410 : i32 to index
      %swap3A_417 = arith.constant 16 : index
      %swap3A_418 = tpu.vector_load %arg11[%swap3A_416, %swap3A_417] {strides = array<i32>} : memref<800x32xf32, #tpu.memory_space<vmem>>, vector<1x16xf32>,
      %swap3A_419 = vector.shape_cast %swap3A_418 : vector<1x16xf32> to vector<16xf32>
      %swap3A_420 = vector.shape_cast %get3A_408 : vector<16xf32> to vector<1x16xf32>
      tpu.vector_store %arg11[%swap3A_416, %swap3A_417], %swap3A_420 {add = true, strides = array<i32>} : memref<800x32xf32, #tpu.memory_space<vmem>>, vector<1x16xf32>,
      %add3A_421 = arith.constant 200 : i32
      %add3A_422 = arith.addi %add3A_421, %scan3A_400 : i32
      %swap3A_423 = arith.index_cast %add3A_422 : i32 to index
      %swap3A_424 = arith.constant 0 : index
      %swap3A_425 = tpu.vector_load %arg11[%swap3A_423, %swap3A_424] {strides = array<i32>} : memref<800x32xf32, #tpu.memory_space<vmem>>, vector<1x16xf32>,
      %swap3A_426 = vector.shape_cast %swap3A_425 : vector<1x16xf32> to vector<16xf32>
      %swap3A_427 = vector.shape_cast %get3A_404 : vector<16xf32> to vector<1x16xf32>
      tpu.vector_store %arg11[%swap3A_423, %swap3A_424], %swap3A_427 {add = true, strides = array<i32>} : memref<800x32xf32, #tpu.memory_space<vmem>>, vector<1x16xf32>,
      %swap3A_428 = arith.index_cast %add3A_422 : i32 to index
      %swap3A_429 = arith.constant 16 : index
      %swap3A_430 = tpu.vector_load %arg11[%swap3A_428, %swap3A_429] {strides = array<i32>} : memref<800x32xf32, #tpu.memory_space<vmem>>, vector<1x16xf32>,
      %swap3A_431 = vector.shape_cast %swap3A_430 : vector<1x16xf32> to vector<16xf32>
      %swap3A_432 = vector.shape_cast %get3A_408 : vector<16xf32> to vector<1x16xf32>
      tpu.vector_store %arg11[%swap3A_428, %swap3A_429], %swap3A_432 {add = true, strides = array<i32>} : memref<800x32xf32, #tpu.memory_space<vmem>>, vector<1x16xf32>,
      %add3A_433 = arith.constant 400 : i32
      %add3A_434 = arith.addi %add3A_433, %scan3A_400 : i32
      %swap3A_435 = arith.index_cast %add3A_434 : i32 to index
      %swap3A_436 = arith.constant 0 : index
      %swap3A_437 = tpu.vector_load %arg11[%swap3A_435, %swap3A_436] {strides = array<i32>} : memref<800x32xf32, #tpu.memory_space<vmem>>, vector<1x16xf32>,
      %swap3A_438 = vector.shape_cast %swap3A_437 : vector<1x16xf32> to vector<16xf32>
      %swap3A_439 = vector.shape_cast %get3A_404 : vector<16xf32> to vector<1x16xf32>
      tpu.vector_store %arg11[%swap3A_435, %swap3A_436], %swap3A_439 {add = true, strides = array<i32>} : memref<800x32xf32, #tpu.memory_space<vmem>>, vector<1x16xf32>,
      %swap3A_440 = arith.index_cast %add3A_434 : i32 to index
      %swap3A_441 = arith.constant 16 : index
      %swap3A_442 = tpu.vector_load %arg11[%swap3A_440, %swap3A_441] {strides = array<i32>} : memref<800x32xf32, #tpu.memory_space<vmem>>, vector<1x16xf32>,
      %swap3A_443 = vector.shape_cast %swap3A_442 : vector<1x16xf32> to vector<16xf32>
      %swap3A_444 = vector.shape_cast %get3A_408 : vector<16xf32> to vector<1x16xf32>
      tpu.vector_store %arg11[%swap3A_440, %swap3A_441], %swap3A_444 {add = true, strides = array<i32>} : memref<800x32xf32, #tpu.memory_space<vmem>>, vector<1x16xf32>,
      %add3A_445 = arith.constant 600 : i32
      %add3A_446 = arith.addi %add3A_445, %scan3A_400 : i32
      %swap3A_447 = arith.index_cast %add3A_446 : i32 to index
      %swap3A_448 = arith.constant 0 : index
      %swap3A_449 = tpu.vector_load %arg11[%swap3A_447, %swap3A_448] {strides = array<i32>} : memref<800x32xf32, #tpu.memory_space<vmem>>, vector<1x16xf32>,
      %swap3A_450 = vector.shape_cast %swap3A_449 : vector<1x16xf32> to vector<16xf32>
      %swap3A_451 = vector.shape_cast %get3A_404 : vector<16xf32> to vector<1x16xf32>
      tpu.vector_store %arg11[%swap3A_447, %swap3A_448], %swap3A_451 {add = true, strides = array<i32>} : memref<800x32xf32, #tpu.memory_space<vmem>>, vector<1x16xf32>,
      %swap3A_452 = arith.index_cast %add3A_446 : i32 to index
      %swap3A_453 = arith.constant 16 : index
      %swap3A_454 = tpu.vector_load %arg11[%swap3A_452, %swap3A_453] {strides = array<i32>} : memref<800x32xf32, #tpu.memory_space<vmem>>, vector<1x16xf32>,
      %swap3A_455 = vector.shape_cast %swap3A_454 : vector<1x16xf32> to vector<16xf32>
      %swap3A_456 = vector.shape_cast %get3A_408 : vector<16xf32> to vector<1x16xf32>
      tpu.vector_store %arg11[%swap3A_452, %swap3A_453], %swap3A_456 {add = true, strides = array<i32>} : memref<800x32xf32, #tpu.memory_space<vmem>>, vector<1x16xf32>,
      %scan3A_457 = arith.constant 3 : i32
      %scan3A_458 = arith.addi %scan3A_286, %scan3A_457 : i32
      %get3A_459 = arith.index_cast %scan3A_458 : i32 to index
      %get3A_460 = arith.constant 0 : index
      %get3A_461 = tpu.vector_load %arg14[%get3A_459, %get3A_460] {strides = array<i32>} : memref<200x32xf32, #tpu.memory_space<vmem>>, vector<1x16xf32>,
      %get3A_462 = vector.shape_cast %get3A_461 : vector<1x16xf32> to vector<16xf32>
      %get3A_463 = arith.index_cast %scan3A_458 : i32 to index
      %get3A_464 = arith.constant 16 : index
      %get3A_465 = tpu.vector_load %arg14[%get3A_463, %get3A_464] {strides = array<i32>} : memref<200x32xf32, #tpu.memory_space<vmem>>, vector<1x16xf32>,
      %get3A_466 = vector.shape_cast %get3A_465 : vector<1x16xf32> to vector<16xf32>
      %add3A_467 = arith.constant 0 : i32
      %add3A_468 = arith.addi %add3A_467, %scan3A_458 : i32
      %swap3A_469 = arith.index_cast %add3A_468 : i32 to index
      %swap3A_470 = arith.constant 0 : index
      %swap3A_471 = tpu.vector_load %arg11[%swap3A_469, %swap3A_470] {strides = array<i32>} : memref<800x32xf32, #tpu.memory_space<vmem>>, vector<1x16xf32>,
      %swap3A_472 = vector.shape_cast %swap3A_471 : vector<1x16xf32> to vector<16xf32>
      %swap3A_473 = vector.shape_cast %get3A_462 : vector<16xf32> to vector<1x16xf32>
      tpu.vector_store %arg11[%swap3A_469, %swap3A_470], %swap3A_473 {add = true, strides = array<i32>} : memref<800x32xf32, #tpu.memory_space<vmem>>, vector<1x16xf32>,
      %swap3A_474 = arith.index_cast %add3A_468 : i32 to index
      %swap3A_475 = arith.constant 16 : index
      %swap3A_476 = tpu.vector_load %arg11[%swap3A_474, %swap3A_475] {strides = array<i32>} : memref<800x32xf32, #tpu.memory_space<vmem>>, vector<1x16xf32>,
      %swap3A_477 = vector.shape_cast %swap3A_476 : vector<1x16xf32> to vector<16xf32>
      %swap3A_478 = vector.shape_cast %get3A_466 : vector<16xf32> to vector<1x16xf32>
      tpu.vector_store %arg11[%swap3A_474, %swap3A_475], %swap3A_478 {add = true, strides = array<i32>} : memref<800x32xf32, #tpu.memory_space<vmem>>, vector<1x16xf32>,
      %add3A_479 = arith.constant 200 : i32
      %add3A_480 = arith.addi %add3A_479, %scan3A_458 : i32
      %swap3A_481 = arith.index_cast %add3A_480 : i32 to index
      %swap3A_482 = arith.constant 0 : index
      %swap3A_483 = tpu.vector_load %arg11[%swap3A_481, %swap3A_482] {strides = array<i32>} : memref<800x32xf32, #tpu.memory_space<vmem>>, vector<1x16xf32>,
      %swap3A_484 = vector.shape_cast %swap3A_483 : vector<1x16xf32> to vector<16xf32>
      %swap3A_485 = vector.shape_cast %get3A_462 : vector<16xf32> to vector<1x16xf32>
      tpu.vector_store %arg11[%swap3A_481, %swap3A_482], %swap3A_485 {add = true, strides = array<i32>} : memref<800x32xf32, #tpu.memory_space<vmem>>, vector<1x16xf32>,
      %swap3A_486 = arith.index_cast %add3A_480 : i32 to index
      %swap3A_487 = arith.constant 16 : index
      %swap3A_488 = tpu.vector_load %arg11[%swap3A_486, %swap3A_487] {strides = array<i32>} : memref<800x32xf32, #tpu.memory_space<vmem>>, vector<1x16xf32>,
      %swap3A_489 = vector.shape_cast %swap3A_488 : vector<1x16xf32> to vector<16xf32>
      %swap3A_490 = vector.shape_cast %get3A_466 : vector<16xf32> to vector<1x16xf32>
      tpu.vector_store %arg11[%swap3A_486, %swap3A_487], %swap3A_490 {add = true, strides = array<i32>} : memref<800x32xf32, #tpu.memory_space<vmem>>, vector<1x16xf32>,
      %add3A_491 = arith.constant 400 : i32
      %add3A_492 = arith.addi %add3A_491, %scan3A_458 : i32
      %swap3A_493 = arith.index_cast %add3A_492 : i32 to index
      %swap3A_494 = arith.constant 0 : index
      %swap3A_495 = tpu.vector_load %arg11[%swap3A_493, %swap3A_494] {strides = array<i32>} : memref<800x32xf32, #tpu.memory_space<vmem>>, vector<1x16xf32>,
      %swap3A_496 = vector.shape_cast %swap3A_495 : vector<1x16xf32> to vector<16xf32>
      %swap3A_497 = vector.shape_cast %get3A_462 : vector<16xf32> to vector<1x16xf32>
      tpu.vector_store %arg11[%swap3A_493, %swap3A_494], %swap3A_497 {add = true, strides = array<i32>} : memref<800x32xf32, #tpu.memory_space<vmem>>, vector<1x16xf32>,
      %swap3A_498 = arith.index_cast %add3A_492 : i32 to index
      %swap3A_499 = arith.constant 16 : index
      %swap3A_500 = tpu.vector_load %arg11[%swap3A_498, %swap3A_499] {strides = array<i32>} : memref<800x32xf32, #tpu.memory_space<vmem>>, vector<1x16xf32>,
      %swap3A_501 = vector.shape_cast %swap3A_500 : vector<1x16xf32> to vector<16xf32>
      %swap3A_502 = vector.shape_cast %get3A_466 : vector<16xf32> to vector<1x16xf32>
      tpu.vector_store %arg11[%swap3A_498, %swap3A_499], %swap3A_502 {add = true, strides = array<i32>} : memref<800x32xf32, #tpu.memory_space<vmem>>, vector<1x16xf32>,
      %add3A_503 = arith.constant 600 : i32
      %add3A_504 = arith.addi %add3A_503, %scan3A_458 : i32
      %swap3A_505 = arith.index_cast %add3A_504 : i32 to index
      %swap3A_506 = arith.constant 0 : index
      %swap3A_507 = tpu.vector_load %arg11[%swap3A_505, %swap3A_506] {strides = array<i32>} : memref<800x32xf32, #tpu.memory_space<vmem>>, vector<1x16xf32>,
      %swap3A_508 = vector.shape_cast %swap3A_507 : vector<1x16xf32> to vector<16xf32>
      %swap3A_509 = vector.shape_cast %get3A_462 : vector<16xf32> to vector<1x16xf32>
      tpu.vector_store %arg11[%swap3A_505, %swap3A_506], %swap3A_509 {add = true, strides = array<i32>} : memref<800x32xf32, #tpu.memory_space<vmem>>, vector<1x16xf32>,
      %swap3A_510 = arith.index_cast %add3A_504 : i32 to index
      %swap3A_511 = arith.constant 16 : index
      %swap3A_512 = tpu.vector_load %arg11[%swap3A_510, %swap3A_511] {strides = array<i32>} : memref<800x32xf32, #tpu.memory_space<vmem>>, vector<1x16xf32>,
      %swap3A_513 = vector.shape_cast %swap3A_512 : vector<1x16xf32> to vector<16xf32>
      %swap3A_514 = vector.shape_cast %get3A_466 : vector<16xf32> to vector<1x16xf32>
      tpu.vector_store %arg11[%swap3A_510, %swap3A_511], %swap3A_514 {add = true, strides = array<i32>} : memref<800x32xf32, #tpu.memory_space<vmem>>, vector<1x16xf32>,
    }
    %scan3A_206 = arith.constant 200 : i32
    %add3A_207 = arith.constant 23200 : i32
    %add3A_208 = arith.addi %mul3A_2, %add3A_207 : i32
    %dma_start3A_209 = arith.constant 0 : i32
    %dma_start3A_210 = tpu.memref_slice %arg5[%add3A_208, %dma_start3A_209] : memref<819200x32xf32, #tpu.memory_space<hbm>> -> memref<800x32xf32, #tpu.memory_space<hbm>>
    %dma_start3A_211 = arith.constant 0 : i32
    %dma_start3A_212 = tpu.memref_slice %arg5[%add3A_208, %dma_start3A_211] : memref<819200x32xf32, #tpu.memory_space<hbm>> -> memref<800x32xf32, #tpu.memory_space<hbm>>
    tpu.enqueue_dma source(%arg11 : memref<800x32xf32, #tpu.memory_space<vmem>>) target(%dma_start3A_212 : memref<800x32xf32, #tpu.memory_space<hbm>>) target_semaphore(%arg24 : memref<!tpu.dma_semaphore, #tpu.memory_space<semaphore_mem>>)
    %dma_wait3A_213 = arith.constant 0 : i32
    %dma_wait3A_214 = arith.constant 0 : i32
    %dma_wait3A_215 = tpu.memref_slice %arg5[%dma_wait3A_213, %dma_wait3A_214] : memref<819200x32xf32, #tpu.memory_space<hbm>> -> memref<800x32xf32, #tpu.memory_space<hbm>>
    %dma_wait3A_216 = arith.constant 0 : i32
    %dma_wait3A_217 = arith.constant 0 : i32
    %dma_wait3A_218 = tpu.memref_slice %arg5[%dma_wait3A_216, %dma_wait3A_217] : memref<819200x32xf32, #tpu.memory_space<hbm>> -> memref<800x32xf32, #tpu.memory_space<hbm>>
    tpu.wait_dma2 semaphore(%arg21 : memref<!tpu.dma_semaphore, #tpu.memory_space<semaphore_mem>>) src(%dma_wait3A_218 : memref<800x32xf32, #tpu.memory_space<hbm>>) dst(%arg12 : memref<800x32xf32, #tpu.memory_space<vmem>>)
    %dma_wait3A_219 = arith.constant 0 : i32
    %dma_wait3A_220 = tpu.memref_slice %arg2[%dma_wait3A_219] : memref<819200xi32, #tpu.memory_space<hbm>> -> memref<800xi32, #tpu.memory_space<hbm>>
    %dma_wait3A_221 = arith.constant 0 : i32
    %dma_wait3A_222 = tpu.memref_slice %arg2[%dma_wait3A_221] : memref<819200xi32, #tpu.memory_space<hbm>> -> memref<800xi32, #tpu.memory_space<hbm>>
    tpu.wait_dma2 semaphore(%arg18 : memref<!tpu.dma_semaphore, #tpu.memory_space<semaphore_mem>>) src(%dma_wait3A_222 : memref<800xi32, #tpu.memory_space<hbm>>) dst(%arg9 : memref<800xi32, #tpu.memory_space<vmem>>)
    %dma_wait3A_223 = arith.constant 0 : i32
    %dma_wait3A_224 = arith.constant 0 : i32
    %dma_wait3A_225 = tpu.memref_slice %arg5[%dma_wait3A_223, %dma_wait3A_224] : memref<819200x32xf32, #tpu.memory_space<hbm>> -> memref<800x32xf32, #tpu.memory_space<hbm>>
    %dma_wait3A_226 = arith.constant 0 : i32
    %dma_wait3A_227 = arith.constant 0 : i32
    %dma_wait3A_228 = tpu.memref_slice %arg5[%dma_wait3A_226, %dma_wait3A_227] : memref<819200x32xf32, #tpu.memory_space<hbm>> -> memref<800x32xf32, #tpu.memory_space<hbm>>
    tpu.wait_dma2 semaphore(%arg26 : memref<!tpu.dma_semaphore, #tpu.memory_space<semaphore_mem>>) src(%arg13 : memref<800x32xf32, #tpu.memory_space<vmem>>) dst(%dma_wait3A_228 : memref<800x32xf32, #tpu.memory_space<hbm>>)
    %dma_start3A_229 = arith.constant 0 : i32
    %dma_start3A_230 = arith.constant 0 : i32
    %dma_start3A_231 = tpu.memref_slice %arg3[%dma_start3A_229, %dma_start3A_230] : memref<1000000x32xf32, #tpu.memory_space<hbm>> -> memref<1000000x32xf32, #tpu.memory_space<hbm>>
    tpu.enqueue_indirect_dma source(%dma_start3A_231 : memref<1000000x32xf32, #tpu.memory_space<hbm>>) target(%arg13 : memref<800x32xf32, #tpu.memory_space<vmem>>) offsets(%arg9 : memref<800xi32, #tpu.memory_space<vmem>>) semaphore(%arg22 : memref<!tpu.dma_semaphore, #tpu.memory_space<semaphore_mem>>)
    %scan3A_232 = arith.constant 0 : i32
    %scan3A_233 = arith.constant 0 : i32
    %scan3A_234 = arith.constant 200 : i32
    %scan3A_235 = arith.addi %scan3A_233, %scan3A_234 : i32
    %scan3A_236 = arith.constant 4 : i32
    scf.for %scan3A_286 = %scan3A_233 to %scan3A_235 step %scan3A_236  : i32 {
      %get3A = arith.index_cast %scan3A_286 : i32 to index
      %get3A_287 = arith.constant 0 : index
      %get3A_288 = tpu.vector_load %arg14[%get3A, %get3A_287] {strides = array<i32>} : memref<200x32xf32, #tpu.memory_space<vmem>>, vector<1x16xf32>,
      %get3A_289 = vector.shape_cast %get3A_288 : vector<1x16xf32> to vector<16xf32>
      %get3A_290 = arith.index_cast %scan3A_286 : i32 to index
      %get3A_291 = arith.constant 16 : index
      %get3A_292 = tpu.vector_load %arg14[%get3A_290, %get3A_291] {strides = array<i32>} : memref<200x32xf32, #tpu.memory_space<vmem>>, vector<1x16xf32>,
      %get3A_293 = vector.shape_cast %get3A_292 : vector<1x16xf32> to vector<16xf32>
      %add3A_294 = arith.constant 0 : i32
      %add3A_295 = arith.addi %add3A_294, %scan3A_286 : i32
      %swap3A = arith.index_cast %add3A_295 : i32 to index
      %swap3A_296 = arith.constant 0 : index
      %swap3A_297 = tpu.vector_load %arg12[%swap3A, %swap3A_296] {strides = array<i32>} : memref<800x32xf32, #tpu.memory_space<vmem>>, vector<1x16xf32>,
      %swap3A_298 = vector.shape_cast %swap3A_297 : vector<1x16xf32> to vector<16xf32>
      %swap3A_299 = vector.shape_cast %get3A_289 : vector<16xf32> to vector<1x16xf32>
      tpu.vector_store %arg12[%swap3A, %swap3A_296], %swap3A_299 {add = true, strides = array<i32>} : memref<800x32xf32, #tpu.memory_space<vmem>>, vector<1x16xf32>,
      %swap3A_300 = arith.index_cast %add3A_295 : i32 to index
      %swap3A_301 = arith.constant 16 : index
      %swap3A_302 = tpu.vector_load %arg12[%swap3A_300, %swap3A_301] {strides = array<i32>} : memref<800x32xf32, #tpu.memory_space<vmem>>, vector<1x16xf32>,
      %swap3A_303 = vector.shape_cast %swap3A_302 : vector<1x16xf32> to vector<16xf32>
      %swap3A_304 = vector.shape_cast %get3A_293 : vector<16xf32> to vector<1x16xf32>
      tpu.vector_store %arg12[%swap3A_300, %swap3A_301], %swap3A_304 {add = true, strides = array<i32>} : memref<800x32xf32, #tpu.memory_space<vmem>>, vector<1x16xf32>,
      %add3A_305 = arith.constant 200 : i32
      %add3A_306 = arith.addi %add3A_305, %scan3A_286 : i32
      %swap3A_307 = arith.index_cast %add3A_306 : i32 to index
      %swap3A_308 = arith.constant 0 : index
      %swap3A_309 = tpu.vector_load %arg12[%swap3A_307, %swap3A_308] {strides = array<i32>} : memref<800x32xf32, #tpu.memory_space<vmem>>, vector<1x16xf32>,
      %swap3A_310 = vector.shape_cast %swap3A_309 : vector<1x16xf32> to vector<16xf32>
      %swap3A_311 = vector.shape_cast %get3A_289 : vector<16xf32> to vector<1x16xf32>
      tpu.vector_store %arg12[%swap3A_307, %swap3A_308], %swap3A_311 {add = true, strides = array<i32>} : memref<800x32xf32, #tpu.memory_space<vmem>>, vector<1x16xf32>,
      %swap3A_312 = arith.index_cast %add3A_306 : i32 to index
      %swap3A_313 = arith.constant 16 : index
      %swap3A_314 = tpu.vector_load %arg12[%swap3A_312, %swap3A_313] {strides = array<i32>} : memref<800x32xf32, #tpu.memory_space<vmem>>, vector<1x16xf32>,
      %swap3A_315 = vector.shape_cast %swap3A_314 : vector<1x16xf32> to vector<16xf32>
      %swap3A_316 = vector.shape_cast %get3A_293 : vector<16xf32> to vector<1x16xf32>
      tpu.vector_store %arg12[%swap3A_312, %swap3A_313], %swap3A_316 {add = true, strides = array<i32>} : memref<800x32xf32, #tpu.memory_space<vmem>>, vector<1x16xf32>,
      %add3A_317 = arith.constant 400 : i32
      %add3A_318 = arith.addi %add3A_317, %scan3A_286 : i32
      %swap3A_319 = arith.index_cast %add3A_318 : i32 to index
      %swap3A_320 = arith.constant 0 : index
      %swap3A_321 = tpu.vector_load %arg12[%swap3A_319, %swap3A_320] {strides = array<i32>} : memref<800x32xf32, #tpu.memory_space<vmem>>, vector<1x16xf32>,
      %swap3A_322 = vector.shape_cast %swap3A_321 : vector<1x16xf32> to vector<16xf32>
      %swap3A_323 = vector.shape_cast %get3A_289 : vector<16xf32> to vector<1x16xf32>
      tpu.vector_store %arg12[%swap3A_319, %swap3A_320], %swap3A_323 {add = true, strides = array<i32>} : memref<800x32xf32, #tpu.memory_space<vmem>>, vector<1x16xf32>,
      %swap3A_324 = arith.index_cast %add3A_318 : i32 to index
      %swap3A_325 = arith.constant 16 : index
      %swap3A_326 = tpu.vector_load %arg12[%swap3A_324, %swap3A_325] {strides = array<i32>} : memref<800x32xf32, #tpu.memory_space<vmem>>, vector<1x16xf32>,
      %swap3A_327 = vector.shape_cast %swap3A_326 : vector<1x16xf32> to vector<16xf32>
      %swap3A_328 = vector.shape_cast %get3A_293 : vector<16xf32> to vector<1x16xf32>
      tpu.vector_store %arg12[%swap3A_324, %swap3A_325], %swap3A_328 {add = true, strides = array<i32>} : memref<800x32xf32, #tpu.memory_space<vmem>>, vector<1x16xf32>,
      %add3A_329 = arith.constant 600 : i32
      %add3A_330 = arith.addi %add3A_329, %scan3A_286 : i32
      %swap3A_331 = arith.index_cast %add3A_330 : i32 to index
      %swap3A_332 = arith.constant 0 : index
      %swap3A_333 = tpu.vector_load %arg12[%swap3A_331, %swap3A_332] {strides = array<i32>} : memref<800x32xf32, #tpu.memory_space<vmem>>, vector<1x16xf32>,
      %swap3A_334 = vector.shape_cast %swap3A_333 : vector<1x16xf32> to vector<16xf32>
      %swap3A_335 = vector.shape_cast %get3A_289 : vector<16xf32> to vector<1x16xf32>
      tpu.vector_store %arg12[%swap3A_331, %swap3A_332], %swap3A_335 {add = true, strides = array<i32>} : memref<800x32xf32, #tpu.memory_space<vmem>>, vector<1x16xf32>,
      %swap3A_336 = arith.index_cast %add3A_330 : i32 to index
      %swap3A_337 = arith.constant 16 : index
      %swap3A_338 = tpu.vector_load %arg12[%swap3A_336, %swap3A_337] {strides = array<i32>} : memref<800x32xf32, #tpu.memory_space<vmem>>, vector<1x16xf32>,
      %swap3A_339 = vector.shape_cast %swap3A_338 : vector<1x16xf32> to vector<16xf32>
      %swap3A_340 = vector.shape_cast %get3A_293 : vector<16xf32> to vector<1x16xf32>
      tpu.vector_store %arg12[%swap3A_336, %swap3A_337], %swap3A_340 {add = true, strides = array<i32>} : memref<800x32xf32, #tpu.memory_space<vmem>>, vector<1x16xf32>,
      %scan3A_341 = arith.constant 1 : i32
      %scan3A_342 = arith.addi %scan3A_286, %scan3A_341 : i32
      %get3A_343 = arith.index_cast %scan3A_342 : i32 to index
      %get3A_344 = arith.constant 0 : index
      %get3A_345 = tpu.vector_load %arg14[%get3A_343, %get3A_344] {strides = array<i32>} : memref<200x32xf32, #tpu.memory_space<vmem>>, vector<1x16xf32>,
      %get3A_346 = vector.shape_cast %get3A_345 : vector<1x16xf32> to vector<16xf32>
      %get3A_347 = arith.index_cast %scan3A_342 : i32 to index
      %get3A_348 = arith.constant 16 : index
      %get3A_349 = tpu.vector_load %arg14[%get3A_347, %get3A_348] {strides = array<i32>} : memref<200x32xf32, #tpu.memory_space<vmem>>, vector<1x16xf32>,
      %get3A_350 = vector.shape_cast %get3A_349 : vector<1x16xf32> to vector<16xf32>
      %add3A_351 = arith.constant 0 : i32
      %add3A_352 = arith.addi %add3A_351, %scan3A_342 : i32
      %swap3A_353 = arith.index_cast %add3A_352 : i32 to index
      %swap3A_354 = arith.constant 0 : index
      %swap3A_355 = tpu.vector_load %arg12[%swap3A_353, %swap3A_354] {strides = array<i32>} : memref<800x32xf32, #tpu.memory_space<vmem>>, vector<1x16xf32>,
      %swap3A_356 = vector.shape_cast %swap3A_355 : vector<1x16xf32> to vector<16xf32>
      %swap3A_357 = vector.shape_cast %get3A_346 : vector<16xf32> to vector<1x16xf32>
      tpu.vector_store %arg12[%swap3A_353, %swap3A_354], %swap3A_357 {add = true, strides = array<i32>} : memref<800x32xf32, #tpu.memory_space<vmem>>, vector<1x16xf32>,
      %swap3A_358 = arith.index_cast %add3A_352 : i32 to index
      %swap3A_359 = arith.constant 16 : index
      %swap3A_360 = tpu.vector_load %arg12[%swap3A_358, %swap3A_359] {strides = array<i32>} : memref<800x32xf32, #tpu.memory_space<vmem>>, vector<1x16xf32>,
      %swap3A_361 = vector.shape_cast %swap3A_360 : vector<1x16xf32> to vector<16xf32>
      %swap3A_362 = vector.shape_cast %get3A_350 : vector<16xf32> to vector<1x16xf32>
      tpu.vector_store %arg12[%swap3A_358, %swap3A_359], %swap3A_362 {add = true, strides = array<i32>} : memref<800x32xf32, #tpu.memory_space<vmem>>, vector<1x16xf32>,
      %add3A_363 = arith.constant 200 : i32
      %add3A_364 = arith.addi %add3A_363, %scan3A_342 : i32
      %swap3A_365 = arith.index_cast %add3A_364 : i32 to index
      %swap3A_366 = arith.constant 0 : index
      %swap3A_367 = tpu.vector_load %arg12[%swap3A_365, %swap3A_366] {strides = array<i32>} : memref<800x32xf32, #tpu.memory_space<vmem>>, vector<1x16xf32>,
      %swap3A_368 = vector.shape_cast %swap3A_367 : vector<1x16xf32> to vector<16xf32>
      %swap3A_369 = vector.shape_cast %get3A_346 : vector<16xf32> to vector<1x16xf32>
      tpu.vector_store %arg12[%swap3A_365, %swap3A_366], %swap3A_369 {add = true, strides = array<i32>} : memref<800x32xf32, #tpu.memory_space<vmem>>, vector<1x16xf32>,
      %swap3A_370 = arith.index_cast %add3A_364 : i32 to index
      %swap3A_371 = arith.constant 16 : index
      %swap3A_372 = tpu.vector_load %arg12[%swap3A_370, %swap3A_371] {strides = array<i32>} : memref<800x32xf32, #tpu.memory_space<vmem>>, vector<1x16xf32>,
      %swap3A_373 = vector.shape_cast %swap3A_372 : vector<1x16xf32> to vector<16xf32>
      %swap3A_374 = vector.shape_cast %get3A_350 : vector<16xf32> to vector<1x16xf32>
      tpu.vector_store %arg12[%swap3A_370, %swap3A_371], %swap3A_374 {add = true, strides = array<i32>} : memref<800x32xf32, #tpu.memory_space<vmem>>, vector<1x16xf32>,
      %add3A_375 = arith.constant 400 : i32
      %add3A_376 = arith.addi %add3A_375, %scan3A_342 : i32
      %swap3A_377 = arith.index_cast %add3A_376 : i32 to index
      %swap3A_378 = arith.constant 0 : index
      %swap3A_379 = tpu.vector_load %arg12[%swap3A_377, %swap3A_378] {strides = array<i32>} : memref<800x32xf32, #tpu.memory_space<vmem>>, vector<1x16xf32>,
      %swap3A_380 = vector.shape_cast %swap3A_379 : vector<1x16xf32> to vector<16xf32>
      %swap3A_381 = vector.shape_cast %get3A_346 : vector<16xf32> to vector<1x16xf32>
      tpu.vector_store %arg12[%swap3A_377, %swap3A_378], %swap3A_381 {add = true, strides = array<i32>} : memref<800x32xf32, #tpu.memory_space<vmem>>, vector<1x16xf32>,
      %swap3A_382 = arith.index_cast %add3A_376 : i32 to index
      %swap3A_383 = arith.constant 16 : index
      %swap3A_384 = tpu.vector_load %arg12[%swap3A_382, %swap3A_383] {strides = array<i32>} : memref<800x32xf32, #tpu.memory_space<vmem>>, vector<1x16xf32>,
      %swap3A_385 = vector.shape_cast %swap3A_384 : vector<1x16xf32> to vector<16xf32>
      %swap3A_386 = vector.shape_cast %get3A_350 : vector<16xf32> to vector<1x16xf32>
      tpu.vector_store %arg12[%swap3A_382, %swap3A_383], %swap3A_386 {add = true, strides = array<i32>} : memref<800x32xf32, #tpu.memory_space<vmem>>, vector<1x16xf32>,
      %add3A_387 = arith.constant 600 : i32
      %add3A_388 = arith.addi %add3A_387, %scan3A_342 : i32
      %swap3A_389 = arith.index_cast %add3A_388 : i32 to index
      %swap3A_390 = arith.constant 0 : index
      %swap3A_391 = tpu.vector_load %arg12[%swap3A_389, %swap3A_390] {strides = array<i32>} : memref<800x32xf32, #tpu.memory_space<vmem>>, vector<1x16xf32>,
      %swap3A_392 = vector.shape_cast %swap3A_391 : vector<1x16xf32> to vector<16xf32>
      %swap3A_393 = vector.shape_cast %get3A_346 : vector<16xf32> to vector<1x16xf32>
      tpu.vector_store %arg12[%swap3A_389, %swap3A_390], %swap3A_393 {add = true, strides = array<i32>} : memref<800x32xf32, #tpu.memory_space<vmem>>, vector<1x16xf32>,
      %swap3A_394 = arith.index_cast %add3A_388 : i32 to index
      %swap3A_395 = arith.constant 16 : index
      %swap3A_396 = tpu.vector_load %arg12[%swap3A_394, %swap3A_395] {strides = array<i32>} : memref<800x32xf32, #tpu.memory_space<vmem>>, vector<1x16xf32>,
      %swap3A_397 = vector.shape_cast %swap3A_396 : vector<1x16xf32> to vector<16xf32>
      %swap3A_398 = vector.shape_cast %get3A_350 : vector<16xf32> to vector<1x16xf32>
      tpu.vector_store %arg12[%swap3A_394, %swap3A_395], %swap3A_398 {add = true, strides = array<i32>} : memref<800x32xf32, #tpu.memory_space<vmem>>, vector<1x16xf32>,
      %scan3A_399 = arith.constant 2 : i32
      %scan3A_400 = arith.addi %scan3A_286, %scan3A_399 : i32
      %get3A_401 = arith.index_cast %scan3A_400 : i32 to index
      %get3A_402 = arith.constant 0 : index
      %get3A_403 = tpu.vector_load %arg14[%get3A_401, %get3A_402] {strides = array<i32>} : memref<200x32xf32, #tpu.memory_space<vmem>>, vector<1x16xf32>,
      %get3A_404 = vector.shape_cast %get3A_403 : vector<1x16xf32> to vector<16xf32>
      %get3A_405 = arith.index_cast %scan3A_400 : i32 to index
      %get3A_406 = arith.constant 16 : index
      %get3A_407 = tpu.vector_load %arg14[%get3A_405, %get3A_406] {strides = array<i32>} : memref<200x32xf32, #tpu.memory_space<vmem>>, vector<1x16xf32>,
      %get3A_408 = vector.shape_cast %get3A_407 : vector<1x16xf32> to vector<16xf32>
      %add3A_409 = arith.constant 0 : i32
      %add3A_410 = arith.addi %add3A_409, %scan3A_400 : i32
      %swap3A_411 = arith.index_cast %add3A_410 : i32 to index
      %swap3A_412 = arith.constant 0 : index
      %swap3A_413 = tpu.vector_load %arg12[%swap3A_411, %swap3A_412] {strides = array<i32>} : memref<800x32xf32, #tpu.memory_space<vmem>>, vector<1x16xf32>,
      %swap3A_414 = vector.shape_cast %swap3A_413 : vector<1x16xf32> to vector<16xf32>
      %swap3A_415 = vector.shape_cast %get3A_404 : vector<16xf32> to vector<1x16xf32>
      tpu.vector_store %arg12[%swap3A_411, %swap3A_412], %swap3A_415 {add = true, strides = array<i32>} : memref<800x32xf32, #tpu.memory_space<vmem>>, vector<1x16xf32>,
      %swap3A_416 = arith.index_cast %add3A_410 : i32 to index
      %swap3A_417 = arith.constant 16 : index
      %swap3A_418 = tpu.vector_load %arg12[%swap3A_416, %swap3A_417] {strides = array<i32>} : memref<800x32xf32, #tpu.memory_space<vmem>>, vector<1x16xf32>,
      %swap3A_419 = vector.shape_cast %swap3A_418 : vector<1x16xf32> to vector<16xf32>
      %swap3A_420 = vector.shape_cast %get3A_408 : vector<16xf32> to vector<1x16xf32>
      tpu.vector_store %arg12[%swap3A_416, %swap3A_417], %swap3A_420 {add = true, strides = array<i32>} : memref<800x32xf32, #tpu.memory_space<vmem>>, vector<1x16xf32>,
      %add3A_421 = arith.constant 200 : i32
      %add3A_422 = arith.addi %add3A_421, %scan3A_400 : i32
      %swap3A_423 = arith.index_cast %add3A_422 : i32 to index
      %swap3A_424 = arith.constant 0 : index
      %swap3A_425 = tpu.vector_load %arg12[%swap3A_423, %swap3A_424] {strides = array<i32>} : memref<800x32xf32, #tpu.memory_space<vmem>>, vector<1x16xf32>,
      %swap3A_426 = vector.shape_cast %swap3A_425 : vector<1x16xf32> to vector<16xf32>
      %swap3A_427 = vector.shape_cast %get3A_404 : vector<16xf32> to vector<1x16xf32>
      tpu.vector_store %arg12[%swap3A_423, %swap3A_424], %swap3A_427 {add = true, strides = array<i32>} : memref<800x32xf32, #tpu.memory_space<vmem>>, vector<1x16xf32>,
      %swap3A_428 = arith.index_cast %add3A_422 : i32 to index
      %swap3A_429 = arith.constant 16 : index
      %swap3A_430 = tpu.vector_load %arg12[%swap3A_428, %swap3A_429] {strides = array<i32>} : memref<800x32xf32, #tpu.memory_space<vmem>>, vector<1x16xf32>,
      %swap3A_431 = vector.shape_cast %swap3A_430 : vector<1x16xf32> to vector<16xf32>
      %swap3A_432 = vector.shape_cast %get3A_408 : vector<16xf32> to vector<1x16xf32>
      tpu.vector_store %arg12[%swap3A_428, %swap3A_429], %swap3A_432 {add = true, strides = array<i32>} : memref<800x32xf32, #tpu.memory_space<vmem>>, vector<1x16xf32>,
      %add3A_433 = arith.constant 400 : i32
      %add3A_434 = arith.addi %add3A_433, %scan3A_400 : i32
      %swap3A_435 = arith.index_cast %add3A_434 : i32 to index
      %swap3A_436 = arith.constant 0 : index
      %swap3A_437 = tpu.vector_load %arg12[%swap3A_435, %swap3A_436] {strides = array<i32>} : memref<800x32xf32, #tpu.memory_space<vmem>>, vector<1x16xf32>,
      %swap3A_438 = vector.shape_cast %swap3A_437 : vector<1x16xf32> to vector<16xf32>
      %swap3A_439 = vector.shape_cast %get3A_404 : vector<16xf32> to vector<1x16xf32>
      tpu.vector_store %arg12[%swap3A_435, %swap3A_436], %swap3A_439 {add = true, strides = array<i32>} : memref<800x32xf32, #tpu.memory_space<vmem>>, vector<1x16xf32>,
      %swap3A_440 = arith.index_cast %add3A_434 : i32 to index
      %swap3A_441 = arith.constant 16 : index
      %swap3A_442 = tpu.vector_load %arg12[%swap3A_440, %swap3A_441] {strides = array<i32>} : memref<800x32xf32, #tpu.memory_space<vmem>>, vector<1x16xf32>,
      %swap3A_443 = vector.shape_cast %swap3A_442 : vector<1x16xf32> to vector<16xf32>
      %swap3A_444 = vector.shape_cast %get3A_408 : vector<16xf32> to vector<1x16xf32>
      tpu.vector_store %arg12[%swap3A_440, %swap3A_441], %swap3A_444 {add = true, strides = array<i32>} : memref<800x32xf32, #tpu.memory_space<vmem>>, vector<1x16xf32>,
      %add3A_445 = arith.constant 600 : i32
      %add3A_446 = arith.addi %add3A_445, %scan3A_400 : i32
      %swap3A_447 = arith.index_cast %add3A_446 : i32 to index
      %swap3A_448 = arith.constant 0 : index
      %swap3A_449 = tpu.vector_load %arg12[%swap3A_447, %swap3A_448] {strides = array<i32>} : memref<800x32xf32, #tpu.memory_space<vmem>>, vector<1x16xf32>,
      %swap3A_450 = vector.shape_cast %swap3A_449 : vector<1x16xf32> to vector<16xf32>
      %swap3A_451 = vector.shape_cast %get3A_404 : vector<16xf32> to vector<1x16xf32>
      tpu.vector_store %arg12[%swap3A_447, %swap3A_448], %swap3A_451 {add = true, strides = array<i32>} : memref<800x32xf32, #tpu.memory_space<vmem>>, vector<1x16xf32>,
      %swap3A_452 = arith.index_cast %add3A_446 : i32 to index
      %swap3A_453 = arith.constant 16 : index
      %swap3A_454 = tpu.vector_load %arg12[%swap3A_452, %swap3A_453] {strides = array<i32>} : memref<800x32xf32, #tpu.memory_space<vmem>>, vector<1x16xf32>,
      %swap3A_455 = vector.shape_cast %swap3A_454 : vector<1x16xf32> to vector<16xf32>
      %swap3A_456 = vector.shape_cast %get3A_408 : vector<16xf32> to vector<1x16xf32>
      tpu.vector_store %arg12[%swap3A_452, %swap3A_453], %swap3A_456 {add = true, strides = array<i32>} : memref<800x32xf32, #tpu.memory_space<vmem>>, vector<1x16xf32>,
      %scan3A_457 = arith.constant 3 : i32
      %scan3A_458 = arith.addi %scan3A_286, %scan3A_457 : i32
      %get3A_459 = arith.index_cast %scan3A_458 : i32 to index
      %get3A_460 = arith.constant 0 : index
      %get3A_461 = tpu.vector_load %arg14[%get3A_459, %get3A_460] {strides = array<i32>} : memref<200x32xf32, #tpu.memory_space<vmem>>, vector<1x16xf32>,
      %get3A_462 = vector.shape_cast %get3A_461 : vector<1x16xf32> to vector<16xf32>
      %get3A_463 = arith.index_cast %scan3A_458 : i32 to index
      %get3A_464 = arith.constant 16 : index
      %get3A_465 = tpu.vector_load %arg14[%get3A_463, %get3A_464] {strides = array<i32>} : memref<200x32xf32, #tpu.memory_space<vmem>>, vector<1x16xf32>,
      %get3A_466 = vector.shape_cast %get3A_465 : vector<1x16xf32> to vector<16xf32>
      %add3A_467 = arith.constant 0 : i32
      %add3A_468 = arith.addi %add3A_467, %scan3A_458 : i32
      %swap3A_469 = arith.index_cast %add3A_468 : i32 to index
      %swap3A_470 = arith.constant 0 : index
      %swap3A_471 = tpu.vector_load %arg12[%swap3A_469, %swap3A_470] {strides = array<i32>} : memref<800x32xf32, #tpu.memory_space<vmem>>, vector<1x16xf32>,
      %swap3A_472 = vector.shape_cast %swap3A_471 : vector<1x16xf32> to vector<16xf32>
      %swap3A_473 = vector.shape_cast %get3A_462 : vector<16xf32> to vector<1x16xf32>
      tpu.vector_store %arg12[%swap3A_469, %swap3A_470], %swap3A_473 {add = true, strides = array<i32>} : memref<800x32xf32, #tpu.memory_space<vmem>>, vector<1x16xf32>,
      %swap3A_474 = arith.index_cast %add3A_468 : i32 to index
      %swap3A_475 = arith.constant 16 : index
      %swap3A_476 = tpu.vector_load %arg12[%swap3A_474, %swap3A_475] {strides = array<i32>} : memref<800x32xf32, #tpu.memory_space<vmem>>, vector<1x16xf32>,
      %swap3A_477 = vector.shape_cast %swap3A_476 : vector<1x16xf32> to vector<16xf32>
      %swap3A_478 = vector.shape_cast %get3A_466 : vector<16xf32> to vector<1x16xf32>
      tpu.vector_store %arg12[%swap3A_474, %swap3A_475], %swap3A_478 {add = true, strides = array<i32>} : memref<800x32xf32, #tpu.memory_space<vmem>>, vector<1x16xf32>,
      %add3A_479 = arith.constant 200 : i32
      %add3A_480 = arith.addi %add3A_479, %scan3A_458 : i32
      %swap3A_481 = arith.index_cast %add3A_480 : i32 to index
      %swap3A_482 = arith.constant 0 : index
      %swap3A_483 = tpu.vector_load %arg12[%swap3A_481, %swap3A_482] {strides = array<i32>} : memref<800x32xf32, #tpu.memory_space<vmem>>, vector<1x16xf32>,
      %swap3A_484 = vector.shape_cast %swap3A_483 : vector<1x16xf32> to vector<16xf32>
      %swap3A_485 = vector.shape_cast %get3A_462 : vector<16xf32> to vector<1x16xf32>
      tpu.vector_store %arg12[%swap3A_481, %swap3A_482], %swap3A_485 {add = true, strides = array<i32>} : memref<800x32xf32, #tpu.memory_space<vmem>>, vector<1x16xf32>,
      %swap3A_486 = arith.index_cast %add3A_480 : i32 to index
      %swap3A_487 = arith.constant 16 : index
      %swap3A_488 = tpu.vector_load %arg12[%swap3A_486, %swap3A_487] {strides = array<i32>} : memref<800x32xf32, #tpu.memory_space<vmem>>, vector<1x16xf32>,
      %swap3A_489 = vector.shape_cast %swap3A_488 : vector<1x16xf32> to vector<16xf32>
      %swap3A_490 = vector.shape_cast %get3A_466 : vector<16xf32> to vector<1x16xf32>
      tpu.vector_store %arg12[%swap3A_486, %swap3A_487], %swap3A_490 {add = true, strides = array<i32>} : memref<800x32xf32, #tpu.memory_space<vmem>>, vector<1x16xf32>,
      %add3A_491 = arith.constant 400 : i32
      %add3A_492 = arith.addi %add3A_491, %scan3A_458 : i32
      %swap3A_493 = arith.index_cast %add3A_492 : i32 to index
      %swap3A_494 = arith.constant 0 : index
      %swap3A_495 = tpu.vector_load %arg12[%swap3A_493, %swap3A_494] {strides = array<i32>} : memref<800x32xf32, #tpu.memory_space<vmem>>, vector<1x16xf32>,
      %swap3A_496 = vector.shape_cast %swap3A_495 : vector<1x16xf32> to vector<16xf32>
      %swap3A_497 = vector.shape_cast %get3A_462 : vector<16xf32> to vector<1x16xf32>
      tpu.vector_store %arg12[%swap3A_493, %swap3A_494], %swap3A_497 {add = true, strides = array<i32>} : memref<800x32xf32, #tpu.memory_space<vmem>>, vector<1x16xf32>,
      %swap3A_498 = arith.index_cast %add3A_492 : i32 to index
      %swap3A_499 = arith.constant 16 : index
      %swap3A_500 = tpu.vector_load %arg12[%swap3A_498, %swap3A_499] {strides = array<i32>} : memref<800x32xf32, #tpu.memory_space<vmem>>, vector<1x16xf32>,
      %swap3A_501 = vector.shape_cast %swap3A_500 : vector<1x16xf32> to vector<16xf32>
      %swap3A_502 = vector.shape_cast %get3A_466 : vector<16xf32> to vector<1x16xf32>
      tpu.vector_store %arg12[%swap3A_498, %swap3A_499], %swap3A_502 {add = true, strides = array<i32>} : memref<800x32xf32, #tpu.memory_space<vmem>>, vector<1x16xf32>,
      %add3A_503 = arith.constant 600 : i32
      %add3A_504 = arith.addi %add3A_503, %scan3A_458 : i32
      %swap3A_505 = arith.index_cast %add3A_504 : i32 to index
      %swap3A_506 = arith.constant 0 : index
      %swap3A_507 = tpu.vector_load %arg12[%swap3A_505, %swap3A_506] {strides = array<i32>} : memref<800x32xf32, #tpu.memory_space<vmem>>, vector<1x16xf32>,
      %swap3A_508 = vector.shape_cast %swap3A_507 : vector<1x16xf32> to vector<16xf32>
      %swap3A_509 = vector.shape_cast %get3A_462 : vector<16xf32> to vector<1x16xf32>
      tpu.vector_store %arg12[%swap3A_505, %swap3A_506], %swap3A_509 {add = true, strides = array<i32>} : memref<800x32xf32, #tpu.memory_space<vmem>>, vector<1x16xf32>,
      %swap3A_510 = arith.index_cast %add3A_504 : i32 to index
      %swap3A_511 = arith.constant 16 : index
      %swap3A_512 = tpu.vector_load %arg12[%swap3A_510, %swap3A_511] {strides = array<i32>} : memref<800x32xf32, #tpu.memory_space<vmem>>, vector<1x16xf32>,
      %swap3A_513 = vector.shape_cast %swap3A_512 : vector<1x16xf32> to vector<16xf32>
      %swap3A_514 = vector.shape_cast %get3A_466 : vector<16xf32> to vector<1x16xf32>
      tpu.vector_store %arg12[%swap3A_510, %swap3A_511], %swap3A_514 {add = true, strides = array<i32>} : memref<800x32xf32, #tpu.memory_space<vmem>>, vector<1x16xf32>,
    }
    %scan3A_237 = arith.constant 200 : i32
    %add3A_238 = arith.constant 24000 : i32
    %add3A_239 = arith.addi %mul3A_2, %add3A_238 : i32
    %dma_start3A_240 = arith.constant 0 : i32
    %dma_start3A_241 = tpu.memref_slice %arg5[%add3A_239, %dma_start3A_240] : memref<819200x32xf32, #tpu.memory_space<hbm>> -> memref<800x32xf32, #tpu.memory_space<hbm>>
    %dma_start3A_242 = arith.constant 0 : i32
    %dma_start3A_243 = tpu.memref_slice %arg5[%add3A_239, %dma_start3A_242] : memref<819200x32xf32, #tpu.memory_space<hbm>> -> memref<800x32xf32, #tpu.memory_space<hbm>>
    tpu.enqueue_dma source(%arg12 : memref<800x32xf32, #tpu.memory_space<vmem>>) target(%dma_start3A_243 : memref<800x32xf32, #tpu.memory_space<hbm>>) target_semaphore(%arg25 : memref<!tpu.dma_semaphore, #tpu.memory_space<semaphore_mem>>)
    %dma_wait3A_244 = arith.constant 0 : i32
    %dma_wait3A_245 = arith.constant 0 : i32
    %dma_wait3A_246 = tpu.memref_slice %arg5[%dma_wait3A_244, %dma_wait3A_245] : memref<819200x32xf32, #tpu.memory_space<hbm>> -> memref<800x32xf32, #tpu.memory_space<hbm>>
    %dma_wait3A_247 = arith.constant 0 : i32
    %dma_wait3A_248 = arith.constant 0 : i32
    %dma_wait3A_249 = tpu.memref_slice %arg5[%dma_wait3A_247, %dma_wait3A_248] : memref<819200x32xf32, #tpu.memory_space<hbm>> -> memref<800x32xf32, #tpu.memory_space<hbm>>
    tpu.wait_dma2 semaphore(%arg22 : memref<!tpu.dma_semaphore, #tpu.memory_space<semaphore_mem>>) src(%dma_wait3A_249 : memref<800x32xf32, #tpu.memory_space<hbm>>) dst(%arg13 : memref<800x32xf32, #tpu.memory_space<vmem>>)
    %scan3A_250 = arith.constant 0 : i32
    %scan3A_251 = arith.constant 0 : i32
    %scan3A_252 = arith.constant 200 : i32
    %scan3A_253 = arith.addi %scan3A_251, %scan3A_252 : i32
    %scan3A_254 = arith.constant 4 : i32
    scf.for %scan3A_286 = %scan3A_251 to %scan3A_253 step %scan3A_254  : i32 {
      %get3A = arith.index_cast %scan3A_286 : i32 to index
      %get3A_287 = arith.constant 0 : index
      %get3A_288 = tpu.vector_load %arg14[%get3A, %get3A_287] {strides = array<i32>} : memref<200x32xf32, #tpu.memory_space<vmem>>, vector<1x16xf32>,
      %get3A_289 = vector.shape_cast %get3A_288 : vector<1x16xf32> to vector<16xf32>
      %get3A_290 = arith.index_cast %scan3A_286 : i32 to index
      %get3A_291 = arith.constant 16 : index
      %get3A_292 = tpu.vector_load %arg14[%get3A_290, %get3A_291] {strides = array<i32>} : memref<200x32xf32, #tpu.memory_space<vmem>>, vector<1x16xf32>,
      %get3A_293 = vector.shape_cast %get3A_292 : vector<1x16xf32> to vector<16xf32>
      %add3A_294 = arith.constant 0 : i32
      %add3A_295 = arith.addi %add3A_294, %scan3A_286 : i32
      %swap3A = arith.index_cast %add3A_295 : i32 to index
      %swap3A_296 = arith.constant 0 : index
      %swap3A_297 = tpu.vector_load %arg13[%swap3A, %swap3A_296] {strides = array<i32>} : memref<800x32xf32, #tpu.memory_space<vmem>>, vector<1x16xf32>,
      %swap3A_298 = vector.shape_cast %swap3A_297 : vector<1x16xf32> to vector<16xf32>
      %swap3A_299 = vector.shape_cast %get3A_289 : vector<16xf32> to vector<1x16xf32>
      tpu.vector_store %arg13[%swap3A, %swap3A_296], %swap3A_299 {add = true, strides = array<i32>} : memref<800x32xf32, #tpu.memory_space<vmem>>, vector<1x16xf32>,
      %swap3A_300 = arith.index_cast %add3A_295 : i32 to index
      %swap3A_301 = arith.constant 16 : index
      %swap3A_302 = tpu.vector_load %arg13[%swap3A_300, %swap3A_301] {strides = array<i32>} : memref<800x32xf32, #tpu.memory_space<vmem>>, vector<1x16xf32>,
      %swap3A_303 = vector.shape_cast %swap3A_302 : vector<1x16xf32> to vector<16xf32>
      %swap3A_304 = vector.shape_cast %get3A_293 : vector<16xf32> to vector<1x16xf32>
      tpu.vector_store %arg13[%swap3A_300, %swap3A_301], %swap3A_304 {add = true, strides = array<i32>} : memref<800x32xf32, #tpu.memory_space<vmem>>, vector<1x16xf32>,
      %add3A_305 = arith.constant 200 : i32
      %add3A_306 = arith.addi %add3A_305, %scan3A_286 : i32
      %swap3A_307 = arith.index_cast %add3A_306 : i32 to index
      %swap3A_308 = arith.constant 0 : index
      %swap3A_309 = tpu.vector_load %arg13[%swap3A_307, %swap3A_308] {strides = array<i32>} : memref<800x32xf32, #tpu.memory_space<vmem>>, vector<1x16xf32>,
      %swap3A_310 = vector.shape_cast %swap3A_309 : vector<1x16xf32> to vector<16xf32>
      %swap3A_311 = vector.shape_cast %get3A_289 : vector<16xf32> to vector<1x16xf32>
      tpu.vector_store %arg13[%swap3A_307, %swap3A_308], %swap3A_311 {add = true, strides = array<i32>} : memref<800x32xf32, #tpu.memory_space<vmem>>, vector<1x16xf32>,
      %swap3A_312 = arith.index_cast %add3A_306 : i32 to index
      %swap3A_313 = arith.constant 16 : index
      %swap3A_314 = tpu.vector_load %arg13[%swap3A_312, %swap3A_313] {strides = array<i32>} : memref<800x32xf32, #tpu.memory_space<vmem>>, vector<1x16xf32>,
      %swap3A_315 = vector.shape_cast %swap3A_314 : vector<1x16xf32> to vector<16xf32>
      %swap3A_316 = vector.shape_cast %get3A_293 : vector<16xf32> to vector<1x16xf32>
      tpu.vector_store %arg13[%swap3A_312, %swap3A_313], %swap3A_316 {add = true, strides = array<i32>} : memref<800x32xf32, #tpu.memory_space<vmem>>, vector<1x16xf32>,
      %add3A_317 = arith.constant 400 : i32
      %add3A_318 = arith.addi %add3A_317, %scan3A_286 : i32
      %swap3A_319 = arith.index_cast %add3A_318 : i32 to index
      %swap3A_320 = arith.constant 0 : index
      %swap3A_321 = tpu.vector_load %arg13[%swap3A_319, %swap3A_320] {strides = array<i32>} : memref<800x32xf32, #tpu.memory_space<vmem>>, vector<1x16xf32>,
      %swap3A_322 = vector.shape_cast %swap3A_321 : vector<1x16xf32> to vector<16xf32>
      %swap3A_323 = vector.shape_cast %get3A_289 : vector<16xf32> to vector<1x16xf32>
      tpu.vector_store %arg13[%swap3A_319, %swap3A_320], %swap3A_323 {add = true, strides = array<i32>} : memref<800x32xf32, #tpu.memory_space<vmem>>, vector<1x16xf32>,
      %swap3A_324 = arith.index_cast %add3A_318 : i32 to index
      %swap3A_325 = arith.constant 16 : index
      %swap3A_326 = tpu.vector_load %arg13[%swap3A_324, %swap3A_325] {strides = array<i32>} : memref<800x32xf32, #tpu.memory_space<vmem>>, vector<1x16xf32>,
      %swap3A_327 = vector.shape_cast %swap3A_326 : vector<1x16xf32> to vector<16xf32>
      %swap3A_328 = vector.shape_cast %get3A_293 : vector<16xf32> to vector<1x16xf32>
      tpu.vector_store %arg13[%swap3A_324, %swap3A_325], %swap3A_328 {add = true, strides = array<i32>} : memref<800x32xf32, #tpu.memory_space<vmem>>, vector<1x16xf32>,
      %add3A_329 = arith.constant 600 : i32
      %add3A_330 = arith.addi %add3A_329, %scan3A_286 : i32
      %swap3A_331 = arith.index_cast %add3A_330 : i32 to index
      %swap3A_332 = arith.constant 0 : index
      %swap3A_333 = tpu.vector_load %arg13[%swap3A_331, %swap3A_332] {strides = array<i32>} : memref<800x32xf32, #tpu.memory_space<vmem>>, vector<1x16xf32>,
      %swap3A_334 = vector.shape_cast %swap3A_333 : vector<1x16xf32> to vector<16xf32>
      %swap3A_335 = vector.shape_cast %get3A_289 : vector<16xf32> to vector<1x16xf32>
      tpu.vector_store %arg13[%swap3A_331, %swap3A_332], %swap3A_335 {add = true, strides = array<i32>} : memref<800x32xf32, #tpu.memory_space<vmem>>, vector<1x16xf32>,
      %swap3A_336 = arith.index_cast %add3A_330 : i32 to index
      %swap3A_337 = arith.constant 16 : index
      %swap3A_338 = tpu.vector_load %arg13[%swap3A_336, %swap3A_337] {strides = array<i32>} : memref<800x32xf32, #tpu.memory_space<vmem>>, vector<1x16xf32>,
      %swap3A_339 = vector.shape_cast %swap3A_338 : vector<1x16xf32> to vector<16xf32>
      %swap3A_340 = vector.shape_cast %get3A_293 : vector<16xf32> to vector<1x16xf32>
      tpu.vector_store %arg13[%swap3A_336, %swap3A_337], %swap3A_340 {add = true, strides = array<i32>} : memref<800x32xf32, #tpu.memory_space<vmem>>, vector<1x16xf32>,
      %scan3A_341 = arith.constant 1 : i32
      %scan3A_342 = arith.addi %scan3A_286, %scan3A_341 : i32
      %get3A_343 = arith.index_cast %scan3A_342 : i32 to index
      %get3A_344 = arith.constant 0 : index
      %get3A_345 = tpu.vector_load %arg14[%get3A_343, %get3A_344] {strides = array<i32>} : memref<200x32xf32, #tpu.memory_space<vmem>>, vector<1x16xf32>,
      %get3A_346 = vector.shape_cast %get3A_345 : vector<1x16xf32> to vector<16xf32>
      %get3A_347 = arith.index_cast %scan3A_342 : i32 to index
      %get3A_348 = arith.constant 16 : index
      %get3A_349 = tpu.vector_load %arg14[%get3A_347, %get3A_348] {strides = array<i32>} : memref<200x32xf32, #tpu.memory_space<vmem>>, vector<1x16xf32>,
      %get3A_350 = vector.shape_cast %get3A_349 : vector<1x16xf32> to vector<16xf32>
      %add3A_351 = arith.constant 0 : i32
      %add3A_352 = arith.addi %add3A_351, %scan3A_342 : i32
      %swap3A_353 = arith.index_cast %add3A_352 : i32 to index
      %swap3A_354 = arith.constant 0 : index
      %swap3A_355 = tpu.vector_load %arg13[%swap3A_353, %swap3A_354] {strides = array<i32>} : memref<800x32xf32, #tpu.memory_space<vmem>>, vector<1x16xf32>,
      %swap3A_356 = vector.shape_cast %swap3A_355 : vector<1x16xf32> to vector<16xf32>
      %swap3A_357 = vector.shape_cast %get3A_346 : vector<16xf32> to vector<1x16xf32>
      tpu.vector_store %arg13[%swap3A_353, %swap3A_354], %swap3A_357 {add = true, strides = array<i32>} : memref<800x32xf32, #tpu.memory_space<vmem>>, vector<1x16xf32>,
      %swap3A_358 = arith.index_cast %add3A_352 : i32 to index
      %swap3A_359 = arith.constant 16 : index
      %swap3A_360 = tpu.vector_load %arg13[%swap3A_358, %swap3A_359] {strides = array<i32>} : memref<800x32xf32, #tpu.memory_space<vmem>>, vector<1x16xf32>,
      %swap3A_361 = vector.shape_cast %swap3A_360 : vector<1x16xf32> to vector<16xf32>
      %swap3A_362 = vector.shape_cast %get3A_350 : vector<16xf32> to vector<1x16xf32>
      tpu.vector_store %arg13[%swap3A_358, %swap3A_359], %swap3A_362 {add = true, strides = array<i32>} : memref<800x32xf32, #tpu.memory_space<vmem>>, vector<1x16xf32>,
      %add3A_363 = arith.constant 200 : i32
      %add3A_364 = arith.addi %add3A_363, %scan3A_342 : i32
      %swap3A_365 = arith.index_cast %add3A_364 : i32 to index
      %swap3A_366 = arith.constant 0 : index
      %swap3A_367 = tpu.vector_load %arg13[%swap3A_365, %swap3A_366] {strides = array<i32>} : memref<800x32xf32, #tpu.memory_space<vmem>>, vector<1x16xf32>,
      %swap3A_368 = vector.shape_cast %swap3A_367 : vector<1x16xf32> to vector<16xf32>
      %swap3A_369 = vector.shape_cast %get3A_346 : vector<16xf32> to vector<1x16xf32>
      tpu.vector_store %arg13[%swap3A_365, %swap3A_366], %swap3A_369 {add = true, strides = array<i32>} : memref<800x32xf32, #tpu.memory_space<vmem>>, vector<1x16xf32>,
      %swap3A_370 = arith.index_cast %add3A_364 : i32 to index
      %swap3A_371 = arith.constant 16 : index
      %swap3A_372 = tpu.vector_load %arg13[%swap3A_370, %swap3A_371] {strides = array<i32>} : memref<800x32xf32, #tpu.memory_space<vmem>>, vector<1x16xf32>,
      %swap3A_373 = vector.shape_cast %swap3A_372 : vector<1x16xf32> to vector<16xf32>
      %swap3A_374 = vector.shape_cast %get3A_350 : vector<16xf32> to vector<1x16xf32>
      tpu.vector_store %arg13[%swap3A_370, %swap3A_371], %swap3A_374 {add = true, strides = array<i32>} : memref<800x32xf32, #tpu.memory_space<vmem>>, vector<1x16xf32>,
      %add3A_375 = arith.constant 400 : i32
      %add3A_376 = arith.addi %add3A_375, %scan3A_342 : i32
      %swap3A_377 = arith.index_cast %add3A_376 : i32 to index
      %swap3A_378 = arith.constant 0 : index
      %swap3A_379 = tpu.vector_load %arg13[%swap3A_377, %swap3A_378] {strides = array<i32>} : memref<800x32xf32, #tpu.memory_space<vmem>>, vector<1x16xf32>,
      %swap3A_380 = vector.shape_cast %swap3A_379 : vector<1x16xf32> to vector<16xf32>
      %swap3A_381 = vector.shape_cast %get3A_346 : vector<16xf32> to vector<1x16xf32>
      tpu.vector_store %arg13[%swap3A_377, %swap3A_378], %swap3A_381 {add = true, strides = array<i32>} : memref<800x32xf32, #tpu.memory_space<vmem>>, vector<1x16xf32>,
      %swap3A_382 = arith.index_cast %add3A_376 : i32 to index
      %swap3A_383 = arith.constant 16 : index
      %swap3A_384 = tpu.vector_load %arg13[%swap3A_382, %swap3A_383] {strides = array<i32>} : memref<800x32xf32, #tpu.memory_space<vmem>>, vector<1x16xf32>,
      %swap3A_385 = vector.shape_cast %swap3A_384 : vector<1x16xf32> to vector<16xf32>
      %swap3A_386 = vector.shape_cast %get3A_350 : vector<16xf32> to vector<1x16xf32>
      tpu.vector_store %arg13[%swap3A_382, %swap3A_383], %swap3A_386 {add = true, strides = array<i32>} : memref<800x32xf32, #tpu.memory_space<vmem>>, vector<1x16xf32>,
      %add3A_387 = arith.constant 600 : i32
      %add3A_388 = arith.addi %add3A_387, %scan3A_342 : i32
      %swap3A_389 = arith.index_cast %add3A_388 : i32 to index
      %swap3A_390 = arith.constant 0 : index
      %swap3A_391 = tpu.vector_load %arg13[%swap3A_389, %swap3A_390] {strides = array<i32>} : memref<800x32xf32, #tpu.memory_space<vmem>>, vector<1x16xf32>,
      %swap3A_392 = vector.shape_cast %swap3A_391 : vector<1x16xf32> to vector<16xf32>
      %swap3A_393 = vector.shape_cast %get3A_346 : vector<16xf32> to vector<1x16xf32>
      tpu.vector_store %arg13[%swap3A_389, %swap3A_390], %swap3A_393 {add = true, strides = array<i32>} : memref<800x32xf32, #tpu.memory_space<vmem>>, vector<1x16xf32>,
      %swap3A_394 = arith.index_cast %add3A_388 : i32 to index
      %swap3A_395 = arith.constant 16 : index
      %swap3A_396 = tpu.vector_load %arg13[%swap3A_394, %swap3A_395] {strides = array<i32>} : memref<800x32xf32, #tpu.memory_space<vmem>>, vector<1x16xf32>,
      %swap3A_397 = vector.shape_cast %swap3A_396 : vector<1x16xf32> to vector<16xf32>
      %swap3A_398 = vector.shape_cast %get3A_350 : vector<16xf32> to vector<1x16xf32>
      tpu.vector_store %arg13[%swap3A_394, %swap3A_395], %swap3A_398 {add = true, strides = array<i32>} : memref<800x32xf32, #tpu.memory_space<vmem>>, vector<1x16xf32>,
      %scan3A_399 = arith.constant 2 : i32
      %scan3A_400 = arith.addi %scan3A_286, %scan3A_399 : i32
      %get3A_401 = arith.index_cast %scan3A_400 : i32 to index
      %get3A_402 = arith.constant 0 : index
      %get3A_403 = tpu.vector_load %arg14[%get3A_401, %get3A_402] {strides = array<i32>} : memref<200x32xf32, #tpu.memory_space<vmem>>, vector<1x16xf32>,
      %get3A_404 = vector.shape_cast %get3A_403 : vector<1x16xf32> to vector<16xf32>
      %get3A_405 = arith.index_cast %scan3A_400 : i32 to index
      %get3A_406 = arith.constant 16 : index
      %get3A_407 = tpu.vector_load %arg14[%get3A_405, %get3A_406] {strides = array<i32>} : memref<200x32xf32, #tpu.memory_space<vmem>>, vector<1x16xf32>,
      %get3A_408 = vector.shape_cast %get3A_407 : vector<1x16xf32> to vector<16xf32>
      %add3A_409 = arith.constant 0 : i32
      %add3A_410 = arith.addi %add3A_409, %scan3A_400 : i32
      %swap3A_411 = arith.index_cast %add3A_410 : i32 to index
      %swap3A_412 = arith.constant 0 : index
      %swap3A_413 = tpu.vector_load %arg13[%swap3A_411, %swap3A_412] {strides = array<i32>} : memref<800x32xf32, #tpu.memory_space<vmem>>, vector<1x16xf32>,
      %swap3A_414 = vector.shape_cast %swap3A_413 : vector<1x16xf32> to vector<16xf32>
      %swap3A_415 = vector.shape_cast %get3A_404 : vector<16xf32> to vector<1x16xf32>
      tpu.vector_store %arg13[%swap3A_411, %swap3A_412], %swap3A_415 {add = true, strides = array<i32>} : memref<800x32xf32, #tpu.memory_space<vmem>>, vector<1x16xf32>,
      %swap3A_416 = arith.index_cast %add3A_410 : i32 to index
      %swap3A_417 = arith.constant 16 : index
      %swap3A_418 = tpu.vector_load %arg13[%swap3A_416, %swap3A_417] {strides = array<i32>} : memref<800x32xf32, #tpu.memory_space<vmem>>, vector<1x16xf32>,
      %swap3A_419 = vector.shape_cast %swap3A_418 : vector<1x16xf32> to vector<16xf32>
      %swap3A_420 = vector.shape_cast %get3A_408 : vector<16xf32> to vector<1x16xf32>
      tpu.vector_store %arg13[%swap3A_416, %swap3A_417], %swap3A_420 {add = true, strides = array<i32>} : memref<800x32xf32, #tpu.memory_space<vmem>>, vector<1x16xf32>,
      %add3A_421 = arith.constant 200 : i32
      %add3A_422 = arith.addi %add3A_421, %scan3A_400 : i32
      %swap3A_423 = arith.index_cast %add3A_422 : i32 to index
      %swap3A_424 = arith.constant 0 : index
      %swap3A_425 = tpu.vector_load %arg13[%swap3A_423, %swap3A_424] {strides = array<i32>} : memref<800x32xf32, #tpu.memory_space<vmem>>, vector<1x16xf32>,
      %swap3A_426 = vector.shape_cast %swap3A_425 : vector<1x16xf32> to vector<16xf32>
      %swap3A_427 = vector.shape_cast %get3A_404 : vector<16xf32> to vector<1x16xf32>
      tpu.vector_store %arg13[%swap3A_423, %swap3A_424], %swap3A_427 {add = true, strides = array<i32>} : memref<800x32xf32, #tpu.memory_space<vmem>>, vector<1x16xf32>,
      %swap3A_428 = arith.index_cast %add3A_422 : i32 to index
      %swap3A_429 = arith.constant 16 : index
      %swap3A_430 = tpu.vector_load %arg13[%swap3A_428, %swap3A_429] {strides = array<i32>} : memref<800x32xf32, #tpu.memory_space<vmem>>, vector<1x16xf32>,
      %swap3A_431 = vector.shape_cast %swap3A_430 : vector<1x16xf32> to vector<16xf32>
      %swap3A_432 = vector.shape_cast %get3A_408 : vector<16xf32> to vector<1x16xf32>
      tpu.vector_store %arg13[%swap3A_428, %swap3A_429], %swap3A_432 {add = true, strides = array<i32>} : memref<800x32xf32, #tpu.memory_space<vmem>>, vector<1x16xf32>,
      %add3A_433 = arith.constant 400 : i32
      %add3A_434 = arith.addi %add3A_433, %scan3A_400 : i32
      %swap3A_435 = arith.index_cast %add3A_434 : i32 to index
      %swap3A_436 = arith.constant 0 : index
      %swap3A_437 = tpu.vector_load %arg13[%swap3A_435, %swap3A_436] {strides = array<i32>} : memref<800x32xf32, #tpu.memory_space<vmem>>, vector<1x16xf32>,
      %swap3A_438 = vector.shape_cast %swap3A_437 : vector<1x16xf32> to vector<16xf32>
      %swap3A_439 = vector.shape_cast %get3A_404 : vector<16xf32> to vector<1x16xf32>
      tpu.vector_store %arg13[%swap3A_435, %swap3A_436], %swap3A_439 {add = true, strides = array<i32>} : memref<800x32xf32, #tpu.memory_space<vmem>>, vector<1x16xf32>,
      %swap3A_440 = arith.index_cast %add3A_434 : i32 to index
      %swap3A_441 = arith.constant 16 : index
      %swap3A_442 = tpu.vector_load %arg13[%swap3A_440, %swap3A_441] {strides = array<i32>} : memref<800x32xf32, #tpu.memory_space<vmem>>, vector<1x16xf32>,
      %swap3A_443 = vector.shape_cast %swap3A_442 : vector<1x16xf32> to vector<16xf32>
      %swap3A_444 = vector.shape_cast %get3A_408 : vector<16xf32> to vector<1x16xf32>
      tpu.vector_store %arg13[%swap3A_440, %swap3A_441], %swap3A_444 {add = true, strides = array<i32>} : memref<800x32xf32, #tpu.memory_space<vmem>>, vector<1x16xf32>,
      %add3A_445 = arith.constant 600 : i32
      %add3A_446 = arith.addi %add3A_445, %scan3A_400 : i32
      %swap3A_447 = arith.index_cast %add3A_446 : i32 to index
      %swap3A_448 = arith.constant 0 : index
      %swap3A_449 = tpu.vector_load %arg13[%swap3A_447, %swap3A_448] {strides = array<i32>} : memref<800x32xf32, #tpu.memory_space<vmem>>, vector<1x16xf32>,
      %swap3A_450 = vector.shape_cast %swap3A_449 : vector<1x16xf32> to vector<16xf32>
      %swap3A_451 = vector.shape_cast %get3A_404 : vector<16xf32> to vector<1x16xf32>
      tpu.vector_store %arg13[%swap3A_447, %swap3A_448], %swap3A_451 {add = true, strides = array<i32>} : memref<800x32xf32, #tpu.memory_space<vmem>>, vector<1x16xf32>,
      %swap3A_452 = arith.index_cast %add3A_446 : i32 to index
      %swap3A_453 = arith.constant 16 : index
      %swap3A_454 = tpu.vector_load %arg13[%swap3A_452, %swap3A_453] {strides = array<i32>} : memref<800x32xf32, #tpu.memory_space<vmem>>, vector<1x16xf32>,
      %swap3A_455 = vector.shape_cast %swap3A_454 : vector<1x16xf32> to vector<16xf32>
      %swap3A_456 = vector.shape_cast %get3A_408 : vector<16xf32> to vector<1x16xf32>
      tpu.vector_store %arg13[%swap3A_452, %swap3A_453], %swap3A_456 {add = true, strides = array<i32>} : memref<800x32xf32, #tpu.memory_space<vmem>>, vector<1x16xf32>,
      %scan3A_457 = arith.constant 3 : i32
      %scan3A_458 = arith.addi %scan3A_286, %scan3A_457 : i32
      %get3A_459 = arith.index_cast %scan3A_458 : i32 to index
      %get3A_460 = arith.constant 0 : index
      %get3A_461 = tpu.vector_load %arg14[%get3A_459, %get3A_460] {strides = array<i32>} : memref<200x32xf32, #tpu.memory_space<vmem>>, vector<1x16xf32>,
      %get3A_462 = vector.shape_cast %get3A_461 : vector<1x16xf32> to vector<16xf32>
      %get3A_463 = arith.index_cast %scan3A_458 : i32 to index
      %get3A_464 = arith.constant 16 : index
      %get3A_465 = tpu.vector_load %arg14[%get3A_463, %get3A_464] {strides = array<i32>} : memref<200x32xf32, #tpu.memory_space<vmem>>, vector<1x16xf32>,
      %get3A_466 = vector.shape_cast %get3A_465 : vector<1x16xf32> to vector<16xf32>
      %add3A_467 = arith.constant 0 : i32
      %add3A_468 = arith.addi %add3A_467, %scan3A_458 : i32
      %swap3A_469 = arith.index_cast %add3A_468 : i32 to index
      %swap3A_470 = arith.constant 0 : index
      %swap3A_471 = tpu.vector_load %arg13[%swap3A_469, %swap3A_470] {strides = array<i32>} : memref<800x32xf32, #tpu.memory_space<vmem>>, vector<1x16xf32>,
      %swap3A_472 = vector.shape_cast %swap3A_471 : vector<1x16xf32> to vector<16xf32>
      %swap3A_473 = vector.shape_cast %get3A_462 : vector<16xf32> to vector<1x16xf32>
      tpu.vector_store %arg13[%swap3A_469, %swap3A_470], %swap3A_473 {add = true, strides = array<i32>} : memref<800x32xf32, #tpu.memory_space<vmem>>, vector<1x16xf32>,
      %swap3A_474 = arith.index_cast %add3A_468 : i32 to index
      %swap3A_475 = arith.constant 16 : index
      %swap3A_476 = tpu.vector_load %arg13[%swap3A_474, %swap3A_475] {strides = array<i32>} : memref<800x32xf32, #tpu.memory_space<vmem>>, vector<1x16xf32>,
      %swap3A_477 = vector.shape_cast %swap3A_476 : vector<1x16xf32> to vector<16xf32>
      %swap3A_478 = vector.shape_cast %get3A_466 : vector<16xf32> to vector<1x16xf32>
      tpu.vector_store %arg13[%swap3A_474, %swap3A_475], %swap3A_478 {add = true, strides = array<i32>} : memref<800x32xf32, #tpu.memory_space<vmem>>, vector<1x16xf32>,
      %add3A_479 = arith.constant 200 : i32
      %add3A_480 = arith.addi %add3A_479, %scan3A_458 : i32
      %swap3A_481 = arith.index_cast %add3A_480 : i32 to index
      %swap3A_482 = arith.constant 0 : index
      %swap3A_483 = tpu.vector_load %arg13[%swap3A_481, %swap3A_482] {strides = array<i32>} : memref<800x32xf32, #tpu.memory_space<vmem>>, vector<1x16xf32>,
      %swap3A_484 = vector.shape_cast %swap3A_483 : vector<1x16xf32> to vector<16xf32>
      %swap3A_485 = vector.shape_cast %get3A_462 : vector<16xf32> to vector<1x16xf32>
      tpu.vector_store %arg13[%swap3A_481, %swap3A_482], %swap3A_485 {add = true, strides = array<i32>} : memref<800x32xf32, #tpu.memory_space<vmem>>, vector<1x16xf32>,
      %swap3A_486 = arith.index_cast %add3A_480 : i32 to index
      %swap3A_487 = arith.constant 16 : index
      %swap3A_488 = tpu.vector_load %arg13[%swap3A_486, %swap3A_487] {strides = array<i32>} : memref<800x32xf32, #tpu.memory_space<vmem>>, vector<1x16xf32>,
      %swap3A_489 = vector.shape_cast %swap3A_488 : vector<1x16xf32> to vector<16xf32>
      %swap3A_490 = vector.shape_cast %get3A_466 : vector<16xf32> to vector<1x16xf32>
      tpu.vector_store %arg13[%swap3A_486, %swap3A_487], %swap3A_490 {add = true, strides = array<i32>} : memref<800x32xf32, #tpu.memory_space<vmem>>, vector<1x16xf32>,
      %add3A_491 = arith.constant 400 : i32
      %add3A_492 = arith.addi %add3A_491, %scan3A_458 : i32
      %swap3A_493 = arith.index_cast %add3A_492 : i32 to index
      %swap3A_494 = arith.constant 0 : index
      %swap3A_495 = tpu.vector_load %arg13[%swap3A_493, %swap3A_494] {strides = array<i32>} : memref<800x32xf32, #tpu.memory_space<vmem>>, vector<1x16xf32>,
      %swap3A_496 = vector.shape_cast %swap3A_495 : vector<1x16xf32> to vector<16xf32>
      %swap3A_497 = vector.shape_cast %get3A_462 : vector<16xf32> to vector<1x16xf32>
      tpu.vector_store %arg13[%swap3A_493, %swap3A_494], %swap3A_497 {add = true, strides = array<i32>} : memref<800x32xf32, #tpu.memory_space<vmem>>, vector<1x16xf32>,
      %swap3A_498 = arith.index_cast %add3A_492 : i32 to index
      %swap3A_499 = arith.constant 16 : index
      %swap3A_500 = tpu.vector_load %arg13[%swap3A_498, %swap3A_499] {strides = array<i32>} : memref<800x32xf32, #tpu.memory_space<vmem>>, vector<1x16xf32>,
      %swap3A_501 = vector.shape_cast %swap3A_500 : vector<1x16xf32> to vector<16xf32>
      %swap3A_502 = vector.shape_cast %get3A_466 : vector<16xf32> to vector<1x16xf32>
      tpu.vector_store %arg13[%swap3A_498, %swap3A_499], %swap3A_502 {add = true, strides = array<i32>} : memref<800x32xf32, #tpu.memory_space<vmem>>, vector<1x16xf32>,
      %add3A_503 = arith.constant 600 : i32
      %add3A_504 = arith.addi %add3A_503, %scan3A_458 : i32
      %swap3A_505 = arith.index_cast %add3A_504 : i32 to index
      %swap3A_506 = arith.constant 0 : index
      %swap3A_507 = tpu.vector_load %arg13[%swap3A_505, %swap3A_506] {strides = array<i32>} : memref<800x32xf32, #tpu.memory_space<vmem>>, vector<1x16xf32>,
      %swap3A_508 = vector.shape_cast %swap3A_507 : vector<1x16xf32> to vector<16xf32>
      %swap3A_509 = vector.shape_cast %get3A_462 : vector<16xf32> to vector<1x16xf32>
      tpu.vector_store %arg13[%swap3A_505, %swap3A_506], %swap3A_509 {add = true, strides = array<i32>} : memref<800x32xf32, #tpu.memory_space<vmem>>, vector<1x16xf32>,
      %swap3A_510 = arith.index_cast %add3A_504 : i32 to index
      %swap3A_511 = arith.constant 16 : index
      %swap3A_512 = tpu.vector_load %arg13[%swap3A_510, %swap3A_511] {strides = array<i32>} : memref<800x32xf32, #tpu.memory_space<vmem>>, vector<1x16xf32>,
      %swap3A_513 = vector.shape_cast %swap3A_512 : vector<1x16xf32> to vector<16xf32>
      %swap3A_514 = vector.shape_cast %get3A_466 : vector<16xf32> to vector<1x16xf32>
      tpu.vector_store %arg13[%swap3A_510, %swap3A_511], %swap3A_514 {add = true, strides = array<i32>} : memref<800x32xf32, #tpu.memory_space<vmem>>, vector<1x16xf32>,
    }
    %scan3A_255 = arith.constant 200 : i32
    %add3A_256 = arith.constant 24800 : i32
    %add3A_257 = arith.addi %mul3A_2, %add3A_256 : i32
    %dma_start3A_258 = arith.constant 0 : i32
    %dma_start3A_259 = tpu.memref_slice %arg5[%add3A_257, %dma_start3A_258] : memref<819200x32xf32, #tpu.memory_space<hbm>> -> memref<800x32xf32, #tpu.memory_space<hbm>>
    %dma_start3A_260 = arith.constant 0 : i32
    %dma_start3A_261 = tpu.memref_slice %arg5[%add3A_257, %dma_start3A_260] : memref<819200x32xf32, #tpu.memory_space<hbm>> -> memref<800x32xf32, #tpu.memory_space<hbm>>
    tpu.enqueue_dma source(%arg13 : memref<800x32xf32, #tpu.memory_space<vmem>>) target(%dma_start3A_261 : memref<800x32xf32, #tpu.memory_space<hbm>>) target_semaphore(%arg26 : memref<!tpu.dma_semaphore, #tpu.memory_space<semaphore_mem>>)
    %dma_wait3A_262 = arith.constant 0 : i32
    %dma_wait3A_263 = arith.constant 0 : i32
    %dma_wait3A_264 = tpu.memref_slice %arg5[%dma_wait3A_262, %dma_wait3A_263] : memref<819200x32xf32, #tpu.memory_space<hbm>> -> memref<800x32xf32, #tpu.memory_space<hbm>>
    %dma_wait3A_265 = arith.constant 0 : i32
    %dma_wait3A_266 = arith.constant 0 : i32
    %dma_wait3A_267 = tpu.memref_slice %arg5[%dma_wait3A_265, %dma_wait3A_266] : memref<819200x32xf32, #tpu.memory_space<hbm>> -> memref<800x32xf32, #tpu.memory_space<hbm>>
    tpu.wait_dma2 semaphore(%arg23 : memref<!tpu.dma_semaphore, #tpu.memory_space<semaphore_mem>>) src(%arg10 : memref<800x32xf32, #tpu.memory_space<vmem>>) dst(%dma_wait3A_267 : memref<800x32xf32, #tpu.memory_space<hbm>>)
    %dma_wait3A_268 = arith.constant 0 : i32
    %dma_wait3A_269 = arith.constant 0 : i32
    %dma_wait3A_270 = tpu.memref_slice %arg5[%dma_wait3A_268, %dma_wait3A_269] : memref<819200x32xf32, #tpu.memory_space<hbm>> -> memref<800x32xf32, #tpu.memory_space<hbm>>
    %dma_wait3A_271 = arith.constant 0 : i32
    %dma_wait3A_272 = arith.constant 0 : i32
    %dma_wait3A_273 = tpu.memref_slice %arg5[%dma_wait3A_271, %dma_wait3A_272] : memref<819200x32xf32, #tpu.memory_space<hbm>> -> memref<800x32xf32, #tpu.memory_space<hbm>>
    tpu.wait_dma2 semaphore(%arg24 : memref<!tpu.dma_semaphore, #tpu.memory_space<semaphore_mem>>) src(%arg11 : memref<800x32xf32, #tpu.memory_space<vmem>>) dst(%dma_wait3A_273 : memref<800x32xf32, #tpu.memory_space<hbm>>)
    %dma_wait3A_274 = arith.constant 0 : i32
    %dma_wait3A_275 = arith.constant 0 : i32
    %dma_wait3A_276 = tpu.memref_slice %arg5[%dma_wait3A_274, %dma_wait3A_275] : memref<819200x32xf32, #tpu.memory_space<hbm>> -> memref<800x32xf32, #tpu.memory_space<hbm>>
    %dma_wait3A_277 = arith.constant 0 : i32
    %dma_wait3A_278 = arith.constant 0 : i32
    %dma_wait3A_279 = tpu.memref_slice %arg5[%dma_wait3A_277, %dma_wait3A_278] : memref<819200x32xf32, #tpu.memory_space<hbm>> -> memref<800x32xf32, #tpu.memory_space<hbm>>
    tpu.wait_dma2 semaphore(%arg25 : memref<!tpu.dma_semaphore, #tpu.memory_space<semaphore_mem>>) src(%arg12 : memref<800x32xf32, #tpu.memory_space<vmem>>) dst(%dma_wait3A_279 : memref<800x32xf32, #tpu.memory_space<hbm>>)
    %dma_wait3A_280 = arith.constant 0 : i32
    %dma_wait3A_281 = arith.constant 0 : i32
    %dma_wait3A_282 = tpu.memref_slice %arg5[%dma_wait3A_280, %dma_wait3A_281] : memref<819200x32xf32, #tpu.memory_space<hbm>> -> memref<800x32xf32, #tpu.memory_space<hbm>>
    %dma_wait3A_283 = arith.constant 0 : i32
    %dma_wait3A_284 = arith.constant 0 : i32
    %dma_wait3A_285 = tpu.memref_slice %arg5[%dma_wait3A_283, %dma_wait3A_284] : memref<819200x32xf32, #tpu.memory_space<hbm>> -> memref<800x32xf32, #tpu.memory_space<hbm>>
    tpu.wait_dma2 semaphore(%arg26 : memref<!tpu.dma_semaphore, #tpu.memory_space<semaphore_mem>>) src(%arg13 : memref<800x32xf32, #tpu.memory_space<vmem>>) dst(%dma_wait3A_285 : memref<800x32xf32, #tpu.memory_space<hbm>>)
    return
  }
}

</mosaic_0001>

<sc_bundles>
// kernel: kernel.3.cloned.1.call-start
scs
__scs_entry_jumppad:
0x0: {  	(pc) =	sbr.rel $0x88, $3  }
0x1: {  	(tag) =	ssettag $0x0;
	lr =	simm.s32 $0x1  }
0x2: {  	[smem:$0x3F9E] =	sst lr;
	_ =	strace $0xD0000000  }
0x3: {  	_ = 	snop  }
0x4: {  	_ = 	snop  }
0x5: {  	_ = 	snop  }
0x6: {  	_ = 	snop  }
0x7: {  	_ = 	snop  }
__scs_overlays_trampoline_lowered:
0x8: {  	[smem:$0x3FAD] =	sst s0  }
0x9: {  	[smem:$0x3FAE] =	sst s1  }
0xa: {  	[smem:$0x3FAF] =	sst s2  }
0xb: {  	[smem:$0x3FB0] =	sst s3  }
0xc: {  	[smem:$0x3FB1] =	sst s4  }
0xd: {  	[smem:$0x3FB2] =	sst s5  }
0xe: {  	[smem:$0x3FB3] =	sst s6  }
0xf: {  	[smem:$0x3FB4] =	sst s7  }
0x10: {  	[smem:$0x3FB5] =	sst s8  }
0x11: {  	[smem:$0x3FB6] =	sst s9;
	s0 =	simm.s32 @!p0 $0x0  }
0x12: {  	s1 =	sld [smem:$0x3F9C];
	s0 =	simm.s32 @p0 $0x1  }
0x13: {  	[smem:$0x3FB7] =	sst s0;
	s0 =	simm.s32 @!p1 $0x0  }
0x14: {  	s2 =	sld [smem:$0x3F9B];
	s0 =	simm.s32 @p1 $0x1  }
0x15: {  	[smem:$0x3FB8] =	sst s0;
	s0 =	simm.s32 @!p2 $0x0  }
0x16: {  	s3 =	sld [smem:$0x3FDB];
	s0 =	simm.s32 @p2 $0x1  }
0x17: {  	s4 =	simm.s32 $0x1BF5;
	[smem:$0x3FBA] =	sst s0  }
0x18: {  	s0 =	sld [smem:$0x3F9D];
	_ =	swait.ge [sflag:s4], $0x0  }
0x19: {  	s7 =	sld [smem:$0x3F9E]  }
0x1a: {  	s8 =	sadd.s32 $0xFFFFE003, lr  }
0x1b: {  	s9 =	sadd.s32 $0xFFFFFEF7, lr;
	s5 =	simm.s32 $0xFFFFFFFF;
	p2 =	slt.u32 s8, $0xFFFFF086  }
0x1c: {  	p1 =	slt.u32 s9, $0xF7A;
	s5 =	simm.s32 @!p2 $0x0  }
0x1d: {  	s5 =	simm.s32 @p1 $0x1;
	p0 =	seq.s32 s7, s2  }
0x1e: {  	s7 =	smul.u32 @!p0 $0xF7A, s2;
	p2 =	seq.s32 @!p0 s5, $0x0  }
0x1f: {  	s9 =	smul.u32 $0xF7A, s1;
	s8 =	simm.s32 @!p0 $0x1BF5;
	p2 =	por !p2, p0  }
0x20: {  	[sflag:s8] =	ssyncset.s32 @!p0 $0xFFFFF086;
	s6 =	sadd.s32 @!p0 s3, s7;
	s7 =	simm.s32 @!p0 $0x108  }
0x21: {  	s3 =	sadd.s32 s3, s9;
	s6 =	sadd.s32 @!p0 $0x88, s6;
	s7 =	simm.s32 @p2 $0x1082  }
0x22: {  	[simem:s7], [sflag:s8] =	dma.local @!p0 [hbm:s6], $0xF7A  }
0x23: {  	s9 =	sor.u32 $0xD0000000, s2;
	s6 =	simm.s32 $0x108;
	_ =	swait.ge @!p0 [sflag:s8], $0x0  }
0x24: {  	s3 =	sadd.s32 $0x88, s3;
	s6 =	simm.s32 @!p1 $0x1082;
	[sflag:s4] =	ssyncset.s32 $0xFFFFF086  }
0x25: {  	[simem:s6], [sflag:s4] =	dma.local [hbm:s3], $0xF7A  }
0x26: {  	[smem:$0x3F9E] =	sst s1;
	(tag) =	ssettag s2;
	_ =	strace s9  }
0x27: {  	s1 =	sld [smem:$0x3FAE]  }
0x28: {  	s2 =	sld [smem:$0x3FAF]  }
0x29: {  	s4 =	sld [smem:$0x3FB1]  }
0x2a: {  	p0 =	seq.s32 s5, $0x0;
	s5 =	sld [smem:$0x3FB2]  }
0x2b: {  	s6 =	sld [smem:$0x3FB3]  }
0x2c: {  	s7 =	sld [smem:$0x3FB4]  }
0x2d: {  	s3 =	simm.s32 $0x108;
	s8 =	sld [smem:$0x3FB5]  }
0x2e: {  	s3 =	simm.s32 @!p0 $0x1082;
	s9 =	sld [smem:$0x3FB6]  }
0x2f: {  	lr =	sadd.s32 s0, s3;
	s0 =	sld [smem:$0x3FAD]  }
0x30: {  	s3 =	sld [smem:$0x3FB0]  }
0x31: {  	[smem:$0x3FB9] =	sst s10  }
0x32: {  	s10 =	sld [smem:$0x3FB7];
	_ =	sdelay $0x3  }
0x33: {  	p0 =	seq.s32 s10, $0x1;
	s10 =	sld [smem:$0x3FB9];
	_ =	sdelay $0x3  }
0x34: {  	[smem:$0x3FB9] =	sst s10  }
0x35: {  	s10 =	sld [smem:$0x3FB8];
	_ =	sdelay $0x3  }
0x36: {  	p1 =	seq.s32 s10, $0x1;
	s10 =	sld [smem:$0x3FB9];
	_ =	sdelay $0x3  }
0x37: {  	[smem:$0x3FB9] =	sst s10  }
0x38: {  	s10 =	sld [smem:$0x3FBA]  }
0x39: {  	_ = 	snop;
	(pc) =	sbr.ind lr, $3  }
0x3a: {  	_ = 	snop  }
0x3b: {  	_ = 	snop  }
0x3c: {  	p2 =	seq.s32 s10, $0x1;
	s10 =	sld [smem:$0x3FB9]  }
0x3d: {  	_ =	shalt  }
0x3e: {  	_ =	shalt  }
0x3f: {  	_ =	shalt  }
0x40: {  	_ =	shalt  }
0x41: {  	_ =	shalt  }
0x42: {  	_ =	shalt  }
0x43: {  	_ =	shalt  }
0x44: {  	_ =	shalt  }
0x45: {  	_ =	shalt  }
0x46: {  	_ =	shalt  }
0x47: {  	_ =	shalt  }
0x48: {  	_ =	shalt  }
0x49: {  	_ =	shalt  }
0x4a: {  	_ =	shalt  }
0x4b: {  	_ =	shalt  }
0x4c: {  	_ =	shalt  }
0x4d: {  	_ =	shalt  }
0x4e: {  	_ =	shalt  }
0x4f: {  	_ =	shalt  }
0x50: {  	_ =	shalt  }
0x51: {  	_ =	shalt  }
0x52: {  	_ =	shalt  }
0x53: {  	_ =	shalt  }
0x54: {  	_ =	shalt  }
0x55: {  	_ =	shalt  }
0x56: {  	_ =	shalt  }
0x57: {  	_ =	shalt  }
0x58: {  	_ =	shalt  }
0x59: {  	_ =	shalt  }
0x5a: {  	_ =	shalt  }
0x5b: {  	_ =	shalt  }
0x5c: {  	_ =	shalt  }
0x5d: {  	_ =	shalt  }
0x5e: {  	_ =	shalt  }
0x5f: {  	_ =	shalt  }
0x60: {  	_ =	shalt  }
0x61: {  	_ =	shalt  }
0x62: {  	_ =	shalt  }
0x63: {  	_ =	shalt  }
0x64: {  	_ =	shalt  }
0x65: {  	_ =	shalt  }
0x66: {  	_ =	shalt  }
0x67: {  	_ =	shalt  }
0x68: {  	_ =	shalt  }
0x69: {  	_ =	shalt  }
0x6a: {  	_ =	shalt  }
0x6b: {  	_ =	shalt  }
0x6c: {  	_ =	shalt  }
0x6d: {  	_ =	shalt  }
0x6e: {  	_ =	shalt  }
0x6f: {  	_ =	shalt  }
0x70: {  	_ =	shalt  }
0x71: {  	_ =	shalt  }
0x72: {  	_ =	shalt  }
0x73: {  	_ =	shalt  }
0x74: {  	_ =	shalt  }
0x75: {  	_ =	shalt  }
0x76: {  	_ =	shalt  }
0x77: {  	_ =	shalt  }
0x78: {  	_ =	shalt  }
0x79: {  	_ =	shalt  }
0x7a: {  	_ =	shalt  }
0x7b: {  	_ =	shalt  }
0x7c: {  	_ =	shalt  }
0x7d: {  	_ =	shalt  }
0x7e: {  	_ =	shalt  }
0x7f: {  	_ =	shalt  }
0x80: {  	_ =	shalt  }
0x81: {  	_ =	shalt  }
0x82: {  	_ =	shalt  }
0x83: {  	_ =	shalt  }
0x84: {  	_ =	shalt  }
0x85: {  	_ =	shalt  }
0x86: {  	_ =	shalt  }
0x87: {  	_ =	shalt  }
.Lfunc_end0:
.L_simem_size_0:
called_computation.1_lowered:
.L_overlay_start_0:
0x88: {  	s2 =	sld [smem:$0x3FD9]  }
0x89: {  	s3 =	sld [smem:$0x3FFE];
	_ =	sdelay $0x1  }
0x8a: {  	s1 =	srdreg.scid  }
0x8b: {  	s0 =	sand.u32 $0x1, s1  }
0x8c: {  	s17 =	sshll.u32 s0, $0xA;
	s2 =	sadd.s32 s3, s2  }
0x8d: {  	s2 =	sadd.s32 s2, s17  }
0x8e: {  	[smem:$0x3FC5] =	sst s2  }
0x8f: {  	_ = 	snop  }
0x90: {  	s2 =	sld [smem:$0x3FD0];
	(tm) =	ssettm $0x1  }
0x91: {  	s18 =	sld [smem:$0x3FFB];
	_ =	sdelay $0x3  }
0x92: {  	_ =	strace s18  }
0x93: {  	s3 =	sld [smem:$0x3FFC];
	_ =	sdelay $0x3  }
0x94: {  	_ =	strace s3  }
0x95: {  	s3 =	sld [smem:$0x3FFD];
	_ =	sdelay $0x3  }
0x96: {  	_ =	strace s3  }
0x97: {  	_ =	strace $0x8FFFFFFF  }
0x98: {  	s19 =	sld [smem:$0x3FDB];
	_ =	sdelay $0x1  }
0x99: {  	s4 =	simm.s32 $_scs_section_size  }
0x9a: {  	s5 =	simm.s32 $_size__tile_overlayer_lowered;
	s6 =	simm.s32 $_tile_overlayer_lowered  }
0x9b: {  	s22 =	simm.s32 $0x1BFF;
	s21 =	sshll.u32 s6, $0x1;
	s3 =	sadd.s32 s4, s19  }
0x9c: {  	s7 =	simm.s32 $0x0;
	s20 =	sshll.u32 s5, $0x1;
	s5 =	sadd.s32 s21, s3  }
0x9d: {  	[timem:s7], [sflag:s22] =	dma.local [hbm:s5], s20  }
0x9e: {  	_ =	swait.ge [sflag:s22], s20  }
0x9f: {  	s4 =	ssub.s32 $0x0, s20;
	[sflag:s22] =	ssyncset.done $0x0  }
0xa0: {  	[sflag:s22] =	ssyncadd.s32 s4;
	_ =	sdelay $0x1  }
0xa1: {  	s23 =	simm.s32 $0x1B8B  }
0xa2: {  	_ =	swait.ge [sflag:s23], $0x1  }
0xa3: {  	[sflag:s23] =	ssyncset.done $0x0  }
0xa4: {  	s25 =	simm.s32 $0x1B8E;
	s24 =	sld [smem:$0x3FFE];
	[sflag:s23] =	ssyncadd.s32 $0xFFFFFFFF  }
0xa5: {  	s26 =	simm.s32 $execute0_lowered;
	[smem:$0x3FD2] =	sst s25  }
0xa6: {  	s5 =	sshll.u32 s26, $0x1;
	_ =	strace $0x80000046;
	[dreg:$0x1] =	wrdreg $0xFFFFFFFF  }
0xa7: {  	s28 =	simm.s32 $_size_execute0_lowered;
	s3 =	sadd.s32 s3, s5;
	[dreg:$0x0] =	wrdreg $0x0  }
0xa8: {  	s5 =	sshll.u32 s28, $0x1;
	[dreg:$0x2] =	wrdreg s3  }
0xa9: {  	[dreg:$0x3] =	wrdreg s5  }
0xaa: {  	[dreg:$0x4] =	wrdreg $0xC0  }
0xab: {  	_ =	task [dreg:s7], $0x5FFFF  }
0xac: {  	[dreg:$0x1] =	wrdreg $0xFFFFFFFF  }
0xad: {  	[dreg:$0x0] =	wrdreg $0x60  }
0xae: {  	[dreg:$0x2] =	wrdreg s24  }
0xaf: {  	[dreg:$0x3] =	wrdreg s2  }
0xb0: {  	[dreg:$0x4] =	wrdreg $0x9  }
0xb1: {  	_ =	task.clear_ibuf [dreg:s7], $0x5FFFF;
	_ =	strace $0x90000046  }
0xb2: {  	s29 =	simm.s32 $0x9;
	_ =	strace $0x80000048  }
0xb3: {  	_ =	swait.ge [sflag:s29], $0x1  }
0xb4: {  	[sflag:s29] =	ssyncadd.s32 $0xFFFFFFFF  }
0xb5: {  	_ =	strace $0x90000048  }
0xb6: {  	_ =	sfence  }
0xb7: {  	s30 =	sld [smem:$0x0];
	_ =	sdelay $0x2  }
0xb8: {  	s31 =	sshll.u32 s1, $0xD;
	s1 =	sshrl.u32 s1, $0x2  }
0xb9: {  	s3 =	sand.u32 $0x4000, s31;
	s1 =	sadd.s32 s1, s30  }
0xba: {  	s0 =	sor.u32 s3, s0;
	s1 =	sshll.u32 s1, $0x11  }
0xbb: {  	s0 =	sor.u32 s1, s0  }
0xbc: {  	s0 =	sadd.s32 $0x8F2B, s0  }
0xbd: {  	[sflag:s0] =	ssyncadd.remote.s32 $0x1  }
0xbe: {  	_ =	sfence.sel $0xFFFF  }
0xbf: {  	[dreg:$0x0] =	wrdreg $0xFFFFFFFF;
	(pc) =	sbr.abs _section_cstart, $3  }
0xc0: {  	[dreg:$0x1] =	wrdreg $0xFFFFFFFF  }
0xc1: {  	_ =	task.clear_ibuf [dreg:s7], $0x2FFFF;
	_ =	strace $0x9FFFFFFF  }
0xc2: {  	(tm) =	ssettm $0x7FFFFFFF  }
0xc3: {  	_ =	shalt  }
tec
execute0_lowered:
.L_overlay_start_1:
0x0: {  	(tag) =	ssettag $0x1  }
0x1: {  	s0 =	rddreg [dreg:$0x0]  }
0x2: {  	s2 =	rddreg [dreg:$0x1];
	s1 =	srdreg.scid  }
0x3: {  	s4 =	stileid.u32;
	s3 =	simm.s32 $0x0;
	s28 =	simm.s32 $0x13880  }
0x4: {  	s29 =	simm.s32 $0x8;
	s30 =	simm.s32 $0x9;
	s31 =	simm.s32 $0xA  }
0x5: {  	s1 =	sand.u32 $0x1, s1;
	s4 =	sshll.u32 s4, $0x1;
	[smem:$0x7FF] =	sst s3  }
0x6: {  	s6 =	sadd.s32 $0xF43000, s0;
	s5 =	sor.u32 s1, s4;
	_ =	strace $0x80000047  }
0x7: {  	s4 =	sadd.s32 $0xC00, s0;
	s19 =	ssub.s32 $0x2, s1;
	s9 =	smul.u32 $0x6400, s5  }
0x8: {  	s0 =	sadd.s32 $0x19C00, s0;
	s1 =	sshrl.u32 s19, $0x1;
	s8 =	smul.u32 $0x19000, s5  }
0x9: {  	[dreg:$0x3] =	wrdreg s0;
	s5 =	smul.u32 $0xC8000, s5;
	s0 =	ssub.s32 s19, s1  }
0xa: {  	s7 =	sshrl.u32 s9, $0x3;
	s10 =	sor.u32 $0x320, s9;
	s11 =	sadd.s32 $0x640, s9  }
0xb: {  	s12 =	sadd.s32 $0x960, s9;
	s25 =	sadd.s32 $0xC80, s9;
	s26 =	sadd.s32 s2, s8  }
0xc: {  	s8 =	sadd.s32 $0xFA0, s9;
	s15 =	sadd.s32 $0x12C0, s9;
	[dreg:$0xa] =	wrdreg s26  }
0xd: {  	s18 =	sadd.s32 $0x15E0, s9;
	s19 =	sshrl.u32 s5, $0x3;
	[dreg:$0x9] =	wrdreg s25  }
0xe: {  	s0 =	smax.u32 s0, $0x1;
	s20 =	sadd.s32 s4, s7;
	[dreg:$0x6] =	wrdreg s10  }
0xf: {  	s21 =	sshrl.u32 s10, $0x3;
	s22 =	sshrl.u32 s11, $0x3;
	[dreg:$0xb] =	wrdreg s8  }
0x10: {  	s23 =	sshrl.u32 s12, $0x3;
	s13 =	sshll.u32 s10, $0x2;
	[dreg:$0xf] =	wrdreg s11  }
0x11: {  	s7 =	sshrl.u32 s8, $0x3;
	s16 =	sshll.u32 s11, $0x2;
	[dreg:$0x12] =	wrdreg s15  }
0x12: {  	[dreg:$0x19] =	wrdreg s0;
	s10 =	simm.s32 $0x960;
	s0 =	simm.s32 $0xB  }
0x13: {  	s8 =	simm.s32 $0x0;
	[dreg:$0x4] =	wrdreg s20;
	s1 =	sadd.s32 s4, s21  }
0x14: {  	s24 =	sadd.s32 s4, s23;
	s14 =	sadd.s32 s4, s7;
	[dreg:$0x5] =	wrdreg s1  }
0x15: {  	s7 =	sshrl.u32 s15, $0x3;
	s21 =	smov.u32 s12;
	[dreg:$0x8] =	wrdreg s24  }
0x16: {  	s20 =	sshll.u32 s12, $0x2;
	s1 =	sadd.s32 s4, s22;
	[dreg:$0xe] =	wrdreg s14  }
0x17: {  	s17 =	sadd.s32 s4, s7;
	s24 =	smov.u32 s18;
	s7 =	sshrl.u32 s18, $0x3  }
0x18: {  	s5 =	sadd.s32 s2, s20;
	s14 =	simm.s32 $0xC80;
	[dreg:$0x7] =	wrdreg s1  }
0x19: {  	s18 =	simm.s32 $0x2;
	s1 =	sshrl.u32 s25, $0x3;
	[dreg:$0x11] =	wrdreg s17  }
0x1a: {  	s20 =	simm.s32 $0x6;
	[dreg:$0x13] =	wrdreg s5;
	s1 =	sadd.s32 s4, s1  }
0x1b: {  	s17 =	smov.u32 s9;
	[dreg:$0xc] =	wrdreg s1;
	s1 =	sadd.s32 s2, s13  }
0x1c: {  	s22 =	sadd.s32 s4, s7;
	[dreg:$0xd] =	wrdreg s1;
	s1 =	sadd.s32 s2, s16  }
0x1d: {  	s7 =	simm.s32 $0x320;
	[dreg:$0x10] =	wrdreg s1;
	s1 =	sadd.s32 s2, s19  }
0x1e: {  	s9 =	simm.s32 $0x640;
	[dreg:$0x14] =	wrdreg s22;
	s23 =	sadd.s32 $0x15E00, s1  }
0x1f: {  	s22 =	simm.s32 $0x3;
	s25 =	sadd.s32 $0x16A80, s1;
	[dreg:$0x15] =	wrdreg s23  }
0x20: {  	s13 =	simm.s32 $0x1;
	s26 =	sadd.s32 $0x17700, s1;
	[dreg:$0x16] =	wrdreg s25  }
0x21: {  	s16 =	simm.s32 $0x5;
	s1 =	sadd.s32 $0x18380, s1;
	[dreg:$0x17] =	wrdreg s26  }
0x22: {  	s19 =	simm.s32 $0x7080;
	[dreg:$0x18] =	wrdreg s1;
	s23 =	simm.s32 $0xD480  }
0x23: {  	s25 =	simm.s32 $0x7;
	s26 =	simm.s32 $0x4;
	s1 =	simm.s32 $0xC  }
.LBB2_1:
0x24: {  	[dreg:$0x1a] =	wrdreg s8  }
0x25: {  	s5 =	rddreg [dreg:$0x3];
	s12 =	simm.s32 $0x19C80;
	s15 =	simm.s32 $0xD  }
0x26: {  	[tilespmem:s12], [sflag:$0xD] =	stream.linear.gather [hbm4b:s5+s3], $0x1900, $0x38;
	[tilespmem:$0x1B580] =	vst v63  }
0x27: {  	_ =	swait.ge [sflag:s15], $0x1900  }
0x28: {  	[sflag:s15] =	ssyncset.done $0x0  }
0x29: {  	s8 =	rddreg [dreg:$0x4];
	[sflag:s15] =	ssyncadd.s32 $0xFFFFE700  }
0x2a: {  	[tilespmem:s3], [sflag:$0x1] =	stream.linear.gather [hbm4b:s8+s3], $0x320, $0x38;
	[tilespmem:$0x1B580] =	vst v63  }
0x2b: {  	s11 =	rddreg [dreg:$0x5]  }
0x2c: {  	[tilespmem:s7], [sflag:$0x2] =	stream.linear.gather [hbm4b:s11+s3], $0x320, $0x38;
	[tilespmem:$0x1B580] =	vst v63  }
0x2d: {  	s12 =	rddreg [dreg:$0x7]  }
0x2e: {  	[tilespmem:s9], [sflag:$0x3] =	stream.linear.gather [hbm4b:s12+s3], $0x320, $0x38;
	[tilespmem:$0x1B580] =	vst v63  }
0x2f: {  	s15 =	rddreg [dreg:$0x8]  }
0x30: {  	[tilespmem:s10], [sflag:$0x4] =	stream.linear.gather [hbm4b:s15+s3], $0x320, $0x38;
	[tilespmem:$0x1B580] =	vst v63  }
0x31: {  	_ =	swait.ge [sflag:s13], $0x320  }
0x32: {  	[sflag:s13] =	ssyncset.done $0x0  }
0x33: {  	[sflag:s13] =	ssyncadd.s32 $0xFFFFFCE0  }
0x34: {  	[tilespmem:s14], [sflag:$0x5] =	stream.indirect.gather [hbm4b:s6+s7], $0x20, s3, s7, $0xb8;
	[tilespmem:$0x1B580] =	vst v63  }
0x35: {  	_ =	swait.ge [sflag:s16], $0x6400  }
0x36: {  	[sflag:s16] =	ssyncset.done $0x0  }
0x37: {  	[sflag:s16] =	ssyncadd.s32 $0xFFFF9C00  }
0x38: {  	_ =	swait.ge [sflag:s18], $0x320  }
0x39: {  	[sflag:s18] =	ssyncset.done $0x0  }
0x3a: {  	s5 =	simm.s32 $0x0;
	[sflag:s18] =	ssyncadd.s32 $0xFFFFFCE0  }
0x3b: {  	[tilespmem:s19], [sflag:$0x6] =	stream.indirect.gather [hbm4b:s6+s7], $0x20, s7, s7, $0xb8;
	[tilespmem:$0x1B580] =	vst v63  }
0x3c: {  	v1 =	vld [tilespmem:s5+$0x19CF0]  }
0x3d: {  	v2 =	vld [tilespmem:s5+$0x19C80]  }
0x3e: {  	v3 =	vld [tilespmem:s5+$0x19C90]  }
0x3f: {  	v4 =	vld [tilespmem:s5+$0x19CA0]  }
0x40: {  	v5 =	vld [tilespmem:s5+$0x19CB0]  }
0x41: {  	v6 =	vld [tilespmem:s5+$0x19CC0]  }
0x42: {  	v7 =	vld [tilespmem:s5+$0x19CD0]  }
0x43: {  	v0 =	vld [tilespmem:s5+$0x19CE0]  }
0x44: {  	[tilespmem:s5+$0x57F0] =	vst.add.f32.msk $0xffff, v1  }
0x45: {  	[tilespmem:s5+$0xC80] =	vst.add.f32.msk $0xffff, v2  }
0x46: {  	[tilespmem:s5+$0xC90] =	vst.add.f32.msk $0xffff, v3  }
0x47: {  	[tilespmem:s5+$0x2580] =	vst.add.f32.msk $0xffff, v2  }
0x48: {  	[tilespmem:s5+$0x2590] =	vst.add.f32.msk $0xffff, v3  }
0x49: {  	[tilespmem:s5+$0x3E80] =	vst.add.f32.msk $0xffff, v2  }
0x4a: {  	[tilespmem:s5+$0x3E90] =	vst.add.f32.msk $0xffff, v3  }
0x4b: {  	[tilespmem:s5+$0x5780] =	vst.add.f32.msk $0xffff, v2  }
0x4c: {  	[tilespmem:s5+$0x5790] =	vst.add.f32.msk $0xffff, v3  }
0x4d: {  	[tilespmem:s5+$0xCA0] =	vst.add.f32.msk $0xffff, v4  }
0x4e: {  	[tilespmem:s5+$0xCB0] =	vst.add.f32.msk $0xffff, v5  }
0x4f: {  	[tilespmem:s5+$0x25A0] =	vst.add.f32.msk $0xffff, v4  }
0x50: {  	[tilespmem:s5+$0x25B0] =	vst.add.f32.msk $0xffff, v5  }
0x51: {  	[tilespmem:s5+$0x3EA0] =	vst.add.f32.msk $0xffff, v4  }
0x52: {  	[tilespmem:s5+$0x3EB0] =	vst.add.f32.msk $0xffff, v5  }
0x53: {  	[tilespmem:s5+$0x57A0] =	vst.add.f32.msk $0xffff, v4  }
0x54: {  	[tilespmem:s5+$0x57B0] =	vst.add.f32.msk $0xffff, v5  }
0x55: {  	[tilespmem:s5+$0xCC0] =	vst.add.f32.msk $0xffff, v6  }
0x56: {  	[tilespmem:s5+$0xCD0] =	vst.add.f32.msk $0xffff, v7  }
0x57: {  	[tilespmem:s5+$0x25C0] =	vst.add.f32.msk $0xffff, v6  }
0x58: {  	[tilespmem:s5+$0x25D0] =	vst.add.f32.msk $0xffff, v7  }
0x59: {  	[tilespmem:s5+$0x3EC0] =	vst.add.f32.msk $0xffff, v6  }
0x5a: {  	[tilespmem:s5+$0x3ED0] =	vst.add.f32.msk $0xffff, v7  }
0x5b: {  	[tilespmem:s5+$0x57C0] =	vst.add.f32.msk $0xffff, v6  }
0x5c: {  	[tilespmem:s5+$0x57D0] =	vst.add.f32.msk $0xffff, v7  }
0x5d: {  	[tilespmem:s5+$0xCE0] =	vst.add.f32.msk $0xffff, v0  }
0x5e: {  	[tilespmem:s5+$0xCF0] =	vst.add.f32.msk $0xffff, v1  }
0x5f: {  	[tilespmem:s5+$0x25E0] =	vst.add.f32.msk $0xffff, v0  }
0x60: {  	[tilespmem:s5+$0x25F0] =	vst.add.f32.msk $0xffff, v1  }
0x61: {  	[tilespmem:s5+$0x3EE0] =	vst.add.f32.msk $0xffff, v0  }
0x62: {  	s8 =	simm.s32 $0x0;
	s11 =	simm.s32 $0x200;
	[tilespmem:s5+$0x3EF0] =	vst.add.f32.msk $0xffff, v1  }
.LBB2_2:
0x63: {  	s8 =	sadd.s32 $0x4, s8;
	[tilespmem:s5+$0x57E0] =	vst.add.f32.msk $0xffff, v0;
	s5 =	sshra.s32 s11, $0x2  }
0x64: {  	v1 =	vld [tilespmem:s5+$0x19CF0];
	p0 =	slt.u32 s8, $0xC4  }
0x65: {  	v2 =	vld [tilespmem:s5+$0x19C80]  }
0x66: {  	v3 =	vld [tilespmem:s5+$0x19C90]  }
0x67: {  	v4 =	vld [tilespmem:s5+$0x19CA0]  }
0x68: {  	v5 =	vld [tilespmem:s5+$0x19CB0]  }
0x69: {  	[tilespmem:s5+$0x57F0] =	vst.add.f32.msk $0xffff, v1  }
0x6a: {  	v6 =	vld [tilespmem:s5+$0x19CC0]  }
0x6b: {  	v7 =	vld [tilespmem:s5+$0x19CD0]  }
0x6c: {  	v0 =	vld [tilespmem:s5+$0x19CE0]  }
0x6d: {  	[tilespmem:s5+$0xC80] =	vst.add.f32.msk $0xffff, v2  }
0x6e: {  	[tilespmem:s5+$0xC90] =	vst.add.f32.msk $0xffff, v3  }
0x6f: {  	[tilespmem:s5+$0x2580] =	vst.add.f32.msk $0xffff, v2  }
0x70: {  	[tilespmem:s5+$0x2590] =	vst.add.f32.msk $0xffff, v3  }
0x71: {  	[tilespmem:s5+$0x3E80] =	vst.add.f32.msk $0xffff, v2  }
0x72: {  	[tilespmem:s5+$0x3E90] =	vst.add.f32.msk $0xffff, v3  }
0x73: {  	[tilespmem:s5+$0x5780] =	vst.add.f32.msk $0xffff, v2  }
0x74: {  	[tilespmem:s5+$0x5790] =	vst.add.f32.msk $0xffff, v3  }
0x75: {  	[tilespmem:s5+$0xCA0] =	vst.add.f32.msk $0xffff, v4  }
0x76: {  	[tilespmem:s5+$0xCB0] =	vst.add.f32.msk $0xffff, v5  }
0x77: {  	[tilespmem:s5+$0x25A0] =	vst.add.f32.msk $0xffff, v4  }
0x78: {  	[tilespmem:s5+$0x25B0] =	vst.add.f32.msk $0xffff, v5  }
0x79: {  	[tilespmem:s5+$0x3EA0] =	vst.add.f32.msk $0xffff, v4  }
0x7a: {  	[tilespmem:s5+$0x3EB0] =	vst.add.f32.msk $0xffff, v5  }
0x7b: {  	[tilespmem:s5+$0x57A0] =	vst.add.f32.msk $0xffff, v4  }
0x7c: {  	[tilespmem:s5+$0x57B0] =	vst.add.f32.msk $0xffff, v5  }
0x7d: {  	[tilespmem:s5+$0xCC0] =	vst.add.f32.msk $0xffff, v6  }
0x7e: {  	[tilespmem:s5+$0xCD0] =	vst.add.f32.msk $0xffff, v7  }
0x7f: {  	[tilespmem:s5+$0x25C0] =	vst.add.f32.msk $0xffff, v6  }
0x80: {  	[tilespmem:s5+$0x25D0] =	vst.add.f32.msk $0xffff, v7  }
0x81: {  	[tilespmem:s5+$0x3EC0] =	vst.add.f32.msk $0xffff, v6  }
0x82: {  	[tilespmem:s5+$0x3ED0] =	vst.add.f32.msk $0xffff, v7  }
0x83: {  	[tilespmem:s5+$0x57C0] =	vst.add.f32.msk $0xffff, v6  }
0x84: {  	[tilespmem:s5+$0x57D0] =	vst.add.f32.msk $0xffff, v7  }
0x85: {  	[tilespmem:s5+$0xCE0] =	vst.add.f32.msk $0xffff, v0  }
.Ltmp0:
0x86: {  	[tilespmem:s5+$0xCF0] =	vst.add.f32.msk $0xffff, v1;
	(pc) =	sbr.rel @p0 .LBB2_2-.Ltmp0, $4  }
0x87: {  	[tilespmem:s5+$0x25E0] =	vst.add.f32.msk $0xffff, v0  }
0x88: {  	[tilespmem:s5+$0x25F0] =	vst.add.f32.msk $0xffff, v1  }
0x89: {  	[tilespmem:s5+$0x3EE0] =	vst.add.f32.msk $0xffff, v0  }
0x8a: {  	s11 =	sadd.s32 $0x200, s11;
	[tilespmem:s5+$0x3EF0] =	vst.add.f32.msk $0xffff, v1  }
0x8b: {  	[tilespmem:s5+$0x57E0] =	vst.add.f32.msk $0xffff, v0;
	s12 =	simm.s32 $0x0;
	s8 =	rddreg [dreg:$0xa]  }
0x8c: {  	[hbm4b:s8+s12] =	stream.linear.scatter [tilespmem:s14], [sflag:$0x9], $0x6400, $0x38;
	[tilespmem:$0x1B580] =	vst v63  }
0x8d: {  	s15 =	rddreg [dreg:$0xc]  }
0x8e: {  	[tilespmem:s12], [sflag:$0x1] =	stream.linear.gather [hbm4b:s15+s12], $0x320, $0x38;
	[tilespmem:$0x1B580] =	vst v63  }
0x8f: {  	_ =	swait.ge [sflag:s20], $0x6400  }
0x90: {  	[sflag:s20] =	ssyncset.done $0x0  }
0x91: {  	[sflag:s20] =	ssyncadd.s32 $0xFFFF9C00  }
0x92: {  	_ =	swait.ge [sflag:s22], $0x320  }
0x93: {  	[sflag:s22] =	ssyncset.done $0x0  }
0x94: {  	s5 =	simm.s32 $0x0;
	[sflag:s22] =	ssyncadd.s32 $0xFFFFFCE0  }
0x95: {  	[tilespmem:s23], [sflag:$0x7] =	stream.indirect.gather [hbm4b:s6+s7], $0x20, s9, s7, $0xb8;
	[tilespmem:$0x1B580] =	vst v63  }
0x96: {  	v1 =	vld [tilespmem:s5+$0x19CF0]  }
0x97: {  	v2 =	vld [tilespmem:s5+$0x19C80]  }
0x98: {  	v3 =	vld [tilespmem:s5+$0x19C90]  }
0x99: {  	v4 =	vld [tilespmem:s5+$0x19CA0]  }
0x9a: {  	v5 =	vld [tilespmem:s5+$0x19CB0]  }
0x9b: {  	v6 =	vld [tilespmem:s5+$0x19CC0]  }
0x9c: {  	v7 =	vld [tilespmem:s5+$0x19CD0]  }
0x9d: {  	v0 =	vld [tilespmem:s5+$0x19CE0]  }
0x9e: {  	[tilespmem:s5+$0xBBF0] =	vst.add.f32.msk $0xffff, v1  }
0x9f: {  	[tilespmem:s5+$0x7080] =	vst.add.f32.msk $0xffff, v2  }
0xa0: {  	[tilespmem:s5+$0x7090] =	vst.add.f32.msk $0xffff, v3  }
0xa1: {  	[tilespmem:s5+$0x8980] =	vst.add.f32.msk $0xffff, v2  }
0xa2: {  	[tilespmem:s5+$0x8990] =	vst.add.f32.msk $0xffff, v3  }
0xa3: {  	[tilespmem:s5+$0xA280] =	vst.add.f32.msk $0xffff, v2  }
0xa4: {  	[tilespmem:s5+$0xA290] =	vst.add.f32.msk $0xffff, v3  }
0xa5: {  	[tilespmem:s5+$0xBB80] =	vst.add.f32.msk $0xffff, v2  }
0xa6: {  	[tilespmem:s5+$0xBB90] =	vst.add.f32.msk $0xffff, v3  }
0xa7: {  	[tilespmem:s5+$0x70A0] =	vst.add.f32.msk $0xffff, v4  }
0xa8: {  	[tilespmem:s5+$0x70B0] =	vst.add.f32.msk $0xffff, v5  }
0xa9: {  	[tilespmem:s5+$0x89A0] =	vst.add.f32.msk $0xffff, v4  }
0xaa: {  	[tilespmem:s5+$0x89B0] =	vst.add.f32.msk $0xffff, v5  }
0xab: {  	[tilespmem:s5+$0xA2A0] =	vst.add.f32.msk $0xffff, v4  }
0xac: {  	[tilespmem:s5+$0xA2B0] =	vst.add.f32.msk $0xffff, v5  }
0xad: {  	[tilespmem:s5+$0xBBA0] =	vst.add.f32.msk $0xffff, v4  }
0xae: {  	[tilespmem:s5+$0xBBB0] =	vst.add.f32.msk $0xffff, v5  }
0xaf: {  	[tilespmem:s5+$0x70C0] =	vst.add.f32.msk $0xffff, v6  }
0xb0: {  	[tilespmem:s5+$0x70D0] =	vst.add.f32.msk $0xffff, v7  }
0xb1: {  	[tilespmem:s5+$0x89C0] =	vst.add.f32.msk $0xffff, v6  }
0xb2: {  	[tilespmem:s5+$0x89D0] =	vst.add.f32.msk $0xffff, v7  }
0xb3: {  	[tilespmem:s5+$0xA2C0] =	vst.add.f32.msk $0xffff, v6  }
0xb4: {  	[tilespmem:s5+$0xA2D0] =	vst.add.f32.msk $0xffff, v7  }
0xb5: {  	[tilespmem:s5+$0xBBC0] =	vst.add.f32.msk $0xffff, v6  }
0xb6: {  	[tilespmem:s5+$0xBBD0] =	vst.add.f32.msk $0xffff, v7  }
0xb7: {  	[tilespmem:s5+$0x70E0] =	vst.add.f32.msk $0xffff, v0  }
0xb8: {  	[tilespmem:s5+$0x70F0] =	vst.add.f32.msk $0xffff, v1  }
0xb9: {  	[tilespmem:s5+$0x89E0] =	vst.add.f32.msk $0xffff, v0  }
0xba: {  	[tilespmem:s5+$0x89F0] =	vst.add.f32.msk $0xffff, v1  }
0xbb: {  	[tilespmem:s5+$0xA2E0] =	vst.add.f32.msk $0xffff, v0  }
0xbc: {  	s11 =	simm.s32 $0x200;
	s8 =	simm.s32 $0x0;
	[tilespmem:s5+$0xA2F0] =	vst.add.f32.msk $0xffff, v1  }
.LBB2_4:
0xbd: {  	s8 =	sadd.s32 $0x4, s8;
	[tilespmem:s5+$0xBBE0] =	vst.add.f32.msk $0xffff, v0;
	s5 =	sshra.s32 s11, $0x2  }
0xbe: {  	v1 =	vld [tilespmem:s5+$0x19CF0];
	p0 =	slt.u32 s8, $0xC4  }
0xbf: {  	v2 =	vld [tilespmem:s5+$0x19C80]  }
0xc0: {  	v3 =	vld [tilespmem:s5+$0x19C90]  }
0xc1: {  	v4 =	vld [tilespmem:s5+$0x19CA0]  }
0xc2: {  	v5 =	vld [tilespmem:s5+$0x19CB0]  }
0xc3: {  	[tilespmem:s5+$0xBBF0] =	vst.add.f32.msk $0xffff, v1  }
0xc4: {  	v6 =	vld [tilespmem:s5+$0x19CC0]  }
0xc5: {  	v7 =	vld [tilespmem:s5+$0x19CD0]  }
0xc6: {  	v0 =	vld [tilespmem:s5+$0x19CE0]  }
0xc7: {  	[tilespmem:s5+$0x7080] =	vst.add.f32.msk $0xffff, v2  }
0xc8: {  	[tilespmem:s5+$0x7090] =	vst.add.f32.msk $0xffff, v3  }
0xc9: {  	[tilespmem:s5+$0x8980] =	vst.add.f32.msk $0xffff, v2  }
0xca: {  	[tilespmem:s5+$0x8990] =	vst.add.f32.msk $0xffff, v3  }
0xcb: {  	[tilespmem:s5+$0xA280] =	vst.add.f32.msk $0xffff, v2  }
0xcc: {  	[tilespmem:s5+$0xA290] =	vst.add.f32.msk $0xffff, v3  }
0xcd: {  	[tilespmem:s5+$0xBB80] =	vst.add.f32.msk $0xffff, v2  }
0xce: {  	[tilespmem:s5+$0xBB90] =	vst.add.f32.msk $0xffff, v3  }
0xcf: {  	[tilespmem:s5+$0x70A0] =	vst.add.f32.msk $0xffff, v4  }
0xd0: {  	[tilespmem:s5+$0x70B0] =	vst.add.f32.msk $0xffff, v5  }
0xd1: {  	[tilespmem:s5+$0x89A0] =	vst.add.f32.msk $0xffff, v4  }
0xd2: {  	[tilespmem:s5+$0x89B0] =	vst.add.f32.msk $0xffff, v5  }
0xd3: {  	[tilespmem:s5+$0xA2A0] =	vst.add.f32.msk $0xffff, v4  }
0xd4: {  	[tilespmem:s5+$0xA2B0] =	vst.add.f32.msk $0xffff, v5  }
0xd5: {  	[tilespmem:s5+$0xBBA0] =	vst.add.f32.msk $0xffff, v4  }
0xd6: {  	[tilespmem:s5+$0xBBB0] =	vst.add.f32.msk $0xffff, v5  }
0xd7: {  	[tilespmem:s5+$0x70C0] =	vst.add.f32.msk $0xffff, v6  }
0xd8: {  	[tilespmem:s5+$0x70D0] =	vst.add.f32.msk $0xffff, v7  }
0xd9: {  	[tilespmem:s5+$0x89C0] =	vst.add.f32.msk $0xffff, v6  }
0xda: {  	[tilespmem:s5+$0x89D0] =	vst.add.f32.msk $0xffff, v7  }
0xdb: {  	[tilespmem:s5+$0xA2C0] =	vst.add.f32.msk $0xffff, v6  }
0xdc: {  	[tilespmem:s5+$0xA2D0] =	vst.add.f32.msk $0xffff, v7  }
0xdd: {  	[tilespmem:s5+$0xBBC0] =	vst.add.f32.msk $0xffff, v6  }
0xde: {  	[tilespmem:s5+$0xBBD0] =	vst.add.f32.msk $0xffff, v7  }
0xdf: {  	[tilespmem:s5+$0x70E0] =	vst.add.f32.msk $0xffff, v0  }
.Ltmp1:
0xe0: {  	[tilespmem:s5+$0x70F0] =	vst.add.f32.msk $0xffff, v1;
	(pc) =	sbr.rel @p0 .LBB2_4-.Ltmp1, $4  }
0xe1: {  	[tilespmem:s5+$0x89E0] =	vst.add.f32.msk $0xffff, v0  }
0xe2: {  	[tilespmem:s5+$0x89F0] =	vst.add.f32.msk $0xffff, v1  }
0xe3: {  	[tilespmem:s5+$0xA2E0] =	vst.add.f32.msk $0xffff, v0  }
0xe4: {  	s11 =	sadd.s32 $0x200, s11;
	[tilespmem:s5+$0xA2F0] =	vst.add.f32.msk $0xffff, v1  }
0xe5: {  	[tilespmem:s5+$0xBBE0] =	vst.add.f32.msk $0xffff, v0;
	s12 =	simm.s32 $0x0;
	s8 =	rddreg [dreg:$0xd]  }
0xe6: {  	[hbm4b:s8+s12] =	stream.linear.scatter [tilespmem:s19], [sflag:$0xA], $0x6400, $0x38;
	[tilespmem:$0x1B580] =	vst v63  }
0xe7: {  	s15 =	rddreg [dreg:$0xe]  }
0xe8: {  	[tilespmem:s7], [sflag:$0x2] =	stream.linear.gather [hbm4b:s15+s12], $0x320, $0x38;
	[tilespmem:$0x1B580] =	vst v63  }
0xe9: {  	_ =	swait.ge [sflag:s25], $0x6400  }
0xea: {  	[sflag:s25] =	ssyncset.done $0x0  }
0xeb: {  	[sflag:s25] =	ssyncadd.s32 $0xFFFF9C00  }
0xec: {  	_ =	swait.ge [sflag:s26], $0x320  }
0xed: {  	[sflag:s26] =	ssyncset.done $0x0  }
0xee: {  	s5 =	simm.s32 $0x0;
	[sflag:s26] =	ssyncadd.s32 $0xFFFFFCE0  }
0xef: {  	[tilespmem:s28], [sflag:$0x8] =	stream.indirect.gather [hbm4b:s6+s7], $0x20, s10, s7, $0xb8;
	[tilespmem:$0x1B580] =	vst v63  }
0xf0: {  	v1 =	vld [tilespmem:s5+$0x19CF0]  }
0xf1: {  	v2 =	vld [tilespmem:s5+$0x19C80]  }
0xf2: {  	v3 =	vld [tilespmem:s5+$0x19C90]  }
0xf3: {  	v4 =	vld [tilespmem:s5+$0x19CA0]  }
0xf4: {  	v5 =	vld [tilespmem:s5+$0x19CB0]  }
0xf5: {  	v6 =	vld [tilespmem:s5+$0x19CC0]  }
0xf6: {  	v7 =	vld [tilespmem:s5+$0x19CD0]  }
0xf7: {  	v0 =	vld [tilespmem:s5+$0x19CE0]  }
0xf8: {  	[tilespmem:s5+$0x11FF0] =	vst.add.f32.msk $0xffff, v1  }
0xf9: {  	[tilespmem:s5+$0xD480] =	vst.add.f32.msk $0xffff, v2  }
0xfa: {  	[tilespmem:s5+$0xD490] =	vst.add.f32.msk $0xffff, v3  }
0xfb: {  	[tilespmem:s5+$0xED80] =	vst.add.f32.msk $0xffff, v2  }
0xfc: {  	[tilespmem:s5+$0xED90] =	vst.add.f32.msk $0xffff, v3  }
0xfd: {  	[tilespmem:s5+$0x10680] =	vst.add.f32.msk $0xffff, v2  }
0xfe: {  	[tilespmem:s5+$0x10690] =	vst.add.f32.msk $0xffff, v3  }
0xff: {  	[tilespmem:s5+$0x11F80] =	vst.add.f32.msk $0xffff, v2  }
0x100: {  	[tilespmem:s5+$0x11F90] =	vst.add.f32.msk $0xffff, v3  }
0x101: {  	[tilespmem:s5+$0xD4A0] =	vst.add.f32.msk $0xffff, v4  }
0x102: {  	[tilespmem:s5+$0xD4B0] =	vst.add.f32.msk $0xffff, v5  }
0x103: {  	[tilespmem:s5+$0xEDA0] =	vst.add.f32.msk $0xffff, v4  }
0x104: {  	[tilespmem:s5+$0xEDB0] =	vst.add.f32.msk $0xffff, v5  }
0x105: {  	[tilespmem:s5+$0x106A0] =	vst.add.f32.msk $0xffff, v4  }
0x106: {  	[tilespmem:s5+$0x106B0] =	vst.add.f32.msk $0xffff, v5  }
0x107: {  	[tilespmem:s5+$0x11FA0] =	vst.add.f32.msk $0xffff, v4  }
0x108: {  	[tilespmem:s5+$0x11FB0] =	vst.add.f32.msk $0xffff, v5  }
0x109: {  	[tilespmem:s5+$0xD4C0] =	vst.add.f32.msk $0xffff, v6  }
0x10a: {  	[tilespmem:s5+$0xD4D0] =	vst.add.f32.msk $0xffff, v7  }
0x10b: {  	[tilespmem:s5+$0xEDC0] =	vst.add.f32.msk $0xffff, v6  }
0x10c: {  	[tilespmem:s5+$0xEDD0] =	vst.add.f32.msk $0xffff, v7  }
0x10d: {  	[tilespmem:s5+$0x106C0] =	vst.add.f32.msk $0xffff, v6  }
0x10e: {  	[tilespmem:s5+$0x106D0] =	vst.add.f32.msk $0xffff, v7  }
0x10f: {  	[tilespmem:s5+$0x11FC0] =	vst.add.f32.msk $0xffff, v6  }
0x110: {  	[tilespmem:s5+$0x11FD0] =	vst.add.f32.msk $0xffff, v7  }
0x111: {  	[tilespmem:s5+$0xD4E0] =	vst.add.f32.msk $0xffff, v0  }
0x112: {  	[tilespmem:s5+$0xD4F0] =	vst.add.f32.msk $0xffff, v1  }
0x113: {  	[tilespmem:s5+$0xEDE0] =	vst.add.f32.msk $0xffff, v0  }
0x114: {  	[tilespmem:s5+$0xEDF0] =	vst.add.f32.msk $0xffff, v1  }
0x115: {  	[tilespmem:s5+$0x106E0] =	vst.add.f32.msk $0xffff, v0  }
0x116: {  	s11 =	simm.s32 $0x200;
	s8 =	simm.s32 $0x0;
	[tilespmem:s5+$0x106F0] =	vst.add.f32.msk $0xffff, v1  }
.LBB2_6:
0x117: {  	s8 =	sadd.s32 $0x4, s8;
	[tilespmem:s5+$0x11FE0] =	vst.add.f32.msk $0xffff, v0;
	s5 =	sshra.s32 s11, $0x2  }
0x118: {  	v1 =	vld [tilespmem:s5+$0x19CF0];
	p0 =	slt.u32 s8, $0xC4  }
0x119: {  	v2 =	vld [tilespmem:s5+$0x19C80]  }
0x11a: {  	v3 =	vld [tilespmem:s5+$0x19C90]  }
0x11b: {  	v4 =	vld [tilespmem:s5+$0x19CA0]  }
0x11c: {  	v5 =	vld [tilespmem:s5+$0x19CB0]  }
0x11d: {  	[tilespmem:s5+$0x11FF0] =	vst.add.f32.msk $0xffff, v1  }
0x11e: {  	v6 =	vld [tilespmem:s5+$0x19CC0]  }
0x11f: {  	v7 =	vld [tilespmem:s5+$0x19CD0]  }
0x120: {  	v0 =	vld [tilespmem:s5+$0x19CE0]  }
0x121: {  	[tilespmem:s5+$0xD480] =	vst.add.f32.msk $0xffff, v2  }
0x122: {  	[tilespmem:s5+$0xD490] =	vst.add.f32.msk $0xffff, v3  }
0x123: {  	[tilespmem:s5+$0xED80] =	vst.add.f32.msk $0xffff, v2  }
0x124: {  	[tilespmem:s5+$0xED90] =	vst.add.f32.msk $0xffff, v3  }
0x125: {  	[tilespmem:s5+$0x10680] =	vst.add.f32.msk $0xffff, v2  }
0x126: {  	[tilespmem:s5+$0x10690] =	vst.add.f32.msk $0xffff, v3  }
0x127: {  	[tilespmem:s5+$0x11F80] =	vst.add.f32.msk $0xffff, v2  }
0x128: {  	[tilespmem:s5+$0x11F90] =	vst.add.f32.msk $0xffff, v3  }
0x129: {  	[tilespmem:s5+$0xD4A0] =	vst.add.f32.msk $0xffff, v4  }
0x12a: {  	[tilespmem:s5+$0xD4B0] =	vst.add.f32.msk $0xffff, v5  }
0x12b: {  	[tilespmem:s5+$0xEDA0] =	vst.add.f32.msk $0xffff, v4  }
0x12c: {  	[tilespmem:s5+$0xEDB0] =	vst.add.f32.msk $0xffff, v5  }
0x12d: {  	[tilespmem:s5+$0x106A0] =	vst.add.f32.msk $0xffff, v4  }
0x12e: {  	[tilespmem:s5+$0x106B0] =	vst.add.f32.msk $0xffff, v5  }
0x12f: {  	[tilespmem:s5+$0x11FA0] =	vst.add.f32.msk $0xffff, v4  }
0x130: {  	[tilespmem:s5+$0x11FB0] =	vst.add.f32.msk $0xffff, v5  }
0x131: {  	[tilespmem:s5+$0xD4C0] =	vst.add.f32.msk $0xffff, v6  }
0x132: {  	[tilespmem:s5+$0xD4D0] =	vst.add.f32.msk $0xffff, v7  }
0x133: {  	[tilespmem:s5+$0xEDC0] =	vst.add.f32.msk $0xffff, v6  }
0x134: {  	[tilespmem:s5+$0xEDD0] =	vst.add.f32.msk $0xffff, v7  }
0x135: {  	[tilespmem:s5+$0x106C0] =	vst.add.f32.msk $0xffff, v6  }
0x136: {  	[tilespmem:s5+$0x106D0] =	vst.add.f32.msk $0xffff, v7  }
0x137: {  	[tilespmem:s5+$0x11FC0] =	vst.add.f32.msk $0xffff, v6  }
0x138: {  	[tilespmem:s5+$0x11FD0] =	vst.add.f32.msk $0xffff, v7  }
0x139: {  	[tilespmem:s5+$0xD4E0] =	vst.add.f32.msk $0xffff, v0  }
.Ltmp2:
0x13a: {  	[tilespmem:s5+$0xD4F0] =	vst.add.f32.msk $0xffff, v1;
	(pc) =	sbr.rel @p0 .LBB2_6-.Ltmp2, $4  }
0x13b: {  	[tilespmem:s5+$0xEDE0] =	vst.add.f32.msk $0xffff, v0  }
0x13c: {  	[tilespmem:s5+$0xEDF0] =	vst.add.f32.msk $0xffff, v1  }
0x13d: {  	[tilespmem:s5+$0x106E0] =	vst.add.f32.msk $0xffff, v0  }
0x13e: {  	s11 =	sadd.s32 $0x200, s11;
	[tilespmem:s5+$0x106F0] =	vst.add.f32.msk $0xffff, v1  }
0x13f: {  	[tilespmem:s5+$0x11FE0] =	vst.add.f32.msk $0xffff, v0;
	s12 =	simm.s32 $0x0;
	s8 =	rddreg [dreg:$0x10]  }
0x140: {  	[hbm4b:s8+s12] =	stream.linear.scatter [tilespmem:s23], [sflag:$0xB], $0x6400, $0x38;
	[tilespmem:$0x1B580] =	vst v63  }
0x141: {  	s15 =	rddreg [dreg:$0x11]  }
0x142: {  	[tilespmem:s9], [sflag:$0x3] =	stream.linear.gather [hbm4b:s15+s12], $0x320, $0x38;
	[tilespmem:$0x1B580] =	vst v63  }
0x143: {  	_ =	swait.ge [sflag:s29], $0x6400  }
0x144: {  	[sflag:s29] =	ssyncset.done $0x0  }
0x145: {  	[sflag:s29] =	ssyncadd.s32 $0xFFFF9C00  }
0x146: {  	_ =	swait.ge [sflag:s13], $0x320  }
0x147: {  	[sflag:s13] =	ssyncset.done $0x0  }
0x148: {  	[sflag:s13] =	ssyncadd.s32 $0xFFFFFCE0  }
0x149: {  	_ =	swait.ge [sflag:s30], $0x6400  }
0x14a: {  	[sflag:s30] =	ssyncset.done $0x0  }
0x14b: {  	s5 =	simm.s32 $0x0;
	[sflag:s30] =	ssyncadd.s32 $0xFFFF9C00  }
0x14c: {  	[tilespmem:s14], [sflag:$0x5] =	stream.indirect.gather [hbm4b:s6+s7], $0x20, s12, s7, $0xb8;
	[tilespmem:$0x1B580] =	vst v63  }
0x14d: {  	v1 =	vld [tilespmem:s5+$0x19CF0]  }
0x14e: {  	v2 =	vld [tilespmem:s5+$0x19C80]  }
0x14f: {  	v3 =	vld [tilespmem:s5+$0x19C90]  }
0x150: {  	v4 =	vld [tilespmem:s5+$0x19CA0]  }
0x151: {  	v5 =	vld [tilespmem:s5+$0x19CB0]  }
0x152: {  	v6 =	vld [tilespmem:s5+$0x19CC0]  }
0x153: {  	v7 =	vld [tilespmem:s5+$0x19CD0]  }
0x154: {  	v0 =	vld [tilespmem:s5+$0x19CE0]  }
0x155: {  	[tilespmem:s5+$0x183F0] =	vst.add.f32.msk $0xffff, v1  }
0x156: {  	[tilespmem:s5+$0x13880] =	vst.add.f32.msk $0xffff, v2  }
0x157: {  	[tilespmem:s5+$0x13890] =	vst.add.f32.msk $0xffff, v3  }
0x158: {  	[tilespmem:s5+$0x15180] =	vst.add.f32.msk $0xffff, v2  }
0x159: {  	[tilespmem:s5+$0x15190] =	vst.add.f32.msk $0xffff, v3  }
0x15a: {  	[tilespmem:s5+$0x16A80] =	vst.add.f32.msk $0xffff, v2  }
0x15b: {  	[tilespmem:s5+$0x16A90] =	vst.add.f32.msk $0xffff, v3  }
0x15c: {  	[tilespmem:s5+$0x18380] =	vst.add.f32.msk $0xffff, v2  }
0x15d: {  	[tilespmem:s5+$0x18390] =	vst.add.f32.msk $0xffff, v3  }
0x15e: {  	[tilespmem:s5+$0x138A0] =	vst.add.f32.msk $0xffff, v4  }
0x15f: {  	[tilespmem:s5+$0x138B0] =	vst.add.f32.msk $0xffff, v5  }
0x160: {  	[tilespmem:s5+$0x151A0] =	vst.add.f32.msk $0xffff, v4  }
0x161: {  	[tilespmem:s5+$0x151B0] =	vst.add.f32.msk $0xffff, v5  }
0x162: {  	[tilespmem:s5+$0x16AA0] =	vst.add.f32.msk $0xffff, v4  }
0x163: {  	[tilespmem:s5+$0x16AB0] =	vst.add.f32.msk $0xffff, v5  }
0x164: {  	[tilespmem:s5+$0x183A0] =	vst.add.f32.msk $0xffff, v4  }
0x165: {  	[tilespmem:s5+$0x183B0] =	vst.add.f32.msk $0xffff, v5  }
0x166: {  	[tilespmem:s5+$0x138C0] =	vst.add.f32.msk $0xffff, v6  }
0x167: {  	[tilespmem:s5+$0x138D0] =	vst.add.f32.msk $0xffff, v7  }
0x168: {  	[tilespmem:s5+$0x151C0] =	vst.add.f32.msk $0xffff, v6  }
0x169: {  	[tilespmem:s5+$0x151D0] =	vst.add.f32.msk $0xffff, v7  }
0x16a: {  	[tilespmem:s5+$0x16AC0] =	vst.add.f32.msk $0xffff, v6  }
0x16b: {  	[tilespmem:s5+$0x16AD0] =	vst.add.f32.msk $0xffff, v7  }
0x16c: {  	[tilespmem:s5+$0x183C0] =	vst.add.f32.msk $0xffff, v6  }
0x16d: {  	[tilespmem:s5+$0x183D0] =	vst.add.f32.msk $0xffff, v7  }
0x16e: {  	[tilespmem:s5+$0x138E0] =	vst.add.f32.msk $0xffff, v0  }
0x16f: {  	[tilespmem:s5+$0x138F0] =	vst.add.f32.msk $0xffff, v1  }
0x170: {  	[tilespmem:s5+$0x151E0] =	vst.add.f32.msk $0xffff, v0  }
0x171: {  	[tilespmem:s5+$0x151F0] =	vst.add.f32.msk $0xffff, v1  }
0x172: {  	[tilespmem:s5+$0x16AE0] =	vst.add.f32.msk $0xffff, v0  }
0x173: {  	s11 =	simm.s32 $0x200;
	s8 =	simm.s32 $0x0;
	[tilespmem:s5+$0x16AF0] =	vst.add.f32.msk $0xffff, v1  }
.LBB2_8:
0x174: {  	s8 =	sadd.s32 $0x4, s8;
	[tilespmem:s5+$0x183E0] =	vst.add.f32.msk $0xffff, v0;
	s5 =	sshra.s32 s11, $0x2  }
0x175: {  	v1 =	vld [tilespmem:s5+$0x19CF0];
	p0 =	slt.u32 s8, $0xC4  }
0x176: {  	v2 =	vld [tilespmem:s5+$0x19C80]  }
0x177: {  	v3 =	vld [tilespmem:s5+$0x19C90]  }
0x178: {  	v4 =	vld [tilespmem:s5+$0x19CA0]  }
0x179: {  	v5 =	vld [tilespmem:s5+$0x19CB0]  }
0x17a: {  	[tilespmem:s5+$0x183F0] =	vst.add.f32.msk $0xffff, v1  }
0x17b: {  	v6 =	vld [tilespmem:s5+$0x19CC0]  }
0x17c: {  	v7 =	vld [tilespmem:s5+$0x19CD0]  }
0x17d: {  	v0 =	vld [tilespmem:s5+$0x19CE0]  }
0x17e: {  	[tilespmem:s5+$0x13880] =	vst.add.f32.msk $0xffff, v2  }
0x17f: {  	[tilespmem:s5+$0x13890] =	vst.add.f32.msk $0xffff, v3  }
0x180: {  	[tilespmem:s5+$0x15180] =	vst.add.f32.msk $0xffff, v2  }
0x181: {  	[tilespmem:s5+$0x15190] =	vst.add.f32.msk $0xffff, v3  }
0x182: {  	[tilespmem:s5+$0x16A80] =	vst.add.f32.msk $0xffff, v2  }
0x183: {  	[tilespmem:s5+$0x16A90] =	vst.add.f32.msk $0xffff, v3  }
0x184: {  	[tilespmem:s5+$0x18380] =	vst.add.f32.msk $0xffff, v2  }
0x185: {  	[tilespmem:s5+$0x18390] =	vst.add.f32.msk $0xffff, v3  }
0x186: {  	[tilespmem:s5+$0x138A0] =	vst.add.f32.msk $0xffff, v4  }
0x187: {  	[tilespmem:s5+$0x138B0] =	vst.add.f32.msk $0xffff, v5  }
0x188: {  	[tilespmem:s5+$0x151A0] =	vst.add.f32.msk $0xffff, v4  }
0x189: {  	[tilespmem:s5+$0x151B0] =	vst.add.f32.msk $0xffff, v5  }
0x18a: {  	[tilespmem:s5+$0x16AA0] =	vst.add.f32.msk $0xffff, v4  }
0x18b: {  	[tilespmem:s5+$0x16AB0] =	vst.add.f32.msk $0xffff, v5  }
0x18c: {  	[tilespmem:s5+$0x183A0] =	vst.add.f32.msk $0xffff, v4  }
0x18d: {  	[tilespmem:s5+$0x183B0] =	vst.add.f32.msk $0xffff, v5  }
0x18e: {  	[tilespmem:s5+$0x138C0] =	vst.add.f32.msk $0xffff, v6  }
0x18f: {  	[tilespmem:s5+$0x138D0] =	vst.add.f32.msk $0xffff, v7  }
0x190: {  	[tilespmem:s5+$0x151C0] =	vst.add.f32.msk $0xffff, v6  }
0x191: {  	[tilespmem:s5+$0x151D0] =	vst.add.f32.msk $0xffff, v7  }
0x192: {  	[tilespmem:s5+$0x16AC0] =	vst.add.f32.msk $0xffff, v6  }
0x193: {  	[tilespmem:s5+$0x16AD0] =	vst.add.f32.msk $0xffff, v7  }
0x194: {  	[tilespmem:s5+$0x183C0] =	vst.add.f32.msk $0xffff, v6  }
0x195: {  	[tilespmem:s5+$0x183D0] =	vst.add.f32.msk $0xffff, v7  }
0x196: {  	[tilespmem:s5+$0x138E0] =	vst.add.f32.msk $0xffff, v0  }
.Ltmp3:
0x197: {  	[tilespmem:s5+$0x138F0] =	vst.add.f32.msk $0xffff, v1;
	(pc) =	sbr.rel @p0 .LBB2_8-.Ltmp3, $4  }
0x198: {  	[tilespmem:s5+$0x151E0] =	vst.add.f32.msk $0xffff, v0  }
0x199: {  	[tilespmem:s5+$0x151F0] =	vst.add.f32.msk $0xffff, v1  }
0x19a: {  	[tilespmem:s5+$0x16AE0] =	vst.add.f32.msk $0xffff, v0  }
0x19b: {  	s11 =	sadd.s32 $0x200, s11;
	[tilespmem:s5+$0x16AF0] =	vst.add.f32.msk $0xffff, v1  }
0x19c: {  	[tilespmem:s5+$0x183E0] =	vst.add.f32.msk $0xffff, v0;
	s12 =	rddreg [dreg:$0x13]  }
0x19d: {  	[hbm4b:s12+s3] =	stream.linear.scatter [tilespmem:s28], [sflag:$0xC], $0x6400, $0x38;
	[tilespmem:$0x1B580] =	vst v63  }
0x19e: {  	s15 =	rddreg [dreg:$0x14];
	s8 =	simm.s32 $0x1  }
0x19f: {  	[tilespmem:s10], [sflag:$0x4] =	stream.linear.gather [hbm4b:s15+s3], $0x320, $0x38;
	[tilespmem:$0x1B580] =	vst v63  }
.LBB2_10:
0x1a0: {  	_ =	swait.ge [sflag:s16], $0x6400  }
0x1a1: {  	[sflag:s16] =	ssyncset.done $0x0  }
0x1a2: {  	[sflag:s16] =	ssyncadd.s32 $0xFFFF9C00  }
0x1a3: {  	_ =	swait.ge [sflag:s18], $0x320  }
0x1a4: {  	[sflag:s18] =	ssyncset.done $0x0  }
0x1a5: {  	[sflag:s18] =	ssyncadd.s32 $0xFFFFFCE0  }
0x1a6: {  	_ =	swait.ge [sflag:s31], $0x6400  }
0x1a7: {  	[sflag:s31] =	ssyncset.done $0x0  }
0x1a8: {  	s11 =	simm.s32 $0x0;
	[sflag:s31] =	ssyncadd.s32 $0xFFFF9C00  }
0x1a9: {  	[tilespmem:s19], [sflag:$0x6] =	stream.indirect.gather [hbm4b:s6+s7], $0x20, s7, s7, $0xb8;
	[tilespmem:$0x1B580] =	vst v63  }
0x1aa: {  	v1 =	vld [tilespmem:s11+$0x19CF0]  }
0x1ab: {  	v2 =	vld [tilespmem:s11+$0x19C80]  }
0x1ac: {  	v3 =	vld [tilespmem:s11+$0x19C90]  }
0x1ad: {  	v4 =	vld [tilespmem:s11+$0x19CA0]  }
0x1ae: {  	v5 =	vld [tilespmem:s11+$0x19CB0]  }
0x1af: {  	v6 =	vld [tilespmem:s11+$0x19CC0]  }
0x1b0: {  	v7 =	vld [tilespmem:s11+$0x19CD0]  }
0x1b1: {  	v0 =	vld [tilespmem:s11+$0x19CE0]  }
0x1b2: {  	[tilespmem:s11+$0x57F0] =	vst.add.f32.msk $0xffff, v1  }
0x1b3: {  	[tilespmem:s11+$0xC80] =	vst.add.f32.msk $0xffff, v2  }
0x1b4: {  	[tilespmem:s11+$0xC90] =	vst.add.f32.msk $0xffff, v3  }
0x1b5: {  	[tilespmem:s11+$0x2580] =	vst.add.f32.msk $0xffff, v2  }
0x1b6: {  	[tilespmem:s11+$0x2590] =	vst.add.f32.msk $0xffff, v3  }
0x1b7: {  	[tilespmem:s11+$0x3E80] =	vst.add.f32.msk $0xffff, v2  }
0x1b8: {  	[tilespmem:s11+$0x3E90] =	vst.add.f32.msk $0xffff, v3  }
0x1b9: {  	[tilespmem:s11+$0x5780] =	vst.add.f32.msk $0xffff, v2  }
0x1ba: {  	[tilespmem:s11+$0x5790] =	vst.add.f32.msk $0xffff, v3  }
0x1bb: {  	[tilespmem:s11+$0xCA0] =	vst.add.f32.msk $0xffff, v4  }
0x1bc: {  	[tilespmem:s11+$0xCB0] =	vst.add.f32.msk $0xffff, v5  }
0x1bd: {  	[tilespmem:s11+$0x25A0] =	vst.add.f32.msk $0xffff, v4  }
0x1be: {  	[tilespmem:s11+$0x25B0] =	vst.add.f32.msk $0xffff, v5  }
0x1bf: {  	[tilespmem:s11+$0x3EA0] =	vst.add.f32.msk $0xffff, v4  }
0x1c0: {  	[tilespmem:s11+$0x3EB0] =	vst.add.f32.msk $0xffff, v5  }
0x1c1: {  	[tilespmem:s11+$0x57A0] =	vst.add.f32.msk $0xffff, v4  }
0x1c2: {  	[tilespmem:s11+$0x57B0] =	vst.add.f32.msk $0xffff, v5  }
0x1c3: {  	[tilespmem:s11+$0xCC0] =	vst.add.f32.msk $0xffff, v6  }
0x1c4: {  	[tilespmem:s11+$0xCD0] =	vst.add.f32.msk $0xffff, v7  }
0x1c5: {  	[tilespmem:s11+$0x25C0] =	vst.add.f32.msk $0xffff, v6  }
0x1c6: {  	[tilespmem:s11+$0x25D0] =	vst.add.f32.msk $0xffff, v7  }
0x1c7: {  	[tilespmem:s11+$0x3EC0] =	vst.add.f32.msk $0xffff, v6  }
0x1c8: {  	[tilespmem:s11+$0x3ED0] =	vst.add.f32.msk $0xffff, v7  }
0x1c9: {  	[tilespmem:s11+$0x57C0] =	vst.add.f32.msk $0xffff, v6  }
0x1ca: {  	[tilespmem:s11+$0x57D0] =	vst.add.f32.msk $0xffff, v7  }
0x1cb: {  	[tilespmem:s11+$0xCE0] =	vst.add.f32.msk $0xffff, v0  }
0x1cc: {  	[tilespmem:s11+$0xCF0] =	vst.add.f32.msk $0xffff, v1  }
0x1cd: {  	[tilespmem:s11+$0x25E0] =	vst.add.f32.msk $0xffff, v0  }
0x1ce: {  	[tilespmem:s11+$0x25F0] =	vst.add.f32.msk $0xffff, v1  }
0x1cf: {  	[tilespmem:s11+$0x3EE0] =	vst.add.f32.msk $0xffff, v0  }
0x1d0: {  	s5 =	simm.s32 $0x0;
	s12 =	simm.s32 $0x200;
	[tilespmem:s11+$0x3EF0] =	vst.add.f32.msk $0xffff, v1  }
.LBB2_11:
0x1d1: {  	s5 =	sadd.s32 $0x4, s5;
	[tilespmem:s11+$0x57E0] =	vst.add.f32.msk $0xffff, v0;
	s11 =	sshra.s32 s12, $0x2  }
0x1d2: {  	v1 =	vld [tilespmem:s11+$0x19CF0];
	p0 =	slt.u32 s5, $0xC4  }
0x1d3: {  	v2 =	vld [tilespmem:s11+$0x19C80]  }
0x1d4: {  	v3 =	vld [tilespmem:s11+$0x19C90]  }
0x1d5: {  	v4 =	vld [tilespmem:s11+$0x19CA0]  }
0x1d6: {  	v5 =	vld [tilespmem:s11+$0x19CB0]  }
0x1d7: {  	[tilespmem:s11+$0x57F0] =	vst.add.f32.msk $0xffff, v1  }
0x1d8: {  	v6 =	vld [tilespmem:s11+$0x19CC0]  }
0x1d9: {  	v7 =	vld [tilespmem:s11+$0x19CD0]  }
0x1da: {  	v0 =	vld [tilespmem:s11+$0x19CE0]  }
0x1db: {  	[tilespmem:s11+$0xC80] =	vst.add.f32.msk $0xffff, v2  }
0x1dc: {  	[tilespmem:s11+$0xC90] =	vst.add.f32.msk $0xffff, v3  }
0x1dd: {  	[tilespmem:s11+$0x2580] =	vst.add.f32.msk $0xffff, v2  }
0x1de: {  	[tilespmem:s11+$0x2590] =	vst.add.f32.msk $0xffff, v3  }
0x1df: {  	[tilespmem:s11+$0x3E80] =	vst.add.f32.msk $0xffff, v2  }
0x1e0: {  	[tilespmem:s11+$0x3E90] =	vst.add.f32.msk $0xffff, v3  }
0x1e1: {  	[tilespmem:s11+$0x5780] =	vst.add.f32.msk $0xffff, v2  }
0x1e2: {  	[tilespmem:s11+$0x5790] =	vst.add.f32.msk $0xffff, v3  }
0x1e3: {  	[tilespmem:s11+$0xCA0] =	vst.add.f32.msk $0xffff, v4  }
0x1e4: {  	[tilespmem:s11+$0xCB0] =	vst.add.f32.msk $0xffff, v5  }
0x1e5: {  	[tilespmem:s11+$0x25A0] =	vst.add.f32.msk $0xffff, v4  }
0x1e6: {  	[tilespmem:s11+$0x25B0] =	vst.add.f32.msk $0xffff, v5  }
0x1e7: {  	[tilespmem:s11+$0x3EA0] =	vst.add.f32.msk $0xffff, v4  }
0x1e8: {  	[tilespmem:s11+$0x3EB0] =	vst.add.f32.msk $0xffff, v5  }
0x1e9: {  	[tilespmem:s11+$0x57A0] =	vst.add.f32.msk $0xffff, v4  }
0x1ea: {  	[tilespmem:s11+$0x57B0] =	vst.add.f32.msk $0xffff, v5  }
0x1eb: {  	[tilespmem:s11+$0xCC0] =	vst.add.f32.msk $0xffff, v6  }
0x1ec: {  	[tilespmem:s11+$0xCD0] =	vst.add.f32.msk $0xffff, v7  }
0x1ed: {  	[tilespmem:s11+$0x25C0] =	vst.add.f32.msk $0xffff, v6  }
0x1ee: {  	[tilespmem:s11+$0x25D0] =	vst.add.f32.msk $0xffff, v7  }
0x1ef: {  	[tilespmem:s11+$0x3EC0] =	vst.add.f32.msk $0xffff, v6  }
0x1f0: {  	[tilespmem:s11+$0x3ED0] =	vst.add.f32.msk $0xffff, v7  }
0x1f1: {  	[tilespmem:s11+$0x57C0] =	vst.add.f32.msk $0xffff, v6  }
0x1f2: {  	[tilespmem:s11+$0x57D0] =	vst.add.f32.msk $0xffff, v7  }
0x1f3: {  	[tilespmem:s11+$0xCE0] =	vst.add.f32.msk $0xffff, v0  }
.Ltmp4:
0x1f4: {  	[tilespmem:s11+$0xCF0] =	vst.add.f32.msk $0xffff, v1;
	(pc) =	sbr.rel @p0 .LBB2_11-.Ltmp4, $4  }
0x1f5: {  	[tilespmem:s11+$0x25E0] =	vst.add.f32.msk $0xffff, v0  }
0x1f6: {  	[tilespmem:s11+$0x25F0] =	vst.add.f32.msk $0xffff, v1  }
0x1f7: {  	[tilespmem:s11+$0x3EE0] =	vst.add.f32.msk $0xffff, v0  }
0x1f8: {  	s12 =	sadd.s32 $0x200, s12;
	[tilespmem:s11+$0x3EF0] =	vst.add.f32.msk $0xffff, v1  }
0x1f9: {  	s5 =	smul.u32 $0xC80, s8;
	_ =	sdelay $0x1  }
0x1fa: {  	s12 =	sadd.s32 s17, s5  }
0x1fb: {  	s12 =	sshll.u32 s12, $0x2  }
0x1fc: {  	s12 =	sand.u32 $0x1FFFFE00, s12  }
0x1fd: {  	[tilespmem:s11+$0x57E0] =	vst.add.f32.msk $0xffff, v0;
	s15 =	sadd.s32 s2, s12;
	s12 =	simm.s32 $0x0  }
0x1fe: {  	[hbm4b:s15+s12] =	stream.linear.scatter [tilespmem:s14], [sflag:$0x9], $0x6400, $0x38;
	[tilespmem:$0x1B580] =	vst v63  }
0x1ff: {  	s15 =	rddreg [dreg:$0x9]  }
0x200: {  	s11 =	sadd.s32 s5, s15  }
0x201: {  	s11 =	sshrl.u32 s11, $0x3  }
0x202: {  	s11 =	sadd.s32 s4, s11  }
0x203: {  	[tilespmem:s12], [sflag:$0x1] =	stream.linear.gather [hbm4b:s11+s12], $0x320, $0x38;
	[tilespmem:$0x1B580] =	vst v63  }
0x204: {  	_ =	swait.ge [sflag:s20], $0x6400  }
0x205: {  	[sflag:s20] =	ssyncset.done $0x0  }
0x206: {  	[sflag:s20] =	ssyncadd.s32 $0xFFFF9C00  }
0x207: {  	_ =	swait.ge [sflag:s22], $0x320  }
0x208: {  	[sflag:s22] =	ssyncset.done $0x0  }
0x209: {  	[sflag:s22] =	ssyncadd.s32 $0xFFFFFCE0  }
0x20a: {  	_ =	swait.ge [sflag:s0], $0x6400  }
0x20b: {  	[sflag:s0] =	ssyncset.done $0x0  }
0x20c: {  	s11 =	simm.s32 $0x0;
	[sflag:s0] =	ssyncadd.s32 $0xFFFF9C00  }
0x20d: {  	[tilespmem:s23], [sflag:$0x7] =	stream.indirect.gather [hbm4b:s6+s7], $0x20, s9, s7, $0xb8;
	[tilespmem:$0x1B580] =	vst v63  }
0x20e: {  	v1 =	vld [tilespmem:s11+$0x19CF0]  }
0x20f: {  	v2 =	vld [tilespmem:s11+$0x19C80]  }
0x210: {  	v3 =	vld [tilespmem:s11+$0x19C90]  }
0x211: {  	v4 =	vld [tilespmem:s11+$0x19CA0]  }
0x212: {  	v5 =	vld [tilespmem:s11+$0x19CB0]  }
0x213: {  	v6 =	vld [tilespmem:s11+$0x19CC0]  }
0x214: {  	v7 =	vld [tilespmem:s11+$0x19CD0]  }
0x215: {  	v0 =	vld [tilespmem:s11+$0x19CE0]  }
0x216: {  	[tilespmem:s11+$0xBBF0] =	vst.add.f32.msk $0xffff, v1  }
0x217: {  	[tilespmem:s11+$0x7080] =	vst.add.f32.msk $0xffff, v2  }
0x218: {  	[tilespmem:s11+$0x7090] =	vst.add.f32.msk $0xffff, v3  }
0x219: {  	[tilespmem:s11+$0x8980] =	vst.add.f32.msk $0xffff, v2  }
0x21a: {  	[tilespmem:s11+$0x8990] =	vst.add.f32.msk $0xffff, v3  }
0x21b: {  	[tilespmem:s11+$0xA280] =	vst.add.f32.msk $0xffff, v2  }
0x21c: {  	[tilespmem:s11+$0xA290] =	vst.add.f32.msk $0xffff, v3  }
0x21d: {  	[tilespmem:s11+$0xBB80] =	vst.add.f32.msk $0xffff, v2  }
0x21e: {  	[tilespmem:s11+$0xBB90] =	vst.add.f32.msk $0xffff, v3  }
0x21f: {  	[tilespmem:s11+$0x70A0] =	vst.add.f32.msk $0xffff, v4  }
0x220: {  	[tilespmem:s11+$0x70B0] =	vst.add.f32.msk $0xffff, v5  }
0x221: {  	[tilespmem:s11+$0x89A0] =	vst.add.f32.msk $0xffff, v4  }
0x222: {  	[tilespmem:s11+$0x89B0] =	vst.add.f32.msk $0xffff, v5  }
0x223: {  	[tilespmem:s11+$0xA2A0] =	vst.add.f32.msk $0xffff, v4  }
0x224: {  	[tilespmem:s11+$0xA2B0] =	vst.add.f32.msk $0xffff, v5  }
0x225: {  	[tilespmem:s11+$0xBBA0] =	vst.add.f32.msk $0xffff, v4  }
0x226: {  	[tilespmem:s11+$0xBBB0] =	vst.add.f32.msk $0xffff, v5  }
0x227: {  	[tilespmem:s11+$0x70C0] =	vst.add.f32.msk $0xffff, v6  }
0x228: {  	[tilespmem:s11+$0x70D0] =	vst.add.f32.msk $0xffff, v7  }
0x229: {  	[tilespmem:s11+$0x89C0] =	vst.add.f32.msk $0xffff, v6  }
0x22a: {  	[tilespmem:s11+$0x89D0] =	vst.add.f32.msk $0xffff, v7  }
0x22b: {  	[tilespmem:s11+$0xA2C0] =	vst.add.f32.msk $0xffff, v6  }
0x22c: {  	[tilespmem:s11+$0xA2D0] =	vst.add.f32.msk $0xffff, v7  }
0x22d: {  	[tilespmem:s11+$0xBBC0] =	vst.add.f32.msk $0xffff, v6  }
0x22e: {  	[tilespmem:s11+$0xBBD0] =	vst.add.f32.msk $0xffff, v7  }
0x22f: {  	[tilespmem:s11+$0x70E0] =	vst.add.f32.msk $0xffff, v0  }
0x230: {  	[tilespmem:s11+$0x70F0] =	vst.add.f32.msk $0xffff, v1  }
0x231: {  	[tilespmem:s11+$0x89E0] =	vst.add.f32.msk $0xffff, v0  }
0x232: {  	[tilespmem:s11+$0x89F0] =	vst.add.f32.msk $0xffff, v1  }
0x233: {  	[tilespmem:s11+$0xA2E0] =	vst.add.f32.msk $0xffff, v0  }
0x234: {  	s15 =	simm.s32 $0x200;
	s12 =	simm.s32 $0x0;
	[tilespmem:s11+$0xA2F0] =	vst.add.f32.msk $0xffff, v1  }
.LBB2_13:
0x235: {  	s12 =	sadd.s32 $0x4, s12;
	[tilespmem:s11+$0xBBE0] =	vst.add.f32.msk $0xffff, v0;
	s11 =	sshra.s32 s15, $0x2  }
0x236: {  	v1 =	vld [tilespmem:s11+$0x19CF0];
	p0 =	slt.u32 s12, $0xC4  }
0x237: {  	v2 =	vld [tilespmem:s11+$0x19C80]  }
0x238: {  	v3 =	vld [tilespmem:s11+$0x19C90]  }
0x239: {  	v4 =	vld [tilespmem:s11+$0x19CA0]  }
0x23a: {  	v5 =	vld [tilespmem:s11+$0x19CB0]  }
0x23b: {  	[tilespmem:s11+$0xBBF0] =	vst.add.f32.msk $0xffff, v1  }
0x23c: {  	v6 =	vld [tilespmem:s11+$0x19CC0]  }
0x23d: {  	v7 =	vld [tilespmem:s11+$0x19CD0]  }
0x23e: {  	v0 =	vld [tilespmem:s11+$0x19CE0]  }
0x23f: {  	[tilespmem:s11+$0x7080] =	vst.add.f32.msk $0xffff, v2  }
0x240: {  	[tilespmem:s11+$0x7090] =	vst.add.f32.msk $0xffff, v3  }
0x241: {  	[tilespmem:s11+$0x8980] =	vst.add.f32.msk $0xffff, v2  }
0x242: {  	[tilespmem:s11+$0x8990] =	vst.add.f32.msk $0xffff, v3  }
0x243: {  	[tilespmem:s11+$0xA280] =	vst.add.f32.msk $0xffff, v2  }
0x244: {  	[tilespmem:s11+$0xA290] =	vst.add.f32.msk $0xffff, v3  }
0x245: {  	[tilespmem:s11+$0xBB80] =	vst.add.f32.msk $0xffff, v2  }
0x246: {  	[tilespmem:s11+$0xBB90] =	vst.add.f32.msk $0xffff, v3  }
0x247: {  	[tilespmem:s11+$0x70A0] =	vst.add.f32.msk $0xffff, v4  }
0x248: {  	[tilespmem:s11+$0x70B0] =	vst.add.f32.msk $0xffff, v5  }
0x249: {  	[tilespmem:s11+$0x89A0] =	vst.add.f32.msk $0xffff, v4  }
0x24a: {  	[tilespmem:s11+$0x89B0] =	vst.add.f32.msk $0xffff, v5  }
0x24b: {  	[tilespmem:s11+$0xA2A0] =	vst.add.f32.msk $0xffff, v4  }
0x24c: {  	[tilespmem:s11+$0xA2B0] =	vst.add.f32.msk $0xffff, v5  }
0x24d: {  	[tilespmem:s11+$0xBBA0] =	vst.add.f32.msk $0xffff, v4  }
0x24e: {  	[tilespmem:s11+$0xBBB0] =	vst.add.f32.msk $0xffff, v5  }
0x24f: {  	[tilespmem:s11+$0x70C0] =	vst.add.f32.msk $0xffff, v6  }
0x250: {  	[tilespmem:s11+$0x70D0] =	vst.add.f32.msk $0xffff, v7  }
0x251: {  	[tilespmem:s11+$0x89C0] =	vst.add.f32.msk $0xffff, v6  }
0x252: {  	[tilespmem:s11+$0x89D0] =	vst.add.f32.msk $0xffff, v7  }
0x253: {  	[tilespmem:s11+$0xA2C0] =	vst.add.f32.msk $0xffff, v6  }
0x254: {  	[tilespmem:s11+$0xA2D0] =	vst.add.f32.msk $0xffff, v7  }
0x255: {  	[tilespmem:s11+$0xBBC0] =	vst.add.f32.msk $0xffff, v6  }
0x256: {  	[tilespmem:s11+$0xBBD0] =	vst.add.f32.msk $0xffff, v7  }
0x257: {  	[tilespmem:s11+$0x70E0] =	vst.add.f32.msk $0xffff, v0  }
.Ltmp5:
0x258: {  	[tilespmem:s11+$0x70F0] =	vst.add.f32.msk $0xffff, v1;
	(pc) =	sbr.rel @p0 .LBB2_13-.Ltmp5, $4  }
0x259: {  	[tilespmem:s11+$0x89E0] =	vst.add.f32.msk $0xffff, v0  }
0x25a: {  	[tilespmem:s11+$0x89F0] =	vst.add.f32.msk $0xffff, v1  }
0x25b: {  	[tilespmem:s11+$0xA2E0] =	vst.add.f32.msk $0xffff, v0  }
0x25c: {  	s15 =	sadd.s32 $0x200, s15;
	[tilespmem:s11+$0xA2F0] =	vst.add.f32.msk $0xffff, v1  }
0x25d: {  	s12 =	rddreg [dreg:$0x6]  }
0x25e: {  	s12 =	sadd.s32 s5, s12  }
0x25f: {  	s12 =	sshll.u32 s12, $0x2  }
0x260: {  	s12 =	sand.u32 $0x1FFFFE80, s12  }
0x261: {  	[tilespmem:s11+$0xBBE0] =	vst.add.f32.msk $0xffff, v0;
	s15 =	sadd.s32 s2, s12;
	s12 =	simm.s32 $0x0  }
0x262: {  	[hbm4b:s15+s12] =	stream.linear.scatter [tilespmem:s19], [sflag:$0xA], $0x6400, $0x38;
	[tilespmem:$0x1B580] =	vst v63  }
0x263: {  	s15 =	rddreg [dreg:$0xb]  }
0x264: {  	s11 =	sadd.s32 s5, s15  }
0x265: {  	s11 =	sshrl.u32 s11, $0x3  }
0x266: {  	s11 =	sadd.s32 s4, s11  }
0x267: {  	[tilespmem:s7], [sflag:$0x2] =	stream.linear.gather [hbm4b:s11+s12], $0x320, $0x38;
	[tilespmem:$0x1B580] =	vst v63  }
0x268: {  	_ =	swait.ge [sflag:s25], $0x6400  }
0x269: {  	[sflag:s25] =	ssyncset.done $0x0  }
0x26a: {  	[sflag:s25] =	ssyncadd.s32 $0xFFFF9C00  }
0x26b: {  	_ =	swait.ge [sflag:s26], $0x320  }
0x26c: {  	[sflag:s26] =	ssyncset.done $0x0  }
0x26d: {  	[sflag:s26] =	ssyncadd.s32 $0xFFFFFCE0  }
0x26e: {  	_ =	swait.ge [sflag:s1], $0x6400  }
0x26f: {  	[sflag:s1] =	ssyncset.done $0x0  }
0x270: {  	s11 =	simm.s32 $0x0;
	[sflag:s1] =	ssyncadd.s32 $0xFFFF9C00  }
0x271: {  	[tilespmem:s28], [sflag:$0x8] =	stream.indirect.gather [hbm4b:s6+s7], $0x20, s10, s7, $0xb8;
	[tilespmem:$0x1B580] =	vst v63  }
0x272: {  	v1 =	vld [tilespmem:s11+$0x19CF0]  }
0x273: {  	v2 =	vld [tilespmem:s11+$0x19C80]  }
0x274: {  	v3 =	vld [tilespmem:s11+$0x19C90]  }
0x275: {  	v4 =	vld [tilespmem:s11+$0x19CA0]  }
0x276: {  	v5 =	vld [tilespmem:s11+$0x19CB0]  }
0x277: {  	v6 =	vld [tilespmem:s11+$0x19CC0]  }
0x278: {  	v7 =	vld [tilespmem:s11+$0x19CD0]  }
0x279: {  	v0 =	vld [tilespmem:s11+$0x19CE0]  }
0x27a: {  	[tilespmem:s11+$0x11FF0] =	vst.add.f32.msk $0xffff, v1  }
0x27b: {  	[tilespmem:s11+$0xD480] =	vst.add.f32.msk $0xffff, v2  }
0x27c: {  	[tilespmem:s11+$0xD490] =	vst.add.f32.msk $0xffff, v3  }
0x27d: {  	[tilespmem:s11+$0xED80] =	vst.add.f32.msk $0xffff, v2  }
0x27e: {  	[tilespmem:s11+$0xED90] =	vst.add.f32.msk $0xffff, v3  }
0x27f: {  	[tilespmem:s11+$0x10680] =	vst.add.f32.msk $0xffff, v2  }
0x280: {  	[tilespmem:s11+$0x10690] =	vst.add.f32.msk $0xffff, v3  }
0x281: {  	[tilespmem:s11+$0x11F80] =	vst.add.f32.msk $0xffff, v2  }
0x282: {  	[tilespmem:s11+$0x11F90] =	vst.add.f32.msk $0xffff, v3  }
0x283: {  	[tilespmem:s11+$0xD4A0] =	vst.add.f32.msk $0xffff, v4  }
0x284: {  	[tilespmem:s11+$0xD4B0] =	vst.add.f32.msk $0xffff, v5  }
0x285: {  	[tilespmem:s11+$0xEDA0] =	vst.add.f32.msk $0xffff, v4  }
0x286: {  	[tilespmem:s11+$0xEDB0] =	vst.add.f32.msk $0xffff, v5  }
0x287: {  	[tilespmem:s11+$0x106A0] =	vst.add.f32.msk $0xffff, v4  }
0x288: {  	[tilespmem:s11+$0x106B0] =	vst.add.f32.msk $0xffff, v5  }
0x289: {  	[tilespmem:s11+$0x11FA0] =	vst.add.f32.msk $0xffff, v4  }
0x28a: {  	[tilespmem:s11+$0x11FB0] =	vst.add.f32.msk $0xffff, v5  }
0x28b: {  	[tilespmem:s11+$0xD4C0] =	vst.add.f32.msk $0xffff, v6  }
0x28c: {  	[tilespmem:s11+$0xD4D0] =	vst.add.f32.msk $0xffff, v7  }
0x28d: {  	[tilespmem:s11+$0xEDC0] =	vst.add.f32.msk $0xffff, v6  }
0x28e: {  	[tilespmem:s11+$0xEDD0] =	vst.add.f32.msk $0xffff, v7  }
0x28f: {  	[tilespmem:s11+$0x106C0] =	vst.add.f32.msk $0xffff, v6  }
0x290: {  	[tilespmem:s11+$0x106D0] =	vst.add.f32.msk $0xffff, v7  }
0x291: {  	[tilespmem:s11+$0x11FC0] =	vst.add.f32.msk $0xffff, v6  }
0x292: {  	[tilespmem:s11+$0x11FD0] =	vst.add.f32.msk $0xffff, v7  }
0x293: {  	[tilespmem:s11+$0xD4E0] =	vst.add.f32.msk $0xffff, v0  }
0x294: {  	[tilespmem:s11+$0xD4F0] =	vst.add.f32.msk $0xffff, v1  }
0x295: {  	[tilespmem:s11+$0xEDE0] =	vst.add.f32.msk $0xffff, v0  }
0x296: {  	[tilespmem:s11+$0xEDF0] =	vst.add.f32.msk $0xffff, v1  }
0x297: {  	[tilespmem:s11+$0x106E0] =	vst.add.f32.msk $0xffff, v0  }
0x298: {  	s15 =	simm.s32 $0x200;
	s12 =	simm.s32 $0x0;
	[tilespmem:s11+$0x106F0] =	vst.add.f32.msk $0xffff, v1  }
.LBB2_15:
0x299: {  	s12 =	sadd.s32 $0x4, s12;
	[tilespmem:s11+$0x11FE0] =	vst.add.f32.msk $0xffff, v0;
	s11 =	sshra.s32 s15, $0x2  }
0x29a: {  	v1 =	vld [tilespmem:s11+$0x19CF0];
	p0 =	slt.u32 s12, $0xC4  }
0x29b: {  	v2 =	vld [tilespmem:s11+$0x19C80]  }
0x29c: {  	v3 =	vld [tilespmem:s11+$0x19C90]  }
0x29d: {  	v4 =	vld [tilespmem:s11+$0x19CA0]  }
0x29e: {  	v5 =	vld [tilespmem:s11+$0x19CB0]  }
0x29f: {  	[tilespmem:s11+$0x11FF0] =	vst.add.f32.msk $0xffff, v1  }
0x2a0: {  	v6 =	vld [tilespmem:s11+$0x19CC0]  }
0x2a1: {  	v7 =	vld [tilespmem:s11+$0x19CD0]  }
0x2a2: {  	v0 =	vld [tilespmem:s11+$0x19CE0]  }
0x2a3: {  	[tilespmem:s11+$0xD480] =	vst.add.f32.msk $0xffff, v2  }
0x2a4: {  	[tilespmem:s11+$0xD490] =	vst.add.f32.msk $0xffff, v3  }
0x2a5: {  	[tilespmem:s11+$0xED80] =	vst.add.f32.msk $0xffff, v2  }
0x2a6: {  	[tilespmem:s11+$0xED90] =	vst.add.f32.msk $0xffff, v3  }
0x2a7: {  	[tilespmem:s11+$0x10680] =	vst.add.f32.msk $0xffff, v2  }
0x2a8: {  	[tilespmem:s11+$0x10690] =	vst.add.f32.msk $0xffff, v3  }
0x2a9: {  	[tilespmem:s11+$0x11F80] =	vst.add.f32.msk $0xffff, v2  }
0x2aa: {  	[tilespmem:s11+$0x11F90] =	vst.add.f32.msk $0xffff, v3  }
0x2ab: {  	[tilespmem:s11+$0xD4A0] =	vst.add.f32.msk $0xffff, v4  }
0x2ac: {  	[tilespmem:s11+$0xD4B0] =	vst.add.f32.msk $0xffff, v5  }
0x2ad: {  	[tilespmem:s11+$0xEDA0] =	vst.add.f32.msk $0xffff, v4  }
0x2ae: {  	[tilespmem:s11+$0xEDB0] =	vst.add.f32.msk $0xffff, v5  }
0x2af: {  	[tilespmem:s11+$0x106A0] =	vst.add.f32.msk $0xffff, v4  }
0x2b0: {  	[tilespmem:s11+$0x106B0] =	vst.add.f32.msk $0xffff, v5  }
0x2b1: {  	[tilespmem:s11+$0x11FA0] =	vst.add.f32.msk $0xffff, v4  }
0x2b2: {  	[tilespmem:s11+$0x11FB0] =	vst.add.f32.msk $0xffff, v5  }
0x2b3: {  	[tilespmem:s11+$0xD4C0] =	vst.add.f32.msk $0xffff, v6  }
0x2b4: {  	[tilespmem:s11+$0xD4D0] =	vst.add.f32.msk $0xffff, v7  }
0x2b5: {  	[tilespmem:s11+$0xEDC0] =	vst.add.f32.msk $0xffff, v6  }
0x2b6: {  	[tilespmem:s11+$0xEDD0] =	vst.add.f32.msk $0xffff, v7  }
0x2b7: {  	[tilespmem:s11+$0x106C0] =	vst.add.f32.msk $0xffff, v6  }
0x2b8: {  	[tilespmem:s11+$0x106D0] =	vst.add.f32.msk $0xffff, v7  }
0x2b9: {  	[tilespmem:s11+$0x11FC0] =	vst.add.f32.msk $0xffff, v6  }
0x2ba: {  	[tilespmem:s11+$0x11FD0] =	vst.add.f32.msk $0xffff, v7  }
0x2bb: {  	[tilespmem:s11+$0xD4E0] =	vst.add.f32.msk $0xffff, v0  }
.Ltmp6:
0x2bc: {  	[tilespmem:s11+$0xD4F0] =	vst.add.f32.msk $0xffff, v1;
	(pc) =	sbr.rel @p0 .LBB2_15-.Ltmp6, $4  }
0x2bd: {  	[tilespmem:s11+$0xEDE0] =	vst.add.f32.msk $0xffff, v0  }
0x2be: {  	[tilespmem:s11+$0xEDF0] =	vst.add.f32.msk $0xffff, v1  }
0x2bf: {  	[tilespmem:s11+$0x106E0] =	vst.add.f32.msk $0xffff, v0  }
0x2c0: {  	s15 =	sadd.s32 $0x200, s15;
	[tilespmem:s11+$0x106F0] =	vst.add.f32.msk $0xffff, v1  }
0x2c1: {  	s12 =	rddreg [dreg:$0xf]  }
0x2c2: {  	s12 =	sadd.s32 s5, s12  }
0x2c3: {  	s12 =	sshll.u32 s12, $0x2  }
0x2c4: {  	s12 =	sand.u32 $0x1FFFFF00, s12  }
0x2c5: {  	[tilespmem:s11+$0x11FE0] =	vst.add.f32.msk $0xffff, v0;
	s15 =	sadd.s32 s2, s12;
	s12 =	simm.s32 $0x0  }
0x2c6: {  	[hbm4b:s15+s12] =	stream.linear.scatter [tilespmem:s23], [sflag:$0xB], $0x6400, $0x38;
	[tilespmem:$0x1B580] =	vst v63  }
0x2c7: {  	s15 =	rddreg [dreg:$0x12]  }
0x2c8: {  	s11 =	sadd.s32 s5, s15  }
0x2c9: {  	s11 =	sshrl.u32 s11, $0x3  }
0x2ca: {  	s11 =	sadd.s32 s4, s11  }
0x2cb: {  	[tilespmem:s9], [sflag:$0x3] =	stream.linear.gather [hbm4b:s11+s12], $0x320, $0x38;
	[tilespmem:$0x1B580] =	vst v63  }
0x2cc: {  	_ =	swait.ge [sflag:s29], $0x6400  }
0x2cd: {  	[sflag:s29] =	ssyncset.done $0x0  }
0x2ce: {  	[sflag:s29] =	ssyncadd.s32 $0xFFFF9C00  }
0x2cf: {  	_ =	swait.ge [sflag:s13], $0x320  }
0x2d0: {  	[sflag:s13] =	ssyncset.done $0x0  }
0x2d1: {  	[sflag:s13] =	ssyncadd.s32 $0xFFFFFCE0  }
0x2d2: {  	_ =	swait.ge [sflag:s30], $0x6400  }
0x2d3: {  	[sflag:s30] =	ssyncset.done $0x0  }
0x2d4: {  	s11 =	simm.s32 $0x0;
	[sflag:s30] =	ssyncadd.s32 $0xFFFF9C00  }
0x2d5: {  	[tilespmem:s14], [sflag:$0x5] =	stream.indirect.gather [hbm4b:s6+s7], $0x20, s12, s7, $0xb8;
	[tilespmem:$0x1B580] =	vst v63  }
0x2d6: {  	v1 =	vld [tilespmem:s11+$0x19CF0]  }
0x2d7: {  	v2 =	vld [tilespmem:s11+$0x19C80]  }
0x2d8: {  	v3 =	vld [tilespmem:s11+$0x19C90]  }
0x2d9: {  	v4 =	vld [tilespmem:s11+$0x19CA0]  }
0x2da: {  	v5 =	vld [tilespmem:s11+$0x19CB0]  }
0x2db: {  	v6 =	vld [tilespmem:s11+$0x19CC0]  }
0x2dc: {  	v7 =	vld [tilespmem:s11+$0x19CD0]  }
0x2dd: {  	v0 =	vld [tilespmem:s11+$0x19CE0]  }
0x2de: {  	[tilespmem:s11+$0x183F0] =	vst.add.f32.msk $0xffff, v1  }
0x2df: {  	[tilespmem:s11+$0x13880] =	vst.add.f32.msk $0xffff, v2  }
0x2e0: {  	[tilespmem:s11+$0x13890] =	vst.add.f32.msk $0xffff, v3  }
0x2e1: {  	[tilespmem:s11+$0x15180] =	vst.add.f32.msk $0xffff, v2  }
0x2e2: {  	[tilespmem:s11+$0x15190] =	vst.add.f32.msk $0xffff, v3  }
0x2e3: {  	[tilespmem:s11+$0x16A80] =	vst.add.f32.msk $0xffff, v2  }
0x2e4: {  	[tilespmem:s11+$0x16A90] =	vst.add.f32.msk $0xffff, v3  }
0x2e5: {  	[tilespmem:s11+$0x18380] =	vst.add.f32.msk $0xffff, v2  }
0x2e6: {  	[tilespmem:s11+$0x18390] =	vst.add.f32.msk $0xffff, v3  }
0x2e7: {  	[tilespmem:s11+$0x138A0] =	vst.add.f32.msk $0xffff, v4  }
0x2e8: {  	[tilespmem:s11+$0x138B0] =	vst.add.f32.msk $0xffff, v5  }
0x2e9: {  	[tilespmem:s11+$0x151A0] =	vst.add.f32.msk $0xffff, v4  }
0x2ea: {  	[tilespmem:s11+$0x151B0] =	vst.add.f32.msk $0xffff, v5  }
0x2eb: {  	[tilespmem:s11+$0x16AA0] =	vst.add.f32.msk $0xffff, v4  }
0x2ec: {  	[tilespmem:s11+$0x16AB0] =	vst.add.f32.msk $0xffff, v5  }
0x2ed: {  	[tilespmem:s11+$0x183A0] =	vst.add.f32.msk $0xffff, v4  }
0x2ee: {  	[tilespmem:s11+$0x183B0] =	vst.add.f32.msk $0xffff, v5  }
0x2ef: {  	[tilespmem:s11+$0x138C0] =	vst.add.f32.msk $0xffff, v6  }
0x2f0: {  	[tilespmem:s11+$0x138D0] =	vst.add.f32.msk $0xffff, v7  }
0x2f1: {  	[tilespmem:s11+$0x151C0] =	vst.add.f32.msk $0xffff, v6  }
0x2f2: {  	[tilespmem:s11+$0x151D0] =	vst.add.f32.msk $0xffff, v7  }
0x2f3: {  	[tilespmem:s11+$0x16AC0] =	vst.add.f32.msk $0xffff, v6  }
0x2f4: {  	[tilespmem:s11+$0x16AD0] =	vst.add.f32.msk $0xffff, v7  }
0x2f5: {  	[tilespmem:s11+$0x183C0] =	vst.add.f32.msk $0xffff, v6  }
0x2f6: {  	[tilespmem:s11+$0x183D0] =	vst.add.f32.msk $0xffff, v7  }
0x2f7: {  	[tilespmem:s11+$0x138E0] =	vst.add.f32.msk $0xffff, v0  }
0x2f8: {  	[tilespmem:s11+$0x138F0] =	vst.add.f32.msk $0xffff, v1  }
0x2f9: {  	[tilespmem:s11+$0x151E0] =	vst.add.f32.msk $0xffff, v0  }
0x2fa: {  	[tilespmem:s11+$0x151F0] =	vst.add.f32.msk $0xffff, v1  }
0x2fb: {  	[tilespmem:s11+$0x16AE0] =	vst.add.f32.msk $0xffff, v0  }
0x2fc: {  	s15 =	simm.s32 $0x200;
	s12 =	simm.s32 $0x0;
	[tilespmem:s11+$0x16AF0] =	vst.add.f32.msk $0xffff, v1  }
.LBB2_17:
0x2fd: {  	s12 =	sadd.s32 $0x4, s12;
	[tilespmem:s11+$0x183E0] =	vst.add.f32.msk $0xffff, v0;
	s11 =	sshra.s32 s15, $0x2  }
0x2fe: {  	v1 =	vld [tilespmem:s11+$0x19CF0];
	p0 =	slt.u32 s12, $0xC4  }
0x2ff: {  	v2 =	vld [tilespmem:s11+$0x19C80]  }
0x300: {  	v3 =	vld [tilespmem:s11+$0x19C90]  }
0x301: {  	v4 =	vld [tilespmem:s11+$0x19CA0]  }
0x302: {  	v5 =	vld [tilespmem:s11+$0x19CB0]  }
0x303: {  	[tilespmem:s11+$0x183F0] =	vst.add.f32.msk $0xffff, v1  }
0x304: {  	v6 =	vld [tilespmem:s11+$0x19CC0]  }
0x305: {  	v7 =	vld [tilespmem:s11+$0x19CD0]  }
0x306: {  	v0 =	vld [tilespmem:s11+$0x19CE0]  }
0x307: {  	[tilespmem:s11+$0x13880] =	vst.add.f32.msk $0xffff, v2  }
0x308: {  	[tilespmem:s11+$0x13890] =	vst.add.f32.msk $0xffff, v3  }
0x309: {  	[tilespmem:s11+$0x15180] =	vst.add.f32.msk $0xffff, v2  }
0x30a: {  	[tilespmem:s11+$0x15190] =	vst.add.f32.msk $0xffff, v3  }
0x30b: {  	[tilespmem:s11+$0x16A80] =	vst.add.f32.msk $0xffff, v2  }
0x30c: {  	[tilespmem:s11+$0x16A90] =	vst.add.f32.msk $0xffff, v3  }
0x30d: {  	[tilespmem:s11+$0x18380] =	vst.add.f32.msk $0xffff, v2  }
0x30e: {  	[tilespmem:s11+$0x18390] =	vst.add.f32.msk $0xffff, v3  }
0x30f: {  	[tilespmem:s11+$0x138A0] =	vst.add.f32.msk $0xffff, v4  }
0x310: {  	[tilespmem:s11+$0x138B0] =	vst.add.f32.msk $0xffff, v5  }
0x311: {  	[tilespmem:s11+$0x151A0] =	vst.add.f32.msk $0xffff, v4  }
0x312: {  	[tilespmem:s11+$0x151B0] =	vst.add.f32.msk $0xffff, v5  }
0x313: {  	[tilespmem:s11+$0x16AA0] =	vst.add.f32.msk $0xffff, v4  }
0x314: {  	[tilespmem:s11+$0x16AB0] =	vst.add.f32.msk $0xffff, v5  }
0x315: {  	[tilespmem:s11+$0x183A0] =	vst.add.f32.msk $0xffff, v4  }
0x316: {  	[tilespmem:s11+$0x183B0] =	vst.add.f32.msk $0xffff, v5  }
0x317: {  	[tilespmem:s11+$0x138C0] =	vst.add.f32.msk $0xffff, v6  }
0x318: {  	[tilespmem:s11+$0x138D0] =	vst.add.f32.msk $0xffff, v7  }
0x319: {  	[tilespmem:s11+$0x151C0] =	vst.add.f32.msk $0xffff, v6  }
0x31a: {  	[tilespmem:s11+$0x151D0] =	vst.add.f32.msk $0xffff, v7  }
0x31b: {  	[tilespmem:s11+$0x16AC0] =	vst.add.f32.msk $0xffff, v6  }
0x31c: {  	[tilespmem:s11+$0x16AD0] =	vst.add.f32.msk $0xffff, v7  }
0x31d: {  	[tilespmem:s11+$0x183C0] =	vst.add.f32.msk $0xffff, v6  }
0x31e: {  	[tilespmem:s11+$0x183D0] =	vst.add.f32.msk $0xffff, v7  }
0x31f: {  	[tilespmem:s11+$0x138E0] =	vst.add.f32.msk $0xffff, v0  }
.Ltmp7:
0x320: {  	[tilespmem:s11+$0x138F0] =	vst.add.f32.msk $0xffff, v1;
	(pc) =	sbr.rel @p0 .LBB2_17-.Ltmp7, $4  }
0x321: {  	[tilespmem:s11+$0x151E0] =	vst.add.f32.msk $0xffff, v0  }
0x322: {  	[tilespmem:s11+$0x151F0] =	vst.add.f32.msk $0xffff, v1  }
0x323: {  	[tilespmem:s11+$0x16AE0] =	vst.add.f32.msk $0xffff, v0  }
0x324: {  	s15 =	sadd.s32 $0x200, s15;
	[tilespmem:s11+$0x16AF0] =	vst.add.f32.msk $0xffff, v1  }
0x325: {  	s12 =	sadd.s32 s5, s21;
	s8 =	sadd.s32 $0x1, s8  }
0x326: {  	s12 =	sshll.u32 s12, $0x2;
	p0 =	sne.s32 s8, $0x7  }
.Ltmp8:
0x327: {  	s15 =	sadd.s32 s5, s24;
	s12 =	sand.u32 $0x1FFFFF80, s12;
	(pc) =	sbr.rel @p0 .LBB2_10-.Ltmp8, $4  }
0x328: {  	[tilespmem:s11+$0x183E0] =	vst.add.f32.msk $0xffff, v0;
	s5 =	sshrl.u32 s15, $0x3;
	s12 =	sadd.s32 s2, s12  }
0x329: {  	[hbm4b:s12+s3] =	stream.linear.scatter [tilespmem:s28], [sflag:$0xC], $0x6400, $0x38;
	[tilespmem:$0x1B580] =	vst v63  }
0x32a: {  	s5 =	sadd.s32 s4, s5  }
0x32b: {  	[tilespmem:s10], [sflag:$0x4] =	stream.linear.gather [hbm4b:s5+s3], $0x320, $0x38;
	[tilespmem:$0x1B580] =	vst v63  }
0x32c: {  	_ =	swait.ge [sflag:s16], $0x6400  }
0x32d: {  	[sflag:s16] =	ssyncset.done $0x0  }
0x32e: {  	[sflag:s16] =	ssyncadd.s32 $0xFFFF9C00  }
0x32f: {  	_ =	swait.ge [sflag:s18], $0x320  }
0x330: {  	[sflag:s18] =	ssyncset.done $0x0  }
0x331: {  	[sflag:s18] =	ssyncadd.s32 $0xFFFFFCE0  }
0x332: {  	_ =	swait.ge [sflag:s31], $0x6400  }
0x333: {  	[sflag:s31] =	ssyncset.done $0x0  }
0x334: {  	s5 =	simm.s32 $0x0;
	[sflag:s31] =	ssyncadd.s32 $0xFFFF9C00  }
0x335: {  	[tilespmem:s19], [sflag:$0x6] =	stream.indirect.gather [hbm4b:s6+s7], $0x20, s7, s7, $0xb8;
	[tilespmem:$0x1B580] =	vst v63  }
0x336: {  	v1 =	vld [tilespmem:s5+$0x19CF0]  }
0x337: {  	v2 =	vld [tilespmem:s5+$0x19C80]  }
0x338: {  	v3 =	vld [tilespmem:s5+$0x19C90]  }
0x339: {  	v4 =	vld [tilespmem:s5+$0x19CA0]  }
0x33a: {  	v5 =	vld [tilespmem:s5+$0x19CB0]  }
0x33b: {  	v6 =	vld [tilespmem:s5+$0x19CC0]  }
0x33c: {  	v7 =	vld [tilespmem:s5+$0x19CD0]  }
0x33d: {  	v0 =	vld [tilespmem:s5+$0x19CE0]  }
0x33e: {  	[tilespmem:s5+$0x57F0] =	vst.add.f32.msk $0xffff, v1  }
0x33f: {  	[tilespmem:s5+$0xC80] =	vst.add.f32.msk $0xffff, v2  }
0x340: {  	[tilespmem:s5+$0xC90] =	vst.add.f32.msk $0xffff, v3  }
0x341: {  	[tilespmem:s5+$0x2580] =	vst.add.f32.msk $0xffff, v2  }
0x342: {  	[tilespmem:s5+$0x2590] =	vst.add.f32.msk $0xffff, v3  }
0x343: {  	[tilespmem:s5+$0x3E80] =	vst.add.f32.msk $0xffff, v2  }
0x344: {  	[tilespmem:s5+$0x3E90] =	vst.add.f32.msk $0xffff, v3  }
0x345: {  	[tilespmem:s5+$0x5780] =	vst.add.f32.msk $0xffff, v2  }
0x346: {  	[tilespmem:s5+$0x5790] =	vst.add.f32.msk $0xffff, v3  }
0x347: {  	[tilespmem:s5+$0xCA0] =	vst.add.f32.msk $0xffff, v4  }
0x348: {  	[tilespmem:s5+$0xCB0] =	vst.add.f32.msk $0xffff, v5  }
0x349: {  	[tilespmem:s5+$0x25A0] =	vst.add.f32.msk $0xffff, v4  }
0x34a: {  	[tilespmem:s5+$0x25B0] =	vst.add.f32.msk $0xffff, v5  }
0x34b: {  	[tilespmem:s5+$0x3EA0] =	vst.add.f32.msk $0xffff, v4  }
0x34c: {  	[tilespmem:s5+$0x3EB0] =	vst.add.f32.msk $0xffff, v5  }
0x34d: {  	[tilespmem:s5+$0x57A0] =	vst.add.f32.msk $0xffff, v4  }
0x34e: {  	[tilespmem:s5+$0x57B0] =	vst.add.f32.msk $0xffff, v5  }
0x34f: {  	[tilespmem:s5+$0xCC0] =	vst.add.f32.msk $0xffff, v6  }
0x350: {  	[tilespmem:s5+$0xCD0] =	vst.add.f32.msk $0xffff, v7  }
0x351: {  	[tilespmem:s5+$0x25C0] =	vst.add.f32.msk $0xffff, v6  }
0x352: {  	[tilespmem:s5+$0x25D0] =	vst.add.f32.msk $0xffff, v7  }
0x353: {  	[tilespmem:s5+$0x3EC0] =	vst.add.f32.msk $0xffff, v6  }
0x354: {  	[tilespmem:s5+$0x3ED0] =	vst.add.f32.msk $0xffff, v7  }
0x355: {  	[tilespmem:s5+$0x57C0] =	vst.add.f32.msk $0xffff, v6  }
0x356: {  	[tilespmem:s5+$0x57D0] =	vst.add.f32.msk $0xffff, v7  }
0x357: {  	[tilespmem:s5+$0xCE0] =	vst.add.f32.msk $0xffff, v0  }
0x358: {  	[tilespmem:s5+$0xCF0] =	vst.add.f32.msk $0xffff, v1  }
0x359: {  	[tilespmem:s5+$0x25E0] =	vst.add.f32.msk $0xffff, v0  }
0x35a: {  	[tilespmem:s5+$0x25F0] =	vst.add.f32.msk $0xffff, v1  }
0x35b: {  	[tilespmem:s5+$0x3EE0] =	vst.add.f32.msk $0xffff, v0  }
0x35c: {  	s8 =	simm.s32 $0x0;
	s11 =	simm.s32 $0x200;
	[tilespmem:s5+$0x3EF0] =	vst.add.f32.msk $0xffff, v1  }
.LBB2_20:
0x35d: {  	s8 =	sadd.s32 $0x4, s8;
	[tilespmem:s5+$0x57E0] =	vst.add.f32.msk $0xffff, v0;
	s5 =	sshra.s32 s11, $0x2  }
0x35e: {  	v1 =	vld [tilespmem:s5+$0x19CF0];
	p0 =	slt.u32 s8, $0xC4  }
0x35f: {  	v2 =	vld [tilespmem:s5+$0x19C80]  }
0x360: {  	v3 =	vld [tilespmem:s5+$0x19C90]  }
0x361: {  	v4 =	vld [tilespmem:s5+$0x19CA0]  }
0x362: {  	v5 =	vld [tilespmem:s5+$0x19CB0]  }
0x363: {  	[tilespmem:s5+$0x57F0] =	vst.add.f32.msk $0xffff, v1  }
0x364: {  	v6 =	vld [tilespmem:s5+$0x19CC0]  }
0x365: {  	v7 =	vld [tilespmem:s5+$0x19CD0]  }
0x366: {  	v0 =	vld [tilespmem:s5+$0x19CE0]  }
0x367: {  	[tilespmem:s5+$0xC80] =	vst.add.f32.msk $0xffff, v2  }
0x368: {  	[tilespmem:s5+$0xC90] =	vst.add.f32.msk $0xffff, v3  }
0x369: {  	[tilespmem:s5+$0x2580] =	vst.add.f32.msk $0xffff, v2  }
0x36a: {  	[tilespmem:s5+$0x2590] =	vst.add.f32.msk $0xffff, v3  }
0x36b: {  	[tilespmem:s5+$0x3E80] =	vst.add.f32.msk $0xffff, v2  }
0x36c: {  	[tilespmem:s5+$0x3E90] =	vst.add.f32.msk $0xffff, v3  }
0x36d: {  	[tilespmem:s5+$0x5780] =	vst.add.f32.msk $0xffff, v2  }
0x36e: {  	[tilespmem:s5+$0x5790] =	vst.add.f32.msk $0xffff, v3  }
0x36f: {  	[tilespmem:s5+$0xCA0] =	vst.add.f32.msk $0xffff, v4  }
0x370: {  	[tilespmem:s5+$0xCB0] =	vst.add.f32.msk $0xffff, v5  }
0x371: {  	[tilespmem:s5+$0x25A0] =	vst.add.f32.msk $0xffff, v4  }
0x372: {  	[tilespmem:s5+$0x25B0] =	vst.add.f32.msk $0xffff, v5  }
0x373: {  	[tilespmem:s5+$0x3EA0] =	vst.add.f32.msk $0xffff, v4  }
0x374: {  	[tilespmem:s5+$0x3EB0] =	vst.add.f32.msk $0xffff, v5  }
0x375: {  	[tilespmem:s5+$0x57A0] =	vst.add.f32.msk $0xffff, v4  }
0x376: {  	[tilespmem:s5+$0x57B0] =	vst.add.f32.msk $0xffff, v5  }
0x377: {  	[tilespmem:s5+$0xCC0] =	vst.add.f32.msk $0xffff, v6  }
0x378: {  	[tilespmem:s5+$0xCD0] =	vst.add.f32.msk $0xffff, v7  }
0x379: {  	[tilespmem:s5+$0x25C0] =	vst.add.f32.msk $0xffff, v6  }
0x37a: {  	[tilespmem:s5+$0x25D0] =	vst.add.f32.msk $0xffff, v7  }
0x37b: {  	[tilespmem:s5+$0x3EC0] =	vst.add.f32.msk $0xffff, v6  }
0x37c: {  	[tilespmem:s5+$0x3ED0] =	vst.add.f32.msk $0xffff, v7  }
0x37d: {  	[tilespmem:s5+$0x57C0] =	vst.add.f32.msk $0xffff, v6  }
0x37e: {  	[tilespmem:s5+$0x57D0] =	vst.add.f32.msk $0xffff, v7  }
0x37f: {  	[tilespmem:s5+$0xCE0] =	vst.add.f32.msk $0xffff, v0  }
.Ltmp9:
0x380: {  	[tilespmem:s5+$0xCF0] =	vst.add.f32.msk $0xffff, v1;
	(pc) =	sbr.rel @p0 .LBB2_20-.Ltmp9, $4  }
0x381: {  	[tilespmem:s5+$0x25E0] =	vst.add.f32.msk $0xffff, v0  }
0x382: {  	[tilespmem:s5+$0x25F0] =	vst.add.f32.msk $0xffff, v1  }
0x383: {  	[tilespmem:s5+$0x3EE0] =	vst.add.f32.msk $0xffff, v0  }
0x384: {  	s11 =	sadd.s32 $0x200, s11;
	[tilespmem:s5+$0x3EF0] =	vst.add.f32.msk $0xffff, v1  }
0x385: {  	[tilespmem:s5+$0x57E0] =	vst.add.f32.msk $0xffff, v0;
	s15 =	simm.s32 $0x0;
	s8 =	rddreg [dreg:$0x15]  }
0x386: {  	[hbm4b:s8+s15] =	stream.linear.scatter [tilespmem:s14], [sflag:$0x9], $0x6400, $0x38;
	[tilespmem:$0x1B580] =	vst v63  }
0x387: {  	_ =	swait.ge [sflag:s20], $0x6400  }
0x388: {  	[sflag:s20] =	ssyncset.done $0x0  }
0x389: {  	[sflag:s20] =	ssyncadd.s32 $0xFFFF9C00  }
0x38a: {  	_ =	swait.ge [sflag:s22], $0x320  }
0x38b: {  	[sflag:s22] =	ssyncset.done $0x0  }
0x38c: {  	[sflag:s22] =	ssyncadd.s32 $0xFFFFFCE0  }
0x38d: {  	_ =	swait.ge [sflag:s0], $0x6400  }
0x38e: {  	[sflag:s0] =	ssyncset.done $0x0  }
0x38f: {  	s5 =	simm.s32 $0x0;
	[sflag:s0] =	ssyncadd.s32 $0xFFFF9C00  }
0x390: {  	[tilespmem:s23], [sflag:$0x7] =	stream.indirect.gather [hbm4b:s6+s7], $0x20, s9, s7, $0xb8;
	[tilespmem:$0x1B580] =	vst v63  }
0x391: {  	v1 =	vld [tilespmem:s5+$0x19CF0]  }
0x392: {  	v2 =	vld [tilespmem:s5+$0x19C80]  }
0x393: {  	v3 =	vld [tilespmem:s5+$0x19C90]  }
0x394: {  	v4 =	vld [tilespmem:s5+$0x19CA0]  }
0x395: {  	v5 =	vld [tilespmem:s5+$0x19CB0]  }
0x396: {  	v6 =	vld [tilespmem:s5+$0x19CC0]  }
0x397: {  	v7 =	vld [tilespmem:s5+$0x19CD0]  }
0x398: {  	v0 =	vld [tilespmem:s5+$0x19CE0]  }
0x399: {  	[tilespmem:s5+$0xBBF0] =	vst.add.f32.msk $0xffff, v1  }
0x39a: {  	[tilespmem:s5+$0x7080] =	vst.add.f32.msk $0xffff, v2  }
0x39b: {  	[tilespmem:s5+$0x7090] =	vst.add.f32.msk $0xffff, v3  }
0x39c: {  	[tilespmem:s5+$0x8980] =	vst.add.f32.msk $0xffff, v2  }
0x39d: {  	[tilespmem:s5+$0x8990] =	vst.add.f32.msk $0xffff, v3  }
0x39e: {  	[tilespmem:s5+$0xA280] =	vst.add.f32.msk $0xffff, v2  }
0x39f: {  	[tilespmem:s5+$0xA290] =	vst.add.f32.msk $0xffff, v3  }
0x3a0: {  	[tilespmem:s5+$0xBB80] =	vst.add.f32.msk $0xffff, v2  }
0x3a1: {  	[tilespmem:s5+$0xBB90] =	vst.add.f32.msk $0xffff, v3  }
0x3a2: {  	[tilespmem:s5+$0x70A0] =	vst.add.f32.msk $0xffff, v4  }
0x3a3: {  	[tilespmem:s5+$0x70B0] =	vst.add.f32.msk $0xffff, v5  }
0x3a4: {  	[tilespmem:s5+$0x89A0] =	vst.add.f32.msk $0xffff, v4  }
0x3a5: {  	[tilespmem:s5+$0x89B0] =	vst.add.f32.msk $0xffff, v5  }
0x3a6: {  	[tilespmem:s5+$0xA2A0] =	vst.add.f32.msk $0xffff, v4  }
0x3a7: {  	[tilespmem:s5+$0xA2B0] =	vst.add.f32.msk $0xffff, v5  }
0x3a8: {  	[tilespmem:s5+$0xBBA0] =	vst.add.f32.msk $0xffff, v4  }
0x3a9: {  	[tilespmem:s5+$0xBBB0] =	vst.add.f32.msk $0xffff, v5  }
0x3aa: {  	[tilespmem:s5+$0x70C0] =	vst.add.f32.msk $0xffff, v6  }
0x3ab: {  	[tilespmem:s5+$0x70D0] =	vst.add.f32.msk $0xffff, v7  }
0x3ac: {  	[tilespmem:s5+$0x89C0] =	vst.add.f32.msk $0xffff, v6  }
0x3ad: {  	[tilespmem:s5+$0x89D0] =	vst.add.f32.msk $0xffff, v7  }
0x3ae: {  	[tilespmem:s5+$0xA2C0] =	vst.add.f32.msk $0xffff, v6  }
0x3af: {  	[tilespmem:s5+$0xA2D0] =	vst.add.f32.msk $0xffff, v7  }
0x3b0: {  	[tilespmem:s5+$0xBBC0] =	vst.add.f32.msk $0xffff, v6  }
0x3b1: {  	[tilespmem:s5+$0xBBD0] =	vst.add.f32.msk $0xffff, v7  }
0x3b2: {  	[tilespmem:s5+$0x70E0] =	vst.add.f32.msk $0xffff, v0  }
0x3b3: {  	[tilespmem:s5+$0x70F0] =	vst.add.f32.msk $0xffff, v1  }
0x3b4: {  	[tilespmem:s5+$0x89E0] =	vst.add.f32.msk $0xffff, v0  }
0x3b5: {  	[tilespmem:s5+$0x89F0] =	vst.add.f32.msk $0xffff, v1  }
0x3b6: {  	[tilespmem:s5+$0xA2E0] =	vst.add.f32.msk $0xffff, v0  }
0x3b7: {  	s11 =	simm.s32 $0x200;
	s8 =	simm.s32 $0x0;
	[tilespmem:s5+$0xA2F0] =	vst.add.f32.msk $0xffff, v1  }
.LBB2_22:
0x3b8: {  	s8 =	sadd.s32 $0x4, s8;
	[tilespmem:s5+$0xBBE0] =	vst.add.f32.msk $0xffff, v0;
	s5 =	sshra.s32 s11, $0x2  }
0x3b9: {  	v1 =	vld [tilespmem:s5+$0x19CF0];
	p0 =	slt.u32 s8, $0xC4  }
0x3ba: {  	v2 =	vld [tilespmem:s5+$0x19C80]  }
0x3bb: {  	v3 =	vld [tilespmem:s5+$0x19C90]  }
0x3bc: {  	v4 =	vld [tilespmem:s5+$0x19CA0]  }
0x3bd: {  	v5 =	vld [tilespmem:s5+$0x19CB0]  }
0x3be: {  	[tilespmem:s5+$0xBBF0] =	vst.add.f32.msk $0xffff, v1  }
0x3bf: {  	v6 =	vld [tilespmem:s5+$0x19CC0]  }
0x3c0: {  	v7 =	vld [tilespmem:s5+$0x19CD0]  }
0x3c1: {  	v0 =	vld [tilespmem:s5+$0x19CE0]  }
0x3c2: {  	[tilespmem:s5+$0x7080] =	vst.add.f32.msk $0xffff, v2  }
0x3c3: {  	[tilespmem:s5+$0x7090] =	vst.add.f32.msk $0xffff, v3  }
0x3c4: {  	[tilespmem:s5+$0x8980] =	vst.add.f32.msk $0xffff, v2  }
0x3c5: {  	[tilespmem:s5+$0x8990] =	vst.add.f32.msk $0xffff, v3  }
0x3c6: {  	[tilespmem:s5+$0xA280] =	vst.add.f32.msk $0xffff, v2  }
0x3c7: {  	[tilespmem:s5+$0xA290] =	vst.add.f32.msk $0xffff, v3  }
0x3c8: {  	[tilespmem:s5+$0xBB80] =	vst.add.f32.msk $0xffff, v2  }
0x3c9: {  	[tilespmem:s5+$0xBB90] =	vst.add.f32.msk $0xffff, v3  }
0x3ca: {  	[tilespmem:s5+$0x70A0] =	vst.add.f32.msk $0xffff, v4  }
0x3cb: {  	[tilespmem:s5+$0x70B0] =	vst.add.f32.msk $0xffff, v5  }
0x3cc: {  	[tilespmem:s5+$0x89A0] =	vst.add.f32.msk $0xffff, v4  }
0x3cd: {  	[tilespmem:s5+$0x89B0] =	vst.add.f32.msk $0xffff, v5  }
0x3ce: {  	[tilespmem:s5+$0xA2A0] =	vst.add.f32.msk $0xffff, v4  }
0x3cf: {  	[tilespmem:s5+$0xA2B0] =	vst.add.f32.msk $0xffff, v5  }
0x3d0: {  	[tilespmem:s5+$0xBBA0] =	vst.add.f32.msk $0xffff, v4  }
0x3d1: {  	[tilespmem:s5+$0xBBB0] =	vst.add.f32.msk $0xffff, v5  }
0x3d2: {  	[tilespmem:s5+$0x70C0] =	vst.add.f32.msk $0xffff, v6  }
0x3d3: {  	[tilespmem:s5+$0x70D0] =	vst.add.f32.msk $0xffff, v7  }
0x3d4: {  	[tilespmem:s5+$0x89C0] =	vst.add.f32.msk $0xffff, v6  }
0x3d5: {  	[tilespmem:s5+$0x89D0] =	vst.add.f32.msk $0xffff, v7  }
0x3d6: {  	[tilespmem:s5+$0xA2C0] =	vst.add.f32.msk $0xffff, v6  }
0x3d7: {  	[tilespmem:s5+$0xA2D0] =	vst.add.f32.msk $0xffff, v7  }
0x3d8: {  	[tilespmem:s5+$0xBBC0] =	vst.add.f32.msk $0xffff, v6  }
0x3d9: {  	[tilespmem:s5+$0xBBD0] =	vst.add.f32.msk $0xffff, v7  }
0x3da: {  	[tilespmem:s5+$0x70E0] =	vst.add.f32.msk $0xffff, v0  }
.Ltmp10:
0x3db: {  	[tilespmem:s5+$0x70F0] =	vst.add.f32.msk $0xffff, v1;
	(pc) =	sbr.rel @p0 .LBB2_22-.Ltmp10, $4  }
0x3dc: {  	[tilespmem:s5+$0x89E0] =	vst.add.f32.msk $0xffff, v0  }
0x3dd: {  	[tilespmem:s5+$0x89F0] =	vst.add.f32.msk $0xffff, v1  }
0x3de: {  	[tilespmem:s5+$0xA2E0] =	vst.add.f32.msk $0xffff, v0  }
0x3df: {  	s11 =	sadd.s32 $0x200, s11;
	[tilespmem:s5+$0xA2F0] =	vst.add.f32.msk $0xffff, v1  }
0x3e0: {  	[tilespmem:s5+$0xBBE0] =	vst.add.f32.msk $0xffff, v0;
	s15 =	simm.s32 $0x0;
	s8 =	rddreg [dreg:$0x16]  }
0x3e1: {  	[hbm4b:s8+s15] =	stream.linear.scatter [tilespmem:s19], [sflag:$0xA], $0x6400, $0x38;
	[tilespmem:$0x1B580] =	vst v63  }
0x3e2: {  	_ =	swait.ge [sflag:s25], $0x6400  }
0x3e3: {  	[sflag:s25] =	ssyncset.done $0x0  }
0x3e4: {  	[sflag:s25] =	ssyncadd.s32 $0xFFFF9C00  }
0x3e5: {  	_ =	swait.ge [sflag:s26], $0x320  }
0x3e6: {  	[sflag:s26] =	ssyncset.done $0x0  }
0x3e7: {  	[sflag:s26] =	ssyncadd.s32 $0xFFFFFCE0  }
0x3e8: {  	_ =	swait.ge [sflag:s1], $0x6400  }
0x3e9: {  	[sflag:s1] =	ssyncset.done $0x0  }
0x3ea: {  	s5 =	simm.s32 $0x0;
	[sflag:s1] =	ssyncadd.s32 $0xFFFF9C00  }
0x3eb: {  	[tilespmem:s28], [sflag:$0x8] =	stream.indirect.gather [hbm4b:s6+s7], $0x20, s10, s7, $0xb8;
	[tilespmem:$0x1B580] =	vst v63  }
0x3ec: {  	v1 =	vld [tilespmem:s5+$0x19CF0]  }
0x3ed: {  	v2 =	vld [tilespmem:s5+$0x19C80]  }
0x3ee: {  	v3 =	vld [tilespmem:s5+$0x19C90]  }
0x3ef: {  	v4 =	vld [tilespmem:s5+$0x19CA0]  }
0x3f0: {  	v5 =	vld [tilespmem:s5+$0x19CB0]  }
0x3f1: {  	v6 =	vld [tilespmem:s5+$0x19CC0]  }
0x3f2: {  	v7 =	vld [tilespmem:s5+$0x19CD0]  }
0x3f3: {  	v0 =	vld [tilespmem:s5+$0x19CE0]  }
0x3f4: {  	[tilespmem:s5+$0x11FF0] =	vst.add.f32.msk $0xffff, v1  }
0x3f5: {  	[tilespmem:s5+$0xD480] =	vst.add.f32.msk $0xffff, v2  }
0x3f6: {  	[tilespmem:s5+$0xD490] =	vst.add.f32.msk $0xffff, v3  }
0x3f7: {  	[tilespmem:s5+$0xED80] =	vst.add.f32.msk $0xffff, v2  }
0x3f8: {  	[tilespmem:s5+$0xED90] =	vst.add.f32.msk $0xffff, v3  }
0x3f9: {  	[tilespmem:s5+$0x10680] =	vst.add.f32.msk $0xffff, v2  }
0x3fa: {  	[tilespmem:s5+$0x10690] =	vst.add.f32.msk $0xffff, v3  }
0x3fb: {  	[tilespmem:s5+$0x11F80] =	vst.add.f32.msk $0xffff, v2  }
0x3fc: {  	[tilespmem:s5+$0x11F90] =	vst.add.f32.msk $0xffff, v3  }
0x3fd: {  	[tilespmem:s5+$0xD4A0] =	vst.add.f32.msk $0xffff, v4  }
0x3fe: {  	[tilespmem:s5+$0xD4B0] =	vst.add.f32.msk $0xffff, v5  }
0x3ff: {  	[tilespmem:s5+$0xEDA0] =	vst.add.f32.msk $0xffff, v4  }
0x400: {  	[tilespmem:s5+$0xEDB0] =	vst.add.f32.msk $0xffff, v5  }
0x401: {  	[tilespmem:s5+$0x106A0] =	vst.add.f32.msk $0xffff, v4  }
0x402: {  	[tilespmem:s5+$0x106B0] =	vst.add.f32.msk $0xffff, v5  }
0x403: {  	[tilespmem:s5+$0x11FA0] =	vst.add.f32.msk $0xffff, v4  }
0x404: {  	[tilespmem:s5+$0x11FB0] =	vst.add.f32.msk $0xffff, v5  }
0x405: {  	[tilespmem:s5+$0xD4C0] =	vst.add.f32.msk $0xffff, v6  }
0x406: {  	[tilespmem:s5+$0xD4D0] =	vst.add.f32.msk $0xffff, v7  }
0x407: {  	[tilespmem:s5+$0xEDC0] =	vst.add.f32.msk $0xffff, v6  }
0x408: {  	[tilespmem:s5+$0xEDD0] =	vst.add.f32.msk $0xffff, v7  }
0x409: {  	[tilespmem:s5+$0x106C0] =	vst.add.f32.msk $0xffff, v6  }
0x40a: {  	[tilespmem:s5+$0x106D0] =	vst.add.f32.msk $0xffff, v7  }
0x40b: {  	[tilespmem:s5+$0x11FC0] =	vst.add.f32.msk $0xffff, v6  }
0x40c: {  	[tilespmem:s5+$0x11FD0] =	vst.add.f32.msk $0xffff, v7  }
0x40d: {  	[tilespmem:s5+$0xD4E0] =	vst.add.f32.msk $0xffff, v0  }
0x40e: {  	[tilespmem:s5+$0xD4F0] =	vst.add.f32.msk $0xffff, v1  }
0x40f: {  	[tilespmem:s5+$0xEDE0] =	vst.add.f32.msk $0xffff, v0  }
0x410: {  	[tilespmem:s5+$0xEDF0] =	vst.add.f32.msk $0xffff, v1  }
0x411: {  	[tilespmem:s5+$0x106E0] =	vst.add.f32.msk $0xffff, v0  }
0x412: {  	s11 =	simm.s32 $0x200;
	s8 =	simm.s32 $0x0;
	[tilespmem:s5+$0x106F0] =	vst.add.f32.msk $0xffff, v1  }
.LBB2_24:
0x413: {  	s8 =	sadd.s32 $0x4, s8;
	[tilespmem:s5+$0x11FE0] =	vst.add.f32.msk $0xffff, v0;
	s5 =	sshra.s32 s11, $0x2  }
0x414: {  	v1 =	vld [tilespmem:s5+$0x19CF0];
	p0 =	slt.u32 s8, $0xC4  }
0x415: {  	v2 =	vld [tilespmem:s5+$0x19C80]  }
0x416: {  	v3 =	vld [tilespmem:s5+$0x19C90]  }
0x417: {  	v4 =	vld [tilespmem:s5+$0x19CA0]  }
0x418: {  	v5 =	vld [tilespmem:s5+$0x19CB0]  }
0x419: {  	[tilespmem:s5+$0x11FF0] =	vst.add.f32.msk $0xffff, v1  }
0x41a: {  	v6 =	vld [tilespmem:s5+$0x19CC0]  }
0x41b: {  	v7 =	vld [tilespmem:s5+$0x19CD0]  }
0x41c: {  	v0 =	vld [tilespmem:s5+$0x19CE0]  }
0x41d: {  	[tilespmem:s5+$0xD480] =	vst.add.f32.msk $0xffff, v2  }
0x41e: {  	[tilespmem:s5+$0xD490] =	vst.add.f32.msk $0xffff, v3  }
0x41f: {  	[tilespmem:s5+$0xED80] =	vst.add.f32.msk $0xffff, v2  }
0x420: {  	[tilespmem:s5+$0xED90] =	vst.add.f32.msk $0xffff, v3  }
0x421: {  	[tilespmem:s5+$0x10680] =	vst.add.f32.msk $0xffff, v2  }
0x422: {  	[tilespmem:s5+$0x10690] =	vst.add.f32.msk $0xffff, v3  }
0x423: {  	[tilespmem:s5+$0x11F80] =	vst.add.f32.msk $0xffff, v2  }
0x424: {  	[tilespmem:s5+$0x11F90] =	vst.add.f32.msk $0xffff, v3  }
0x425: {  	[tilespmem:s5+$0xD4A0] =	vst.add.f32.msk $0xffff, v4  }
0x426: {  	[tilespmem:s5+$0xD4B0] =	vst.add.f32.msk $0xffff, v5  }
0x427: {  	[tilespmem:s5+$0xEDA0] =	vst.add.f32.msk $0xffff, v4  }
0x428: {  	[tilespmem:s5+$0xEDB0] =	vst.add.f32.msk $0xffff, v5  }
0x429: {  	[tilespmem:s5+$0x106A0] =	vst.add.f32.msk $0xffff, v4  }
0x42a: {  	[tilespmem:s5+$0x106B0] =	vst.add.f32.msk $0xffff, v5  }
0x42b: {  	[tilespmem:s5+$0x11FA0] =	vst.add.f32.msk $0xffff, v4  }
0x42c: {  	[tilespmem:s5+$0x11FB0] =	vst.add.f32.msk $0xffff, v5  }
0x42d: {  	[tilespmem:s5+$0xD4C0] =	vst.add.f32.msk $0xffff, v6  }
0x42e: {  	[tilespmem:s5+$0xD4D0] =	vst.add.f32.msk $0xffff, v7  }
0x42f: {  	[tilespmem:s5+$0xEDC0] =	vst.add.f32.msk $0xffff, v6  }
0x430: {  	[tilespmem:s5+$0xEDD0] =	vst.add.f32.msk $0xffff, v7  }
0x431: {  	[tilespmem:s5+$0x106C0] =	vst.add.f32.msk $0xffff, v6  }
0x432: {  	[tilespmem:s5+$0x106D0] =	vst.add.f32.msk $0xffff, v7  }
0x433: {  	[tilespmem:s5+$0x11FC0] =	vst.add.f32.msk $0xffff, v6  }
0x434: {  	[tilespmem:s5+$0x11FD0] =	vst.add.f32.msk $0xffff, v7  }
0x435: {  	[tilespmem:s5+$0xD4E0] =	vst.add.f32.msk $0xffff, v0  }
.Ltmp11:
0x436: {  	[tilespmem:s5+$0xD4F0] =	vst.add.f32.msk $0xffff, v1;
	(pc) =	sbr.rel @p0 .LBB2_24-.Ltmp11, $4  }
0x437: {  	[tilespmem:s5+$0xEDE0] =	vst.add.f32.msk $0xffff, v0  }
0x438: {  	[tilespmem:s5+$0xEDF0] =	vst.add.f32.msk $0xffff, v1  }
0x439: {  	[tilespmem:s5+$0x106E0] =	vst.add.f32.msk $0xffff, v0  }
0x43a: {  	s11 =	sadd.s32 $0x200, s11;
	[tilespmem:s5+$0x106F0] =	vst.add.f32.msk $0xffff, v1  }
0x43b: {  	[tilespmem:s5+$0x11FE0] =	vst.add.f32.msk $0xffff, v0;
	s15 =	simm.s32 $0x0;
	s8 =	rddreg [dreg:$0x17]  }
0x43c: {  	[hbm4b:s8+s15] =	stream.linear.scatter [tilespmem:s23], [sflag:$0xB], $0x6400, $0x38;
	[tilespmem:$0x1B580] =	vst v63  }
0x43d: {  	_ =	swait.ge [sflag:s29], $0x6400  }
0x43e: {  	[sflag:s29] =	ssyncset.done $0x0  }
0x43f: {  	s5 =	simm.s32 $0x0;
	[sflag:s29] =	ssyncadd.s32 $0xFFFF9C00  }
0x440: {  	v1 =	vld [tilespmem:s5+$0x19CF0]  }
0x441: {  	v2 =	vld [tilespmem:s5+$0x19C80]  }
0x442: {  	v3 =	vld [tilespmem:s5+$0x19C90]  }
0x443: {  	v4 =	vld [tilespmem:s5+$0x19CA0]  }
0x444: {  	v5 =	vld [tilespmem:s5+$0x19CB0]  }
0x445: {  	v6 =	vld [tilespmem:s5+$0x19CC0]  }
0x446: {  	v7 =	vld [tilespmem:s5+$0x19CD0]  }
0x447: {  	v0 =	vld [tilespmem:s5+$0x19CE0]  }
0x448: {  	[tilespmem:s5+$0x183F0] =	vst.add.f32.msk $0xffff, v1  }
0x449: {  	[tilespmem:s5+$0x13880] =	vst.add.f32.msk $0xffff, v2  }
0x44a: {  	[tilespmem:s5+$0x13890] =	vst.add.f32.msk $0xffff, v3  }
0x44b: {  	[tilespmem:s5+$0x15180] =	vst.add.f32.msk $0xffff, v2  }
0x44c: {  	[tilespmem:s5+$0x15190] =	vst.add.f32.msk $0xffff, v3  }
0x44d: {  	[tilespmem:s5+$0x16A80] =	vst.add.f32.msk $0xffff, v2  }
0x44e: {  	[tilespmem:s5+$0x16A90] =	vst.add.f32.msk $0xffff, v3  }
0x44f: {  	[tilespmem:s5+$0x18380] =	vst.add.f32.msk $0xffff, v2  }
0x450: {  	[tilespmem:s5+$0x18390] =	vst.add.f32.msk $0xffff, v3  }
0x451: {  	[tilespmem:s5+$0x138A0] =	vst.add.f32.msk $0xffff, v4  }
0x452: {  	[tilespmem:s5+$0x138B0] =	vst.add.f32.msk $0xffff, v5  }
0x453: {  	[tilespmem:s5+$0x151A0] =	vst.add.f32.msk $0xffff, v4  }
0x454: {  	[tilespmem:s5+$0x151B0] =	vst.add.f32.msk $0xffff, v5  }
0x455: {  	[tilespmem:s5+$0x16AA0] =	vst.add.f32.msk $0xffff, v4  }
0x456: {  	[tilespmem:s5+$0x16AB0] =	vst.add.f32.msk $0xffff, v5  }
0x457: {  	[tilespmem:s5+$0x183A0] =	vst.add.f32.msk $0xffff, v4  }
0x458: {  	[tilespmem:s5+$0x183B0] =	vst.add.f32.msk $0xffff, v5  }
0x459: {  	[tilespmem:s5+$0x138C0] =	vst.add.f32.msk $0xffff, v6  }
0x45a: {  	[tilespmem:s5+$0x138D0] =	vst.add.f32.msk $0xffff, v7  }
0x45b: {  	[tilespmem:s5+$0x151C0] =	vst.add.f32.msk $0xffff, v6  }
0x45c: {  	[tilespmem:s5+$0x151D0] =	vst.add.f32.msk $0xffff, v7  }
0x45d: {  	[tilespmem:s5+$0x16AC0] =	vst.add.f32.msk $0xffff, v6  }
0x45e: {  	[tilespmem:s5+$0x16AD0] =	vst.add.f32.msk $0xffff, v7  }
0x45f: {  	[tilespmem:s5+$0x183C0] =	vst.add.f32.msk $0xffff, v6  }
0x460: {  	[tilespmem:s5+$0x183D0] =	vst.add.f32.msk $0xffff, v7  }
0x461: {  	[tilespmem:s5+$0x138E0] =	vst.add.f32.msk $0xffff, v0  }
0x462: {  	[tilespmem:s5+$0x138F0] =	vst.add.f32.msk $0xffff, v1  }
0x463: {  	[tilespmem:s5+$0x151E0] =	vst.add.f32.msk $0xffff, v0  }
0x464: {  	[tilespmem:s5+$0x151F0] =	vst.add.f32.msk $0xffff, v1  }
0x465: {  	[tilespmem:s5+$0x16AE0] =	vst.add.f32.msk $0xffff, v0  }
0x466: {  	s11 =	simm.s32 $0x200;
	s8 =	simm.s32 $0x0;
	[tilespmem:s5+$0x16AF0] =	vst.add.f32.msk $0xffff, v1  }
.LBB2_26:
0x467: {  	s8 =	sadd.s32 $0x4, s8;
	[tilespmem:s5+$0x183E0] =	vst.add.f32.msk $0xffff, v0;
	s5 =	sshra.s32 s11, $0x2  }
0x468: {  	v1 =	vld [tilespmem:s5+$0x19CF0];
	p0 =	slt.u32 s8, $0xC4  }
0x469: {  	v2 =	vld [tilespmem:s5+$0x19C80]  }
0x46a: {  	v3 =	vld [tilespmem:s5+$0x19C90]  }
0x46b: {  	v4 =	vld [tilespmem:s5+$0x19CA0]  }
0x46c: {  	v5 =	vld [tilespmem:s5+$0x19CB0]  }
0x46d: {  	[tilespmem:s5+$0x183F0] =	vst.add.f32.msk $0xffff, v1  }
0x46e: {  	v6 =	vld [tilespmem:s5+$0x19CC0]  }
0x46f: {  	v7 =	vld [tilespmem:s5+$0x19CD0]  }
0x470: {  	v0 =	vld [tilespmem:s5+$0x19CE0]  }
0x471: {  	[tilespmem:s5+$0x13880] =	vst.add.f32.msk $0xffff, v2  }
0x472: {  	[tilespmem:s5+$0x13890] =	vst.add.f32.msk $0xffff, v3  }
0x473: {  	[tilespmem:s5+$0x15180] =	vst.add.f32.msk $0xffff, v2  }
0x474: {  	[tilespmem:s5+$0x15190] =	vst.add.f32.msk $0xffff, v3  }
0x475: {  	[tilespmem:s5+$0x16A80] =	vst.add.f32.msk $0xffff, v2  }
0x476: {  	[tilespmem:s5+$0x16A90] =	vst.add.f32.msk $0xffff, v3  }
0x477: {  	[tilespmem:s5+$0x18380] =	vst.add.f32.msk $0xffff, v2  }
0x478: {  	[tilespmem:s5+$0x18390] =	vst.add.f32.msk $0xffff, v3  }
0x479: {  	[tilespmem:s5+$0x138A0] =	vst.add.f32.msk $0xffff, v4  }
0x47a: {  	[tilespmem:s5+$0x138B0] =	vst.add.f32.msk $0xffff, v5  }
0x47b: {  	[tilespmem:s5+$0x151A0] =	vst.add.f32.msk $0xffff, v4  }
0x47c: {  	[tilespmem:s5+$0x151B0] =	vst.add.f32.msk $0xffff, v5  }
0x47d: {  	[tilespmem:s5+$0x16AA0] =	vst.add.f32.msk $0xffff, v4  }
0x47e: {  	[tilespmem:s5+$0x16AB0] =	vst.add.f32.msk $0xffff, v5  }
0x47f: {  	[tilespmem:s5+$0x183A0] =	vst.add.f32.msk $0xffff, v4  }
0x480: {  	[tilespmem:s5+$0x183B0] =	vst.add.f32.msk $0xffff, v5  }
0x481: {  	[tilespmem:s5+$0x138C0] =	vst.add.f32.msk $0xffff, v6  }
0x482: {  	[tilespmem:s5+$0x138D0] =	vst.add.f32.msk $0xffff, v7  }
0x483: {  	[tilespmem:s5+$0x151C0] =	vst.add.f32.msk $0xffff, v6  }
0x484: {  	[tilespmem:s5+$0x151D0] =	vst.add.f32.msk $0xffff, v7  }
0x485: {  	[tilespmem:s5+$0x16AC0] =	vst.add.f32.msk $0xffff, v6  }
0x486: {  	[tilespmem:s5+$0x16AD0] =	vst.add.f32.msk $0xffff, v7  }
0x487: {  	[tilespmem:s5+$0x183C0] =	vst.add.f32.msk $0xffff, v6  }
0x488: {  	[tilespmem:s5+$0x183D0] =	vst.add.f32.msk $0xffff, v7  }
0x489: {  	[tilespmem:s5+$0x138E0] =	vst.add.f32.msk $0xffff, v0  }
.Ltmp12:
0x48a: {  	[tilespmem:s5+$0x138F0] =	vst.add.f32.msk $0xffff, v1;
	(pc) =	sbr.rel @p0 .LBB2_26-.Ltmp12, $4  }
0x48b: {  	[tilespmem:s5+$0x151E0] =	vst.add.f32.msk $0xffff, v0  }
0x48c: {  	[tilespmem:s5+$0x151F0] =	vst.add.f32.msk $0xffff, v1  }
0x48d: {  	[tilespmem:s5+$0x16AE0] =	vst.add.f32.msk $0xffff, v0  }
0x48e: {  	s11 =	sadd.s32 $0x200, s11;
	[tilespmem:s5+$0x16AF0] =	vst.add.f32.msk $0xffff, v1  }
0x48f: {  	[tilespmem:s5+$0x183E0] =	vst.add.f32.msk $0xffff, v0;
	s12 =	rddreg [dreg:$0x18]  }
0x490: {  	[hbm4b:s12+s3] =	stream.linear.scatter [tilespmem:s28], [sflag:$0xC], $0x6400, $0x38;
	[tilespmem:$0x1B580] =	vst v63  }
0x491: {  	_ =	swait.ge [sflag:s30], $0x6400  }
0x492: {  	[sflag:s30] =	ssyncset.done $0x0  }
0x493: {  	[sflag:s30] =	ssyncadd.s32 $0xFFFF9C00  }
0x494: {  	_ =	swait.ge [sflag:s31], $0x6400  }
0x495: {  	[sflag:s31] =	ssyncset.done $0x0  }
0x496: {  	[sflag:s31] =	ssyncadd.s32 $0xFFFF9C00  }
0x497: {  	_ =	swait.ge [sflag:s0], $0x6400  }
0x498: {  	[sflag:s0] =	ssyncset.done $0x0  }
0x499: {  	[sflag:s0] =	ssyncadd.s32 $0xFFFF9C00  }
0x49a: {  	_ =	swait.ge [sflag:s1], $0x6400  }
0x49b: {  	s8 =	rddreg [dreg:$0x1a]  }
0x49c: {  	s15 =	rddreg [dreg:$0x19];
	s8 =	sadd.s32 $0x1, s8  }
0x49d: {  	p0 =	sne.s32 s8, s15  }
.Ltmp13:
0x49e: {  	_ = 	snop;
	(pc) =	sbr.rel @p0 .LBB2_1-.Ltmp13, $3  }
0x49f: {  	_ =	sdelay $0x1  }
0x4a0: {  	[sflag:s1] =	ssyncset.done $0x0  }
0x4a1: {  	[sflag:s1] =	ssyncadd.s32 $0xFFFF9C00  }
0x4a2: {  	_ =	sfence.sel $0x180000  }
0x4a3: {  	[bflag:$0x0] =	sbarrier.arrive $0xFFFF  }
0x4a4: {  	_ =	strace $0x90000047  }
0x4a5: {  	s0 =	stileid.u32;
	[bflag:$0x2] =	sbarrier.arrive $0xFFFF  }
0x4a6: {  	p0 =	sne.s32 s0, $0x0;
	s0 =	rddreg [dreg:$0x2]  }
0x4a7: {  	s0 =	sadd.s32 @!p0 $0x100000, s0  }
0x4a8: {  	[sflag:s0] =	ssyncadd.tile.s32 @!p0 $0x1;
	_ =	shalt  }
.Lfunc_end2:
_tile_overlayer_lowered:
.L_overlay_start_2:
0x4a9: {  	(tag) =	ssettag $0x2  }
0x4aa: {  	s0 =	rddreg [dreg:$0x0];
	s2 =	stileid.u32  }
0x4ab: {  	s1 =	rddreg [dreg:$0x1];
	p0 =	sne.s32 s2, $0x0  }
0x4ac: {  	s3 =	rddreg [dreg:$0x2];
	[bflag:$0x3] =	sbarrier.arrive $0xFFFF;
	s2 =	simm.s32 @!p0 $0x1C0D  }
0x4ad: {  	[timem:s3], [sflag:s2] =	dma.local @!p0 [hbm:s0], s1  }
0x4ae: {  	s0 =	simm.s32 @!p0 $0xD  }
0x4af: {  	_ =	swait.ge @!p0 [sflag:s0], s1  }
0x4b0: {  	s1 =	ssub.s32 @!p0 $0x0, s1;
	[sflag:s0] =	ssyncset.done @!p0 $0x0  }
0x4b1: {  	[sflag:s0] =	ssyncadd.s32 @!p0 s1  }
0x4b2: {  	[bflag:$0x3] =	sbarrier.arrive $0xFFFF  }
0x4b3: {  	_ =	shalt  }

// kernel: sparse-core-data-format-call.cloned.1.call-start
scs
called_computation_lowered:
.L_overlay_start_0:
0x0: {  	s2 =	sld [smem:$0x3FD9]  }
0x1: {  	s3 =	sld [smem:$0x3FFE];
	_ =	sdelay $0x1  }
0x2: {  	s1 =	srdreg.scid  }
0x3: {  	s0 =	sand.u32 $0x1, s1  }
0x4: {  	s18 =	sshll.u32 s0, $0xA;
	s2 =	sadd.s32 s3, s2  }
0x5: {  	s2 =	sadd.s32 s2, s18  }
0x6: {  	[smem:$0x3FC5] =	sst s2  }
0x7: {  	_ = 	snop  }
0x8: {  	s2 =	sld [smem:$0x3FD0];
	(tm) =	ssettm $0x1  }
0x9: {  	s19 =	sld [smem:$0x3FFB];
	_ =	sdelay $0x3  }
0xa: {  	_ =	strace s19  }
0xb: {  	s3 =	sld [smem:$0x3FFC];
	_ =	sdelay $0x3  }
0xc: {  	_ =	strace s3  }
0xd: {  	s3 =	sld [smem:$0x3FFD];
	_ =	sdelay $0x3  }
0xe: {  	_ =	strace s3  }
0xf: {  	_ =	strace $0x8FFFFFFF  }
0x10: {  	s20 =	sld [smem:$0x3FDB];
	_ =	sdelay $0x1  }
0x11: {  	s4 =	simm.s32 $_scs_section_size  }
0x12: {  	s5 =	simm.s32 $_size__tile_overlayer_lowered;
	s6 =	simm.s32 $_tile_overlayer_lowered  }
0x13: {  	s23 =	simm.s32 $0x1BFF;
	s22 =	sshll.u32 s6, $0x1;
	s3 =	sadd.s32 s4, s20  }
0x14: {  	s7 =	simm.s32 $0x0;
	s21 =	sshll.u32 s5, $0x1;
	s5 =	sadd.s32 s22, s3  }
0x15: {  	[timem:s7], [sflag:s23] =	dma.local [hbm:s5], s21  }
0x16: {  	_ =	swait.ge [sflag:s23], s21  }
0x17: {  	s4 =	ssub.s32 $0x0, s21;
	[sflag:s23] =	ssyncset.done $0x0  }
0x18: {  	[sflag:s23] =	ssyncadd.s32 s4;
	_ =	sdelay $0x1  }
0x19: {  	s24 =	simm.s32 $0x1B8B  }
0x1a: {  	_ =	swait.ge [sflag:s24], $0x1  }
0x1b: {  	[sflag:s24] =	ssyncset.done $0x0  }
0x1c: {  	s26 =	simm.s32 $0x1B8E;
	s25 =	sld [smem:$0x3FFE];
	[sflag:s24] =	ssyncadd.s32 $0xFFFFFFFF  }
0x1d: {  	s27 =	simm.s32 $execute0_lowered;
	[smem:$0x3FD2] =	sst s26  }
0x1e: {  	s5 =	sshll.u32 s27, $0x1;
	_ =	strace $0x80000049;
	[dreg:$0x1] =	wrdreg $0xFFFFFFFF  }
0x1f: {  	s28 =	simm.s32 $_size_execute0_lowered;
	s3 =	sadd.s32 s3, s5;
	[dreg:$0x0] =	wrdreg $0x0  }
0x20: {  	s5 =	sshll.u32 s28, $0x1;
	[dreg:$0x2] =	wrdreg s3  }
0x21: {  	[dreg:$0x3] =	wrdreg s5  }
0x22: {  	[dreg:$0x4] =	wrdreg $0xC0  }
0x23: {  	_ =	task [dreg:s7], $0x5FFFF  }
0x24: {  	[dreg:$0x1] =	wrdreg $0xFFFFFFFF  }
0x25: {  	[dreg:$0x0] =	wrdreg $0x60  }
0x26: {  	[dreg:$0x2] =	wrdreg s25  }
0x27: {  	[dreg:$0x3] =	wrdreg s2  }
0x28: {  	[dreg:$0x4] =	wrdreg $0x9  }
0x29: {  	_ =	task.clear_ibuf [dreg:s7], $0x5FFFF;
	_ =	strace $0x90000049  }
0x2a: {  	s29 =	simm.s32 $0x9;
	_ =	strace $0x8000004B  }
0x2b: {  	_ =	swait.ge [sflag:s29], $0x1  }
0x2c: {  	[sflag:s29] =	ssyncadd.s32 $0xFFFFFFFF  }
0x2d: {  	_ =	strace $0x9000004B  }
0x2e: {  	_ =	sfence  }
0x2f: {  	s30 =	sld [smem:$0x0];
	_ =	sdelay $0x2  }
0x30: {  	s31 =	sshll.u32 s1, $0xD;
	s1 =	sshrl.u32 s1, $0x2  }
0x31: {  	s3 =	sand.u32 $0x4000, s31;
	s1 =	sadd.s32 s1, s30  }
0x32: {  	s0 =	sor.u32 s3, s0;
	s1 =	sshll.u32 s1, $0x11  }
0x33: {  	s0 =	sor.u32 s1, s0  }
0x34: {  	s0 =	sadd.s32 $0x8F2B, s0  }
0x35: {  	[sflag:s0] =	ssyncadd.remote.s32 $0x1  }
0x36: {  	_ =	sfence.sel $0xFFFF  }
0x37: {  	[dreg:$0x0] =	wrdreg $0xFFFFFFFF;
	(pc) =	sbr.abs _section_cstart, $3  }
0x38: {  	[dreg:$0x1] =	wrdreg $0xFFFFFFFF  }
0x39: {  	_ =	task.clear_ibuf [dreg:s7], $0x2FFFF;
	_ =	strace $0x9FFFFFFF  }
0x3a: {  	(tm) =	ssettm $0x7FFFFFFF  }
0x3b: {  	_ =	shalt  }
tec
execute0_lowered:
.L_overlay_start_1:
0x0: {  	(tag) =	ssettag $0x1  }
0x1: {  	s0 =	srdreg.scid  }
0x2: {  	s1 =	sshll.u32 s0, $0x4  }
0x3: {  	s0 =	stileid.u32;
	s1 =	sand.u32 $0x10, s1  }
0x4: {  	s1 =	sor.u32 s0, s1  }
0x5: {  	s6 =	rddreg [dreg:$0x0];
	s4 =	simm.s32 $0x1;
	s2 =	sshll.u32 s1, $0x7  }
0x6: {  	s7 =	simm.s32 $0x2;
	s12 =	simm.s32 $0x0;
	s1 =	ssub.s32 $0x1000, s2  }
0x7: {  	s8 =	simm.s32 $0x8000;
	s13 =	simm.s32 $0x0;
	s3 =	sand.u32 $0xF80, s1  }
0x8: {  	s9 =	simm.s32 $0x0;
	s5 =	sshrl.u32 s1, $0xC;
	p0 =	sne.s32 s3, $0x0  }
.Ltmp0:
0x9: {  	s1 =	rddreg [dreg:$0x2];
	s4 =	simm.s32 @!p0 $0x0;
	(pc) =	sbr.rel .LBB1_1-.Ltmp0, $4  }
0xa: {  	s11 =	simm.s32 $0x0;
	s3 =	rddreg [dreg:$0x1];
	s5 =	sadd.s32 s4, s5  }
0xb: {  	_ =	strace $0x8000004A;
	s4 =	simm.s32 $0x1;
	s5 =	smul.u32 $0xC8, s5  }
0xc: {  	s6 =	sadd.s32 $0xC00, s6;
	s10 =	smov.u32 s2;
	[sflag:s4] =	ssyncpa.u1 $0x0  }
0xd: {  	p0 =	por $0x0, $0x0;
	[sflag:s7] =	ssyncpa.u1 $0x0;
	s7 =	sor.u32 $0x1, s5  }
.LBB1_4:
0xe: {  	s16 =	sshll.u32 s13, $0x3;
	s17 =	sand.u32 $0x78, s13  }
0xf: {  	s30 =	sand.u32 $0x3E00, s13;
	s12 =	sshll.u32 s12, $0xE;
	s16 =	sand.u32 $0xC00, s16  }
0x10: {  	s31 =	sand.u32 $0x7, s13;
	s16 =	sor.u32 s17, s16;
	s17 =	sadd.s32 s3, s30  }
0x11: {  	s13 =	sshll.u32 s31, $0x12;
	s16 =	sshrl.u32 s16, $0x3;
	s12 =	sadd.s32 s12, s17  }
0x12: {  	[tilespmem:s15+$0x0 ss:$0x81] =	vst.msk $0xffff, v0;
	s13 =	sor.u32 $0x400, s13;
	s12 =	sadd.s32 s16, s12  }
0x13: {  	[hbm4b:s12+s13] =	stream.strided.scatter [tilespmem:s14], [sflag:$0x2], $0x1000, s8, s13, $0x20;
	[tilespmem:$0x4040] =	vst v63  }
.LBB1_5:
0x14: {  	s14 =	sadd.s32 $0x1, s9  }
0x15: {  	s12 =	sadd.s32 $0x1000, s10;
	s16 =	smov.u32 s10;
	p2 =	sgt.s32 s14, $0xC7  }
0x16: {  	s16 =	smov.u32 @p2 s12  }
0x17: {  	s14 =	simm.s32 @p2 $0x0;
	p2 =	sgt.s32 s16, $0xFFF  }
0x18: {  	s16 =	smov.u32 @p2 s2;
	p2 =	sne.s32 s11, s7  }
.Ltmp1:
0x19: {  	p1 =	slt.u32 s11, $0x2;
	(pc) =	sbr.rel @!p2 .LBB1_6-.Ltmp1, $4  }
0x1a: {  	s15 =	simm.s32 @!p1 $0x2  }
0x1b: {  	s13 =	smov.u32 s10;
	p0 =	por !p0, !p0;
	_ =	swait.ge @!p1 [sflag:s15], $0x1000  }
0x1c: {  	s12 =	smov.u32 s9;
	[sflag:s15] =	ssyncset.done @!p1 $0x0;
	s9 =	smov.u32 s14  }
0x1d: {  	s11 =	sadd.s32 $0x1, s11;
	[sflag:s15] =	ssyncadd.s32 @!p1 $0xFFFFF000;
	s10 =	smov.u32 s16  }
.LBB1_1:
0x1e: {  	p1 =	sge.u32 s11, s5  }
0x1f: {  	s14 =	sand.u32 @!p1 $0x1FFFFFF, s9  }
0x20: {  	s15 =	smulhi.u32 @!p1 $0x147AE15, s14;
	_ =	sdelay $0x1  }
0x21: {  	s15 =	smul.u32 @!p1 $0xC8, s15  }
0x22: {  	s16 =	sxor.u32 @!p1 $0xFFFFFFFF, s11;
	s17 =	smul.u32 @!p1 $0xC80, s10  }
0x23: {  	s31 =	sadd.s32 $0xFFFFFFFF, s11;
	s16 =	sshll.u32 @!p1 s16, $0xC;
	s14 =	ssub.s32 @!p1 s14, s15  }
0x24: {  	s15 =	sand.u32 @!p1 $0x1000, s16;
	s16 =	sadd.s32 @!p1 s6, s17;
	s14 =	sshll.u32 @!p1 s14, $0x4  }
0x25: {  	s17 =	simm.s32 @!p1 $0x6400;
	s14 =	sadd.s32 @!p1 s14, s16;
	s16 =	simm.s32 @!p1 $0x20  }
0x26: {  	[tilespmem:s15], [sflag:$0x1] =	stream.strided.gather @!p1 [hbm4b:s14+s16], $0x1000, s17, s16, $0x38;
	[tilespmem:$0x4040] =	vst v63  }
0x27: {  	p1 =	sge.u32 s31, s5  }
.Ltmp2:
0x28: {  	_ = 	snop;
	(pc) =	sbr.rel @p1 .LBB1_5-.Ltmp2, $1  }
0x29: {  	_ =	sdelay $0x3  }
0x2a: {  	s14 =	simm.s32 $0x1  }
0x2b: {  	_ =	swait.ge [sflag:s4], $0x1000;
	s14 =	simm.s32 @!p0 $0x0  }
0x2c: {  	[sflag:s4] =	ssyncset.done $0x0;
	s15 =	sshll.u32 s14, $0xC  }
0x2d: {  	[sflag:s4] =	ssyncadd.s32 $0xFFFFF000;
	s18 =	sor.u32 $0x10, s15  }
0x2e: {  	s14 =	smul.u32 $0x4080, s14;
	v1 =	vld [tilespmem:s18+$0x0]  }
0x2f: {  	s30 =	sand.u32 $0x1, s11;
	v0 =	vld [tilespmem:s18+$0xFFFFFFF0]  }
0x30: {  	s15 =	smul.u32 $0x4080, s30;
	s14 =	sshrl.u32 s14, $0x2  }
0x31: {  	s16 =	sor.u32 $0x2000, s14  }
0x32: {  	s31 =	sshrl.u32 s15, $0x2;
	s15 =	sadd.s32 $0x0, s16  }
0x33: {  	s17 =	simm.s32 $0x4;
	s18 =	sadd.s32 $0x20, s18;
	s14 =	sor.u32 $0x2000, s31;
	[tilespmem:s15+$0x810 ss:$0x81] =	vst.msk $0xffff, v1  }
.LBB1_3:
0x34: {  	v1 =	vld [tilespmem:s18+$0x0];
	p1 =	sne.s32 s17, $0x1FC;
	[tilespmem:s15+$0x0 ss:$0x81] =	vst.msk $0xffff, v0;
	s15 =	smov.u32 s17;
	s17 =	sadd.s32 $0x4, s17  }
.Ltmp3:
0x35: {  	v0 =	vld [tilespmem:s18+$0xFFFFFFF0];
	(pc) =	sbr.rel @p1 .LBB1_3-.Ltmp3, $4  }
0x36: {  	_ = 	snop  }
0x37: {  	s15 =	sshra.s32 s15, $0x2  }
0x38: {  	s15 =	sadd.s32 s15, s16  }
0x39: {  	s18 =	sadd.s32 $0x20, s18;
	[tilespmem:s15+$0x810 ss:$0x81] =	vst.msk $0xffff, v1  }
.Ltmp4:
0x3a: {  	_ = 	snop;
	(pc) =	sbr.rel .LBB1_4-.Ltmp4, $1  }
0x3b: {  	_ =	sdelay $0x3  }
.LBB1_6:
0x3c: {  	_ =	sfence.sel $0x180000  }
0x3d: {  	s2 =	simm.s32 $0x1;
	[bflag:$0x0] =	sbarrier.arrive $0xFFFF  }
0x3e: {  	s31 =	simm.s32 $0x2;
	[sflag:s2] =	ssyncpa.u1 $0x1  }
0x3f: {  	[sflag:s31] =	ssyncpa.u1 $0x1  }
0x40: {  	p0 =	sne.s32 s0, $0x0;
	_ =	strace $0x9000004A  }
0x41: {  	s0 =	sadd.s32 @!p0 $0x100000, s1;
	[bflag:$0x2] =	sbarrier.arrive $0xFFFF  }
0x42: {  	[sflag:s0] =	ssyncadd.tile.s32 @!p0 $0x1;
	_ =	shalt  }
.Lfunc_end1:
_tile_overlayer_lowered:
.L_overlay_start_2:
0x43: {  	(tag) =	ssettag $0x2  }
0x44: {  	s0 =	rddreg [dreg:$0x0];
	s2 =	stileid.u32  }
0x45: {  	s1 =	rddreg [dreg:$0x1];
	p0 =	sne.s32 s2, $0x0  }
0x46: {  	s3 =	rddreg [dreg:$0x2];
	[bflag:$0x3] =	sbarrier.arrive $0xFFFF;
	s2 =	simm.s32 @!p0 $0x1C01  }
0x47: {  	[timem:s3], [sflag:s2] =	dma.local @!p0 [hbm:s0], s1  }
0x48: {  	s0 =	simm.s32 @!p0 $0x1  }
0x49: {  	_ =	swait.ge @!p0 [sflag:s0], s1  }
0x4a: {  	s1 =	ssub.s32 @!p0 $0x0, s1;
	[sflag:s0] =	ssyncset.done @!p0 $0x0  }
0x4b: {  	[sflag:s0] =	ssyncadd.s32 @!p0 s1  }
0x4c: {  	[bflag:$0x3] =	sbarrier.arrive $0xFFFF  }
0x4d: {  	_ =	shalt  }

</sc_bundles>
